<compile_context>
chip_gen: v7x
topology: tpu7x:2x2x1
jax: 0.10.2.dev20260603
libtpu: 0.0.44.dev20260713+nightly
codegen_flags: <defaults>
</compile_context>

<pallas_src>
import dataclasses
import functools

import jax
import jax.numpy as jnp
from jax import lax
from jax.experimental import pallas as pl
from jax.experimental.pallas import tpu as pltpu
from jax.experimental.pallas import tpu_sc as plsc

NC = 2
NS = 16
NW = NC * NS
LANES = 16
K = 128
ZR = 16
SG = 16
F0 = 0.5


def _splits(e):
  ctot = -(-e // (NS * K))
  ctot = ((ctot + 2 * SG - 1) // (2 * SG)) * (2 * SG)
  cpt0 = int(round(F0 * ctot / SG)) * SG
  cpt0 = min(max(cpt0, SG), ctot - SG)
  return cpt0, ctot - cpt0


def _sc_mesh():
  return plsc.VectorSubcoreMesh(core_axis_name="c", subcore_axis_name="s")


def _sc_params():
  cp = pltpu.CompilerParams()
  if "needs_layout_passes" in pltpu.CompilerParams.__dataclass_fields__:
    cp = dataclasses.replace(cp, needs_layout_passes=False)
  return cp


def _core_base(c_static, s, cpt0, cpt1):
  if c_static == 0:
    return s * cpt0
  return NS * cpt0 + s * cpt1


def _make_deg_kernel(n_pad, cpt0, cpt1):
  cptm = max(cpt0, cpt1)

  @functools.partial(
      pl.kernel,
      out_type=jax.ShapeDtypeStruct((NW, n_pad), jnp.float32),
      mesh=_sc_mesh(),
      scratch_types=[
          pltpu.VMEM((n_pad,), jnp.float32),
          pltpu.VMEM((cptm, K), jnp.int32),
      ],
      compiler_params=_sc_params(),
  )
  def deg_kernel(dst_hbm, out_hbm, deg_v, idx_v):
    c = lax.axis_index("c")
    s = lax.axis_index("s")
    wid = c * NS + s
    zeros16 = jnp.zeros((LANES,), jnp.float32)
    ones16 = jnp.ones((LANES,), jnp.float32)

    @pl.loop(0, n_pad // LANES)
    def _(i):
      deg_v[pl.ds(i * LANES, LANES)] = zeros16

    def core_body(cc, cpt):
      base = _core_base(cc, s, cpt0, cpt1)
      pltpu.sync_copy(dst_hbm.at[pl.ds(base, cpt)], idx_v.at[pl.ds(0, cpt)])

      @pl.loop(0, cpt)
      def _(j):
        for q in range(K // LANES):
          idx = idx_v[j, pl.ds(q * LANES, LANES)]
          plsc.addupdate_scatter(deg_v, [idx], ones16)

    @pl.when(c == 0)
    def _():
      core_body(0, cpt0)

    @pl.when(c == 1)
    def _():
      core_body(1, cpt1)

    pltpu.sync_copy(deg_v, out_hbm.at[wid])

  return deg_kernel


def _make_agg_kernel(n_pad, cpt0, cpt1, dh):
  rps = n_pad // NS

  @functools.partial(
      pl.kernel,
      out_type=jax.ShapeDtypeStruct((NC, n_pad, dh), jnp.float32),
      mesh=_sc_mesh(),
      scratch_types=[
          pltpu.VMEM((SG, K), jnp.int32),
          pltpu.VMEM((SG, K), jnp.int32),
          pltpu.VMEM((K, dh), jnp.float32),
          pltpu.VMEM((K, dh), jnp.float32),
          pltpu.VMEM((ZR, dh), jnp.float32),
          pltpu.VMEM_SHARED((n_pad, dh), jnp.float32),
          pltpu.SemaphoreType.DMA,
          pltpu.SemaphoreType.DMA,
      ],
      compiler_params=_sc_params(),
  )
  def agg_kernel(y_hbm, src_hbm, dst_hbm, out_hbm,
                 src_v, dst_v, rows0_v, rows1_v, zero_v, accum_sh,
                 gsem0, gsem1):
    c = lax.axis_index("c")
    s = lax.axis_index("s")
    zeros16 = jnp.zeros((LANES,), jnp.float32)

    def start_g(j, rows_v, sem):
      pltpu.make_async_copy(y_hbm.at[src_v.at[j]], rows_v, sem).start()

    def wait_g(rows_v, sem):
      pltpu.make_async_copy(y_hbm.at[src_v.at[0]], rows_v, sem).wait()

    def scat(j, rows_v):
      pltpu.sync_copy(rows_v, accum_sh.at[dst_v.at[j]], add=True)

    @pl.loop(0, ZR)
    def _(r):
      for q in range(dh // LANES):
        zero_v[r, pl.ds(q * LANES, LANES)] = zeros16

    @pl.loop(0, rps // ZR)
    def _(z):
      pltpu.sync_copy(zero_v, accum_sh.at[pl.ds(s * rps + z * ZR, ZR)])

    plsc.subcore_barrier()

    def core_body(cc, cpt):
      base = _core_base(cc, s, cpt0, cpt1)

      @pl.loop(0, cpt // SG)
      def _(st):
        pltpu.sync_copy(src_hbm.at[pl.ds(base + st * SG, SG)], src_v)
        pltpu.sync_copy(dst_hbm.at[pl.ds(base + st * SG, SG)], dst_v)
        start_g(0, rows0_v, gsem0)

        @pl.loop(0, SG - 2, step=2)
        def _(jj):
          wait_g(rows0_v, gsem0)
          start_g(jj + 1, rows1_v, gsem1)
          scat(jj, rows0_v)
          wait_g(rows1_v, gsem1)
          start_g(jj + 2, rows0_v, gsem0)
          scat(jj + 1, rows1_v)

        wait_g(rows0_v, gsem0)
        start_g(SG - 1, rows1_v, gsem1)
        scat(SG - 2, rows0_v)
        wait_g(rows1_v, gsem1)
        scat(SG - 1, rows1_v)

    @pl.when(c == 0)
    def _():
      core_body(0, cpt0)

    @pl.when(c == 1)
    def _():
      core_body(1, cpt1)

    plsc.subcore_barrier()

    pltpu.sync_copy(accum_sh.at[pl.ds(s * rps, rps)],
                    out_hbm.at[c].at[pl.ds(s * rps, rps)])

  return agg_kernel


def _dinv_of(degp_block):
  deg = jnp.sum(degp_block, axis=0) + 1.0
  return lax.rsqrt(deg)


def _tc1_body(degp_ref, x_ref, w_ref, y_ref):
  dinv = _dinv_of(degp_ref[...])
  xw = jnp.dot(x_ref[...], w_ref[...], preferred_element_type=jnp.float32)
  y_ref[...] = xw * dinv[:, None]


def _tc2_body(degp_ref, p_ref, y_ref, b_ref, w_ref, o_ref):
  dinv = _dinv_of(degp_ref[...])
  pre = (p_ref[0] + p_ref[1] + y_ref[...]) * dinv[:, None] + b_ref[...]
  h = jnp.maximum(pre, 0.0)
  o_ref[...] = jnp.dot(h, w_ref[...], preferred_element_type=jnp.float32) \
      * dinv[:, None]


def _tc3_body(degp_ref, p_ref, y_ref, b_ref, wl_ref, bl_ref, o_ref):
  dinv = _dinv_of(degp_ref[...])
  pre = (p_ref[0] + p_ref[1] + y_ref[...]) * dinv[:, None] + b_ref[...]
  h = jnp.maximum(pre, 0.0)
  o_ref[...] = jnp.dot(h, wl_ref[...], preferred_element_type=jnp.float32) \
      + bl_ref[...]


def kernel(x, edge_index, W1, b1, W2, b2, Wl, bl):
  n, d = x.shape
  h = W1.shape[1]
  e = edge_index.shape[1]

  cpt0, cpt1 = _splits(e)
  nchunks = NS * (cpt0 + cpt1)
  e_pad = nchunks * K
  n_pad = ((n + 1 + NS * ZR - 1) // (NS * ZR)) * (NS * ZR)

  pad_i = jnp.arange(e_pad - e, dtype=jnp.int32)
  src = jnp.concatenate(
      [edge_index[0], pad_i % n]).reshape(nchunks, K)
  dst = jnp.concatenate(
      [edge_index[1], n + pad_i % (n_pad - n)]).reshape(nchunks, K)

  xp = jnp.pad(x, ((0, n_pad - n), (0, 0)))
  b1r = b1.reshape(1, h)
  b2r = b2.reshape(1, h)
  blr = bl.reshape(1, 1)

  deg_kernel = _make_deg_kernel(n_pad, cpt0, cpt1)
  agg_kernel = _make_agg_kernel(n_pad, cpt0, cpt1, h)

  degp = deg_kernel(dst)

  bn = 1024
  grid = (n_pad // bn,)
  degp_spec = pl.BlockSpec((NW, bn), lambda i: (0, i))
  row_spec = pl.BlockSpec((bn, d), lambda i: (i, 0))
  p_spec = pl.BlockSpec((NC, bn, h), lambda i: (0, i, 0))
  w_spec = pl.BlockSpec((d, h), lambda i: (0, 0))
  b_spec = pl.BlockSpec((1, h), lambda i: (0, 0))

  y1 = pl.pallas_call(
      _tc1_body,
      grid=grid,
      in_specs=[degp_spec, row_spec, w_spec],
      out_specs=pl.BlockSpec((bn, h), lambda i: (i, 0)),
      out_shape=jax.ShapeDtypeStruct((n_pad, h), jnp.float32),
  )(degp, xp, W1)

  p1 = agg_kernel(y1, src, dst)

  y2 = pl.pallas_call(
      _tc2_body,
      grid=grid,
      in_specs=[degp_spec, p_spec, row_spec, b_spec, w_spec],
      out_specs=pl.BlockSpec((bn, h), lambda i: (i, 0)),
      out_shape=jax.ShapeDtypeStruct((n_pad, h), jnp.float32),
  )(degp, p1, y1, b1r, W2)

  p2 = agg_kernel(y2, src, dst)

  out = pl.pallas_call(
      _tc3_body,
      grid=grid,
      in_specs=[degp_spec, p_spec, row_spec, b_spec,
                pl.BlockSpec((h, 1), lambda i: (0, 0)),
                pl.BlockSpec((1, 1), lambda i: (0, 0))],
      out_specs=pl.BlockSpec((bn, 1), lambda i: (i, 0)),
      out_shape=jax.ShapeDtypeStruct((n_pad, 1), jnp.float32),
  )(degp, p2, y2, b2r, Wl, blr)

  return out[:n]

# --- scband reference (transcript-rebuilt; emitter-appended) ---
"""Pipeline reference for scband-net-31688268709989 (READ-ONLY COPY).

The authoritative reference and input builder live on the scoring server;
editing this copy changes nothing except your own understanding.
"""

import jax, jax.numpy as jnp
import numpy as np

N = 10000
E = 320000
D = 128
H = 128


def setup_inputs(seed: int = 0) -> dict:
    key = jax.random.key(seed)
    ks = jax.random.split(key, 9)
    x = jax.random.normal(ks[0], (N, D), dtype=jnp.float32)
    edge_index = jax.random.randint(ks[1], (2, E), 0, N, dtype=jnp.int32)
    W1 = jax.random.normal(ks[2], (D, H), dtype=jnp.float32) * 0.05
    b1 = jnp.zeros((H,), dtype=jnp.float32)
    W2 = jax.random.normal(ks[3], (H, H), dtype=jnp.float32) * 0.05
    b2 = jnp.zeros((H,), dtype=jnp.float32)
    Wl = jax.random.normal(ks[4], (H, 1), dtype=jnp.float32) * 0.05
    bl = jnp.zeros((1,), dtype=jnp.float32)
    return {"x": x, "edge_index": edge_index, "W1": W1, "b1": b1, "W2": W2, "b2": b2, "Wl": Wl, "bl": bl}


def _gcn_conv(x, edge_index, W, b, num_nodes):
    # GCNConv: x' = D^{-1/2} (A + I) D^{-1/2} X W + b
    loop = jnp.arange(num_nodes, dtype=edge_index.dtype)
    src = jnp.concatenate([edge_index[0], loop])
    dst = jnp.concatenate([edge_index[1], loop])
    deg = jnp.zeros((num_nodes,), dtype=x.dtype).at[dst].add(1.0)
    dinv = jnp.where(deg > 0, 1.0 / jnp.sqrt(deg), 0.0)
    norm = dinv[src] * dinv[dst]
    xw = x @ W
    msg = xw[src] * norm[:, None]
    out = jnp.zeros((num_nodes, W.shape[1]), dtype=x.dtype).at[dst].add(msg)
    return out + b


def reference(x, edge_index, W1, b1, W2, b2, Wl, bl):
    # dropout is identity at inference (eval mode)
    h = jax.nn.relu(_gcn_conv(x, edge_index, W1, b1, N))
    h = jax.nn.relu(_gcn_conv(h, edge_index, W2, b2, N))
    out = h @ Wl + bl
    return out

if __name__ == "__main__":
    import jax
    _d = setup_inputs()
    print(jax.jit(kernel)(*tuple(_d.values())))

</pallas_src>

<mosaic_0001>
#map = affine_map<(d0, d1) -> (0, 0)>
module attributes {stable_mosaic.version = 14 : i64} {
  func.func @deg_kernel(%arg0: i32, %arg1: i32, %arg2: memref<2560x128xi32, #tpu.memory_space<hbm>>, %arg3: memref<32x10240xf32, #tpu.memory_space<hbm>>, %arg4: memref<10240xf32, #tpu.memory_space<vmem>>, %arg5: memref<80x128xi32, #tpu.memory_space<vmem>>) attributes {dimension_semantics = [#tpu.dimension_semantics<core_parallel>, #tpu.dimension_semantics<subcore_parallel>], iteration_bounds = array<i64: 2, 16>, scalar_prefetch = 0 : i64, scratch_operands = 2 : i64, tpu.core_type = #tpu.core_type<sc_vector_subcore>, window_params = [{transform_indices = #map}, {transform_indices = #map}]} {
    %mul3A = arith.constant 16 : i32
    %mul3A_0 = arith.muli %arg0, %mul3A : i32
    %add3A = arith.addi %mul3A_0, %arg1 : i32
    %broadcast_in_dim3A = arith.constant 0.000000e+00 : f32
    %broadcast_in_dim3A_1 = vector.broadcast %broadcast_in_dim3A : f32 to vector<16xf32>
    %broadcast_in_dim3A_2 = arith.constant 1.000000e+00 : f32
    %broadcast_in_dim3A_3 = vector.broadcast %broadcast_in_dim3A_2 : f32 to vector<16xf32>
    %scan3A = arith.constant 0 : i32
    %scan3A_4 = arith.constant 640 : i32
    %scan3A_5 = arith.addi %scan3A, %scan3A_4 : i32
    %scan3A_6 = arith.constant 1 : i32
    scf.for %scan3A_15 = %scan3A to %scan3A_5 step %scan3A_6  : i32 {
      %mul3A_16 = arith.constant 1 : i32
      %mul3A_17 = arith.muli %scan3A_15, %mul3A_16 : i32
      %add3A_18 = arith.constant 0 : i32
      %add3A_19 = arith.addi %add3A_18, %mul3A_17 : i32
      %mul3A_20 = arith.constant 16 : i32
      %mul3A_21 = arith.muli %add3A_19, %mul3A_20 : i32
      %swap3A = arith.index_cast %mul3A_21 : i32 to index
      %swap3A_22 = tpu.vector_load %arg4[%swap3A] {strides = array<i32>} : memref<10240xf32, #tpu.memory_space<vmem>>, vector<16xf32>,
      tpu.vector_store %arg4[%swap3A], %broadcast_in_dim3A_1 {strides = array<i32>} : memref<10240xf32, #tpu.memory_space<vmem>>, vector<16xf32>,
    }
    %scan3A_7 = arith.constant 640 : i32
    %eq3A = arith.constant 0 : i32
    %eq3A_8 = arith.cmpi eq, %arg0, %eq3A : i32
    %convert_element_type3A = arith.extui %eq3A_8 : i1 to i32
    %cond3A = arith.constant 0 : i32
    %cond3A_9 = arith.cmpi ne, %convert_element_type3A, %cond3A : i32
    scf.if %cond3A_9 {
      %mul3A_15 = arith.constant 80 : i32
      %mul3A_16 = arith.muli %arg1, %mul3A_15 : i32
      "tpu.region"() ({
        %run_scoped3A = tpu.sem_alloc : memref<!tpu.dma_semaphore, #tpu.memory_space<semaphore_mem>>
        %dma_start3A = arith.constant 0 : i32
        %dma_start3A_22 = arith.constant 0 : i32
        %dma_start3A_23 = tpu.memref_slice %arg5[%dma_start3A, %dma_start3A_22] : memref<80x128xi32, #tpu.memory_space<vmem>> -> memref<80x128xi32, #tpu.memory_space<vmem>>
        %dma_start3A_24 = arith.constant 0 : i32
        %dma_start3A_25 = tpu.memref_slice %arg2[%mul3A_16, %dma_start3A_24] : memref<2560x128xi32, #tpu.memory_space<hbm>> -> memref<80x128xi32, #tpu.memory_space<hbm>>
        %dma_start3A_26 = arith.constant 0 : i32
        %dma_start3A_27 = arith.constant 0 : i32
        %dma_start3A_28 = tpu.memref_slice %arg5[%dma_start3A_26, %dma_start3A_27] : memref<80x128xi32, #tpu.memory_space<vmem>> -> memref<80x128xi32, #tpu.memory_space<vmem>>
        %dma_start3A_29 = arith.constant 0 : i32
        %dma_start3A_30 = tpu.memref_slice %arg2[%mul3A_16, %dma_start3A_29] : memref<2560x128xi32, #tpu.memory_space<hbm>> -> memref<80x128xi32, #tpu.memory_space<hbm>>
        tpu.enqueue_dma source(%dma_start3A_30 : memref<80x128xi32, #tpu.memory_space<hbm>>) target(%dma_start3A_28 : memref<80x128xi32, #tpu.memory_space<vmem>>) target_semaphore(%run_scoped3A : memref<!tpu.dma_semaphore, #tpu.memory_space<semaphore_mem>>)
        %dma_wait3A = arith.constant 0 : i32
        %dma_wait3A_31 = arith.constant 0 : i32
        %dma_wait3A_32 = tpu.memref_slice %arg5[%dma_wait3A, %dma_wait3A_31] : memref<80x128xi32, #tpu.memory_space<vmem>> -> memref<80x128xi32, #tpu.memory_space<vmem>>
        %dma_wait3A_33 = arith.constant 0 : i32
        %dma_wait3A_34 = tpu.memref_slice %arg2[%mul3A_16, %dma_wait3A_33] : memref<2560x128xi32, #tpu.memory_space<hbm>> -> memref<80x128xi32, #tpu.memory_space<hbm>>
        %dma_wait3A_35 = arith.constant 0 : i32
        %dma_wait3A_36 = arith.constant 0 : i32
        %dma_wait3A_37 = tpu.memref_slice %arg5[%dma_wait3A_35, %dma_wait3A_36] : memref<80x128xi32, #tpu.memory_space<vmem>> -> memref<80x128xi32, #tpu.memory_space<vmem>>
        %dma_wait3A_38 = arith.constant 0 : i32
        %dma_wait3A_39 = tpu.memref_slice %arg2[%mul3A_16, %dma_wait3A_38] : memref<2560x128xi32, #tpu.memory_space<hbm>> -> memref<80x128xi32, #tpu.memory_space<hbm>>
        tpu.wait_dma2 semaphore(%run_scoped3A : memref<!tpu.dma_semaphore, #tpu.memory_space<semaphore_mem>>) src(%dma_wait3A_39 : memref<80x128xi32, #tpu.memory_space<hbm>>) dst(%dma_wait3A_37 : memref<80x128xi32, #tpu.memory_space<vmem>>)
        tpu.yield
      }) : () -> ()
      %scan3A_17 = arith.constant 0 : i32
      %scan3A_18 = arith.constant 80 : i32
      %scan3A_19 = arith.addi %scan3A_17, %scan3A_18 : i32
      %scan3A_20 = arith.constant 1 : i32
      scf.for %scan3A_22 = %scan3A_17 to %scan3A_19 step %scan3A_20  : i32 {
        %mul3A_23 = arith.constant 1 : i32
        %mul3A_24 = arith.muli %scan3A_22, %mul3A_23 : i32
        %add3A_25 = arith.constant 0 : i32
        %add3A_26 = arith.addi %add3A_25, %mul3A_24 : i32
        %get3A = arith.index_cast %add3A_26 : i32 to index
        %get3A_27 = arith.constant 0 : index
        %get3A_28 = tpu.vector_load %arg5[%get3A, %get3A_27] {strides = array<i32>} : memref<80x128xi32, #tpu.memory_space<vmem>>, vector<16xi32>,
        tpu.vector_store_idx %arg4[%get3A_28], %broadcast_in_dim3A_3 {add = true} : memref<10240xf32, #tpu.memory_space<vmem>>[vector<16xi32>], vector<16xf32>,
        %get3A_29 = arith.index_cast %add3A_26 : i32 to index
        %get3A_30 = arith.constant 16 : index
        %get3A_31 = tpu.vector_load %arg5[%get3A_29, %get3A_30] {strides = array<i32>} : memref<80x128xi32, #tpu.memory_space<vmem>>, vector<16xi32>,
        tpu.vector_store_idx %arg4[%get3A_31], %broadcast_in_dim3A_3 {add = true} : memref<10240xf32, #tpu.memory_space<vmem>>[vector<16xi32>], vector<16xf32>,
        %get3A_32 = arith.index_cast %add3A_26 : i32 to index
        %get3A_33 = arith.constant 32 : index
        %get3A_34 = tpu.vector_load %arg5[%get3A_32, %get3A_33] {strides = array<i32>} : memref<80x128xi32, #tpu.memory_space<vmem>>, vector<16xi32>,
        tpu.vector_store_idx %arg4[%get3A_34], %broadcast_in_dim3A_3 {add = true} : memref<10240xf32, #tpu.memory_space<vmem>>[vector<16xi32>], vector<16xf32>,
        %get3A_35 = arith.index_cast %add3A_26 : i32 to index
        %get3A_36 = arith.constant 48 : index
        %get3A_37 = tpu.vector_load %arg5[%get3A_35, %get3A_36] {strides = array<i32>} : memref<80x128xi32, #tpu.memory_space<vmem>>, vector<16xi32>,
        tpu.vector_store_idx %arg4[%get3A_37], %broadcast_in_dim3A_3 {add = true} : memref<10240xf32, #tpu.memory_space<vmem>>[vector<16xi32>], vector<16xf32>,
        %get3A_38 = arith.index_cast %add3A_26 : i32 to index
        %get3A_39 = arith.constant 64 : index
        %get3A_40 = tpu.vector_load %arg5[%get3A_38, %get3A_39] {strides = array<i32>} : memref<80x128xi32, #tpu.memory_space<vmem>>, vector<16xi32>,
        tpu.vector_store_idx %arg4[%get3A_40], %broadcast_in_dim3A_3 {add = true} : memref<10240xf32, #tpu.memory_space<vmem>>[vector<16xi32>], vector<16xf32>,
        %get3A_41 = arith.index_cast %add3A_26 : i32 to index
        %get3A_42 = arith.constant 80 : index
        %get3A_43 = tpu.vector_load %arg5[%get3A_41, %get3A_42] {strides = array<i32>} : memref<80x128xi32, #tpu.memory_space<vmem>>, vector<16xi32>,
        tpu.vector_store_idx %arg4[%get3A_43], %broadcast_in_dim3A_3 {add = true} : memref<10240xf32, #tpu.memory_space<vmem>>[vector<16xi32>], vector<16xf32>,
        %get3A_44 = arith.index_cast %add3A_26 : i32 to index
        %get3A_45 = arith.constant 96 : index
        %get3A_46 = tpu.vector_load %arg5[%get3A_44, %get3A_45] {strides = array<i32>} : memref<80x128xi32, #tpu.memory_space<vmem>>, vector<16xi32>,
        tpu.vector_store_idx %arg4[%get3A_46], %broadcast_in_dim3A_3 {add = true} : memref<10240xf32, #tpu.memory_space<vmem>>[vector<16xi32>], vector<16xf32>,
        %get3A_47 = arith.index_cast %add3A_26 : i32 to index
        %get3A_48 = arith.constant 112 : index
        %get3A_49 = tpu.vector_load %arg5[%get3A_47, %get3A_48] {strides = array<i32>} : memref<80x128xi32, #tpu.memory_space<vmem>>, vector<16xi32>,
        tpu.vector_store_idx %arg4[%get3A_49], %broadcast_in_dim3A_3 {add = true} : memref<10240xf32, #tpu.memory_space<vmem>>[vector<16xi32>], vector<16xf32>,
      }
      %scan3A_21 = arith.constant 80 : i32
    } else {
    }
    %eq3A_10 = arith.constant 1 : i32
    %eq3A_11 = arith.cmpi eq, %arg0, %eq3A_10 : i32
    %convert_element_type3A_12 = arith.extui %eq3A_11 : i1 to i32
    %cond3A_13 = arith.constant 0 : i32
    %cond3A_14 = arith.cmpi ne, %convert_element_type3A_12, %cond3A_13 : i32
    scf.if %cond3A_14 {
      %mul3A_15 = arith.constant 80 : i32
      %mul3A_16 = arith.muli %arg1, %mul3A_15 : i32
      %add3A_17 = arith.constant 1280 : i32
      %add3A_18 = arith.addi %add3A_17, %mul3A_16 : i32
      "tpu.region"() ({
        %run_scoped3A = tpu.sem_alloc : memref<!tpu.dma_semaphore, #tpu.memory_space<semaphore_mem>>
        %dma_start3A = arith.constant 0 : i32
        %dma_start3A_24 = arith.constant 0 : i32
        %dma_start3A_25 = tpu.memref_slice %arg5[%dma_start3A, %dma_start3A_24] : memref<80x128xi32, #tpu.memory_space<vmem>> -> memref<80x128xi32, #tpu.memory_space<vmem>>
        %dma_start3A_26 = arith.constant 0 : i32
        %dma_start3A_27 = tpu.memref_slice %arg2[%add3A_18, %dma_start3A_26] : memref<2560x128xi32, #tpu.memory_space<hbm>> -> memref<80x128xi32, #tpu.memory_space<hbm>>
        %dma_start3A_28 = arith.constant 0 : i32
        %dma_start3A_29 = arith.constant 0 : i32
        %dma_start3A_30 = tpu.memref_slice %arg5[%dma_start3A_28, %dma_start3A_29] : memref<80x128xi32, #tpu.memory_space<vmem>> -> memref<80x128xi32, #tpu.memory_space<vmem>>
        %dma_start3A_31 = arith.constant 0 : i32
        %dma_start3A_32 = tpu.memref_slice %arg2[%add3A_18, %dma_start3A_31] : memref<2560x128xi32, #tpu.memory_space<hbm>> -> memref<80x128xi32, #tpu.memory_space<hbm>>
        tpu.enqueue_dma source(%dma_start3A_32 : memref<80x128xi32, #tpu.memory_space<hbm>>) target(%dma_start3A_30 : memref<80x128xi32, #tpu.memory_space<vmem>>) target_semaphore(%run_scoped3A : memref<!tpu.dma_semaphore, #tpu.memory_space<semaphore_mem>>)
        %dma_wait3A = arith.constant 0 : i32
        %dma_wait3A_33 = arith.constant 0 : i32
        %dma_wait3A_34 = tpu.memref_slice %arg5[%dma_wait3A, %dma_wait3A_33] : memref<80x128xi32, #tpu.memory_space<vmem>> -> memref<80x128xi32, #tpu.memory_space<vmem>>
        %dma_wait3A_35 = arith.constant 0 : i32
        %dma_wait3A_36 = tpu.memref_slice %arg2[%add3A_18, %dma_wait3A_35] : memref<2560x128xi32, #tpu.memory_space<hbm>> -> memref<80x128xi32, #tpu.memory_space<hbm>>
        %dma_wait3A_37 = arith.constant 0 : i32
        %dma_wait3A_38 = arith.constant 0 : i32
        %dma_wait3A_39 = tpu.memref_slice %arg5[%dma_wait3A_37, %dma_wait3A_38] : memref<80x128xi32, #tpu.memory_space<vmem>> -> memref<80x128xi32, #tpu.memory_space<vmem>>
        %dma_wait3A_40 = arith.constant 0 : i32
        %dma_wait3A_41 = tpu.memref_slice %arg2[%add3A_18, %dma_wait3A_40] : memref<2560x128xi32, #tpu.memory_space<hbm>> -> memref<80x128xi32, #tpu.memory_space<hbm>>
        tpu.wait_dma2 semaphore(%run_scoped3A : memref<!tpu.dma_semaphore, #tpu.memory_space<semaphore_mem>>) src(%dma_wait3A_41 : memref<80x128xi32, #tpu.memory_space<hbm>>) dst(%dma_wait3A_39 : memref<80x128xi32, #tpu.memory_space<vmem>>)
        tpu.yield
      }) : () -> ()
      %scan3A_19 = arith.constant 0 : i32
      %scan3A_20 = arith.constant 80 : i32
      %scan3A_21 = arith.addi %scan3A_19, %scan3A_20 : i32
      %scan3A_22 = arith.constant 1 : i32
      scf.for %scan3A_24 = %scan3A_19 to %scan3A_21 step %scan3A_22  : i32 {
        %mul3A_25 = arith.constant 1 : i32
        %mul3A_26 = arith.muli %scan3A_24, %mul3A_25 : i32
        %add3A_27 = arith.constant 0 : i32
        %add3A_28 = arith.addi %add3A_27, %mul3A_26 : i32
        %get3A = arith.index_cast %add3A_28 : i32 to index
        %get3A_29 = arith.constant 0 : index
        %get3A_30 = tpu.vector_load %arg5[%get3A, %get3A_29] {strides = array<i32>} : memref<80x128xi32, #tpu.memory_space<vmem>>, vector<16xi32>,
        tpu.vector_store_idx %arg4[%get3A_30], %broadcast_in_dim3A_3 {add = true} : memref<10240xf32, #tpu.memory_space<vmem>>[vector<16xi32>], vector<16xf32>,
        %get3A_31 = arith.index_cast %add3A_28 : i32 to index
        %get3A_32 = arith.constant 16 : index
        %get3A_33 = tpu.vector_load %arg5[%get3A_31, %get3A_32] {strides = array<i32>} : memref<80x128xi32, #tpu.memory_space<vmem>>, vector<16xi32>,
        tpu.vector_store_idx %arg4[%get3A_33], %broadcast_in_dim3A_3 {add = true} : memref<10240xf32, #tpu.memory_space<vmem>>[vector<16xi32>], vector<16xf32>,
        %get3A_34 = arith.index_cast %add3A_28 : i32 to index
        %get3A_35 = arith.constant 32 : index
        %get3A_36 = tpu.vector_load %arg5[%get3A_34, %get3A_35] {strides = array<i32>} : memref<80x128xi32, #tpu.memory_space<vmem>>, vector<16xi32>,
        tpu.vector_store_idx %arg4[%get3A_36], %broadcast_in_dim3A_3 {add = true} : memref<10240xf32, #tpu.memory_space<vmem>>[vector<16xi32>], vector<16xf32>,
        %get3A_37 = arith.index_cast %add3A_28 : i32 to index
        %get3A_38 = arith.constant 48 : index
        %get3A_39 = tpu.vector_load %arg5[%get3A_37, %get3A_38] {strides = array<i32>} : memref<80x128xi32, #tpu.memory_space<vmem>>, vector<16xi32>,
        tpu.vector_store_idx %arg4[%get3A_39], %broadcast_in_dim3A_3 {add = true} : memref<10240xf32, #tpu.memory_space<vmem>>[vector<16xi32>], vector<16xf32>,
        %get3A_40 = arith.index_cast %add3A_28 : i32 to index
        %get3A_41 = arith.constant 64 : index
        %get3A_42 = tpu.vector_load %arg5[%get3A_40, %get3A_41] {strides = array<i32>} : memref<80x128xi32, #tpu.memory_space<vmem>>, vector<16xi32>,
        tpu.vector_store_idx %arg4[%get3A_42], %broadcast_in_dim3A_3 {add = true} : memref<10240xf32, #tpu.memory_space<vmem>>[vector<16xi32>], vector<16xf32>,
        %get3A_43 = arith.index_cast %add3A_28 : i32 to index
        %get3A_44 = arith.constant 80 : index
        %get3A_45 = tpu.vector_load %arg5[%get3A_43, %get3A_44] {strides = array<i32>} : memref<80x128xi32, #tpu.memory_space<vmem>>, vector<16xi32>,
        tpu.vector_store_idx %arg4[%get3A_45], %broadcast_in_dim3A_3 {add = true} : memref<10240xf32, #tpu.memory_space<vmem>>[vector<16xi32>], vector<16xf32>,
        %get3A_46 = arith.index_cast %add3A_28 : i32 to index
        %get3A_47 = arith.constant 96 : index
        %get3A_48 = tpu.vector_load %arg5[%get3A_46, %get3A_47] {strides = array<i32>} : memref<80x128xi32, #tpu.memory_space<vmem>>, vector<16xi32>,
        tpu.vector_store_idx %arg4[%get3A_48], %broadcast_in_dim3A_3 {add = true} : memref<10240xf32, #tpu.memory_space<vmem>>[vector<16xi32>], vector<16xf32>,
        %get3A_49 = arith.index_cast %add3A_28 : i32 to index
        %get3A_50 = arith.constant 112 : index
        %get3A_51 = tpu.vector_load %arg5[%get3A_49, %get3A_50] {strides = array<i32>} : memref<80x128xi32, #tpu.memory_space<vmem>>, vector<16xi32>,
        tpu.vector_store_idx %arg4[%get3A_51], %broadcast_in_dim3A_3 {add = true} : memref<10240xf32, #tpu.memory_space<vmem>>[vector<16xi32>], vector<16xf32>,
      }
      %scan3A_23 = arith.constant 80 : i32
    } else {
    }
    "tpu.region"() ({
      %run_scoped3A = tpu.sem_alloc : memref<!tpu.dma_semaphore, #tpu.memory_space<semaphore_mem>>
      %dma_start3A = arith.constant 0 : i32
      %dma_start3A_15 = tpu.memref_slice %arg3[%add3A, %dma_start3A] : memref<32x10240xf32, #tpu.memory_space<hbm>> -> memref<1x10240xf32, #tpu.memory_space<hbm>>
      %dma_start3A_16 = tpu.memref_squeeze %dma_start3A_15 : memref<1x10240xf32, #tpu.memory_space<hbm>> -> memref<10240xf32, #tpu.memory_space<hbm>>
      %dma_start3A_17 = arith.constant 0 : i32
      %dma_start3A_18 = tpu.memref_slice %arg3[%add3A, %dma_start3A_17] : memref<32x10240xf32, #tpu.memory_space<hbm>> -> memref<1x10240xf32, #tpu.memory_space<hbm>>
      %dma_start3A_19 = tpu.memref_squeeze %dma_start3A_18 : memref<1x10240xf32, #tpu.memory_space<hbm>> -> memref<10240xf32, #tpu.memory_space<hbm>>
      tpu.enqueue_dma source(%arg4 : memref<10240xf32, #tpu.memory_space<vmem>>) target(%dma_start3A_19 : memref<10240xf32, #tpu.memory_space<hbm>>) target_semaphore(%run_scoped3A : memref<!tpu.dma_semaphore, #tpu.memory_space<semaphore_mem>>)
      %dma_wait3A = arith.constant 0 : i32
      %dma_wait3A_20 = tpu.memref_slice %arg3[%add3A, %dma_wait3A] : memref<32x10240xf32, #tpu.memory_space<hbm>> -> memref<1x10240xf32, #tpu.memory_space<hbm>>
      %dma_wait3A_21 = tpu.memref_squeeze %dma_wait3A_20 : memref<1x10240xf32, #tpu.memory_space<hbm>> -> memref<10240xf32, #tpu.memory_space<hbm>>
      %dma_wait3A_22 = arith.constant 0 : i32
      %dma_wait3A_23 = tpu.memref_slice %arg3[%add3A, %dma_wait3A_22] : memref<32x10240xf32, #tpu.memory_space<hbm>> -> memref<1x10240xf32, #tpu.memory_space<hbm>>
      %dma_wait3A_24 = tpu.memref_squeeze %dma_wait3A_23 : memref<1x10240xf32, #tpu.memory_space<hbm>> -> memref<10240xf32, #tpu.memory_space<hbm>>
      tpu.wait_dma2 semaphore(%run_scoped3A : memref<!tpu.dma_semaphore, #tpu.memory_space<semaphore_mem>>) src(%arg4 : memref<10240xf32, #tpu.memory_space<vmem>>) dst(%dma_wait3A_24 : memref<10240xf32, #tpu.memory_space<hbm>>)
      tpu.yield
    }) : () -> ()
    return
  }
}

#map = affine_map<(d0, d1) -> (0, 0)>
#map1 = affine_map<(d0, d1) -> (0, 0, 0)>
module attributes {stable_mosaic.version = 14 : i64} {
  func.func @agg_kernel(%arg0: i32, %arg1: i32, %arg2: memref<10240x128xf32, #tpu.memory_space<hbm>>, %arg3: memref<2560x128xi32, #tpu.memory_space<hbm>>, %arg4: memref<2560x128xi32, #tpu.memory_space<hbm>>, %arg5: memref<2x10240x128xf32, #tpu.memory_space<hbm>>, %arg6: memref<16x128xi32, #tpu.memory_space<vmem>>, %arg7: memref<16x128xi32, #tpu.memory_space<vmem>>, %arg8: memref<128x128xf32, #tpu.memory_space<vmem>>, %arg9: memref<128x128xf32, #tpu.memory_space<vmem>>, %arg10: memref<16x128xf32, #tpu.memory_space<vmem>>, %arg11: memref<10240x128xf32, #tpu.memory_space<vmem_shared>>, %arg12: memref<!tpu.dma_semaphore, #tpu.memory_space<semaphore_mem>>, %arg13: memref<!tpu.dma_semaphore, #tpu.memory_space<semaphore_mem>>) attributes {dimension_semantics = [#tpu.dimension_semantics<core_parallel>, #tpu.dimension_semantics<subcore_parallel>], iteration_bounds = array<i64: 2, 16>, scalar_prefetch = 0 : i64, scratch_operands = 8 : i64, tpu.core_type = #tpu.core_type<sc_vector_subcore>, window_params = [{transform_indices = #map}, {transform_indices = #map}, {transform_indices = #map}, {transform_indices = #map1}]} {
    %broadcast_in_dim3A = arith.constant 0.000000e+00 : f32
    %broadcast_in_dim3A_0 = vector.broadcast %broadcast_in_dim3A : f32 to vector<16xf32>
    %scan3A = arith.constant 0 : i32
    %scan3A_1 = arith.constant 16 : i32
    %scan3A_2 = arith.addi %scan3A, %scan3A_1 : i32
    %scan3A_3 = arith.constant 1 : i32
    scf.for %scan3A_21 = %scan3A to %scan3A_2 step %scan3A_3  : i32 {
      %mul3A_22 = arith.constant 1 : i32
      %mul3A_23 = arith.muli %scan3A_21, %mul3A_22 : i32
      %add3A = arith.constant 0 : i32
      %add3A_24 = arith.addi %add3A, %mul3A_23 : i32
      %swap3A = arith.index_cast %add3A_24 : i32 to index
      %swap3A_25 = arith.constant 0 : index
      %swap3A_26 = tpu.vector_load %arg10[%swap3A, %swap3A_25] {strides = array<i32>} : memref<16x128xf32, #tpu.memory_space<vmem>>, vector<16xf32>,
      tpu.vector_store %arg10[%swap3A, %swap3A_25], %broadcast_in_dim3A_0 {strides = array<i32>} : memref<16x128xf32, #tpu.memory_space<vmem>>, vector<16xf32>,
      %swap3A_27 = arith.index_cast %add3A_24 : i32 to index
      %swap3A_28 = arith.constant 16 : index
      %swap3A_29 = tpu.vector_load %arg10[%swap3A_27, %swap3A_28] {strides = array<i32>} : memref<16x128xf32, #tpu.memory_space<vmem>>, vector<16xf32>,
      tpu.vector_store %arg10[%swap3A_27, %swap3A_28], %broadcast_in_dim3A_0 {strides = array<i32>} : memref<16x128xf32, #tpu.memory_space<vmem>>, vector<16xf32>,
      %swap3A_30 = arith.index_cast %add3A_24 : i32 to index
      %swap3A_31 = arith.constant 32 : index
      %swap3A_32 = tpu.vector_load %arg10[%swap3A_30, %swap3A_31] {strides = array<i32>} : memref<16x128xf32, #tpu.memory_space<vmem>>, vector<16xf32>,
      tpu.vector_store %arg10[%swap3A_30, %swap3A_31], %broadcast_in_dim3A_0 {strides = array<i32>} : memref<16x128xf32, #tpu.memory_space<vmem>>, vector<16xf32>,
      %swap3A_33 = arith.index_cast %add3A_24 : i32 to index
      %swap3A_34 = arith.constant 48 : index
      %swap3A_35 = tpu.vector_load %arg10[%swap3A_33, %swap3A_34] {strides = array<i32>} : memref<16x128xf32, #tpu.memory_space<vmem>>, vector<16xf32>,
      tpu.vector_store %arg10[%swap3A_33, %swap3A_34], %broadcast_in_dim3A_0 {strides = array<i32>} : memref<16x128xf32, #tpu.memory_space<vmem>>, vector<16xf32>,
      %swap3A_36 = arith.index_cast %add3A_24 : i32 to index
      %swap3A_37 = arith.constant 64 : index
      %swap3A_38 = tpu.vector_load %arg10[%swap3A_36, %swap3A_37] {strides = array<i32>} : memref<16x128xf32, #tpu.memory_space<vmem>>, vector<16xf32>,
      tpu.vector_store %arg10[%swap3A_36, %swap3A_37], %broadcast_in_dim3A_0 {strides = array<i32>} : memref<16x128xf32, #tpu.memory_space<vmem>>, vector<16xf32>,
      %swap3A_39 = arith.index_cast %add3A_24 : i32 to index
      %swap3A_40 = arith.constant 80 : index
      %swap3A_41 = tpu.vector_load %arg10[%swap3A_39, %swap3A_40] {strides = array<i32>} : memref<16x128xf32, #tpu.memory_space<vmem>>, vector<16xf32>,
      tpu.vector_store %arg10[%swap3A_39, %swap3A_40], %broadcast_in_dim3A_0 {strides = array<i32>} : memref<16x128xf32, #tpu.memory_space<vmem>>, vector<16xf32>,
      %swap3A_42 = arith.index_cast %add3A_24 : i32 to index
      %swap3A_43 = arith.constant 96 : index
      %swap3A_44 = tpu.vector_load %arg10[%swap3A_42, %swap3A_43] {strides = array<i32>} : memref<16x128xf32, #tpu.memory_space<vmem>>, vector<16xf32>,
      tpu.vector_store %arg10[%swap3A_42, %swap3A_43], %broadcast_in_dim3A_0 {strides = array<i32>} : memref<16x128xf32, #tpu.memory_space<vmem>>, vector<16xf32>,
      %swap3A_45 = arith.index_cast %add3A_24 : i32 to index
      %swap3A_46 = arith.constant 112 : index
      %swap3A_47 = tpu.vector_load %arg10[%swap3A_45, %swap3A_46] {strides = array<i32>} : memref<16x128xf32, #tpu.memory_space<vmem>>, vector<16xf32>,
      tpu.vector_store %arg10[%swap3A_45, %swap3A_46], %broadcast_in_dim3A_0 {strides = array<i32>} : memref<16x128xf32, #tpu.memory_space<vmem>>, vector<16xf32>,
    }
    %scan3A_4 = arith.constant 16 : i32
    %scan3A_5 = arith.constant 0 : i32
    %scan3A_6 = arith.constant 40 : i32
    %scan3A_7 = arith.addi %scan3A_5, %scan3A_6 : i32
    %scan3A_8 = arith.constant 1 : i32
    scf.for %scan3A_21 = %scan3A_5 to %scan3A_7 step %scan3A_8  : i32 {
      %mul3A_22 = arith.constant 1 : i32
      %mul3A_23 = arith.muli %scan3A_21, %mul3A_22 : i32
      %add3A = arith.constant 0 : i32
      %add3A_24 = arith.addi %add3A, %mul3A_23 : i32
      %mul3A_25 = arith.constant 640 : i32
      %mul3A_26 = arith.muli %arg1, %mul3A_25 : i32
      %mul3A_27 = arith.constant 16 : i32
      %mul3A_28 = arith.muli %add3A_24, %mul3A_27 : i32
      %add3A_29 = arith.addi %mul3A_26, %mul3A_28 : i32
      "tpu.region"() ({
        %run_scoped3A = tpu.sem_alloc : memref<!tpu.dma_semaphore, #tpu.memory_space<semaphore_mem>>
        %dma_start3A = arith.constant 0 : i32
        %dma_start3A_30 = tpu.memref_slice %arg11[%add3A_29, %dma_start3A] : memref<10240x128xf32, #tpu.memory_space<vmem_shared>> -> memref<16x128xf32, #tpu.memory_space<vmem_shared>>
        %dma_start3A_31 = arith.constant 0 : i32
        %dma_start3A_32 = tpu.memref_slice %arg11[%add3A_29, %dma_start3A_31] : memref<10240x128xf32, #tpu.memory_space<vmem_shared>> -> memref<16x128xf32, #tpu.memory_space<vmem_shared>>
        tpu.enqueue_dma source(%arg10 : memref<16x128xf32, #tpu.memory_space<vmem>>) target(%dma_start3A_32 : memref<16x128xf32, #tpu.memory_space<vmem_shared>>) target_semaphore(%run_scoped3A : memref<!tpu.dma_semaphore, #tpu.memory_space<semaphore_mem>>)
        %dma_wait3A = arith.constant 0 : i32
        %dma_wait3A_33 = tpu.memref_slice %arg11[%add3A_29, %dma_wait3A] : memref<10240x128xf32, #tpu.memory_space<vmem_shared>> -> memref<16x128xf32, #tpu.memory_space<vmem_shared>>
        %dma_wait3A_34 = arith.constant 0 : i32
        %dma_wait3A_35 = tpu.memref_slice %arg11[%add3A_29, %dma_wait3A_34] : memref<10240x128xf32, #tpu.memory_space<vmem_shared>> -> memref<16x128xf32, #tpu.memory_space<vmem_shared>>
        tpu.wait_dma2 semaphore(%run_scoped3A : memref<!tpu.dma_semaphore, #tpu.memory_space<semaphore_mem>>) src(%arg10 : memref<16x128xf32, #tpu.memory_space<vmem>>) dst(%dma_wait3A_35 : memref<16x128xf32, #tpu.memory_space<vmem_shared>>)
        tpu.yield
      }) : () -> ()
    }
    %scan3A_9 = arith.constant 40 : i32
    %barrier3A = arith.constant 0 : index
    tpu.barrier barrier_id(%barrier3A)
    %eq3A = arith.constant 0 : i32
    %eq3A_10 = arith.cmpi eq, %arg0, %eq3A : i32
    %convert_element_type3A = arith.extui %eq3A_10 : i1 to i32
    %cond3A = arith.constant 0 : i32
    %cond3A_11 = arith.cmpi ne, %convert_element_type3A, %cond3A : i32
    scf.if %cond3A_11 {
      %mul3A_21 = arith.constant 80 : i32
      %mul3A_22 = arith.muli %arg1, %mul3A_21 : i32
      %scan3A_23 = arith.constant 0 : i32
      %scan3A_24 = arith.constant 5 : i32
      %scan3A_25 = arith.addi %scan3A_23, %scan3A_24 : i32
      %scan3A_26 = arith.constant 1 : i32
      scf.for %scan3A_28 = %scan3A_23 to %scan3A_25 step %scan3A_26  : i32 {
        %mul3A_29 = arith.constant 1 : i32
        %mul3A_30 = arith.muli %scan3A_28, %mul3A_29 : i32
        %add3A = arith.constant 0 : i32
        %add3A_31 = arith.addi %add3A, %mul3A_30 : i32
        %mul3A_32 = arith.constant 16 : i32
        %mul3A_33 = arith.muli %add3A_31, %mul3A_32 : i32
        %add3A_34 = arith.addi %mul3A_22, %mul3A_33 : i32
        "tpu.region"() ({
          %run_scoped3A_70 = tpu.sem_alloc : memref<!tpu.dma_semaphore, #tpu.memory_space<semaphore_mem>>
          %dma_start3A_71 = arith.constant 0 : i32
          %dma_start3A_72 = tpu.memref_slice %arg3[%add3A_34, %dma_start3A_71] : memref<2560x128xi32, #tpu.memory_space<hbm>> -> memref<16x128xi32, #tpu.memory_space<hbm>>
          %dma_start3A_73 = arith.constant 0 : i32
          %dma_start3A_74 = tpu.memref_slice %arg3[%add3A_34, %dma_start3A_73] : memref<2560x128xi32, #tpu.memory_space<hbm>> -> memref<16x128xi32, #tpu.memory_space<hbm>>
          tpu.enqueue_dma source(%dma_start3A_74 : memref<16x128xi32, #tpu.memory_space<hbm>>) target(%arg6 : memref<16x128xi32, #tpu.memory_space<vmem>>) target_semaphore(%run_scoped3A_70 : memref<!tpu.dma_semaphore, #tpu.memory_space<semaphore_mem>>)
          %dma_wait3A_75 = arith.constant 0 : i32
          %dma_wait3A_76 = tpu.memref_slice %arg3[%add3A_34, %dma_wait3A_75] : memref<2560x128xi32, #tpu.memory_space<hbm>> -> memref<16x128xi32, #tpu.memory_space<hbm>>
          %dma_wait3A_77 = arith.constant 0 : i32
          %dma_wait3A_78 = tpu.memref_slice %arg3[%add3A_34, %dma_wait3A_77] : memref<2560x128xi32, #tpu.memory_space<hbm>> -> memref<16x128xi32, #tpu.memory_space<hbm>>
          tpu.wait_dma2 semaphore(%run_scoped3A_70 : memref<!tpu.dma_semaphore, #tpu.memory_space<semaphore_mem>>) src(%dma_wait3A_78 : memref<16x128xi32, #tpu.memory_space<hbm>>) dst(%arg6 : memref<16x128xi32, #tpu.memory_space<vmem>>)
          tpu.yield
        }) : () -> ()
        %mul3A_35 = arith.constant 16 : i32
        %mul3A_36 = arith.muli %add3A_31, %mul3A_35 : i32
        %add3A_37 = arith.addi %mul3A_22, %mul3A_36 : i32
        "tpu.region"() ({
          %run_scoped3A_70 = tpu.sem_alloc : memref<!tpu.dma_semaphore, #tpu.memory_space<semaphore_mem>>
          %dma_start3A_71 = arith.constant 0 : i32
          %dma_start3A_72 = tpu.memref_slice %arg4[%add3A_37, %dma_start3A_71] : memref<2560x128xi32, #tpu.memory_space<hbm>> -> memref<16x128xi32, #tpu.memory_space<hbm>>
          %dma_start3A_73 = arith.constant 0 : i32
          %dma_start3A_74 = tpu.memref_slice %arg4[%add3A_37, %dma_start3A_73] : memref<2560x128xi32, #tpu.memory_space<hbm>> -> memref<16x128xi32, #tpu.memory_space<hbm>>
          tpu.enqueue_dma source(%dma_start3A_74 : memref<16x128xi32, #tpu.memory_space<hbm>>) target(%arg7 : memref<16x128xi32, #tpu.memory_space<vmem>>) target_semaphore(%run_scoped3A_70 : memref<!tpu.dma_semaphore, #tpu.memory_space<semaphore_mem>>)
          %dma_wait3A_75 = arith.constant 0 : i32
          %dma_wait3A_76 = tpu.memref_slice %arg4[%add3A_37, %dma_wait3A_75] : memref<2560x128xi32, #tpu.memory_space<hbm>> -> memref<16x128xi32, #tpu.memory_space<hbm>>
          %dma_wait3A_77 = arith.constant 0 : i32
          %dma_wait3A_78 = tpu.memref_slice %arg4[%add3A_37, %dma_wait3A_77] : memref<2560x128xi32, #tpu.memory_space<hbm>> -> memref<16x128xi32, #tpu.memory_space<hbm>>
          tpu.wait_dma2 semaphore(%run_scoped3A_70 : memref<!tpu.dma_semaphore, #tpu.memory_space<semaphore_mem>>) src(%dma_wait3A_78 : memref<16x128xi32, #tpu.memory_space<hbm>>) dst(%arg7 : memref<16x128xi32, #tpu.memory_space<vmem>>)
          tpu.yield
        }) : () -> ()
        %dma_start3A = arith.constant 0 : i32
        %dma_start3A_38 = arith.constant 0 : i32
        %dma_start3A_39 = tpu.memref_slice %arg6[%dma_start3A, %dma_start3A_38] : memref<16x128xi32, #tpu.memory_space<vmem>> -> memref<1x128xi32, #tpu.memory_space<vmem>>
        %dma_start3A_40 = tpu.memref_squeeze %dma_start3A_39 : memref<1x128xi32, #tpu.memory_space<vmem>> -> memref<128xi32, #tpu.memory_space<vmem>>
        %dma_start3A_41 = arith.constant 0 : i32
        %dma_start3A_42 = arith.constant 0 : i32
        %dma_start3A_43 = tpu.memref_slice %arg2[%dma_start3A_41, %dma_start3A_42] : memref<10240x128xf32, #tpu.memory_space<hbm>> -> memref<10240x128xf32, #tpu.memory_space<hbm>>
        tpu.enqueue_indirect_dma source(%dma_start3A_43 : memref<10240x128xf32, #tpu.memory_space<hbm>>) target(%arg8 : memref<128x128xf32, #tpu.memory_space<vmem>>) offsets(%dma_start3A_40 : memref<128xi32, #tpu.memory_space<vmem>>) semaphore(%arg12 : memref<!tpu.dma_semaphore, #tpu.memory_space<semaphore_mem>>)
        %scan3A_44 = arith.constant 0 : i32
        %scan3A_45 = arith.constant 7 : i32
        %scan3A_46 = arith.addi %scan3A_44, %scan3A_45 : i32
        %scan3A_47 = arith.constant 1 : i32
        scf.for %scan3A_70 = %scan3A_44 to %scan3A_46 step %scan3A_47  : i32 {
          %mul3A_71 = arith.constant 2 : i32
          %mul3A_72 = arith.muli %scan3A_70, %mul3A_71 : i32
          %add3A_73 = arith.constant 0 : i32
          %add3A_74 = arith.addi %add3A_73, %mul3A_72 : i32
          %dma_wait3A_75 = arith.constant 0 : i32
          %dma_wait3A_76 = arith.constant 0 : i32
          %dma_wait3A_77 = tpu.memref_slice %arg6[%dma_wait3A_75, %dma_wait3A_76] : memref<16x128xi32, #tpu.memory_space<vmem>> -> memref<1x128xi32, #tpu.memory_space<vmem>>
          %dma_wait3A_78 = tpu.memref_squeeze %dma_wait3A_77 : memref<1x128xi32, #tpu.memory_space<vmem>> -> memref<128xi32, #tpu.memory_space<vmem>>
          %dma_wait3A_79 = arith.constant 0 : i32
          %dma_wait3A_80 = arith.constant 0 : i32
          %dma_wait3A_81 = tpu.memref_slice %arg2[%dma_wait3A_79, %dma_wait3A_80] : memref<10240x128xf32, #tpu.memory_space<hbm>> -> memref<10240x128xf32, #tpu.memory_space<hbm>>
          tpu.wait_indirect_dma semaphore(%arg12 : memref<!tpu.dma_semaphore, #tpu.memory_space<semaphore_mem>>) src(%dma_wait3A_81 : memref<10240x128xf32, #tpu.memory_space<hbm>>) dst(%arg8 : memref<128x128xf32, #tpu.memory_space<vmem>>)
          %add3A_82 = arith.constant 1 : i32
          %add3A_83 = arith.addi %add3A_74, %add3A_82 : i32
          %dma_start3A_84 = arith.constant 0 : i32
          %dma_start3A_85 = tpu.memref_slice %arg6[%add3A_83, %dma_start3A_84] : memref<16x128xi32, #tpu.memory_space<vmem>> -> memref<1x128xi32, #tpu.memory_space<vmem>>
          %dma_start3A_86 = tpu.memref_squeeze %dma_start3A_85 : memref<1x128xi32, #tpu.memory_space<vmem>> -> memref<128xi32, #tpu.memory_space<vmem>>
          %dma_start3A_87 = arith.constant 0 : i32
          %dma_start3A_88 = arith.constant 0 : i32
          %dma_start3A_89 = tpu.memref_slice %arg2[%dma_start3A_87, %dma_start3A_88] : memref<10240x128xf32, #tpu.memory_space<hbm>> -> memref<10240x128xf32, #tpu.memory_space<hbm>>
          tpu.enqueue_indirect_dma source(%dma_start3A_89 : memref<10240x128xf32, #tpu.memory_space<hbm>>) target(%arg9 : memref<128x128xf32, #tpu.memory_space<vmem>>) offsets(%dma_start3A_86 : memref<128xi32, #tpu.memory_space<vmem>>) semaphore(%arg13 : memref<!tpu.dma_semaphore, #tpu.memory_space<semaphore_mem>>)
          "tpu.region"() ({
            %run_scoped3A_107 = tpu.sem_alloc : memref<!tpu.dma_semaphore, #tpu.memory_space<semaphore_mem>>
            %dma_start3A_108 = arith.constant 0 : i32
            %dma_start3A_109 = tpu.memref_slice %arg7[%add3A_74, %dma_start3A_108] : memref<16x128xi32, #tpu.memory_space<vmem>> -> memref<1x128xi32, #tpu.memory_space<vmem>>
            %dma_start3A_110 = tpu.memref_squeeze %dma_start3A_109 : memref<1x128xi32, #tpu.memory_space<vmem>> -> memref<128xi32, #tpu.memory_space<vmem>>
            %dma_start3A_111 = arith.constant 0 : i32
            %dma_start3A_112 = arith.constant 0 : i32
            %dma_start3A_113 = tpu.memref_slice %arg11[%dma_start3A_111, %dma_start3A_112] : memref<10240x128xf32, #tpu.memory_space<vmem_shared>> -> memref<10240x128xf32, #tpu.memory_space<vmem_shared>>
            tpu.enqueue_indirect_dma source(%arg8 : memref<128x128xf32, #tpu.memory_space<vmem>>) target(%dma_start3A_113 : memref<10240x128xf32, #tpu.memory_space<vmem_shared>>) offsets(%dma_start3A_110 : memref<128xi32, #tpu.memory_space<vmem>>) semaphore(%run_scoped3A_107 : memref<!tpu.dma_semaphore, #tpu.memory_space<semaphore_mem>>) {add = true}
            %dma_wait3A_114 = arith.constant 0 : i32
            %dma_wait3A_115 = tpu.memref_slice %arg7[%add3A_74, %dma_wait3A_114] : memref<16x128xi32, #tpu.memory_space<vmem>> -> memref<1x128xi32, #tpu.memory_space<vmem>>
            %dma_wait3A_116 = tpu.memref_squeeze %dma_wait3A_115 : memref<1x128xi32, #tpu.memory_space<vmem>> -> memref<128xi32, #tpu.memory_space<vmem>>
            %dma_wait3A_117 = arith.constant 0 : i32
            %dma_wait3A_118 = arith.constant 0 : i32
            %dma_wait3A_119 = tpu.memref_slice %arg11[%dma_wait3A_117, %dma_wait3A_118] : memref<10240x128xf32, #tpu.memory_space<vmem_shared>> -> memref<10240x128xf32, #tpu.memory_space<vmem_shared>>
            tpu.wait_indirect_dma semaphore(%run_scoped3A_107 : memref<!tpu.dma_semaphore, #tpu.memory_space<semaphore_mem>>) src(%arg8 : memref<128x128xf32, #tpu.memory_space<vmem>>) dst(%dma_wait3A_119 : memref<10240x128xf32, #tpu.memory_space<vmem_shared>>)
            tpu.yield
          }) : () -> ()
          %dma_wait3A_90 = arith.constant 0 : i32
          %dma_wait3A_91 = arith.constant 0 : i32
          %dma_wait3A_92 = tpu.memref_slice %arg6[%dma_wait3A_90, %dma_wait3A_91] : memref<16x128xi32, #tpu.memory_space<vmem>> -> memref<1x128xi32, #tpu.memory_space<vmem>>
          %dma_wait3A_93 = tpu.memref_squeeze %dma_wait3A_92 : memref<1x128xi32, #tpu.memory_space<vmem>> -> memref<128xi32, #tpu.memory_space<vmem>>
          %dma_wait3A_94 = arith.constant 0 : i32
          %dma_wait3A_95 = arith.constant 0 : i32
          %dma_wait3A_96 = tpu.memref_slice %arg2[%dma_wait3A_94, %dma_wait3A_95] : memref<10240x128xf32, #tpu.memory_space<hbm>> -> memref<10240x128xf32, #tpu.memory_space<hbm>>
          tpu.wait_indirect_dma semaphore(%arg13 : memref<!tpu.dma_semaphore, #tpu.memory_space<semaphore_mem>>) src(%dma_wait3A_96 : memref<10240x128xf32, #tpu.memory_space<hbm>>) dst(%arg9 : memref<128x128xf32, #tpu.memory_space<vmem>>)
          %add3A_97 = arith.constant 2 : i32
          %add3A_98 = arith.addi %add3A_74, %add3A_97 : i32
          %dma_start3A_99 = arith.constant 0 : i32
          %dma_start3A_100 = tpu.memref_slice %arg6[%add3A_98, %dma_start3A_99] : memref<16x128xi32, #tpu.memory_space<vmem>> -> memref<1x128xi32, #tpu.memory_space<vmem>>
          %dma_start3A_101 = tpu.memref_squeeze %dma_start3A_100 : memref<1x128xi32, #tpu.memory_space<vmem>> -> memref<128xi32, #tpu.memory_space<vmem>>
          %dma_start3A_102 = arith.constant 0 : i32
          %dma_start3A_103 = arith.constant 0 : i32
          %dma_start3A_104 = tpu.memref_slice %arg2[%dma_start3A_102, %dma_start3A_103] : memref<10240x128xf32, #tpu.memory_space<hbm>> -> memref<10240x128xf32, #tpu.memory_space<hbm>>
          tpu.enqueue_indirect_dma source(%dma_start3A_104 : memref<10240x128xf32, #tpu.memory_space<hbm>>) target(%arg8 : memref<128x128xf32, #tpu.memory_space<vmem>>) offsets(%dma_start3A_101 : memref<128xi32, #tpu.memory_space<vmem>>) semaphore(%arg12 : memref<!tpu.dma_semaphore, #tpu.memory_space<semaphore_mem>>)
          %add3A_105 = arith.constant 1 : i32
          %add3A_106 = arith.addi %add3A_74, %add3A_105 : i32
          "tpu.region"() ({
            %run_scoped3A_107 = tpu.sem_alloc : memref<!tpu.dma_semaphore, #tpu.memory_space<semaphore_mem>>
            %dma_start3A_108 = arith.constant 0 : i32
            %dma_start3A_109 = tpu.memref_slice %arg7[%add3A_106, %dma_start3A_108] : memref<16x128xi32, #tpu.memory_space<vmem>> -> memref<1x128xi32, #tpu.memory_space<vmem>>
            %dma_start3A_110 = tpu.memref_squeeze %dma_start3A_109 : memref<1x128xi32, #tpu.memory_space<vmem>> -> memref<128xi32, #tpu.memory_space<vmem>>
            %dma_start3A_111 = arith.constant 0 : i32
            %dma_start3A_112 = arith.constant 0 : i32
            %dma_start3A_113 = tpu.memref_slice %arg11[%dma_start3A_111, %dma_start3A_112] : memref<10240x128xf32, #tpu.memory_space<vmem_shared>> -> memref<10240x128xf32, #tpu.memory_space<vmem_shared>>
            tpu.enqueue_indirect_dma source(%arg9 : memref<128x128xf32, #tpu.memory_space<vmem>>) target(%dma_start3A_113 : memref<10240x128xf32, #tpu.memory_space<vmem_shared>>) offsets(%dma_start3A_110 : memref<128xi32, #tpu.memory_space<vmem>>) semaphore(%run_scoped3A_107 : memref<!tpu.dma_semaphore, #tpu.memory_space<semaphore_mem>>) {add = true}
            %dma_wait3A_114 = arith.constant 0 : i32
            %dma_wait3A_115 = tpu.memref_slice %arg7[%add3A_106, %dma_wait3A_114] : memref<16x128xi32, #tpu.memory_space<vmem>> -> memref<1x128xi32, #tpu.memory_space<vmem>>
            %dma_wait3A_116 = tpu.memref_squeeze %dma_wait3A_115 : memref<1x128xi32, #tpu.memory_space<vmem>> -> memref<128xi32, #tpu.memory_space<vmem>>
            %dma_wait3A_117 = arith.constant 0 : i32
            %dma_wait3A_118 = arith.constant 0 : i32
            %dma_wait3A_119 = tpu.memref_slice %arg11[%dma_wait3A_117, %dma_wait3A_118] : memref<10240x128xf32, #tpu.memory_space<vmem_shared>> -> memref<10240x128xf32, #tpu.memory_space<vmem_shared>>
            tpu.wait_indirect_dma semaphore(%run_scoped3A_107 : memref<!tpu.dma_semaphore, #tpu.memory_space<semaphore_mem>>) src(%arg9 : memref<128x128xf32, #tpu.memory_space<vmem>>) dst(%dma_wait3A_119 : memref<10240x128xf32, #tpu.memory_space<vmem_shared>>)
            tpu.yield
          }) : () -> ()
        }
        %scan3A_48 = arith.constant 7 : i32
        %dma_wait3A = arith.constant 0 : i32
        %dma_wait3A_49 = arith.constant 0 : i32
        %dma_wait3A_50 = tpu.memref_slice %arg6[%dma_wait3A, %dma_wait3A_49] : memref<16x128xi32, #tpu.memory_space<vmem>> -> memref<1x128xi32, #tpu.memory_space<vmem>>
        %dma_wait3A_51 = tpu.memref_squeeze %dma_wait3A_50 : memref<1x128xi32, #tpu.memory_space<vmem>> -> memref<128xi32, #tpu.memory_space<vmem>>
        %dma_wait3A_52 = arith.constant 0 : i32
        %dma_wait3A_53 = arith.constant 0 : i32
        %dma_wait3A_54 = tpu.memref_slice %arg2[%dma_wait3A_52, %dma_wait3A_53] : memref<10240x128xf32, #tpu.memory_space<hbm>> -> memref<10240x128xf32, #tpu.memory_space<hbm>>
        tpu.wait_indirect_dma semaphore(%arg12 : memref<!tpu.dma_semaphore, #tpu.memory_space<semaphore_mem>>) src(%dma_wait3A_54 : memref<10240x128xf32, #tpu.memory_space<hbm>>) dst(%arg8 : memref<128x128xf32, #tpu.memory_space<vmem>>)
        %dma_start3A_55 = arith.constant 15 : i32
        %dma_start3A_56 = arith.constant 0 : i32
        %dma_start3A_57 = tpu.memref_slice %arg6[%dma_start3A_55, %dma_start3A_56] : memref<16x128xi32, #tpu.memory_space<vmem>> -> memref<1x128xi32, #tpu.memory_space<vmem>>
        %dma_start3A_58 = tpu.memref_squeeze %dma_start3A_57 : memref<1x128xi32, #tpu.memory_space<vmem>> -> memref<128xi32, #tpu.memory_space<vmem>>
        %dma_start3A_59 = arith.constant 0 : i32
        %dma_start3A_60 = arith.constant 0 : i32
        %dma_start3A_61 = tpu.memref_slice %arg2[%dma_start3A_59, %dma_start3A_60] : memref<10240x128xf32, #tpu.memory_space<hbm>> -> memref<10240x128xf32, #tpu.memory_space<hbm>>
        tpu.enqueue_indirect_dma source(%dma_start3A_61 : memref<10240x128xf32, #tpu.memory_space<hbm>>) target(%arg9 : memref<128x128xf32, #tpu.memory_space<vmem>>) offsets(%dma_start3A_58 : memref<128xi32, #tpu.memory_space<vmem>>) semaphore(%arg13 : memref<!tpu.dma_semaphore, #tpu.memory_space<semaphore_mem>>)
        %run_scoped3A = arith.constant 14 : i32
        "tpu.region"() ({
          %run_scoped3A_70 = tpu.sem_alloc : memref<!tpu.dma_semaphore, #tpu.memory_space<semaphore_mem>>
          %dma_start3A_71 = arith.constant 0 : i32
          %dma_start3A_72 = tpu.memref_slice %arg7[%run_scoped3A, %dma_start3A_71] : memref<16x128xi32, #tpu.memory_space<vmem>> -> memref<1x128xi32, #tpu.memory_space<vmem>>
          %dma_start3A_73 = tpu.memref_squeeze %dma_start3A_72 : memref<1x128xi32, #tpu.memory_space<vmem>> -> memref<128xi32, #tpu.memory_space<vmem>>
          %dma_start3A_74 = arith.constant 0 : i32
          %dma_start3A_75 = arith.constant 0 : i32
          %dma_start3A_76 = tpu.memref_slice %arg11[%dma_start3A_74, %dma_start3A_75] : memref<10240x128xf32, #tpu.memory_space<vmem_shared>> -> memref<10240x128xf32, #tpu.memory_space<vmem_shared>>
          tpu.enqueue_indirect_dma source(%arg8 : memref<128x128xf32, #tpu.memory_space<vmem>>) target(%dma_start3A_76 : memref<10240x128xf32, #tpu.memory_space<vmem_shared>>) offsets(%dma_start3A_73 : memref<128xi32, #tpu.memory_space<vmem>>) semaphore(%run_scoped3A_70 : memref<!tpu.dma_semaphore, #tpu.memory_space<semaphore_mem>>) {add = true}
          %dma_wait3A_77 = arith.constant 0 : i32
          %dma_wait3A_78 = tpu.memref_slice %arg7[%run_scoped3A, %dma_wait3A_77] : memref<16x128xi32, #tpu.memory_space<vmem>> -> memref<1x128xi32, #tpu.memory_space<vmem>>
          %dma_wait3A_79 = tpu.memref_squeeze %dma_wait3A_78 : memref<1x128xi32, #tpu.memory_space<vmem>> -> memref<128xi32, #tpu.memory_space<vmem>>
          %dma_wait3A_80 = arith.constant 0 : i32
          %dma_wait3A_81 = arith.constant 0 : i32
          %dma_wait3A_82 = tpu.memref_slice %arg11[%dma_wait3A_80, %dma_wait3A_81] : memref<10240x128xf32, #tpu.memory_space<vmem_shared>> -> memref<10240x128xf32, #tpu.memory_space<vmem_shared>>
          tpu.wait_indirect_dma semaphore(%run_scoped3A_70 : memref<!tpu.dma_semaphore, #tpu.memory_space<semaphore_mem>>) src(%arg8 : memref<128x128xf32, #tpu.memory_space<vmem>>) dst(%dma_wait3A_82 : memref<10240x128xf32, #tpu.memory_space<vmem_shared>>)
          tpu.yield
        }) : () -> ()
        %dma_wait3A_62 = arith.constant 0 : i32
        %dma_wait3A_63 = arith.constant 0 : i32
        %dma_wait3A_64 = tpu.memref_slice %arg6[%dma_wait3A_62, %dma_wait3A_63] : memref<16x128xi32, #tpu.memory_space<vmem>> -> memref<1x128xi32, #tpu.memory_space<vmem>>
        %dma_wait3A_65 = tpu.memref_squeeze %dma_wait3A_64 : memref<1x128xi32, #tpu.memory_space<vmem>> -> memref<128xi32, #tpu.memory_space<vmem>>
        %dma_wait3A_66 = arith.constant 0 : i32
        %dma_wait3A_67 = arith.constant 0 : i32
        %dma_wait3A_68 = tpu.memref_slice %arg2[%dma_wait3A_66, %dma_wait3A_67] : memref<10240x128xf32, #tpu.memory_space<hbm>> -> memref<10240x128xf32, #tpu.memory_space<hbm>>
        tpu.wait_indirect_dma semaphore(%arg13 : memref<!tpu.dma_semaphore, #tpu.memory_space<semaphore_mem>>) src(%dma_wait3A_68 : memref<10240x128xf32, #tpu.memory_space<hbm>>) dst(%arg9 : memref<128x128xf32, #tpu.memory_space<vmem>>)
        %run_scoped3A_69 = arith.constant 15 : i32
        "tpu.region"() ({
          %run_scoped3A_70 = tpu.sem_alloc : memref<!tpu.dma_semaphore, #tpu.memory_space<semaphore_mem>>
          %dma_start3A_71 = arith.constant 0 : i32
          %dma_start3A_72 = tpu.memref_slice %arg7[%run_scoped3A_69, %dma_start3A_71] : memref<16x128xi32, #tpu.memory_space<vmem>> -> memref<1x128xi32, #tpu.memory_space<vmem>>
          %dma_start3A_73 = tpu.memref_squeeze %dma_start3A_72 : memref<1x128xi32, #tpu.memory_space<vmem>> -> memref<128xi32, #tpu.memory_space<vmem>>
          %dma_start3A_74 = arith.constant 0 : i32
          %dma_start3A_75 = arith.constant 0 : i32
          %dma_start3A_76 = tpu.memref_slice %arg11[%dma_start3A_74, %dma_start3A_75] : memref<10240x128xf32, #tpu.memory_space<vmem_shared>> -> memref<10240x128xf32, #tpu.memory_space<vmem_shared>>
          tpu.enqueue_indirect_dma source(%arg9 : memref<128x128xf32, #tpu.memory_space<vmem>>) target(%dma_start3A_76 : memref<10240x128xf32, #tpu.memory_space<vmem_shared>>) offsets(%dma_start3A_73 : memref<128xi32, #tpu.memory_space<vmem>>) semaphore(%run_scoped3A_70 : memref<!tpu.dma_semaphore, #tpu.memory_space<semaphore_mem>>) {add = true}
          %dma_wait3A_77 = arith.constant 0 : i32
          %dma_wait3A_78 = tpu.memref_slice %arg7[%run_scoped3A_69, %dma_wait3A_77] : memref<16x128xi32, #tpu.memory_space<vmem>> -> memref<1x128xi32, #tpu.memory_space<vmem>>
          %dma_wait3A_79 = tpu.memref_squeeze %dma_wait3A_78 : memref<1x128xi32, #tpu.memory_space<vmem>> -> memref<128xi32, #tpu.memory_space<vmem>>
          %dma_wait3A_80 = arith.constant 0 : i32
          %dma_wait3A_81 = arith.constant 0 : i32
          %dma_wait3A_82 = tpu.memref_slice %arg11[%dma_wait3A_80, %dma_wait3A_81] : memref<10240x128xf32, #tpu.memory_space<vmem_shared>> -> memref<10240x128xf32, #tpu.memory_space<vmem_shared>>
          tpu.wait_indirect_dma semaphore(%run_scoped3A_70 : memref<!tpu.dma_semaphore, #tpu.memory_space<semaphore_mem>>) src(%arg9 : memref<128x128xf32, #tpu.memory_space<vmem>>) dst(%dma_wait3A_82 : memref<10240x128xf32, #tpu.memory_space<vmem_shared>>)
          tpu.yield
        }) : () -> ()
      }
      %scan3A_27 = arith.constant 5 : i32
    } else {
    }
    %eq3A_12 = arith.constant 1 : i32
    %eq3A_13 = arith.cmpi eq, %arg0, %eq3A_12 : i32
    %convert_element_type3A_14 = arith.extui %eq3A_13 : i1 to i32
    %cond3A_15 = arith.constant 0 : i32
    %cond3A_16 = arith.cmpi ne, %convert_element_type3A_14, %cond3A_15 : i32
    scf.if %cond3A_16 {
      %mul3A_21 = arith.constant 80 : i32
      %mul3A_22 = arith.muli %arg1, %mul3A_21 : i32
      %add3A = arith.constant 1280 : i32
      %add3A_23 = arith.addi %add3A, %mul3A_22 : i32
      %scan3A_24 = arith.constant 0 : i32
      %scan3A_25 = arith.constant 5 : i32
      %scan3A_26 = arith.addi %scan3A_24, %scan3A_25 : i32
      %scan3A_27 = arith.constant 1 : i32
      scf.for %scan3A_29 = %scan3A_24 to %scan3A_26 step %scan3A_27  : i32 {
        %mul3A_30 = arith.constant 1 : i32
        %mul3A_31 = arith.muli %scan3A_29, %mul3A_30 : i32
        %add3A_32 = arith.constant 0 : i32
        %add3A_33 = arith.addi %add3A_32, %mul3A_31 : i32
        %mul3A_34 = arith.constant 16 : i32
        %mul3A_35 = arith.muli %add3A_33, %mul3A_34 : i32
        %add3A_36 = arith.addi %add3A_23, %mul3A_35 : i32
        "tpu.region"() ({
          %run_scoped3A_72 = tpu.sem_alloc : memref<!tpu.dma_semaphore, #tpu.memory_space<semaphore_mem>>
          %dma_start3A_73 = arith.constant 0 : i32
          %dma_start3A_74 = tpu.memref_slice %arg3[%add3A_36, %dma_start3A_73] : memref<2560x128xi32, #tpu.memory_space<hbm>> -> memref<16x128xi32, #tpu.memory_space<hbm>>
          %dma_start3A_75 = arith.constant 0 : i32
          %dma_start3A_76 = tpu.memref_slice %arg3[%add3A_36, %dma_start3A_75] : memref<2560x128xi32, #tpu.memory_space<hbm>> -> memref<16x128xi32, #tpu.memory_space<hbm>>
          tpu.enqueue_dma source(%dma_start3A_76 : memref<16x128xi32, #tpu.memory_space<hbm>>) target(%arg6 : memref<16x128xi32, #tpu.memory_space<vmem>>) target_semaphore(%run_scoped3A_72 : memref<!tpu.dma_semaphore, #tpu.memory_space<semaphore_mem>>)
          %dma_wait3A_77 = arith.constant 0 : i32
          %dma_wait3A_78 = tpu.memref_slice %arg3[%add3A_36, %dma_wait3A_77] : memref<2560x128xi32, #tpu.memory_space<hbm>> -> memref<16x128xi32, #tpu.memory_space<hbm>>
          %dma_wait3A_79 = arith.constant 0 : i32
          %dma_wait3A_80 = tpu.memref_slice %arg3[%add3A_36, %dma_wait3A_79] : memref<2560x128xi32, #tpu.memory_space<hbm>> -> memref<16x128xi32, #tpu.memory_space<hbm>>
          tpu.wait_dma2 semaphore(%run_scoped3A_72 : memref<!tpu.dma_semaphore, #tpu.memory_space<semaphore_mem>>) src(%dma_wait3A_80 : memref<16x128xi32, #tpu.memory_space<hbm>>) dst(%arg6 : memref<16x128xi32, #tpu.memory_space<vmem>>)
          tpu.yield
        }) : () -> ()
        %mul3A_37 = arith.constant 16 : i32
        %mul3A_38 = arith.muli %add3A_33, %mul3A_37 : i32
        %add3A_39 = arith.addi %add3A_23, %mul3A_38 : i32
        "tpu.region"() ({
          %run_scoped3A_72 = tpu.sem_alloc : memref<!tpu.dma_semaphore, #tpu.memory_space<semaphore_mem>>
          %dma_start3A_73 = arith.constant 0 : i32
          %dma_start3A_74 = tpu.memref_slice %arg4[%add3A_39, %dma_start3A_73] : memref<2560x128xi32, #tpu.memory_space<hbm>> -> memref<16x128xi32, #tpu.memory_space<hbm>>
          %dma_start3A_75 = arith.constant 0 : i32
          %dma_start3A_76 = tpu.memref_slice %arg4[%add3A_39, %dma_start3A_75] : memref<2560x128xi32, #tpu.memory_space<hbm>> -> memref<16x128xi32, #tpu.memory_space<hbm>>
          tpu.enqueue_dma source(%dma_start3A_76 : memref<16x128xi32, #tpu.memory_space<hbm>>) target(%arg7 : memref<16x128xi32, #tpu.memory_space<vmem>>) target_semaphore(%run_scoped3A_72 : memref<!tpu.dma_semaphore, #tpu.memory_space<semaphore_mem>>)
          %dma_wait3A_77 = arith.constant 0 : i32
          %dma_wait3A_78 = tpu.memref_slice %arg4[%add3A_39, %dma_wait3A_77] : memref<2560x128xi32, #tpu.memory_space<hbm>> -> memref<16x128xi32, #tpu.memory_space<hbm>>
          %dma_wait3A_79 = arith.constant 0 : i32
          %dma_wait3A_80 = tpu.memref_slice %arg4[%add3A_39, %dma_wait3A_79] : memref<2560x128xi32, #tpu.memory_space<hbm>> -> memref<16x128xi32, #tpu.memory_space<hbm>>
          tpu.wait_dma2 semaphore(%run_scoped3A_72 : memref<!tpu.dma_semaphore, #tpu.memory_space<semaphore_mem>>) src(%dma_wait3A_80 : memref<16x128xi32, #tpu.memory_space<hbm>>) dst(%arg7 : memref<16x128xi32, #tpu.memory_space<vmem>>)
          tpu.yield
        }) : () -> ()
        %dma_start3A = arith.constant 0 : i32
        %dma_start3A_40 = arith.constant 0 : i32
        %dma_start3A_41 = tpu.memref_slice %arg6[%dma_start3A, %dma_start3A_40] : memref<16x128xi32, #tpu.memory_space<vmem>> -> memref<1x128xi32, #tpu.memory_space<vmem>>
        %dma_start3A_42 = tpu.memref_squeeze %dma_start3A_41 : memref<1x128xi32, #tpu.memory_space<vmem>> -> memref<128xi32, #tpu.memory_space<vmem>>
        %dma_start3A_43 = arith.constant 0 : i32
        %dma_start3A_44 = arith.constant 0 : i32
        %dma_start3A_45 = tpu.memref_slice %arg2[%dma_start3A_43, %dma_start3A_44] : memref<10240x128xf32, #tpu.memory_space<hbm>> -> memref<10240x128xf32, #tpu.memory_space<hbm>>
        tpu.enqueue_indirect_dma source(%dma_start3A_45 : memref<10240x128xf32, #tpu.memory_space<hbm>>) target(%arg8 : memref<128x128xf32, #tpu.memory_space<vmem>>) offsets(%dma_start3A_42 : memref<128xi32, #tpu.memory_space<vmem>>) semaphore(%arg12 : memref<!tpu.dma_semaphore, #tpu.memory_space<semaphore_mem>>)
        %scan3A_46 = arith.constant 0 : i32
        %scan3A_47 = arith.constant 7 : i32
        %scan3A_48 = arith.addi %scan3A_46, %scan3A_47 : i32
        %scan3A_49 = arith.constant 1 : i32
        scf.for %scan3A_72 = %scan3A_46 to %scan3A_48 step %scan3A_49  : i32 {
          %mul3A_73 = arith.constant 2 : i32
          %mul3A_74 = arith.muli %scan3A_72, %mul3A_73 : i32
          %add3A_75 = arith.constant 0 : i32
          %add3A_76 = arith.addi %add3A_75, %mul3A_74 : i32
          %dma_wait3A_77 = arith.constant 0 : i32
          %dma_wait3A_78 = arith.constant 0 : i32
          %dma_wait3A_79 = tpu.memref_slice %arg6[%dma_wait3A_77, %dma_wait3A_78] : memref<16x128xi32, #tpu.memory_space<vmem>> -> memref<1x128xi32, #tpu.memory_space<vmem>>
          %dma_wait3A_80 = tpu.memref_squeeze %dma_wait3A_79 : memref<1x128xi32, #tpu.memory_space<vmem>> -> memref<128xi32, #tpu.memory_space<vmem>>
          %dma_wait3A_81 = arith.constant 0 : i32
          %dma_wait3A_82 = arith.constant 0 : i32
          %dma_wait3A_83 = tpu.memref_slice %arg2[%dma_wait3A_81, %dma_wait3A_82] : memref<10240x128xf32, #tpu.memory_space<hbm>> -> memref<10240x128xf32, #tpu.memory_space<hbm>>
          tpu.wait_indirect_dma semaphore(%arg12 : memref<!tpu.dma_semaphore, #tpu.memory_space<semaphore_mem>>) src(%dma_wait3A_83 : memref<10240x128xf32, #tpu.memory_space<hbm>>) dst(%arg8 : memref<128x128xf32, #tpu.memory_space<vmem>>)
          %add3A_84 = arith.constant 1 : i32
          %add3A_85 = arith.addi %add3A_76, %add3A_84 : i32
          %dma_start3A_86 = arith.constant 0 : i32
          %dma_start3A_87 = tpu.memref_slice %arg6[%add3A_85, %dma_start3A_86] : memref<16x128xi32, #tpu.memory_space<vmem>> -> memref<1x128xi32, #tpu.memory_space<vmem>>
          %dma_start3A_88 = tpu.memref_squeeze %dma_start3A_87 : memref<1x128xi32, #tpu.memory_space<vmem>> -> memref<128xi32, #tpu.memory_space<vmem>>
          %dma_start3A_89 = arith.constant 0 : i32
          %dma_start3A_90 = arith.constant 0 : i32
          %dma_start3A_91 = tpu.memref_slice %arg2[%dma_start3A_89, %dma_start3A_90] : memref<10240x128xf32, #tpu.memory_space<hbm>> -> memref<10240x128xf32, #tpu.memory_space<hbm>>
          tpu.enqueue_indirect_dma source(%dma_start3A_91 : memref<10240x128xf32, #tpu.memory_space<hbm>>) target(%arg9 : memref<128x128xf32, #tpu.memory_space<vmem>>) offsets(%dma_start3A_88 : memref<128xi32, #tpu.memory_space<vmem>>) semaphore(%arg13 : memref<!tpu.dma_semaphore, #tpu.memory_space<semaphore_mem>>)
          "tpu.region"() ({
            %run_scoped3A_109 = tpu.sem_alloc : memref<!tpu.dma_semaphore, #tpu.memory_space<semaphore_mem>>
            %dma_start3A_110 = arith.constant 0 : i32
            %dma_start3A_111 = tpu.memref_slice %arg7[%add3A_76, %dma_start3A_110] : memref<16x128xi32, #tpu.memory_space<vmem>> -> memref<1x128xi32, #tpu.memory_space<vmem>>
            %dma_start3A_112 = tpu.memref_squeeze %dma_start3A_111 : memref<1x128xi32, #tpu.memory_space<vmem>> -> memref<128xi32, #tpu.memory_space<vmem>>
            %dma_start3A_113 = arith.constant 0 : i32
            %dma_start3A_114 = arith.constant 0 : i32
            %dma_start3A_115 = tpu.memref_slice %arg11[%dma_start3A_113, %dma_start3A_114] : memref<10240x128xf32, #tpu.memory_space<vmem_shared>> -> memref<10240x128xf32, #tpu.memory_space<vmem_shared>>
            tpu.enqueue_indirect_dma source(%arg8 : memref<128x128xf32, #tpu.memory_space<vmem>>) target(%dma_start3A_115 : memref<10240x128xf32, #tpu.memory_space<vmem_shared>>) offsets(%dma_start3A_112 : memref<128xi32, #tpu.memory_space<vmem>>) semaphore(%run_scoped3A_109 : memref<!tpu.dma_semaphore, #tpu.memory_space<semaphore_mem>>) {add = true}
            %dma_wait3A_116 = arith.constant 0 : i32
            %dma_wait3A_117 = tpu.memref_slice %arg7[%add3A_76, %dma_wait3A_116] : memref<16x128xi32, #tpu.memory_space<vmem>> -> memref<1x128xi32, #tpu.memory_space<vmem>>
            %dma_wait3A_118 = tpu.memref_squeeze %dma_wait3A_117 : memref<1x128xi32, #tpu.memory_space<vmem>> -> memref<128xi32, #tpu.memory_space<vmem>>
            %dma_wait3A_119 = arith.constant 0 : i32
            %dma_wait3A_120 = arith.constant 0 : i32
            %dma_wait3A_121 = tpu.memref_slice %arg11[%dma_wait3A_119, %dma_wait3A_120] : memref<10240x128xf32, #tpu.memory_space<vmem_shared>> -> memref<10240x128xf32, #tpu.memory_space<vmem_shared>>
            tpu.wait_indirect_dma semaphore(%run_scoped3A_109 : memref<!tpu.dma_semaphore, #tpu.memory_space<semaphore_mem>>) src(%arg8 : memref<128x128xf32, #tpu.memory_space<vmem>>) dst(%dma_wait3A_121 : memref<10240x128xf32, #tpu.memory_space<vmem_shared>>)
            tpu.yield
          }) : () -> ()
          %dma_wait3A_92 = arith.constant 0 : i32
          %dma_wait3A_93 = arith.constant 0 : i32
          %dma_wait3A_94 = tpu.memref_slice %arg6[%dma_wait3A_92, %dma_wait3A_93] : memref<16x128xi32, #tpu.memory_space<vmem>> -> memref<1x128xi32, #tpu.memory_space<vmem>>
          %dma_wait3A_95 = tpu.memref_squeeze %dma_wait3A_94 : memref<1x128xi32, #tpu.memory_space<vmem>> -> memref<128xi32, #tpu.memory_space<vmem>>
          %dma_wait3A_96 = arith.constant 0 : i32
          %dma_wait3A_97 = arith.constant 0 : i32
          %dma_wait3A_98 = tpu.memref_slice %arg2[%dma_wait3A_96, %dma_wait3A_97] : memref<10240x128xf32, #tpu.memory_space<hbm>> -> memref<10240x128xf32, #tpu.memory_space<hbm>>
          tpu.wait_indirect_dma semaphore(%arg13 : memref<!tpu.dma_semaphore, #tpu.memory_space<semaphore_mem>>) src(%dma_wait3A_98 : memref<10240x128xf32, #tpu.memory_space<hbm>>) dst(%arg9 : memref<128x128xf32, #tpu.memory_space<vmem>>)
          %add3A_99 = arith.constant 2 : i32
          %add3A_100 = arith.addi %add3A_76, %add3A_99 : i32
          %dma_start3A_101 = arith.constant 0 : i32
          %dma_start3A_102 = tpu.memref_slice %arg6[%add3A_100, %dma_start3A_101] : memref<16x128xi32, #tpu.memory_space<vmem>> -> memref<1x128xi32, #tpu.memory_space<vmem>>
          %dma_start3A_103 = tpu.memref_squeeze %dma_start3A_102 : memref<1x128xi32, #tpu.memory_space<vmem>> -> memref<128xi32, #tpu.memory_space<vmem>>
          %dma_start3A_104 = arith.constant 0 : i32
          %dma_start3A_105 = arith.constant 0 : i32
          %dma_start3A_106 = tpu.memref_slice %arg2[%dma_start3A_104, %dma_start3A_105] : memref<10240x128xf32, #tpu.memory_space<hbm>> -> memref<10240x128xf32, #tpu.memory_space<hbm>>
          tpu.enqueue_indirect_dma source(%dma_start3A_106 : memref<10240x128xf32, #tpu.memory_space<hbm>>) target(%arg8 : memref<128x128xf32, #tpu.memory_space<vmem>>) offsets(%dma_start3A_103 : memref<128xi32, #tpu.memory_space<vmem>>) semaphore(%arg12 : memref<!tpu.dma_semaphore, #tpu.memory_space<semaphore_mem>>)
          %add3A_107 = arith.constant 1 : i32
          %add3A_108 = arith.addi %add3A_76, %add3A_107 : i32
          "tpu.region"() ({
            %run_scoped3A_109 = tpu.sem_alloc : memref<!tpu.dma_semaphore, #tpu.memory_space<semaphore_mem>>
            %dma_start3A_110 = arith.constant 0 : i32
            %dma_start3A_111 = tpu.memref_slice %arg7[%add3A_108, %dma_start3A_110] : memref<16x128xi32, #tpu.memory_space<vmem>> -> memref<1x128xi32, #tpu.memory_space<vmem>>
            %dma_start3A_112 = tpu.memref_squeeze %dma_start3A_111 : memref<1x128xi32, #tpu.memory_space<vmem>> -> memref<128xi32, #tpu.memory_space<vmem>>
            %dma_start3A_113 = arith.constant 0 : i32
            %dma_start3A_114 = arith.constant 0 : i32
            %dma_start3A_115 = tpu.memref_slice %arg11[%dma_start3A_113, %dma_start3A_114] : memref<10240x128xf32, #tpu.memory_space<vmem_shared>> -> memref<10240x128xf32, #tpu.memory_space<vmem_shared>>
            tpu.enqueue_indirect_dma source(%arg9 : memref<128x128xf32, #tpu.memory_space<vmem>>) target(%dma_start3A_115 : memref<10240x128xf32, #tpu.memory_space<vmem_shared>>) offsets(%dma_start3A_112 : memref<128xi32, #tpu.memory_space<vmem>>) semaphore(%run_scoped3A_109 : memref<!tpu.dma_semaphore, #tpu.memory_space<semaphore_mem>>) {add = true}
            %dma_wait3A_116 = arith.constant 0 : i32
            %dma_wait3A_117 = tpu.memref_slice %arg7[%add3A_108, %dma_wait3A_116] : memref<16x128xi32, #tpu.memory_space<vmem>> -> memref<1x128xi32, #tpu.memory_space<vmem>>
            %dma_wait3A_118 = tpu.memref_squeeze %dma_wait3A_117 : memref<1x128xi32, #tpu.memory_space<vmem>> -> memref<128xi32, #tpu.memory_space<vmem>>
            %dma_wait3A_119 = arith.constant 0 : i32
            %dma_wait3A_120 = arith.constant 0 : i32
            %dma_wait3A_121 = tpu.memref_slice %arg11[%dma_wait3A_119, %dma_wait3A_120] : memref<10240x128xf32, #tpu.memory_space<vmem_shared>> -> memref<10240x128xf32, #tpu.memory_space<vmem_shared>>
            tpu.wait_indirect_dma semaphore(%run_scoped3A_109 : memref<!tpu.dma_semaphore, #tpu.memory_space<semaphore_mem>>) src(%arg9 : memref<128x128xf32, #tpu.memory_space<vmem>>) dst(%dma_wait3A_121 : memref<10240x128xf32, #tpu.memory_space<vmem_shared>>)
            tpu.yield
          }) : () -> ()
        }
        %scan3A_50 = arith.constant 7 : i32
        %dma_wait3A = arith.constant 0 : i32
        %dma_wait3A_51 = arith.constant 0 : i32
        %dma_wait3A_52 = tpu.memref_slice %arg6[%dma_wait3A, %dma_wait3A_51] : memref<16x128xi32, #tpu.memory_space<vmem>> -> memref<1x128xi32, #tpu.memory_space<vmem>>
        %dma_wait3A_53 = tpu.memref_squeeze %dma_wait3A_52 : memref<1x128xi32, #tpu.memory_space<vmem>> -> memref<128xi32, #tpu.memory_space<vmem>>
        %dma_wait3A_54 = arith.constant 0 : i32
        %dma_wait3A_55 = arith.constant 0 : i32
        %dma_wait3A_56 = tpu.memref_slice %arg2[%dma_wait3A_54, %dma_wait3A_55] : memref<10240x128xf32, #tpu.memory_space<hbm>> -> memref<10240x128xf32, #tpu.memory_space<hbm>>
        tpu.wait_indirect_dma semaphore(%arg12 : memref<!tpu.dma_semaphore, #tpu.memory_space<semaphore_mem>>) src(%dma_wait3A_56 : memref<10240x128xf32, #tpu.memory_space<hbm>>) dst(%arg8 : memref<128x128xf32, #tpu.memory_space<vmem>>)
        %dma_start3A_57 = arith.constant 15 : i32
        %dma_start3A_58 = arith.constant 0 : i32
        %dma_start3A_59 = tpu.memref_slice %arg6[%dma_start3A_57, %dma_start3A_58] : memref<16x128xi32, #tpu.memory_space<vmem>> -> memref<1x128xi32, #tpu.memory_space<vmem>>
        %dma_start3A_60 = tpu.memref_squeeze %dma_start3A_59 : memref<1x128xi32, #tpu.memory_space<vmem>> -> memref<128xi32, #tpu.memory_space<vmem>>
        %dma_start3A_61 = arith.constant 0 : i32
        %dma_start3A_62 = arith.constant 0 : i32
        %dma_start3A_63 = tpu.memref_slice %arg2[%dma_start3A_61, %dma_start3A_62] : memref<10240x128xf32, #tpu.memory_space<hbm>> -> memref<10240x128xf32, #tpu.memory_space<hbm>>
        tpu.enqueue_indirect_dma source(%dma_start3A_63 : memref<10240x128xf32, #tpu.memory_space<hbm>>) target(%arg9 : memref<128x128xf32, #tpu.memory_space<vmem>>) offsets(%dma_start3A_60 : memref<128xi32, #tpu.memory_space<vmem>>) semaphore(%arg13 : memref<!tpu.dma_semaphore, #tpu.memory_space<semaphore_mem>>)
        %run_scoped3A = arith.constant 14 : i32
        "tpu.region"() ({
          %run_scoped3A_72 = tpu.sem_alloc : memref<!tpu.dma_semaphore, #tpu.memory_space<semaphore_mem>>
          %dma_start3A_73 = arith.constant 0 : i32
          %dma_start3A_74 = tpu.memref_slice %arg7[%run_scoped3A, %dma_start3A_73] : memref<16x128xi32, #tpu.memory_space<vmem>> -> memref<1x128xi32, #tpu.memory_space<vmem>>
          %dma_start3A_75 = tpu.memref_squeeze %dma_start3A_74 : memref<1x128xi32, #tpu.memory_space<vmem>> -> memref<128xi32, #tpu.memory_space<vmem>>
          %dma_start3A_76 = arith.constant 0 : i32
          %dma_start3A_77 = arith.constant 0 : i32
          %dma_start3A_78 = tpu.memref_slice %arg11[%dma_start3A_76, %dma_start3A_77] : memref<10240x128xf32, #tpu.memory_space<vmem_shared>> -> memref<10240x128xf32, #tpu.memory_space<vmem_shared>>
          tpu.enqueue_indirect_dma source(%arg8 : memref<128x128xf32, #tpu.memory_space<vmem>>) target(%dma_start3A_78 : memref<10240x128xf32, #tpu.memory_space<vmem_shared>>) offsets(%dma_start3A_75 : memref<128xi32, #tpu.memory_space<vmem>>) semaphore(%run_scoped3A_72 : memref<!tpu.dma_semaphore, #tpu.memory_space<semaphore_mem>>) {add = true}
          %dma_wait3A_79 = arith.constant 0 : i32
          %dma_wait3A_80 = tpu.memref_slice %arg7[%run_scoped3A, %dma_wait3A_79] : memref<16x128xi32, #tpu.memory_space<vmem>> -> memref<1x128xi32, #tpu.memory_space<vmem>>
          %dma_wait3A_81 = tpu.memref_squeeze %dma_wait3A_80 : memref<1x128xi32, #tpu.memory_space<vmem>> -> memref<128xi32, #tpu.memory_space<vmem>>
          %dma_wait3A_82 = arith.constant 0 : i32
          %dma_wait3A_83 = arith.constant 0 : i32
          %dma_wait3A_84 = tpu.memref_slice %arg11[%dma_wait3A_82, %dma_wait3A_83] : memref<10240x128xf32, #tpu.memory_space<vmem_shared>> -> memref<10240x128xf32, #tpu.memory_space<vmem_shared>>
          tpu.wait_indirect_dma semaphore(%run_scoped3A_72 : memref<!tpu.dma_semaphore, #tpu.memory_space<semaphore_mem>>) src(%arg8 : memref<128x128xf32, #tpu.memory_space<vmem>>) dst(%dma_wait3A_84 : memref<10240x128xf32, #tpu.memory_space<vmem_shared>>)
          tpu.yield
        }) : () -> ()
        %dma_wait3A_64 = arith.constant 0 : i32
        %dma_wait3A_65 = arith.constant 0 : i32
        %dma_wait3A_66 = tpu.memref_slice %arg6[%dma_wait3A_64, %dma_wait3A_65] : memref<16x128xi32, #tpu.memory_space<vmem>> -> memref<1x128xi32, #tpu.memory_space<vmem>>
        %dma_wait3A_67 = tpu.memref_squeeze %dma_wait3A_66 : memref<1x128xi32, #tpu.memory_space<vmem>> -> memref<128xi32, #tpu.memory_space<vmem>>
        %dma_wait3A_68 = arith.constant 0 : i32
        %dma_wait3A_69 = arith.constant 0 : i32
        %dma_wait3A_70 = tpu.memref_slice %arg2[%dma_wait3A_68, %dma_wait3A_69] : memref<10240x128xf32, #tpu.memory_space<hbm>> -> memref<10240x128xf32, #tpu.memory_space<hbm>>
        tpu.wait_indirect_dma semaphore(%arg13 : memref<!tpu.dma_semaphore, #tpu.memory_space<semaphore_mem>>) src(%dma_wait3A_70 : memref<10240x128xf32, #tpu.memory_space<hbm>>) dst(%arg9 : memref<128x128xf32, #tpu.memory_space<vmem>>)
        %run_scoped3A_71 = arith.constant 15 : i32
        "tpu.region"() ({
          %run_scoped3A_72 = tpu.sem_alloc : memref<!tpu.dma_semaphore, #tpu.memory_space<semaphore_mem>>
          %dma_start3A_73 = arith.constant 0 : i32
          %dma_start3A_74 = tpu.memref_slice %arg7[%run_scoped3A_71, %dma_start3A_73] : memref<16x128xi32, #tpu.memory_space<vmem>> -> memref<1x128xi32, #tpu.memory_space<vmem>>
          %dma_start3A_75 = tpu.memref_squeeze %dma_start3A_74 : memref<1x128xi32, #tpu.memory_space<vmem>> -> memref<128xi32, #tpu.memory_space<vmem>>
          %dma_start3A_76 = arith.constant 0 : i32
          %dma_start3A_77 = arith.constant 0 : i32
          %dma_start3A_78 = tpu.memref_slice %arg11[%dma_start3A_76, %dma_start3A_77] : memref<10240x128xf32, #tpu.memory_space<vmem_shared>> -> memref<10240x128xf32, #tpu.memory_space<vmem_shared>>
          tpu.enqueue_indirect_dma source(%arg9 : memref<128x128xf32, #tpu.memory_space<vmem>>) target(%dma_start3A_78 : memref<10240x128xf32, #tpu.memory_space<vmem_shared>>) offsets(%dma_start3A_75 : memref<128xi32, #tpu.memory_space<vmem>>) semaphore(%run_scoped3A_72 : memref<!tpu.dma_semaphore, #tpu.memory_space<semaphore_mem>>) {add = true}
          %dma_wait3A_79 = arith.constant 0 : i32
          %dma_wait3A_80 = tpu.memref_slice %arg7[%run_scoped3A_71, %dma_wait3A_79] : memref<16x128xi32, #tpu.memory_space<vmem>> -> memref<1x128xi32, #tpu.memory_space<vmem>>
          %dma_wait3A_81 = tpu.memref_squeeze %dma_wait3A_80 : memref<1x128xi32, #tpu.memory_space<vmem>> -> memref<128xi32, #tpu.memory_space<vmem>>
          %dma_wait3A_82 = arith.constant 0 : i32
          %dma_wait3A_83 = arith.constant 0 : i32
          %dma_wait3A_84 = tpu.memref_slice %arg11[%dma_wait3A_82, %dma_wait3A_83] : memref<10240x128xf32, #tpu.memory_space<vmem_shared>> -> memref<10240x128xf32, #tpu.memory_space<vmem_shared>>
          tpu.wait_indirect_dma semaphore(%run_scoped3A_72 : memref<!tpu.dma_semaphore, #tpu.memory_space<semaphore_mem>>) src(%arg9 : memref<128x128xf32, #tpu.memory_space<vmem>>) dst(%dma_wait3A_84 : memref<10240x128xf32, #tpu.memory_space<vmem_shared>>)
          tpu.yield
        }) : () -> ()
      }
      %scan3A_28 = arith.constant 5 : i32
    } else {
    }
    %barrier3A_17 = arith.constant 0 : index
    tpu.barrier barrier_id(%barrier3A_17)
    %mul3A = arith.constant 640 : i32
    %mul3A_18 = arith.muli %arg1, %mul3A : i32
    %mul3A_19 = arith.constant 640 : i32
    %mul3A_20 = arith.muli %arg1, %mul3A_19 : i32
    "tpu.region"() ({
      %run_scoped3A = tpu.sem_alloc : memref<!tpu.dma_semaphore, #tpu.memory_space<semaphore_mem>>
      %dma_start3A = arith.constant 0 : i32
      %dma_start3A_21 = arith.constant 0 : i32
      %dma_start3A_22 = tpu.memref_slice %arg5[%arg0, %dma_start3A, %dma_start3A_21] : memref<2x10240x128xf32, #tpu.memory_space<hbm>> -> memref<1x10240x128xf32, #tpu.memory_space<hbm>>
      %dma_start3A_23 = tpu.memref_squeeze %dma_start3A_22 : memref<1x10240x128xf32, #tpu.memory_space<hbm>> -> memref<10240x128xf32, #tpu.memory_space<hbm>>
      %dma_start3A_24 = arith.constant 0 : i32
      %dma_start3A_25 = tpu.memref_slice %dma_start3A_23[%mul3A_20, %dma_start3A_24] : memref<10240x128xf32, #tpu.memory_space<hbm>> -> memref<640x128xf32, #tpu.memory_space<hbm>>
      %dma_start3A_26 = arith.constant 0 : i32
      %dma_start3A_27 = tpu.memref_slice %arg11[%mul3A_18, %dma_start3A_26] : memref<10240x128xf32, #tpu.memory_space<vmem_shared>> -> memref<640x128xf32, #tpu.memory_space<vmem_shared>>
      tpu.enqueue_dma source(%dma_start3A_27 : memref<640x128xf32, #tpu.memory_space<vmem_shared>>) target(%dma_start3A_25 : memref<640x128xf32, #tpu.memory_space<hbm>>) target_semaphore(%run_scoped3A : memref<!tpu.dma_semaphore, #tpu.memory_space<semaphore_mem>>)
      %dma_wait3A = arith.constant 0 : i32
      %dma_wait3A_28 = arith.constant 0 : i32
      %dma_wait3A_29 = tpu.memref_slice %arg5[%arg0, %dma_wait3A, %dma_wait3A_28] : memref<2x10240x128xf32, #tpu.memory_space<hbm>> -> memref<1x10240x128xf32, #tpu.memory_space<hbm>>
      %dma_wait3A_30 = tpu.memref_squeeze %dma_wait3A_29 : memref<1x10240x128xf32, #tpu.memory_space<hbm>> -> memref<10240x128xf32, #tpu.memory_space<hbm>>
      %dma_wait3A_31 = arith.constant 0 : i32
      %dma_wait3A_32 = tpu.memref_slice %dma_wait3A_30[%mul3A_20, %dma_wait3A_31] : memref<10240x128xf32, #tpu.memory_space<hbm>> -> memref<640x128xf32, #tpu.memory_space<hbm>>
      %dma_wait3A_33 = arith.constant 0 : i32
      %dma_wait3A_34 = tpu.memref_slice %arg11[%mul3A_18, %dma_wait3A_33] : memref<10240x128xf32, #tpu.memory_space<vmem_shared>> -> memref<640x128xf32, #tpu.memory_space<vmem_shared>>
      tpu.wait_dma2 semaphore(%run_scoped3A : memref<!tpu.dma_semaphore, #tpu.memory_space<semaphore_mem>>) src(%dma_wait3A_34 : memref<640x128xf32, #tpu.memory_space<vmem_shared>>) dst(%dma_wait3A_32 : memref<640x128xf32, #tpu.memory_space<hbm>>)
      tpu.yield
    }) : () -> ()
    return
  }
}

#map = affine_map<(d0, d1) -> (0, 0)>
#map1 = affine_map<(d0, d1) -> (0, 0, 0)>
module attributes {stable_mosaic.version = 14 : i64} {
  func.func @agg_kernel(%arg0: i32, %arg1: i32, %arg2: memref<10240x128xf32, #tpu.memory_space<hbm>>, %arg3: memref<2560x128xi32, #tpu.memory_space<hbm>>, %arg4: memref<2560x128xi32, #tpu.memory_space<hbm>>, %arg5: memref<2x10240x128xf32, #tpu.memory_space<hbm>>, %arg6: memref<16x128xi32, #tpu.memory_space<vmem>>, %arg7: memref<16x128xi32, #tpu.memory_space<vmem>>, %arg8: memref<128x128xf32, #tpu.memory_space<vmem>>, %arg9: memref<128x128xf32, #tpu.memory_space<vmem>>, %arg10: memref<16x128xf32, #tpu.memory_space<vmem>>, %arg11: memref<10240x128xf32, #tpu.memory_space<vmem_shared>>, %arg12: memref<!tpu.dma_semaphore, #tpu.memory_space<semaphore_mem>>, %arg13: memref<!tpu.dma_semaphore, #tpu.memory_space<semaphore_mem>>) attributes {dimension_semantics = [#tpu.dimension_semantics<core_parallel>, #tpu.dimension_semantics<subcore_parallel>], iteration_bounds = array<i64: 2, 16>, scalar_prefetch = 0 : i64, scratch_operands = 8 : i64, tpu.core_type = #tpu.core_type<sc_vector_subcore>, window_params = [{transform_indices = #map}, {transform_indices = #map}, {transform_indices = #map}, {transform_indices = #map1}]} {
    %broadcast_in_dim3A = arith.constant 0.000000e+00 : f32
    %broadcast_in_dim3A_0 = vector.broadcast %broadcast_in_dim3A : f32 to vector<16xf32>
    %scan3A = arith.constant 0 : i32
    %scan3A_1 = arith.constant 16 : i32
    %scan3A_2 = arith.addi %scan3A, %scan3A_1 : i32
    %scan3A_3 = arith.constant 1 : i32
    scf.for %scan3A_21 = %scan3A to %scan3A_2 step %scan3A_3  : i32 {
      %mul3A_22 = arith.constant 1 : i32
      %mul3A_23 = arith.muli %scan3A_21, %mul3A_22 : i32
      %add3A = arith.constant 0 : i32
      %add3A_24 = arith.addi %add3A, %mul3A_23 : i32
      %swap3A = arith.index_cast %add3A_24 : i32 to index
      %swap3A_25 = arith.constant 0 : index
      %swap3A_26 = tpu.vector_load %arg10[%swap3A, %swap3A_25] {strides = array<i32>} : memref<16x128xf32, #tpu.memory_space<vmem>>, vector<16xf32>,
      tpu.vector_store %arg10[%swap3A, %swap3A_25], %broadcast_in_dim3A_0 {strides = array<i32>} : memref<16x128xf32, #tpu.memory_space<vmem>>, vector<16xf32>,
      %swap3A_27 = arith.index_cast %add3A_24 : i32 to index
      %swap3A_28 = arith.constant 16 : index
      %swap3A_29 = tpu.vector_load %arg10[%swap3A_27, %swap3A_28] {strides = array<i32>} : memref<16x128xf32, #tpu.memory_space<vmem>>, vector<16xf32>,
      tpu.vector_store %arg10[%swap3A_27, %swap3A_28], %broadcast_in_dim3A_0 {strides = array<i32>} : memref<16x128xf32, #tpu.memory_space<vmem>>, vector<16xf32>,
      %swap3A_30 = arith.index_cast %add3A_24 : i32 to index
      %swap3A_31 = arith.constant 32 : index
      %swap3A_32 = tpu.vector_load %arg10[%swap3A_30, %swap3A_31] {strides = array<i32>} : memref<16x128xf32, #tpu.memory_space<vmem>>, vector<16xf32>,
      tpu.vector_store %arg10[%swap3A_30, %swap3A_31], %broadcast_in_dim3A_0 {strides = array<i32>} : memref<16x128xf32, #tpu.memory_space<vmem>>, vector<16xf32>,
      %swap3A_33 = arith.index_cast %add3A_24 : i32 to index
      %swap3A_34 = arith.constant 48 : index
      %swap3A_35 = tpu.vector_load %arg10[%swap3A_33, %swap3A_34] {strides = array<i32>} : memref<16x128xf32, #tpu.memory_space<vmem>>, vector<16xf32>,
      tpu.vector_store %arg10[%swap3A_33, %swap3A_34], %broadcast_in_dim3A_0 {strides = array<i32>} : memref<16x128xf32, #tpu.memory_space<vmem>>, vector<16xf32>,
      %swap3A_36 = arith.index_cast %add3A_24 : i32 to index
      %swap3A_37 = arith.constant 64 : index
      %swap3A_38 = tpu.vector_load %arg10[%swap3A_36, %swap3A_37] {strides = array<i32>} : memref<16x128xf32, #tpu.memory_space<vmem>>, vector<16xf32>,
      tpu.vector_store %arg10[%swap3A_36, %swap3A_37], %broadcast_in_dim3A_0 {strides = array<i32>} : memref<16x128xf32, #tpu.memory_space<vmem>>, vector<16xf32>,
      %swap3A_39 = arith.index_cast %add3A_24 : i32 to index
      %swap3A_40 = arith.constant 80 : index
      %swap3A_41 = tpu.vector_load %arg10[%swap3A_39, %swap3A_40] {strides = array<i32>} : memref<16x128xf32, #tpu.memory_space<vmem>>, vector<16xf32>,
      tpu.vector_store %arg10[%swap3A_39, %swap3A_40], %broadcast_in_dim3A_0 {strides = array<i32>} : memref<16x128xf32, #tpu.memory_space<vmem>>, vector<16xf32>,
      %swap3A_42 = arith.index_cast %add3A_24 : i32 to index
      %swap3A_43 = arith.constant 96 : index
      %swap3A_44 = tpu.vector_load %arg10[%swap3A_42, %swap3A_43] {strides = array<i32>} : memref<16x128xf32, #tpu.memory_space<vmem>>, vector<16xf32>,
      tpu.vector_store %arg10[%swap3A_42, %swap3A_43], %broadcast_in_dim3A_0 {strides = array<i32>} : memref<16x128xf32, #tpu.memory_space<vmem>>, vector<16xf32>,
      %swap3A_45 = arith.index_cast %add3A_24 : i32 to index
      %swap3A_46 = arith.constant 112 : index
      %swap3A_47 = tpu.vector_load %arg10[%swap3A_45, %swap3A_46] {strides = array<i32>} : memref<16x128xf32, #tpu.memory_space<vmem>>, vector<16xf32>,
      tpu.vector_store %arg10[%swap3A_45, %swap3A_46], %broadcast_in_dim3A_0 {strides = array<i32>} : memref<16x128xf32, #tpu.memory_space<vmem>>, vector<16xf32>,
    }
    %scan3A_4 = arith.constant 16 : i32
    %scan3A_5 = arith.constant 0 : i32
    %scan3A_6 = arith.constant 40 : i32
    %scan3A_7 = arith.addi %scan3A_5, %scan3A_6 : i32
    %scan3A_8 = arith.constant 1 : i32
    scf.for %scan3A_21 = %scan3A_5 to %scan3A_7 step %scan3A_8  : i32 {
      %mul3A_22 = arith.constant 1 : i32
      %mul3A_23 = arith.muli %scan3A_21, %mul3A_22 : i32
      %add3A = arith.constant 0 : i32
      %add3A_24 = arith.addi %add3A, %mul3A_23 : i32
      %mul3A_25 = arith.constant 640 : i32
      %mul3A_26 = arith.muli %arg1, %mul3A_25 : i32
      %mul3A_27 = arith.constant 16 : i32
      %mul3A_28 = arith.muli %add3A_24, %mul3A_27 : i32
      %add3A_29 = arith.addi %mul3A_26, %mul3A_28 : i32
      "tpu.region"() ({
        %run_scoped3A = tpu.sem_alloc : memref<!tpu.dma_semaphore, #tpu.memory_space<semaphore_mem>>
        %dma_start3A = arith.constant 0 : i32
        %dma_start3A_30 = tpu.memref_slice %arg11[%add3A_29, %dma_start3A] : memref<10240x128xf32, #tpu.memory_space<vmem_shared>> -> memref<16x128xf32, #tpu.memory_space<vmem_shared>>
        %dma_start3A_31 = arith.constant 0 : i32
        %dma_start3A_32 = tpu.memref_slice %arg11[%add3A_29, %dma_start3A_31] : memref<10240x128xf32, #tpu.memory_space<vmem_shared>> -> memref<16x128xf32, #tpu.memory_space<vmem_shared>>
        tpu.enqueue_dma source(%arg10 : memref<16x128xf32, #tpu.memory_space<vmem>>) target(%dma_start3A_32 : memref<16x128xf32, #tpu.memory_space<vmem_shared>>) target_semaphore(%run_scoped3A : memref<!tpu.dma_semaphore, #tpu.memory_space<semaphore_mem>>)
        %dma_wait3A = arith.constant 0 : i32
        %dma_wait3A_33 = tpu.memref_slice %arg11[%add3A_29, %dma_wait3A] : memref<10240x128xf32, #tpu.memory_space<vmem_shared>> -> memref<16x128xf32, #tpu.memory_space<vmem_shared>>
        %dma_wait3A_34 = arith.constant 0 : i32
        %dma_wait3A_35 = tpu.memref_slice %arg11[%add3A_29, %dma_wait3A_34] : memref<10240x128xf32, #tpu.memory_space<vmem_shared>> -> memref<16x128xf32, #tpu.memory_space<vmem_shared>>
        tpu.wait_dma2 semaphore(%run_scoped3A : memref<!tpu.dma_semaphore, #tpu.memory_space<semaphore_mem>>) src(%arg10 : memref<16x128xf32, #tpu.memory_space<vmem>>) dst(%dma_wait3A_35 : memref<16x128xf32, #tpu.memory_space<vmem_shared>>)
        tpu.yield
      }) : () -> ()
    }
    %scan3A_9 = arith.constant 40 : i32
    %barrier3A = arith.constant 0 : index
    tpu.barrier barrier_id(%barrier3A)
    %eq3A = arith.constant 0 : i32
    %eq3A_10 = arith.cmpi eq, %arg0, %eq3A : i32
    %convert_element_type3A = arith.extui %eq3A_10 : i1 to i32
    %cond3A = arith.constant 0 : i32
    %cond3A_11 = arith.cmpi ne, %convert_element_type3A, %cond3A : i32
    scf.if %cond3A_11 {
      %mul3A_21 = arith.constant 80 : i32
      %mul3A_22 = arith.muli %arg1, %mul3A_21 : i32
      %scan3A_23 = arith.constant 0 : i32
      %scan3A_24 = arith.constant 5 : i32
      %scan3A_25 = arith.addi %scan3A_23, %scan3A_24 : i32
      %scan3A_26 = arith.constant 1 : i32
      scf.for %scan3A_28 = %scan3A_23 to %scan3A_25 step %scan3A_26  : i32 {
        %mul3A_29 = arith.constant 1 : i32
        %mul3A_30 = arith.muli %scan3A_28, %mul3A_29 : i32
        %add3A = arith.constant 0 : i32
        %add3A_31 = arith.addi %add3A, %mul3A_30 : i32
        %mul3A_32 = arith.constant 16 : i32
        %mul3A_33 = arith.muli %add3A_31, %mul3A_32 : i32
        %add3A_34 = arith.addi %mul3A_22, %mul3A_33 : i32
        "tpu.region"() ({
          %run_scoped3A_70 = tpu.sem_alloc : memref<!tpu.dma_semaphore, #tpu.memory_space<semaphore_mem>>
          %dma_start3A_71 = arith.constant 0 : i32
          %dma_start3A_72 = tpu.memref_slice %arg3[%add3A_34, %dma_start3A_71] : memref<2560x128xi32, #tpu.memory_space<hbm>> -> memref<16x128xi32, #tpu.memory_space<hbm>>
          %dma_start3A_73 = arith.constant 0 : i32
          %dma_start3A_74 = tpu.memref_slice %arg3[%add3A_34, %dma_start3A_73] : memref<2560x128xi32, #tpu.memory_space<hbm>> -> memref<16x128xi32, #tpu.memory_space<hbm>>
          tpu.enqueue_dma source(%dma_start3A_74 : memref<16x128xi32, #tpu.memory_space<hbm>>) target(%arg6 : memref<16x128xi32, #tpu.memory_space<vmem>>) target_semaphore(%run_scoped3A_70 : memref<!tpu.dma_semaphore, #tpu.memory_space<semaphore_mem>>)
          %dma_wait3A_75 = arith.constant 0 : i32
          %dma_wait3A_76 = tpu.memref_slice %arg3[%add3A_34, %dma_wait3A_75] : memref<2560x128xi32, #tpu.memory_space<hbm>> -> memref<16x128xi32, #tpu.memory_space<hbm>>
          %dma_wait3A_77 = arith.constant 0 : i32
          %dma_wait3A_78 = tpu.memref_slice %arg3[%add3A_34, %dma_wait3A_77] : memref<2560x128xi32, #tpu.memory_space<hbm>> -> memref<16x128xi32, #tpu.memory_space<hbm>>
          tpu.wait_dma2 semaphore(%run_scoped3A_70 : memref<!tpu.dma_semaphore, #tpu.memory_space<semaphore_mem>>) src(%dma_wait3A_78 : memref<16x128xi32, #tpu.memory_space<hbm>>) dst(%arg6 : memref<16x128xi32, #tpu.memory_space<vmem>>)
          tpu.yield
        }) : () -> ()
        %mul3A_35 = arith.constant 16 : i32
        %mul3A_36 = arith.muli %add3A_31, %mul3A_35 : i32
        %add3A_37 = arith.addi %mul3A_22, %mul3A_36 : i32
        "tpu.region"() ({
          %run_scoped3A_70 = tpu.sem_alloc : memref<!tpu.dma_semaphore, #tpu.memory_space<semaphore_mem>>
          %dma_start3A_71 = arith.constant 0 : i32
          %dma_start3A_72 = tpu.memref_slice %arg4[%add3A_37, %dma_start3A_71] : memref<2560x128xi32, #tpu.memory_space<hbm>> -> memref<16x128xi32, #tpu.memory_space<hbm>>
          %dma_start3A_73 = arith.constant 0 : i32
          %dma_start3A_74 = tpu.memref_slice %arg4[%add3A_37, %dma_start3A_73] : memref<2560x128xi32, #tpu.memory_space<hbm>> -> memref<16x128xi32, #tpu.memory_space<hbm>>
          tpu.enqueue_dma source(%dma_start3A_74 : memref<16x128xi32, #tpu.memory_space<hbm>>) target(%arg7 : memref<16x128xi32, #tpu.memory_space<vmem>>) target_semaphore(%run_scoped3A_70 : memref<!tpu.dma_semaphore, #tpu.memory_space<semaphore_mem>>)
          %dma_wait3A_75 = arith.constant 0 : i32
          %dma_wait3A_76 = tpu.memref_slice %arg4[%add3A_37, %dma_wait3A_75] : memref<2560x128xi32, #tpu.memory_space<hbm>> -> memref<16x128xi32, #tpu.memory_space<hbm>>
          %dma_wait3A_77 = arith.constant 0 : i32
          %dma_wait3A_78 = tpu.memref_slice %arg4[%add3A_37, %dma_wait3A_77] : memref<2560x128xi32, #tpu.memory_space<hbm>> -> memref<16x128xi32, #tpu.memory_space<hbm>>
          tpu.wait_dma2 semaphore(%run_scoped3A_70 : memref<!tpu.dma_semaphore, #tpu.memory_space<semaphore_mem>>) src(%dma_wait3A_78 : memref<16x128xi32, #tpu.memory_space<hbm>>) dst(%arg7 : memref<16x128xi32, #tpu.memory_space<vmem>>)
          tpu.yield
        }) : () -> ()
        %dma_start3A = arith.constant 0 : i32
        %dma_start3A_38 = arith.constant 0 : i32
        %dma_start3A_39 = tpu.memref_slice %arg6[%dma_start3A, %dma_start3A_38] : memref<16x128xi32, #tpu.memory_space<vmem>> -> memref<1x128xi32, #tpu.memory_space<vmem>>
        %dma_start3A_40 = tpu.memref_squeeze %dma_start3A_39 : memref<1x128xi32, #tpu.memory_space<vmem>> -> memref<128xi32, #tpu.memory_space<vmem>>
        %dma_start3A_41 = arith.constant 0 : i32
        %dma_start3A_42 = arith.constant 0 : i32
        %dma_start3A_43 = tpu.memref_slice %arg2[%dma_start3A_41, %dma_start3A_42] : memref<10240x128xf32, #tpu.memory_space<hbm>> -> memref<10240x128xf32, #tpu.memory_space<hbm>>
        tpu.enqueue_indirect_dma source(%dma_start3A_43 : memref<10240x128xf32, #tpu.memory_space<hbm>>) target(%arg8 : memref<128x128xf32, #tpu.memory_space<vmem>>) offsets(%dma_start3A_40 : memref<128xi32, #tpu.memory_space<vmem>>) semaphore(%arg12 : memref<!tpu.dma_semaphore, #tpu.memory_space<semaphore_mem>>)
        %scan3A_44 = arith.constant 0 : i32
        %scan3A_45 = arith.constant 7 : i32
        %scan3A_46 = arith.addi %scan3A_44, %scan3A_45 : i32
        %scan3A_47 = arith.constant 1 : i32
        scf.for %scan3A_70 = %scan3A_44 to %scan3A_46 step %scan3A_47  : i32 {
          %mul3A_71 = arith.constant 2 : i32
          %mul3A_72 = arith.muli %scan3A_70, %mul3A_71 : i32
          %add3A_73 = arith.constant 0 : i32
          %add3A_74 = arith.addi %add3A_73, %mul3A_72 : i32
          %dma_wait3A_75 = arith.constant 0 : i32
          %dma_wait3A_76 = arith.constant 0 : i32
          %dma_wait3A_77 = tpu.memref_slice %arg6[%dma_wait3A_75, %dma_wait3A_76] : memref<16x128xi32, #tpu.memory_space<vmem>> -> memref<1x128xi32, #tpu.memory_space<vmem>>
          %dma_wait3A_78 = tpu.memref_squeeze %dma_wait3A_77 : memref<1x128xi32, #tpu.memory_space<vmem>> -> memref<128xi32, #tpu.memory_space<vmem>>
          %dma_wait3A_79 = arith.constant 0 : i32
          %dma_wait3A_80 = arith.constant 0 : i32
          %dma_wait3A_81 = tpu.memref_slice %arg2[%dma_wait3A_79, %dma_wait3A_80] : memref<10240x128xf32, #tpu.memory_space<hbm>> -> memref<10240x128xf32, #tpu.memory_space<hbm>>
          tpu.wait_indirect_dma semaphore(%arg12 : memref<!tpu.dma_semaphore, #tpu.memory_space<semaphore_mem>>) src(%dma_wait3A_81 : memref<10240x128xf32, #tpu.memory_space<hbm>>) dst(%arg8 : memref<128x128xf32, #tpu.memory_space<vmem>>)
          %add3A_82 = arith.constant 1 : i32
          %add3A_83 = arith.addi %add3A_74, %add3A_82 : i32
          %dma_start3A_84 = arith.constant 0 : i32
          %dma_start3A_85 = tpu.memref_slice %arg6[%add3A_83, %dma_start3A_84] : memref<16x128xi32, #tpu.memory_space<vmem>> -> memref<1x128xi32, #tpu.memory_space<vmem>>
          %dma_start3A_86 = tpu.memref_squeeze %dma_start3A_85 : memref<1x128xi32, #tpu.memory_space<vmem>> -> memref<128xi32, #tpu.memory_space<vmem>>
          %dma_start3A_87 = arith.constant 0 : i32
          %dma_start3A_88 = arith.constant 0 : i32
          %dma_start3A_89 = tpu.memref_slice %arg2[%dma_start3A_87, %dma_start3A_88] : memref<10240x128xf32, #tpu.memory_space<hbm>> -> memref<10240x128xf32, #tpu.memory_space<hbm>>
          tpu.enqueue_indirect_dma source(%dma_start3A_89 : memref<10240x128xf32, #tpu.memory_space<hbm>>) target(%arg9 : memref<128x128xf32, #tpu.memory_space<vmem>>) offsets(%dma_start3A_86 : memref<128xi32, #tpu.memory_space<vmem>>) semaphore(%arg13 : memref<!tpu.dma_semaphore, #tpu.memory_space<semaphore_mem>>)
          "tpu.region"() ({
            %run_scoped3A_107 = tpu.sem_alloc : memref<!tpu.dma_semaphore, #tpu.memory_space<semaphore_mem>>
            %dma_start3A_108 = arith.constant 0 : i32
            %dma_start3A_109 = tpu.memref_slice %arg7[%add3A_74, %dma_start3A_108] : memref<16x128xi32, #tpu.memory_space<vmem>> -> memref<1x128xi32, #tpu.memory_space<vmem>>
            %dma_start3A_110 = tpu.memref_squeeze %dma_start3A_109 : memref<1x128xi32, #tpu.memory_space<vmem>> -> memref<128xi32, #tpu.memory_space<vmem>>
            %dma_start3A_111 = arith.constant 0 : i32
            %dma_start3A_112 = arith.constant 0 : i32
            %dma_start3A_113 = tpu.memref_slice %arg11[%dma_start3A_111, %dma_start3A_112] : memref<10240x128xf32, #tpu.memory_space<vmem_shared>> -> memref<10240x128xf32, #tpu.memory_space<vmem_shared>>
            tpu.enqueue_indirect_dma source(%arg8 : memref<128x128xf32, #tpu.memory_space<vmem>>) target(%dma_start3A_113 : memref<10240x128xf32, #tpu.memory_space<vmem_shared>>) offsets(%dma_start3A_110 : memref<128xi32, #tpu.memory_space<vmem>>) semaphore(%run_scoped3A_107 : memref<!tpu.dma_semaphore, #tpu.memory_space<semaphore_mem>>) {add = true}
            %dma_wait3A_114 = arith.constant 0 : i32
            %dma_wait3A_115 = tpu.memref_slice %arg7[%add3A_74, %dma_wait3A_114] : memref<16x128xi32, #tpu.memory_space<vmem>> -> memref<1x128xi32, #tpu.memory_space<vmem>>
            %dma_wait3A_116 = tpu.memref_squeeze %dma_wait3A_115 : memref<1x128xi32, #tpu.memory_space<vmem>> -> memref<128xi32, #tpu.memory_space<vmem>>
            %dma_wait3A_117 = arith.constant 0 : i32
            %dma_wait3A_118 = arith.constant 0 : i32
            %dma_wait3A_119 = tpu.memref_slice %arg11[%dma_wait3A_117, %dma_wait3A_118] : memref<10240x128xf32, #tpu.memory_space<vmem_shared>> -> memref<10240x128xf32, #tpu.memory_space<vmem_shared>>
            tpu.wait_indirect_dma semaphore(%run_scoped3A_107 : memref<!tpu.dma_semaphore, #tpu.memory_space<semaphore_mem>>) src(%arg8 : memref<128x128xf32, #tpu.memory_space<vmem>>) dst(%dma_wait3A_119 : memref<10240x128xf32, #tpu.memory_space<vmem_shared>>)
            tpu.yield
          }) : () -> ()
          %dma_wait3A_90 = arith.constant 0 : i32
          %dma_wait3A_91 = arith.constant 0 : i32
          %dma_wait3A_92 = tpu.memref_slice %arg6[%dma_wait3A_90, %dma_wait3A_91] : memref<16x128xi32, #tpu.memory_space<vmem>> -> memref<1x128xi32, #tpu.memory_space<vmem>>
          %dma_wait3A_93 = tpu.memref_squeeze %dma_wait3A_92 : memref<1x128xi32, #tpu.memory_space<vmem>> -> memref<128xi32, #tpu.memory_space<vmem>>
          %dma_wait3A_94 = arith.constant 0 : i32
          %dma_wait3A_95 = arith.constant 0 : i32
          %dma_wait3A_96 = tpu.memref_slice %arg2[%dma_wait3A_94, %dma_wait3A_95] : memref<10240x128xf32, #tpu.memory_space<hbm>> -> memref<10240x128xf32, #tpu.memory_space<hbm>>
          tpu.wait_indirect_dma semaphore(%arg13 : memref<!tpu.dma_semaphore, #tpu.memory_space<semaphore_mem>>) src(%dma_wait3A_96 : memref<10240x128xf32, #tpu.memory_space<hbm>>) dst(%arg9 : memref<128x128xf32, #tpu.memory_space<vmem>>)
          %add3A_97 = arith.constant 2 : i32
          %add3A_98 = arith.addi %add3A_74, %add3A_97 : i32
          %dma_start3A_99 = arith.constant 0 : i32
          %dma_start3A_100 = tpu.memref_slice %arg6[%add3A_98, %dma_start3A_99] : memref<16x128xi32, #tpu.memory_space<vmem>> -> memref<1x128xi32, #tpu.memory_space<vmem>>
          %dma_start3A_101 = tpu.memref_squeeze %dma_start3A_100 : memref<1x128xi32, #tpu.memory_space<vmem>> -> memref<128xi32, #tpu.memory_space<vmem>>
          %dma_start3A_102 = arith.constant 0 : i32
          %dma_start3A_103 = arith.constant 0 : i32
          %dma_start3A_104 = tpu.memref_slice %arg2[%dma_start3A_102, %dma_start3A_103] : memref<10240x128xf32, #tpu.memory_space<hbm>> -> memref<10240x128xf32, #tpu.memory_space<hbm>>
          tpu.enqueue_indirect_dma source(%dma_start3A_104 : memref<10240x128xf32, #tpu.memory_space<hbm>>) target(%arg8 : memref<128x128xf32, #tpu.memory_space<vmem>>) offsets(%dma_start3A_101 : memref<128xi32, #tpu.memory_space<vmem>>) semaphore(%arg12 : memref<!tpu.dma_semaphore, #tpu.memory_space<semaphore_mem>>)
          %add3A_105 = arith.constant 1 : i32
          %add3A_106 = arith.addi %add3A_74, %add3A_105 : i32
          "tpu.region"() ({
            %run_scoped3A_107 = tpu.sem_alloc : memref<!tpu.dma_semaphore, #tpu.memory_space<semaphore_mem>>
            %dma_start3A_108 = arith.constant 0 : i32
            %dma_start3A_109 = tpu.memref_slice %arg7[%add3A_106, %dma_start3A_108] : memref<16x128xi32, #tpu.memory_space<vmem>> -> memref<1x128xi32, #tpu.memory_space<vmem>>
            %dma_start3A_110 = tpu.memref_squeeze %dma_start3A_109 : memref<1x128xi32, #tpu.memory_space<vmem>> -> memref<128xi32, #tpu.memory_space<vmem>>
            %dma_start3A_111 = arith.constant 0 : i32
            %dma_start3A_112 = arith.constant 0 : i32
            %dma_start3A_113 = tpu.memref_slice %arg11[%dma_start3A_111, %dma_start3A_112] : memref<10240x128xf32, #tpu.memory_space<vmem_shared>> -> memref<10240x128xf32, #tpu.memory_space<vmem_shared>>
            tpu.enqueue_indirect_dma source(%arg9 : memref<128x128xf32, #tpu.memory_space<vmem>>) target(%dma_start3A_113 : memref<10240x128xf32, #tpu.memory_space<vmem_shared>>) offsets(%dma_start3A_110 : memref<128xi32, #tpu.memory_space<vmem>>) semaphore(%run_scoped3A_107 : memref<!tpu.dma_semaphore, #tpu.memory_space<semaphore_mem>>) {add = true}
            %dma_wait3A_114 = arith.constant 0 : i32
            %dma_wait3A_115 = tpu.memref_slice %arg7[%add3A_106, %dma_wait3A_114] : memref<16x128xi32, #tpu.memory_space<vmem>> -> memref<1x128xi32, #tpu.memory_space<vmem>>
            %dma_wait3A_116 = tpu.memref_squeeze %dma_wait3A_115 : memref<1x128xi32, #tpu.memory_space<vmem>> -> memref<128xi32, #tpu.memory_space<vmem>>
            %dma_wait3A_117 = arith.constant 0 : i32
            %dma_wait3A_118 = arith.constant 0 : i32
            %dma_wait3A_119 = tpu.memref_slice %arg11[%dma_wait3A_117, %dma_wait3A_118] : memref<10240x128xf32, #tpu.memory_space<vmem_shared>> -> memref<10240x128xf32, #tpu.memory_space<vmem_shared>>
            tpu.wait_indirect_dma semaphore(%run_scoped3A_107 : memref<!tpu.dma_semaphore, #tpu.memory_space<semaphore_mem>>) src(%arg9 : memref<128x128xf32, #tpu.memory_space<vmem>>) dst(%dma_wait3A_119 : memref<10240x128xf32, #tpu.memory_space<vmem_shared>>)
            tpu.yield
          }) : () -> ()
        }
        %scan3A_48 = arith.constant 7 : i32
        %dma_wait3A = arith.constant 0 : i32
        %dma_wait3A_49 = arith.constant 0 : i32
        %dma_wait3A_50 = tpu.memref_slice %arg6[%dma_wait3A, %dma_wait3A_49] : memref<16x128xi32, #tpu.memory_space<vmem>> -> memref<1x128xi32, #tpu.memory_space<vmem>>
        %dma_wait3A_51 = tpu.memref_squeeze %dma_wait3A_50 : memref<1x128xi32, #tpu.memory_space<vmem>> -> memref<128xi32, #tpu.memory_space<vmem>>
        %dma_wait3A_52 = arith.constant 0 : i32
        %dma_wait3A_53 = arith.constant 0 : i32
        %dma_wait3A_54 = tpu.memref_slice %arg2[%dma_wait3A_52, %dma_wait3A_53] : memref<10240x128xf32, #tpu.memory_space<hbm>> -> memref<10240x128xf32, #tpu.memory_space<hbm>>
        tpu.wait_indirect_dma semaphore(%arg12 : memref<!tpu.dma_semaphore, #tpu.memory_space<semaphore_mem>>) src(%dma_wait3A_54 : memref<10240x128xf32, #tpu.memory_space<hbm>>) dst(%arg8 : memref<128x128xf32, #tpu.memory_space<vmem>>)
        %dma_start3A_55 = arith.constant 15 : i32
        %dma_start3A_56 = arith.constant 0 : i32
        %dma_start3A_57 = tpu.memref_slice %arg6[%dma_start3A_55, %dma_start3A_56] : memref<16x128xi32, #tpu.memory_space<vmem>> -> memref<1x128xi32, #tpu.memory_space<vmem>>
        %dma_start3A_58 = tpu.memref_squeeze %dma_start3A_57 : memref<1x128xi32, #tpu.memory_space<vmem>> -> memref<128xi32, #tpu.memory_space<vmem>>
        %dma_start3A_59 = arith.constant 0 : i32
        %dma_start3A_60 = arith.constant 0 : i32
        %dma_start3A_61 = tpu.memref_slice %arg2[%dma_start3A_59, %dma_start3A_60] : memref<10240x128xf32, #tpu.memory_space<hbm>> -> memref<10240x128xf32, #tpu.memory_space<hbm>>
        tpu.enqueue_indirect_dma source(%dma_start3A_61 : memref<10240x128xf32, #tpu.memory_space<hbm>>) target(%arg9 : memref<128x128xf32, #tpu.memory_space<vmem>>) offsets(%dma_start3A_58 : memref<128xi32, #tpu.memory_space<vmem>>) semaphore(%arg13 : memref<!tpu.dma_semaphore, #tpu.memory_space<semaphore_mem>>)
        %run_scoped3A = arith.constant 14 : i32
        "tpu.region"() ({
          %run_scoped3A_70 = tpu.sem_alloc : memref<!tpu.dma_semaphore, #tpu.memory_space<semaphore_mem>>
          %dma_start3A_71 = arith.constant 0 : i32
          %dma_start3A_72 = tpu.memref_slice %arg7[%run_scoped3A, %dma_start3A_71] : memref<16x128xi32, #tpu.memory_space<vmem>> -> memref<1x128xi32, #tpu.memory_space<vmem>>
          %dma_start3A_73 = tpu.memref_squeeze %dma_start3A_72 : memref<1x128xi32, #tpu.memory_space<vmem>> -> memref<128xi32, #tpu.memory_space<vmem>>
          %dma_start3A_74 = arith.constant 0 : i32
          %dma_start3A_75 = arith.constant 0 : i32
          %dma_start3A_76 = tpu.memref_slice %arg11[%dma_start3A_74, %dma_start3A_75] : memref<10240x128xf32, #tpu.memory_space<vmem_shared>> -> memref<10240x128xf32, #tpu.memory_space<vmem_shared>>
          tpu.enqueue_indirect_dma source(%arg8 : memref<128x128xf32, #tpu.memory_space<vmem>>) target(%dma_start3A_76 : memref<10240x128xf32, #tpu.memory_space<vmem_shared>>) offsets(%dma_start3A_73 : memref<128xi32, #tpu.memory_space<vmem>>) semaphore(%run_scoped3A_70 : memref<!tpu.dma_semaphore, #tpu.memory_space<semaphore_mem>>) {add = true}
          %dma_wait3A_77 = arith.constant 0 : i32
          %dma_wait3A_78 = tpu.memref_slice %arg7[%run_scoped3A, %dma_wait3A_77] : memref<16x128xi32, #tpu.memory_space<vmem>> -> memref<1x128xi32, #tpu.memory_space<vmem>>
          %dma_wait3A_79 = tpu.memref_squeeze %dma_wait3A_78 : memref<1x128xi32, #tpu.memory_space<vmem>> -> memref<128xi32, #tpu.memory_space<vmem>>
          %dma_wait3A_80 = arith.constant 0 : i32
          %dma_wait3A_81 = arith.constant 0 : i32
          %dma_wait3A_82 = tpu.memref_slice %arg11[%dma_wait3A_80, %dma_wait3A_81] : memref<10240x128xf32, #tpu.memory_space<vmem_shared>> -> memref<10240x128xf32, #tpu.memory_space<vmem_shared>>
          tpu.wait_indirect_dma semaphore(%run_scoped3A_70 : memref<!tpu.dma_semaphore, #tpu.memory_space<semaphore_mem>>) src(%arg8 : memref<128x128xf32, #tpu.memory_space<vmem>>) dst(%dma_wait3A_82 : memref<10240x128xf32, #tpu.memory_space<vmem_shared>>)
          tpu.yield
        }) : () -> ()
        %dma_wait3A_62 = arith.constant 0 : i32
        %dma_wait3A_63 = arith.constant 0 : i32
        %dma_wait3A_64 = tpu.memref_slice %arg6[%dma_wait3A_62, %dma_wait3A_63] : memref<16x128xi32, #tpu.memory_space<vmem>> -> memref<1x128xi32, #tpu.memory_space<vmem>>
        %dma_wait3A_65 = tpu.memref_squeeze %dma_wait3A_64 : memref<1x128xi32, #tpu.memory_space<vmem>> -> memref<128xi32, #tpu.memory_space<vmem>>
        %dma_wait3A_66 = arith.constant 0 : i32
        %dma_wait3A_67 = arith.constant 0 : i32
        %dma_wait3A_68 = tpu.memref_slice %arg2[%dma_wait3A_66, %dma_wait3A_67] : memref<10240x128xf32, #tpu.memory_space<hbm>> -> memref<10240x128xf32, #tpu.memory_space<hbm>>
        tpu.wait_indirect_dma semaphore(%arg13 : memref<!tpu.dma_semaphore, #tpu.memory_space<semaphore_mem>>) src(%dma_wait3A_68 : memref<10240x128xf32, #tpu.memory_space<hbm>>) dst(%arg9 : memref<128x128xf32, #tpu.memory_space<vmem>>)
        %run_scoped3A_69 = arith.constant 15 : i32
        "tpu.region"() ({
          %run_scoped3A_70 = tpu.sem_alloc : memref<!tpu.dma_semaphore, #tpu.memory_space<semaphore_mem>>
          %dma_start3A_71 = arith.constant 0 : i32
          %dma_start3A_72 = tpu.memref_slice %arg7[%run_scoped3A_69, %dma_start3A_71] : memref<16x128xi32, #tpu.memory_space<vmem>> -> memref<1x128xi32, #tpu.memory_space<vmem>>
          %dma_start3A_73 = tpu.memref_squeeze %dma_start3A_72 : memref<1x128xi32, #tpu.memory_space<vmem>> -> memref<128xi32, #tpu.memory_space<vmem>>
          %dma_start3A_74 = arith.constant 0 : i32
          %dma_start3A_75 = arith.constant 0 : i32
          %dma_start3A_76 = tpu.memref_slice %arg11[%dma_start3A_74, %dma_start3A_75] : memref<10240x128xf32, #tpu.memory_space<vmem_shared>> -> memref<10240x128xf32, #tpu.memory_space<vmem_shared>>
          tpu.enqueue_indirect_dma source(%arg9 : memref<128x128xf32, #tpu.memory_space<vmem>>) target(%dma_start3A_76 : memref<10240x128xf32, #tpu.memory_space<vmem_shared>>) offsets(%dma_start3A_73 : memref<128xi32, #tpu.memory_space<vmem>>) semaphore(%run_scoped3A_70 : memref<!tpu.dma_semaphore, #tpu.memory_space<semaphore_mem>>) {add = true}
          %dma_wait3A_77 = arith.constant 0 : i32
          %dma_wait3A_78 = tpu.memref_slice %arg7[%run_scoped3A_69, %dma_wait3A_77] : memref<16x128xi32, #tpu.memory_space<vmem>> -> memref<1x128xi32, #tpu.memory_space<vmem>>
          %dma_wait3A_79 = tpu.memref_squeeze %dma_wait3A_78 : memref<1x128xi32, #tpu.memory_space<vmem>> -> memref<128xi32, #tpu.memory_space<vmem>>
          %dma_wait3A_80 = arith.constant 0 : i32
          %dma_wait3A_81 = arith.constant 0 : i32
          %dma_wait3A_82 = tpu.memref_slice %arg11[%dma_wait3A_80, %dma_wait3A_81] : memref<10240x128xf32, #tpu.memory_space<vmem_shared>> -> memref<10240x128xf32, #tpu.memory_space<vmem_shared>>
          tpu.wait_indirect_dma semaphore(%run_scoped3A_70 : memref<!tpu.dma_semaphore, #tpu.memory_space<semaphore_mem>>) src(%arg9 : memref<128x128xf32, #tpu.memory_space<vmem>>) dst(%dma_wait3A_82 : memref<10240x128xf32, #tpu.memory_space<vmem_shared>>)
          tpu.yield
        }) : () -> ()
      }
      %scan3A_27 = arith.constant 5 : i32
    } else {
    }
    %eq3A_12 = arith.constant 1 : i32
    %eq3A_13 = arith.cmpi eq, %arg0, %eq3A_12 : i32
    %convert_element_type3A_14 = arith.extui %eq3A_13 : i1 to i32
    %cond3A_15 = arith.constant 0 : i32
    %cond3A_16 = arith.cmpi ne, %convert_element_type3A_14, %cond3A_15 : i32
    scf.if %cond3A_16 {
      %mul3A_21 = arith.constant 80 : i32
      %mul3A_22 = arith.muli %arg1, %mul3A_21 : i32
      %add3A = arith.constant 1280 : i32
      %add3A_23 = arith.addi %add3A, %mul3A_22 : i32
      %scan3A_24 = arith.constant 0 : i32
      %scan3A_25 = arith.constant 5 : i32
      %scan3A_26 = arith.addi %scan3A_24, %scan3A_25 : i32
      %scan3A_27 = arith.constant 1 : i32
      scf.for %scan3A_29 = %scan3A_24 to %scan3A_26 step %scan3A_27  : i32 {
        %mul3A_30 = arith.constant 1 : i32
        %mul3A_31 = arith.muli %scan3A_29, %mul3A_30 : i32
        %add3A_32 = arith.constant 0 : i32
        %add3A_33 = arith.addi %add3A_32, %mul3A_31 : i32
        %mul3A_34 = arith.constant 16 : i32
        %mul3A_35 = arith.muli %add3A_33, %mul3A_34 : i32
        %add3A_36 = arith.addi %add3A_23, %mul3A_35 : i32
        "tpu.region"() ({
          %run_scoped3A_72 = tpu.sem_alloc : memref<!tpu.dma_semaphore, #tpu.memory_space<semaphore_mem>>
          %dma_start3A_73 = arith.constant 0 : i32
          %dma_start3A_74 = tpu.memref_slice %arg3[%add3A_36, %dma_start3A_73] : memref<2560x128xi32, #tpu.memory_space<hbm>> -> memref<16x128xi32, #tpu.memory_space<hbm>>
          %dma_start3A_75 = arith.constant 0 : i32
          %dma_start3A_76 = tpu.memref_slice %arg3[%add3A_36, %dma_start3A_75] : memref<2560x128xi32, #tpu.memory_space<hbm>> -> memref<16x128xi32, #tpu.memory_space<hbm>>
          tpu.enqueue_dma source(%dma_start3A_76 : memref<16x128xi32, #tpu.memory_space<hbm>>) target(%arg6 : memref<16x128xi32, #tpu.memory_space<vmem>>) target_semaphore(%run_scoped3A_72 : memref<!tpu.dma_semaphore, #tpu.memory_space<semaphore_mem>>)
          %dma_wait3A_77 = arith.constant 0 : i32
          %dma_wait3A_78 = tpu.memref_slice %arg3[%add3A_36, %dma_wait3A_77] : memref<2560x128xi32, #tpu.memory_space<hbm>> -> memref<16x128xi32, #tpu.memory_space<hbm>>
          %dma_wait3A_79 = arith.constant 0 : i32
          %dma_wait3A_80 = tpu.memref_slice %arg3[%add3A_36, %dma_wait3A_79] : memref<2560x128xi32, #tpu.memory_space<hbm>> -> memref<16x128xi32, #tpu.memory_space<hbm>>
          tpu.wait_dma2 semaphore(%run_scoped3A_72 : memref<!tpu.dma_semaphore, #tpu.memory_space<semaphore_mem>>) src(%dma_wait3A_80 : memref<16x128xi32, #tpu.memory_space<hbm>>) dst(%arg6 : memref<16x128xi32, #tpu.memory_space<vmem>>)
          tpu.yield
        }) : () -> ()
        %mul3A_37 = arith.constant 16 : i32
        %mul3A_38 = arith.muli %add3A_33, %mul3A_37 : i32
        %add3A_39 = arith.addi %add3A_23, %mul3A_38 : i32
        "tpu.region"() ({
          %run_scoped3A_72 = tpu.sem_alloc : memref<!tpu.dma_semaphore, #tpu.memory_space<semaphore_mem>>
          %dma_start3A_73 = arith.constant 0 : i32
          %dma_start3A_74 = tpu.memref_slice %arg4[%add3A_39, %dma_start3A_73] : memref<2560x128xi32, #tpu.memory_space<hbm>> -> memref<16x128xi32, #tpu.memory_space<hbm>>
          %dma_start3A_75 = arith.constant 0 : i32
          %dma_start3A_76 = tpu.memref_slice %arg4[%add3A_39, %dma_start3A_75] : memref<2560x128xi32, #tpu.memory_space<hbm>> -> memref<16x128xi32, #tpu.memory_space<hbm>>
          tpu.enqueue_dma source(%dma_start3A_76 : memref<16x128xi32, #tpu.memory_space<hbm>>) target(%arg7 : memref<16x128xi32, #tpu.memory_space<vmem>>) target_semaphore(%run_scoped3A_72 : memref<!tpu.dma_semaphore, #tpu.memory_space<semaphore_mem>>)
          %dma_wait3A_77 = arith.constant 0 : i32
          %dma_wait3A_78 = tpu.memref_slice %arg4[%add3A_39, %dma_wait3A_77] : memref<2560x128xi32, #tpu.memory_space<hbm>> -> memref<16x128xi32, #tpu.memory_space<hbm>>
          %dma_wait3A_79 = arith.constant 0 : i32
          %dma_wait3A_80 = tpu.memref_slice %arg4[%add3A_39, %dma_wait3A_79] : memref<2560x128xi32, #tpu.memory_space<hbm>> -> memref<16x128xi32, #tpu.memory_space<hbm>>
          tpu.wait_dma2 semaphore(%run_scoped3A_72 : memref<!tpu.dma_semaphore, #tpu.memory_space<semaphore_mem>>) src(%dma_wait3A_80 : memref<16x128xi32, #tpu.memory_space<hbm>>) dst(%arg7 : memref<16x128xi32, #tpu.memory_space<vmem>>)
          tpu.yield
        }) : () -> ()
        %dma_start3A = arith.constant 0 : i32
        %dma_start3A_40 = arith.constant 0 : i32
        %dma_start3A_41 = tpu.memref_slice %arg6[%dma_start3A, %dma_start3A_40] : memref<16x128xi32, #tpu.memory_space<vmem>> -> memref<1x128xi32, #tpu.memory_space<vmem>>
        %dma_start3A_42 = tpu.memref_squeeze %dma_start3A_41 : memref<1x128xi32, #tpu.memory_space<vmem>> -> memref<128xi32, #tpu.memory_space<vmem>>
        %dma_start3A_43 = arith.constant 0 : i32
        %dma_start3A_44 = arith.constant 0 : i32
        %dma_start3A_45 = tpu.memref_slice %arg2[%dma_start3A_43, %dma_start3A_44] : memref<10240x128xf32, #tpu.memory_space<hbm>> -> memref<10240x128xf32, #tpu.memory_space<hbm>>
        tpu.enqueue_indirect_dma source(%dma_start3A_45 : memref<10240x128xf32, #tpu.memory_space<hbm>>) target(%arg8 : memref<128x128xf32, #tpu.memory_space<vmem>>) offsets(%dma_start3A_42 : memref<128xi32, #tpu.memory_space<vmem>>) semaphore(%arg12 : memref<!tpu.dma_semaphore, #tpu.memory_space<semaphore_mem>>)
        %scan3A_46 = arith.constant 0 : i32
        %scan3A_47 = arith.constant 7 : i32
        %scan3A_48 = arith.addi %scan3A_46, %scan3A_47 : i32
        %scan3A_49 = arith.constant 1 : i32
        scf.for %scan3A_72 = %scan3A_46 to %scan3A_48 step %scan3A_49  : i32 {
          %mul3A_73 = arith.constant 2 : i32
          %mul3A_74 = arith.muli %scan3A_72, %mul3A_73 : i32
          %add3A_75 = arith.constant 0 : i32
          %add3A_76 = arith.addi %add3A_75, %mul3A_74 : i32
          %dma_wait3A_77 = arith.constant 0 : i32
          %dma_wait3A_78 = arith.constant 0 : i32
          %dma_wait3A_79 = tpu.memref_slice %arg6[%dma_wait3A_77, %dma_wait3A_78] : memref<16x128xi32, #tpu.memory_space<vmem>> -> memref<1x128xi32, #tpu.memory_space<vmem>>
          %dma_wait3A_80 = tpu.memref_squeeze %dma_wait3A_79 : memref<1x128xi32, #tpu.memory_space<vmem>> -> memref<128xi32, #tpu.memory_space<vmem>>
          %dma_wait3A_81 = arith.constant 0 : i32
          %dma_wait3A_82 = arith.constant 0 : i32
          %dma_wait3A_83 = tpu.memref_slice %arg2[%dma_wait3A_81, %dma_wait3A_82] : memref<10240x128xf32, #tpu.memory_space<hbm>> -> memref<10240x128xf32, #tpu.memory_space<hbm>>
          tpu.wait_indirect_dma semaphore(%arg12 : memref<!tpu.dma_semaphore, #tpu.memory_space<semaphore_mem>>) src(%dma_wait3A_83 : memref<10240x128xf32, #tpu.memory_space<hbm>>) dst(%arg8 : memref<128x128xf32, #tpu.memory_space<vmem>>)
          %add3A_84 = arith.constant 1 : i32
          %add3A_85 = arith.addi %add3A_76, %add3A_84 : i32
          %dma_start3A_86 = arith.constant 0 : i32
          %dma_start3A_87 = tpu.memref_slice %arg6[%add3A_85, %dma_start3A_86] : memref<16x128xi32, #tpu.memory_space<vmem>> -> memref<1x128xi32, #tpu.memory_space<vmem>>
          %dma_start3A_88 = tpu.memref_squeeze %dma_start3A_87 : memref<1x128xi32, #tpu.memory_space<vmem>> -> memref<128xi32, #tpu.memory_space<vmem>>
          %dma_start3A_89 = arith.constant 0 : i32
          %dma_start3A_90 = arith.constant 0 : i32
          %dma_start3A_91 = tpu.memref_slice %arg2[%dma_start3A_89, %dma_start3A_90] : memref<10240x128xf32, #tpu.memory_space<hbm>> -> memref<10240x128xf32, #tpu.memory_space<hbm>>
          tpu.enqueue_indirect_dma source(%dma_start3A_91 : memref<10240x128xf32, #tpu.memory_space<hbm>>) target(%arg9 : memref<128x128xf32, #tpu.memory_space<vmem>>) offsets(%dma_start3A_88 : memref<128xi32, #tpu.memory_space<vmem>>) semaphore(%arg13 : memref<!tpu.dma_semaphore, #tpu.memory_space<semaphore_mem>>)
          "tpu.region"() ({
            %run_scoped3A_109 = tpu.sem_alloc : memref<!tpu.dma_semaphore, #tpu.memory_space<semaphore_mem>>
            %dma_start3A_110 = arith.constant 0 : i32
            %dma_start3A_111 = tpu.memref_slice %arg7[%add3A_76, %dma_start3A_110] : memref<16x128xi32, #tpu.memory_space<vmem>> -> memref<1x128xi32, #tpu.memory_space<vmem>>
            %dma_start3A_112 = tpu.memref_squeeze %dma_start3A_111 : memref<1x128xi32, #tpu.memory_space<vmem>> -> memref<128xi32, #tpu.memory_space<vmem>>
            %dma_start3A_113 = arith.constant 0 : i32
            %dma_start3A_114 = arith.constant 0 : i32
            %dma_start3A_115 = tpu.memref_slice %arg11[%dma_start3A_113, %dma_start3A_114] : memref<10240x128xf32, #tpu.memory_space<vmem_shared>> -> memref<10240x128xf32, #tpu.memory_space<vmem_shared>>
            tpu.enqueue_indirect_dma source(%arg8 : memref<128x128xf32, #tpu.memory_space<vmem>>) target(%dma_start3A_115 : memref<10240x128xf32, #tpu.memory_space<vmem_shared>>) offsets(%dma_start3A_112 : memref<128xi32, #tpu.memory_space<vmem>>) semaphore(%run_scoped3A_109 : memref<!tpu.dma_semaphore, #tpu.memory_space<semaphore_mem>>) {add = true}
            %dma_wait3A_116 = arith.constant 0 : i32
            %dma_wait3A_117 = tpu.memref_slice %arg7[%add3A_76, %dma_wait3A_116] : memref<16x128xi32, #tpu.memory_space<vmem>> -> memref<1x128xi32, #tpu.memory_space<vmem>>
            %dma_wait3A_118 = tpu.memref_squeeze %dma_wait3A_117 : memref<1x128xi32, #tpu.memory_space<vmem>> -> memref<128xi32, #tpu.memory_space<vmem>>
            %dma_wait3A_119 = arith.constant 0 : i32
            %dma_wait3A_120 = arith.constant 0 : i32
            %dma_wait3A_121 = tpu.memref_slice %arg11[%dma_wait3A_119, %dma_wait3A_120] : memref<10240x128xf32, #tpu.memory_space<vmem_shared>> -> memref<10240x128xf32, #tpu.memory_space<vmem_shared>>
            tpu.wait_indirect_dma semaphore(%run_scoped3A_109 : memref<!tpu.dma_semaphore, #tpu.memory_space<semaphore_mem>>) src(%arg8 : memref<128x128xf32, #tpu.memory_space<vmem>>) dst(%dma_wait3A_121 : memref<10240x128xf32, #tpu.memory_space<vmem_shared>>)
            tpu.yield
          }) : () -> ()
          %dma_wait3A_92 = arith.constant 0 : i32
          %dma_wait3A_93 = arith.constant 0 : i32
          %dma_wait3A_94 = tpu.memref_slice %arg6[%dma_wait3A_92, %dma_wait3A_93] : memref<16x128xi32, #tpu.memory_space<vmem>> -> memref<1x128xi32, #tpu.memory_space<vmem>>
          %dma_wait3A_95 = tpu.memref_squeeze %dma_wait3A_94 : memref<1x128xi32, #tpu.memory_space<vmem>> -> memref<128xi32, #tpu.memory_space<vmem>>
          %dma_wait3A_96 = arith.constant 0 : i32
          %dma_wait3A_97 = arith.constant 0 : i32
          %dma_wait3A_98 = tpu.memref_slice %arg2[%dma_wait3A_96, %dma_wait3A_97] : memref<10240x128xf32, #tpu.memory_space<hbm>> -> memref<10240x128xf32, #tpu.memory_space<hbm>>
          tpu.wait_indirect_dma semaphore(%arg13 : memref<!tpu.dma_semaphore, #tpu.memory_space<semaphore_mem>>) src(%dma_wait3A_98 : memref<10240x128xf32, #tpu.memory_space<hbm>>) dst(%arg9 : memref<128x128xf32, #tpu.memory_space<vmem>>)
          %add3A_99 = arith.constant 2 : i32
          %add3A_100 = arith.addi %add3A_76, %add3A_99 : i32
          %dma_start3A_101 = arith.constant 0 : i32
          %dma_start3A_102 = tpu.memref_slice %arg6[%add3A_100, %dma_start3A_101] : memref<16x128xi32, #tpu.memory_space<vmem>> -> memref<1x128xi32, #tpu.memory_space<vmem>>
          %dma_start3A_103 = tpu.memref_squeeze %dma_start3A_102 : memref<1x128xi32, #tpu.memory_space<vmem>> -> memref<128xi32, #tpu.memory_space<vmem>>
          %dma_start3A_104 = arith.constant 0 : i32
          %dma_start3A_105 = arith.constant 0 : i32
          %dma_start3A_106 = tpu.memref_slice %arg2[%dma_start3A_104, %dma_start3A_105] : memref<10240x128xf32, #tpu.memory_space<hbm>> -> memref<10240x128xf32, #tpu.memory_space<hbm>>
          tpu.enqueue_indirect_dma source(%dma_start3A_106 : memref<10240x128xf32, #tpu.memory_space<hbm>>) target(%arg8 : memref<128x128xf32, #tpu.memory_space<vmem>>) offsets(%dma_start3A_103 : memref<128xi32, #tpu.memory_space<vmem>>) semaphore(%arg12 : memref<!tpu.dma_semaphore, #tpu.memory_space<semaphore_mem>>)
          %add3A_107 = arith.constant 1 : i32
          %add3A_108 = arith.addi %add3A_76, %add3A_107 : i32
          "tpu.region"() ({
            %run_scoped3A_109 = tpu.sem_alloc : memref<!tpu.dma_semaphore, #tpu.memory_space<semaphore_mem>>
            %dma_start3A_110 = arith.constant 0 : i32
            %dma_start3A_111 = tpu.memref_slice %arg7[%add3A_108, %dma_start3A_110] : memref<16x128xi32, #tpu.memory_space<vmem>> -> memref<1x128xi32, #tpu.memory_space<vmem>>
            %dma_start3A_112 = tpu.memref_squeeze %dma_start3A_111 : memref<1x128xi32, #tpu.memory_space<vmem>> -> memref<128xi32, #tpu.memory_space<vmem>>
            %dma_start3A_113 = arith.constant 0 : i32
            %dma_start3A_114 = arith.constant 0 : i32
            %dma_start3A_115 = tpu.memref_slice %arg11[%dma_start3A_113, %dma_start3A_114] : memref<10240x128xf32, #tpu.memory_space<vmem_shared>> -> memref<10240x128xf32, #tpu.memory_space<vmem_shared>>
            tpu.enqueue_indirect_dma source(%arg9 : memref<128x128xf32, #tpu.memory_space<vmem>>) target(%dma_start3A_115 : memref<10240x128xf32, #tpu.memory_space<vmem_shared>>) offsets(%dma_start3A_112 : memref<128xi32, #tpu.memory_space<vmem>>) semaphore(%run_scoped3A_109 : memref<!tpu.dma_semaphore, #tpu.memory_space<semaphore_mem>>) {add = true}
            %dma_wait3A_116 = arith.constant 0 : i32
            %dma_wait3A_117 = tpu.memref_slice %arg7[%add3A_108, %dma_wait3A_116] : memref<16x128xi32, #tpu.memory_space<vmem>> -> memref<1x128xi32, #tpu.memory_space<vmem>>
            %dma_wait3A_118 = tpu.memref_squeeze %dma_wait3A_117 : memref<1x128xi32, #tpu.memory_space<vmem>> -> memref<128xi32, #tpu.memory_space<vmem>>
            %dma_wait3A_119 = arith.constant 0 : i32
            %dma_wait3A_120 = arith.constant 0 : i32
            %dma_wait3A_121 = tpu.memref_slice %arg11[%dma_wait3A_119, %dma_wait3A_120] : memref<10240x128xf32, #tpu.memory_space<vmem_shared>> -> memref<10240x128xf32, #tpu.memory_space<vmem_shared>>
            tpu.wait_indirect_dma semaphore(%run_scoped3A_109 : memref<!tpu.dma_semaphore, #tpu.memory_space<semaphore_mem>>) src(%arg9 : memref<128x128xf32, #tpu.memory_space<vmem>>) dst(%dma_wait3A_121 : memref<10240x128xf32, #tpu.memory_space<vmem_shared>>)
            tpu.yield
          }) : () -> ()
        }
        %scan3A_50 = arith.constant 7 : i32
        %dma_wait3A = arith.constant 0 : i32
        %dma_wait3A_51 = arith.constant 0 : i32
        %dma_wait3A_52 = tpu.memref_slice %arg6[%dma_wait3A, %dma_wait3A_51] : memref<16x128xi32, #tpu.memory_space<vmem>> -> memref<1x128xi32, #tpu.memory_space<vmem>>
        %dma_wait3A_53 = tpu.memref_squeeze %dma_wait3A_52 : memref<1x128xi32, #tpu.memory_space<vmem>> -> memref<128xi32, #tpu.memory_space<vmem>>
        %dma_wait3A_54 = arith.constant 0 : i32
        %dma_wait3A_55 = arith.constant 0 : i32
        %dma_wait3A_56 = tpu.memref_slice %arg2[%dma_wait3A_54, %dma_wait3A_55] : memref<10240x128xf32, #tpu.memory_space<hbm>> -> memref<10240x128xf32, #tpu.memory_space<hbm>>
        tpu.wait_indirect_dma semaphore(%arg12 : memref<!tpu.dma_semaphore, #tpu.memory_space<semaphore_mem>>) src(%dma_wait3A_56 : memref<10240x128xf32, #tpu.memory_space<hbm>>) dst(%arg8 : memref<128x128xf32, #tpu.memory_space<vmem>>)
        %dma_start3A_57 = arith.constant 15 : i32
        %dma_start3A_58 = arith.constant 0 : i32
        %dma_start3A_59 = tpu.memref_slice %arg6[%dma_start3A_57, %dma_start3A_58] : memref<16x128xi32, #tpu.memory_space<vmem>> -> memref<1x128xi32, #tpu.memory_space<vmem>>
        %dma_start3A_60 = tpu.memref_squeeze %dma_start3A_59 : memref<1x128xi32, #tpu.memory_space<vmem>> -> memref<128xi32, #tpu.memory_space<vmem>>
        %dma_start3A_61 = arith.constant 0 : i32
        %dma_start3A_62 = arith.constant 0 : i32
        %dma_start3A_63 = tpu.memref_slice %arg2[%dma_start3A_61, %dma_start3A_62] : memref<10240x128xf32, #tpu.memory_space<hbm>> -> memref<10240x128xf32, #tpu.memory_space<hbm>>
        tpu.enqueue_indirect_dma source(%dma_start3A_63 : memref<10240x128xf32, #tpu.memory_space<hbm>>) target(%arg9 : memref<128x128xf32, #tpu.memory_space<vmem>>) offsets(%dma_start3A_60 : memref<128xi32, #tpu.memory_space<vmem>>) semaphore(%arg13 : memref<!tpu.dma_semaphore, #tpu.memory_space<semaphore_mem>>)
        %run_scoped3A = arith.constant 14 : i32
        "tpu.region"() ({
          %run_scoped3A_72 = tpu.sem_alloc : memref<!tpu.dma_semaphore, #tpu.memory_space<semaphore_mem>>
          %dma_start3A_73 = arith.constant 0 : i32
          %dma_start3A_74 = tpu.memref_slice %arg7[%run_scoped3A, %dma_start3A_73] : memref<16x128xi32, #tpu.memory_space<vmem>> -> memref<1x128xi32, #tpu.memory_space<vmem>>
          %dma_start3A_75 = tpu.memref_squeeze %dma_start3A_74 : memref<1x128xi32, #tpu.memory_space<vmem>> -> memref<128xi32, #tpu.memory_space<vmem>>
          %dma_start3A_76 = arith.constant 0 : i32
          %dma_start3A_77 = arith.constant 0 : i32
          %dma_start3A_78 = tpu.memref_slice %arg11[%dma_start3A_76, %dma_start3A_77] : memref<10240x128xf32, #tpu.memory_space<vmem_shared>> -> memref<10240x128xf32, #tpu.memory_space<vmem_shared>>
          tpu.enqueue_indirect_dma source(%arg8 : memref<128x128xf32, #tpu.memory_space<vmem>>) target(%dma_start3A_78 : memref<10240x128xf32, #tpu.memory_space<vmem_shared>>) offsets(%dma_start3A_75 : memref<128xi32, #tpu.memory_space<vmem>>) semaphore(%run_scoped3A_72 : memref<!tpu.dma_semaphore, #tpu.memory_space<semaphore_mem>>) {add = true}
          %dma_wait3A_79 = arith.constant 0 : i32
          %dma_wait3A_80 = tpu.memref_slice %arg7[%run_scoped3A, %dma_wait3A_79] : memref<16x128xi32, #tpu.memory_space<vmem>> -> memref<1x128xi32, #tpu.memory_space<vmem>>
          %dma_wait3A_81 = tpu.memref_squeeze %dma_wait3A_80 : memref<1x128xi32, #tpu.memory_space<vmem>> -> memref<128xi32, #tpu.memory_space<vmem>>
          %dma_wait3A_82 = arith.constant 0 : i32
          %dma_wait3A_83 = arith.constant 0 : i32
          %dma_wait3A_84 = tpu.memref_slice %arg11[%dma_wait3A_82, %dma_wait3A_83] : memref<10240x128xf32, #tpu.memory_space<vmem_shared>> -> memref<10240x128xf32, #tpu.memory_space<vmem_shared>>
          tpu.wait_indirect_dma semaphore(%run_scoped3A_72 : memref<!tpu.dma_semaphore, #tpu.memory_space<semaphore_mem>>) src(%arg8 : memref<128x128xf32, #tpu.memory_space<vmem>>) dst(%dma_wait3A_84 : memref<10240x128xf32, #tpu.memory_space<vmem_shared>>)
          tpu.yield
        }) : () -> ()
        %dma_wait3A_64 = arith.constant 0 : i32
        %dma_wait3A_65 = arith.constant 0 : i32
        %dma_wait3A_66 = tpu.memref_slice %arg6[%dma_wait3A_64, %dma_wait3A_65] : memref<16x128xi32, #tpu.memory_space<vmem>> -> memref<1x128xi32, #tpu.memory_space<vmem>>
        %dma_wait3A_67 = tpu.memref_squeeze %dma_wait3A_66 : memref<1x128xi32, #tpu.memory_space<vmem>> -> memref<128xi32, #tpu.memory_space<vmem>>
        %dma_wait3A_68 = arith.constant 0 : i32
        %dma_wait3A_69 = arith.constant 0 : i32
        %dma_wait3A_70 = tpu.memref_slice %arg2[%dma_wait3A_68, %dma_wait3A_69] : memref<10240x128xf32, #tpu.memory_space<hbm>> -> memref<10240x128xf32, #tpu.memory_space<hbm>>
        tpu.wait_indirect_dma semaphore(%arg13 : memref<!tpu.dma_semaphore, #tpu.memory_space<semaphore_mem>>) src(%dma_wait3A_70 : memref<10240x128xf32, #tpu.memory_space<hbm>>) dst(%arg9 : memref<128x128xf32, #tpu.memory_space<vmem>>)
        %run_scoped3A_71 = arith.constant 15 : i32
        "tpu.region"() ({
          %run_scoped3A_72 = tpu.sem_alloc : memref<!tpu.dma_semaphore, #tpu.memory_space<semaphore_mem>>
          %dma_start3A_73 = arith.constant 0 : i32
          %dma_start3A_74 = tpu.memref_slice %arg7[%run_scoped3A_71, %dma_start3A_73] : memref<16x128xi32, #tpu.memory_space<vmem>> -> memref<1x128xi32, #tpu.memory_space<vmem>>
          %dma_start3A_75 = tpu.memref_squeeze %dma_start3A_74 : memref<1x128xi32, #tpu.memory_space<vmem>> -> memref<128xi32, #tpu.memory_space<vmem>>
          %dma_start3A_76 = arith.constant 0 : i32
          %dma_start3A_77 = arith.constant 0 : i32
          %dma_start3A_78 = tpu.memref_slice %arg11[%dma_start3A_76, %dma_start3A_77] : memref<10240x128xf32, #tpu.memory_space<vmem_shared>> -> memref<10240x128xf32, #tpu.memory_space<vmem_shared>>
          tpu.enqueue_indirect_dma source(%arg9 : memref<128x128xf32, #tpu.memory_space<vmem>>) target(%dma_start3A_78 : memref<10240x128xf32, #tpu.memory_space<vmem_shared>>) offsets(%dma_start3A_75 : memref<128xi32, #tpu.memory_space<vmem>>) semaphore(%run_scoped3A_72 : memref<!tpu.dma_semaphore, #tpu.memory_space<semaphore_mem>>) {add = true}
          %dma_wait3A_79 = arith.constant 0 : i32
          %dma_wait3A_80 = tpu.memref_slice %arg7[%run_scoped3A_71, %dma_wait3A_79] : memref<16x128xi32, #tpu.memory_space<vmem>> -> memref<1x128xi32, #tpu.memory_space<vmem>>
          %dma_wait3A_81 = tpu.memref_squeeze %dma_wait3A_80 : memref<1x128xi32, #tpu.memory_space<vmem>> -> memref<128xi32, #tpu.memory_space<vmem>>
          %dma_wait3A_82 = arith.constant 0 : i32
          %dma_wait3A_83 = arith.constant 0 : i32
          %dma_wait3A_84 = tpu.memref_slice %arg11[%dma_wait3A_82, %dma_wait3A_83] : memref<10240x128xf32, #tpu.memory_space<vmem_shared>> -> memref<10240x128xf32, #tpu.memory_space<vmem_shared>>
          tpu.wait_indirect_dma semaphore(%run_scoped3A_72 : memref<!tpu.dma_semaphore, #tpu.memory_space<semaphore_mem>>) src(%arg9 : memref<128x128xf32, #tpu.memory_space<vmem>>) dst(%dma_wait3A_84 : memref<10240x128xf32, #tpu.memory_space<vmem_shared>>)
          tpu.yield
        }) : () -> ()
      }
      %scan3A_28 = arith.constant 5 : i32
    } else {
    }
    %barrier3A_17 = arith.constant 0 : index
    tpu.barrier barrier_id(%barrier3A_17)
    %mul3A = arith.constant 640 : i32
    %mul3A_18 = arith.muli %arg1, %mul3A : i32
    %mul3A_19 = arith.constant 640 : i32
    %mul3A_20 = arith.muli %arg1, %mul3A_19 : i32
    "tpu.region"() ({
      %run_scoped3A = tpu.sem_alloc : memref<!tpu.dma_semaphore, #tpu.memory_space<semaphore_mem>>
      %dma_start3A = arith.constant 0 : i32
      %dma_start3A_21 = arith.constant 0 : i32
      %dma_start3A_22 = tpu.memref_slice %arg5[%arg0, %dma_start3A, %dma_start3A_21] : memref<2x10240x128xf32, #tpu.memory_space<hbm>> -> memref<1x10240x128xf32, #tpu.memory_space<hbm>>
      %dma_start3A_23 = tpu.memref_squeeze %dma_start3A_22 : memref<1x10240x128xf32, #tpu.memory_space<hbm>> -> memref<10240x128xf32, #tpu.memory_space<hbm>>
      %dma_start3A_24 = arith.constant 0 : i32
      %dma_start3A_25 = tpu.memref_slice %dma_start3A_23[%mul3A_20, %dma_start3A_24] : memref<10240x128xf32, #tpu.memory_space<hbm>> -> memref<640x128xf32, #tpu.memory_space<hbm>>
      %dma_start3A_26 = arith.constant 0 : i32
      %dma_start3A_27 = tpu.memref_slice %arg11[%mul3A_18, %dma_start3A_26] : memref<10240x128xf32, #tpu.memory_space<vmem_shared>> -> memref<640x128xf32, #tpu.memory_space<vmem_shared>>
      tpu.enqueue_dma source(%dma_start3A_27 : memref<640x128xf32, #tpu.memory_space<vmem_shared>>) target(%dma_start3A_25 : memref<640x128xf32, #tpu.memory_space<hbm>>) target_semaphore(%run_scoped3A : memref<!tpu.dma_semaphore, #tpu.memory_space<semaphore_mem>>)
      %dma_wait3A = arith.constant 0 : i32
      %dma_wait3A_28 = arith.constant 0 : i32
      %dma_wait3A_29 = tpu.memref_slice %arg5[%arg0, %dma_wait3A, %dma_wait3A_28] : memref<2x10240x128xf32, #tpu.memory_space<hbm>> -> memref<1x10240x128xf32, #tpu.memory_space<hbm>>
      %dma_wait3A_30 = tpu.memref_squeeze %dma_wait3A_29 : memref<1x10240x128xf32, #tpu.memory_space<hbm>> -> memref<10240x128xf32, #tpu.memory_space<hbm>>
      %dma_wait3A_31 = arith.constant 0 : i32
      %dma_wait3A_32 = tpu.memref_slice %dma_wait3A_30[%mul3A_20, %dma_wait3A_31] : memref<10240x128xf32, #tpu.memory_space<hbm>> -> memref<640x128xf32, #tpu.memory_space<hbm>>
      %dma_wait3A_33 = arith.constant 0 : i32
      %dma_wait3A_34 = tpu.memref_slice %arg11[%mul3A_18, %dma_wait3A_33] : memref<10240x128xf32, #tpu.memory_space<vmem_shared>> -> memref<640x128xf32, #tpu.memory_space<vmem_shared>>
      tpu.wait_dma2 semaphore(%run_scoped3A : memref<!tpu.dma_semaphore, #tpu.memory_space<semaphore_mem>>) src(%dma_wait3A_34 : memref<640x128xf32, #tpu.memory_space<vmem_shared>>) dst(%dma_wait3A_32 : memref<640x128xf32, #tpu.memory_space<hbm>>)
      tpu.yield
    }) : () -> ()
    return
  }
}

module attributes {stable_mosaic.version = 14 : i64} {
  func.func @_tc1_body(%arg0: i32, %arg1: memref<32x1024xf32, #tpu.memory_space<vmem>>, %arg2: memref<1024x128xf32, #tpu.memory_space<vmem>>, %arg3: memref<128x128xf32, #tpu.memory_space<vmem>>, %arg4: memref<1024x128xf32, #tpu.memory_space<vmem>>) attributes {dimension_semantics = [#tpu.dimension_semantics<arbitrary>], iteration_bounds = array<i64: 10>, scalar_prefetch = 0 : i64, scratch_operands = 0 : i64, tpu.core_type = #tpu.core_type<tc>, window_params = [{transform_indices = @transform_0, window_bounds = array<i64: 32, 1024>}, {transform_indices = @transform_1, window_bounds = array<i64: 1024, 128>}, {pipeline_mode = #tpu.pipeline_mode<synchronous>, transform_indices = @transform_2, window_bounds = array<i64: 128, 128>}, {transform_indices = @transform_3, window_bounds = array<i64: 1024, 128>}]} {
    %get3A = arith.constant 0 : index
    %get3A_0 = arith.constant 0 : index
    %get3A_1 = vector.load %arg1[%get3A, %get3A_0] : memref<32x1024xf32, #tpu.memory_space<vmem>>, vector<32x1024xf32>
    %reduce_sum3A = arith.constant dense<0.000000e+00> : vector<1024xf32>
    %reduce_sum3A_2 = vector.multi_reduction <add>, %get3A_1, %reduce_sum3A [0] : vector<32x1024xf32> to vector<1024xf32>
    %add3A = arith.constant 1.000000e+00 : f32
    %add3A_3 = vector.broadcast %add3A : f32 to vector<1024xf32>
    %add3A_4 = arith.addf %reduce_sum3A_2, %add3A_3 : vector<1024xf32>
    %rsqrt3A = math.rsqrt %add3A_4 : vector<1024xf32>
    %get3A_5 = arith.constant 0 : index
    %get3A_6 = arith.constant 0 : index
    %get3A_7 = vector.load %arg2[%get3A_5, %get3A_6] : memref<1024x128xf32, #tpu.memory_space<vmem>>, vector<1024x128xf32>
    %get3A_8 = arith.constant 0 : index
    %get3A_9 = arith.constant 0 : index
    %get3A_10 = vector.load %arg3[%get3A_8, %get3A_9] : memref<128x128xf32, #tpu.memory_space<vmem>>, vector<128x128xf32>
    %dot_general3A = arith.constant dense<0.000000e+00> : vector<1024x128xf32>
    %dot_general3A_11 = tpu.matmul %get3A_7, %get3A_10, %dot_general3A {dimension_numbers = #tpu.dot_dimension_numbers<[1], [0], [0], [1], [0, 0, 1, 1], [], []>, transpose_lhs_hint = false} : vector<1024x128xf32>, vector<128x128xf32>, vector<1024x128xf32> -> vector<1024x128xf32>
    %broadcast_in_dim3A = vector.shape_cast %rsqrt3A : vector<1024xf32> to vector<1024x1xf32>
    %mul3A = vector.broadcast %broadcast_in_dim3A : vector<1024x1xf32> to vector<1024x128xf32>
    %mul3A_12 = arith.mulf %dot_general3A_11, %mul3A : vector<1024x128xf32>
    %swap3A = arith.constant 0 : index
    %swap3A_13 = arith.constant 0 : index
    %swap3A_14 = vector.load %arg4[%swap3A, %swap3A_13] : memref<1024x128xf32, #tpu.memory_space<vmem>>, vector<1024x128xf32>
    tpu.vector_store %arg4[%swap3A, %swap3A_13], %mul3A_12 {strides = array<i32>} : memref<1024x128xf32, #tpu.memory_space<vmem>>, vector<1024x128xf32>,
    return
  }
  func.func @transform_0(%arg0: i32) -> (i32, i32) {
    %c0_i32 = arith.constant 0 : i32
    %c0_i32_0 = arith.constant 0 : i32
    return %c0_i32, %arg0 : i32, i32
  }
  func.func @transform_1(%arg0: i32) -> (i32, i32) {
    %c0_i32 = arith.constant 0 : i32
    %c0_i32_0 = arith.constant 0 : i32
    return %arg0, %c0_i32 : i32, i32
  }
  func.func @transform_2(%arg0: i32) -> (i32, i32) {
    %c0_i32 = arith.constant 0 : i32
    %c0_i32_0 = arith.constant 0 : i32
    %c0_i32_1 = arith.constant 0 : i32
    return %c0_i32, %c0_i32_0 : i32, i32
  }
  func.func @transform_3(%arg0: i32) -> (i32, i32) {
    %c0_i32 = arith.constant 0 : i32
    %c0_i32_0 = arith.constant 0 : i32
    return %arg0, %c0_i32 : i32, i32
  }
}

module attributes {stable_mosaic.version = 14 : i64} {
  func.func @_tc2_body(%arg0: i32, %arg1: memref<32x1024xf32, #tpu.memory_space<vmem>>, %arg2: memref<2x1024x128xf32, #tpu.memory_space<vmem>>, %arg3: memref<1024x128xf32, #tpu.memory_space<vmem>>, %arg4: memref<1x128xf32, #tpu.memory_space<vmem>>, %arg5: memref<128x128xf32, #tpu.memory_space<vmem>>, %arg6: memref<1024x128xf32, #tpu.memory_space<vmem>>) attributes {dimension_semantics = [#tpu.dimension_semantics<arbitrary>], iteration_bounds = array<i64: 10>, scalar_prefetch = 0 : i64, scratch_operands = 0 : i64, tpu.core_type = #tpu.core_type<tc>, window_params = [{transform_indices = @transform_0, window_bounds = array<i64: 32, 1024>}, {transform_indices = @transform_1, window_bounds = array<i64: 2, 1024, 128>}, {transform_indices = @transform_2, window_bounds = array<i64: 1024, 128>}, {pipeline_mode = #tpu.pipeline_mode<synchronous>, transform_indices = @transform_3, window_bounds = array<i64: 1, 128>}, {pipeline_mode = #tpu.pipeline_mode<synchronous>, transform_indices = @transform_4, window_bounds = array<i64: 128, 128>}, {transform_indices = @transform_5, window_bounds = array<i64: 1024, 128>}]} {
    %get3A = arith.constant 0 : index
    %get3A_0 = arith.constant 0 : index
    %get3A_1 = vector.load %arg1[%get3A, %get3A_0] : memref<32x1024xf32, #tpu.memory_space<vmem>>, vector<32x1024xf32>
    %reduce_sum3A = arith.constant dense<0.000000e+00> : vector<1024xf32>
    %reduce_sum3A_2 = vector.multi_reduction <add>, %get3A_1, %reduce_sum3A [0] : vector<32x1024xf32> to vector<1024xf32>
    %add3A = arith.constant 1.000000e+00 : f32
    %add3A_3 = vector.broadcast %add3A : f32 to vector<1024xf32>
    %add3A_4 = arith.addf %reduce_sum3A_2, %add3A_3 : vector<1024xf32>
    %rsqrt3A = math.rsqrt %add3A_4 : vector<1024xf32>
    %get3A_5 = arith.constant 0 : index
    %get3A_6 = arith.constant 0 : index
    %get3A_7 = arith.constant 0 : index
    %get3A_8 = vector.load %arg2[%get3A_5, %get3A_6, %get3A_7] : memref<2x1024x128xf32, #tpu.memory_space<vmem>>, vector<1x1024x128xf32>
    %get3A_9 = vector.shape_cast %get3A_8 : vector<1x1024x128xf32> to vector<1024x128xf32>
    %get3A_10 = arith.constant 1 : index
    %get3A_11 = arith.constant 0 : index
    %get3A_12 = arith.constant 0 : index
    %get3A_13 = vector.load %arg2[%get3A_10, %get3A_11, %get3A_12] : memref<2x1024x128xf32, #tpu.memory_space<vmem>>, vector<1x1024x128xf32>
    %get3A_14 = vector.shape_cast %get3A_13 : vector<1x1024x128xf32> to vector<1024x128xf32>
    %add3A_15 = arith.addf %get3A_9, %get3A_14 : vector<1024x128xf32>
    %get3A_16 = arith.constant 0 : index
    %get3A_17 = arith.constant 0 : index
    %get3A_18 = vector.load %arg3[%get3A_16, %get3A_17] : memref<1024x128xf32, #tpu.memory_space<vmem>>, vector<1024x128xf32>
    %add3A_19 = arith.addf %add3A_15, %get3A_18 : vector<1024x128xf32>
    %broadcast_in_dim3A = vector.shape_cast %rsqrt3A : vector<1024xf32> to vector<1024x1xf32>
    %mul3A = vector.broadcast %broadcast_in_dim3A : vector<1024x1xf32> to vector<1024x128xf32>
    %mul3A_20 = arith.mulf %add3A_19, %mul3A : vector<1024x128xf32>
    %get3A_21 = arith.constant 0 : index
    %get3A_22 = arith.constant 0 : index
    %get3A_23 = vector.load %arg4[%get3A_21, %get3A_22] : memref<1x128xf32, #tpu.memory_space<vmem>>, vector<1x128xf32>
    %add3A_24 = vector.broadcast %get3A_23 : vector<1x128xf32> to vector<1024x128xf32>
    %add3A_25 = arith.addf %mul3A_20, %add3A_24 : vector<1024x128xf32>
    %max3A = arith.constant 0.000000e+00 : f32
    %max3A_26 = vector.broadcast %max3A : f32 to vector<1024x128xf32>
    %max3A_27 = arith.maximumf %add3A_25, %max3A_26 : vector<1024x128xf32>
    %get3A_28 = arith.constant 0 : index
    %get3A_29 = arith.constant 0 : index
    %get3A_30 = vector.load %arg5[%get3A_28, %get3A_29] : memref<128x128xf32, #tpu.memory_space<vmem>>, vector<128x128xf32>
    %dot_general3A = arith.constant dense<0.000000e+00> : vector<1024x128xf32>
    %dot_general3A_31 = tpu.matmul %max3A_27, %get3A_30, %dot_general3A {dimension_numbers = #tpu.dot_dimension_numbers<[1], [0], [0], [1], [0, 0, 1, 1], [], []>, transpose_lhs_hint = false} : vector<1024x128xf32>, vector<128x128xf32>, vector<1024x128xf32> -> vector<1024x128xf32>
    %broadcast_in_dim3A_32 = vector.shape_cast %rsqrt3A : vector<1024xf32> to vector<1024x1xf32>
    %mul3A_33 = vector.broadcast %broadcast_in_dim3A_32 : vector<1024x1xf32> to vector<1024x128xf32>
    %mul3A_34 = arith.mulf %dot_general3A_31, %mul3A_33 : vector<1024x128xf32>
    %swap3A = arith.constant 0 : index
    %swap3A_35 = arith.constant 0 : index
    %swap3A_36 = vector.load %arg6[%swap3A, %swap3A_35] : memref<1024x128xf32, #tpu.memory_space<vmem>>, vector<1024x128xf32>
    tpu.vector_store %arg6[%swap3A, %swap3A_35], %mul3A_34 {strides = array<i32>} : memref<1024x128xf32, #tpu.memory_space<vmem>>, vector<1024x128xf32>,
    return
  }
  func.func @transform_0(%arg0: i32) -> (i32, i32) {
    %c0_i32 = arith.constant 0 : i32
    %c0_i32_0 = arith.constant 0 : i32
    return %c0_i32, %arg0 : i32, i32
  }
  func.func @transform_1(%arg0: i32) -> (i32, i32, i32) {
    %c0_i32 = arith.constant 0 : i32
    %c0_i32_0 = arith.constant 0 : i32
    %c0_i32_1 = arith.constant 0 : i32
    return %c0_i32, %arg0, %c0_i32_0 : i32, i32, i32
  }
  func.func @transform_2(%arg0: i32) -> (i32, i32) {
    %c0_i32 = arith.constant 0 : i32
    %c0_i32_0 = arith.constant 0 : i32
    return %arg0, %c0_i32 : i32, i32
  }
  func.func @transform_3(%arg0: i32) -> (i32, i32) {
    %c0_i32 = arith.constant 0 : i32
    %c0_i32_0 = arith.constant 0 : i32
    %c0_i32_1 = arith.constant 0 : i32
    return %c0_i32, %c0_i32_0 : i32, i32
  }
  func.func @transform_4(%arg0: i32) -> (i32, i32) {
    %c0_i32 = arith.constant 0 : i32
    %c0_i32_0 = arith.constant 0 : i32
    %c0_i32_1 = arith.constant 0 : i32
    return %c0_i32, %c0_i32_0 : i32, i32
  }
  func.func @transform_5(%arg0: i32) -> (i32, i32) {
    %c0_i32 = arith.constant 0 : i32
    %c0_i32_0 = arith.constant 0 : i32
    return %arg0, %c0_i32 : i32, i32
  }
}

module attributes {stable_mosaic.version = 14 : i64} {
  func.func @_tc3_body(%arg0: i32, %arg1: memref<32x1024xf32, #tpu.memory_space<vmem>>, %arg2: memref<2x1024x128xf32, #tpu.memory_space<vmem>>, %arg3: memref<1024x128xf32, #tpu.memory_space<vmem>>, %arg4: memref<1x128xf32, #tpu.memory_space<vmem>>, %arg5: memref<128x1xf32, #tpu.memory_space<vmem>>, %arg6: memref<1x1xf32, #tpu.memory_space<vmem>>, %arg7: memref<1024x1xf32, #tpu.memory_space<vmem>>) attributes {dimension_semantics = [#tpu.dimension_semantics<arbitrary>], iteration_bounds = array<i64: 10>, scalar_prefetch = 0 : i64, scratch_operands = 0 : i64, tpu.core_type = #tpu.core_type<tc>, window_params = [{transform_indices = @transform_0, window_bounds = array<i64: 32, 1024>}, {transform_indices = @transform_1, window_bounds = array<i64: 2, 1024, 128>}, {transform_indices = @transform_2, window_bounds = array<i64: 1024, 128>}, {pipeline_mode = #tpu.pipeline_mode<synchronous>, transform_indices = @transform_3, window_bounds = array<i64: 1, 128>}, {pipeline_mode = #tpu.pipeline_mode<synchronous>, transform_indices = @transform_4, window_bounds = array<i64: 128, 1>}, {pipeline_mode = #tpu.pipeline_mode<synchronous>, transform_indices = @transform_5, window_bounds = array<i64: 1, 1>}, {transform_indices = @transform_6, window_bounds = array<i64: 1024, 1>}]} {
    %get3A = arith.constant 0 : index
    %get3A_0 = arith.constant 0 : index
    %get3A_1 = vector.load %arg1[%get3A, %get3A_0] : memref<32x1024xf32, #tpu.memory_space<vmem>>, vector<32x1024xf32>
    %reduce_sum3A = arith.constant dense<0.000000e+00> : vector<1024xf32>
    %reduce_sum3A_2 = vector.multi_reduction <add>, %get3A_1, %reduce_sum3A [0] : vector<32x1024xf32> to vector<1024xf32>
    %add3A = arith.constant 1.000000e+00 : f32
    %add3A_3 = vector.broadcast %add3A : f32 to vector<1024xf32>
    %add3A_4 = arith.addf %reduce_sum3A_2, %add3A_3 : vector<1024xf32>
    %rsqrt3A = math.rsqrt %add3A_4 : vector<1024xf32>
    %get3A_5 = arith.constant 0 : index
    %get3A_6 = arith.constant 0 : index
    %get3A_7 = arith.constant 0 : index
    %get3A_8 = vector.load %arg2[%get3A_5, %get3A_6, %get3A_7] : memref<2x1024x128xf32, #tpu.memory_space<vmem>>, vector<1x1024x128xf32>
    %get3A_9 = vector.shape_cast %get3A_8 : vector<1x1024x128xf32> to vector<1024x128xf32>
    %get3A_10 = arith.constant 1 : index
    %get3A_11 = arith.constant 0 : index
    %get3A_12 = arith.constant 0 : index
    %get3A_13 = vector.load %arg2[%get3A_10, %get3A_11, %get3A_12] : memref<2x1024x128xf32, #tpu.memory_space<vmem>>, vector<1x1024x128xf32>
    %get3A_14 = vector.shape_cast %get3A_13 : vector<1x1024x128xf32> to vector<1024x128xf32>
    %add3A_15 = arith.addf %get3A_9, %get3A_14 : vector<1024x128xf32>
    %get3A_16 = arith.constant 0 : index
    %get3A_17 = arith.constant 0 : index
    %get3A_18 = vector.load %arg3[%get3A_16, %get3A_17] : memref<1024x128xf32, #tpu.memory_space<vmem>>, vector<1024x128xf32>
    %add3A_19 = arith.addf %add3A_15, %get3A_18 : vector<1024x128xf32>
    %broadcast_in_dim3A = vector.shape_cast %rsqrt3A : vector<1024xf32> to vector<1024x1xf32>
    %mul3A = vector.broadcast %broadcast_in_dim3A : vector<1024x1xf32> to vector<1024x128xf32>
    %mul3A_20 = arith.mulf %add3A_19, %mul3A : vector<1024x128xf32>
    %get3A_21 = arith.constant 0 : index
    %get3A_22 = arith.constant 0 : index
    %get3A_23 = vector.load %arg4[%get3A_21, %get3A_22] : memref<1x128xf32, #tpu.memory_space<vmem>>, vector<1x128xf32>
    %add3A_24 = vector.broadcast %get3A_23 : vector<1x128xf32> to vector<1024x128xf32>
    %add3A_25 = arith.addf %mul3A_20, %add3A_24 : vector<1024x128xf32>
    %max3A = arith.constant 0.000000e+00 : f32
    %max3A_26 = vector.broadcast %max3A : f32 to vector<1024x128xf32>
    %max3A_27 = arith.maximumf %add3A_25, %max3A_26 : vector<1024x128xf32>
    %get3A_28 = arith.constant 0 : index
    %get3A_29 = arith.constant 0 : index
    %get3A_30 = vector.load %arg5[%get3A_28, %get3A_29] : memref<128x1xf32, #tpu.memory_space<vmem>>, vector<128x1xf32>
    %dot_general3A = arith.constant dense<0.000000e+00> : vector<1024x1xf32>
    %dot_general3A_31 = tpu.matmul %max3A_27, %get3A_30, %dot_general3A {dimension_numbers = #tpu.dot_dimension_numbers<[1], [0], [0], [1], [0, 0, 1, 1], [], []>, transpose_lhs_hint = false} : vector<1024x128xf32>, vector<128x1xf32>, vector<1024x1xf32> -> vector<1024x1xf32>
    %get3A_32 = arith.constant 0 : index
    %get3A_33 = arith.constant 0 : index
    %get3A_34 = vector.load %arg6[%get3A_32, %get3A_33] : memref<1x1xf32, #tpu.memory_space<vmem>>, vector<1x1xf32>
    %add3A_35 = vector.broadcast %get3A_34 : vector<1x1xf32> to vector<1024x1xf32>
    %add3A_36 = arith.addf %dot_general3A_31, %add3A_35 : vector<1024x1xf32>
    %swap3A = arith.constant 0 : index
    %swap3A_37 = arith.constant 0 : index
    %swap3A_38 = vector.load %arg7[%swap3A, %swap3A_37] : memref<1024x1xf32, #tpu.memory_space<vmem>>, vector<1024x1xf32>
    tpu.vector_store %arg7[%swap3A, %swap3A_37], %add3A_36 {strides = array<i32>} : memref<1024x1xf32, #tpu.memory_space<vmem>>, vector<1024x1xf32>,
    return
  }
  func.func @transform_0(%arg0: i32) -> (i32, i32) {
    %c0_i32 = arith.constant 0 : i32
    %c0_i32_0 = arith.constant 0 : i32
    return %c0_i32, %arg0 : i32, i32
  }
  func.func @transform_1(%arg0: i32) -> (i32, i32, i32) {
    %c0_i32 = arith.constant 0 : i32
    %c0_i32_0 = arith.constant 0 : i32
    %c0_i32_1 = arith.constant 0 : i32
    return %c0_i32, %arg0, %c0_i32_0 : i32, i32, i32
  }
  func.func @transform_2(%arg0: i32) -> (i32, i32) {
    %c0_i32 = arith.constant 0 : i32
    %c0_i32_0 = arith.constant 0 : i32
    return %arg0, %c0_i32 : i32, i32
  }
  func.func @transform_3(%arg0: i32) -> (i32, i32) {
    %c0_i32 = arith.constant 0 : i32
    %c0_i32_0 = arith.constant 0 : i32
    %c0_i32_1 = arith.constant 0 : i32
    return %c0_i32, %c0_i32_0 : i32, i32
  }
  func.func @transform_4(%arg0: i32) -> (i32, i32) {
    %c0_i32 = arith.constant 0 : i32
    %c0_i32_0 = arith.constant 0 : i32
    %c0_i32_1 = arith.constant 0 : i32
    return %c0_i32, %c0_i32_0 : i32, i32
  }
  func.func @transform_5(%arg0: i32) -> (i32, i32) {
    %c0_i32 = arith.constant 0 : i32
    %c0_i32_0 = arith.constant 0 : i32
    %c0_i32_1 = arith.constant 0 : i32
    return %c0_i32, %c0_i32_0 : i32, i32
  }
  func.func @transform_6(%arg0: i32) -> (i32, i32) {
    %c0_i32 = arith.constant 0 : i32
    %c0_i32_0 = arith.constant 0 : i32
    return %arg0, %c0_i32 : i32, i32
  }
}

</mosaic_0001>

<sc_bundles>
// kernel: kernel.11.cloned.1.call-start
scs
__scs_entry_jumppad:
0x0: {  	(pc) =	sbr.rel $0x88, $3  }
0x1: {  	(tag) =	ssettag $0x0;
	lr =	simm.s32 $0x1  }
0x2: {  	[smem:$0x3F99] =	sst lr;
	_ =	strace $0xD0000000  }
0x3: {  	_ = 	snop  }
0x4: {  	_ = 	snop  }
0x5: {  	_ = 	snop  }
0x6: {  	_ = 	snop  }
0x7: {  	_ = 	snop  }
__scs_overlays_trampoline_lowered:
0x8: {  	[smem:$0x3FA8] =	sst s0  }
0x9: {  	[smem:$0x3FA9] =	sst s1  }
0xa: {  	[smem:$0x3FAA] =	sst s2  }
0xb: {  	[smem:$0x3FAB] =	sst s3  }
0xc: {  	[smem:$0x3FAC] =	sst s4  }
0xd: {  	[smem:$0x3FAD] =	sst s5  }
0xe: {  	[smem:$0x3FAE] =	sst s6  }
0xf: {  	[smem:$0x3FAF] =	sst s7  }
0x10: {  	[smem:$0x3FB0] =	sst s8  }
0x11: {  	[smem:$0x3FB1] =	sst s9;
	s0 =	simm.s32 @!p0 $0x0  }
0x12: {  	s1 =	sld [smem:$0x3F97];
	s0 =	simm.s32 @p0 $0x1  }
0x13: {  	[smem:$0x3FB2] =	sst s0;
	s0 =	simm.s32 @!p1 $0x0  }
0x14: {  	s2 =	sld [smem:$0x3F96];
	s0 =	simm.s32 @p1 $0x1  }
0x15: {  	[smem:$0x3FB3] =	sst s0;
	s0 =	simm.s32 @!p2 $0x0  }
0x16: {  	s3 =	sld [smem:$0x3FDB];
	s0 =	simm.s32 @p2 $0x1  }
0x17: {  	s4 =	simm.s32 $0x1BF5;
	[smem:$0x3FB5] =	sst s0  }
0x18: {  	s0 =	sld [smem:$0x3F98];
	_ =	swait.ge [sflag:s4], $0x0  }
0x19: {  	s7 =	sld [smem:$0x3F99]  }
0x1a: {  	s8 =	sadd.s32 $0xFFFFE003, lr  }
0x1b: {  	s9 =	sadd.s32 $0xFFFFFEF7, lr;
	s5 =	simm.s32 $0xFFFFFFFF;
	p2 =	slt.u32 s8, $0xFFFFF086  }
0x1c: {  	p1 =	slt.u32 s9, $0xF7A;
	s5 =	simm.s32 @!p2 $0x0  }
0x1d: {  	s5 =	simm.s32 @p1 $0x1;
	p0 =	seq.s32 s7, s2  }
0x1e: {  	s7 =	smul.u32 @!p0 $0xF7A, s2;
	p2 =	seq.s32 @!p0 s5, $0x0  }
0x1f: {  	s9 =	smul.u32 $0xF7A, s1;
	s8 =	simm.s32 @!p0 $0x1BF5;
	p2 =	por !p2, p0  }
0x20: {  	[sflag:s8] =	ssyncset.s32 @!p0 $0xFFFFF086;
	s6 =	sadd.s32 @!p0 s3, s7;
	s7 =	simm.s32 @!p0 $0x108  }
0x21: {  	s3 =	sadd.s32 s3, s9;
	s6 =	sadd.s32 @!p0 $0x88, s6;
	s7 =	simm.s32 @p2 $0x1082  }
0x22: {  	[simem:s7], [sflag:s8] =	dma.local @!p0 [hbm:s6], $0xF7A  }
0x23: {  	s9 =	sor.u32 $0xD0000000, s2;
	s6 =	simm.s32 $0x108;
	_ =	swait.ge @!p0 [sflag:s8], $0x0  }
0x24: {  	s3 =	sadd.s32 $0x88, s3;
	s6 =	simm.s32 @!p1 $0x1082;
	[sflag:s4] =	ssyncset.s32 $0xFFFFF086  }
0x25: {  	[simem:s6], [sflag:s4] =	dma.local [hbm:s3], $0xF7A  }
0x26: {  	[smem:$0x3F99] =	sst s1;
	(tag) =	ssettag s2;
	_ =	strace s9  }
0x27: {  	s1 =	sld [smem:$0x3FA9]  }
0x28: {  	s2 =	sld [smem:$0x3FAA]  }
0x29: {  	s4 =	sld [smem:$0x3FAC]  }
0x2a: {  	p0 =	seq.s32 s5, $0x0;
	s5 =	sld [smem:$0x3FAD]  }
0x2b: {  	s6 =	sld [smem:$0x3FAE]  }
0x2c: {  	s7 =	sld [smem:$0x3FAF]  }
0x2d: {  	s3 =	simm.s32 $0x108;
	s8 =	sld [smem:$0x3FB0]  }
0x2e: {  	s3 =	simm.s32 @!p0 $0x1082;
	s9 =	sld [smem:$0x3FB1]  }
0x2f: {  	lr =	sadd.s32 s0, s3;
	s0 =	sld [smem:$0x3FA8]  }
0x30: {  	s3 =	sld [smem:$0x3FAB]  }
0x31: {  	[smem:$0x3FB4] =	sst s10  }
0x32: {  	s10 =	sld [smem:$0x3FB2];
	_ =	sdelay $0x3  }
0x33: {  	p0 =	seq.s32 s10, $0x1;
	s10 =	sld [smem:$0x3FB4];
	_ =	sdelay $0x3  }
0x34: {  	[smem:$0x3FB4] =	sst s10  }
0x35: {  	s10 =	sld [smem:$0x3FB3];
	_ =	sdelay $0x3  }
0x36: {  	p1 =	seq.s32 s10, $0x1;
	s10 =	sld [smem:$0x3FB4];
	_ =	sdelay $0x3  }
0x37: {  	[smem:$0x3FB4] =	sst s10  }
0x38: {  	s10 =	sld [smem:$0x3FB5]  }
0x39: {  	_ = 	snop;
	(pc) =	sbr.ind lr, $3  }
0x3a: {  	_ = 	snop  }
0x3b: {  	_ = 	snop  }
0x3c: {  	p2 =	seq.s32 s10, $0x1;
	s10 =	sld [smem:$0x3FB4]  }
0x3d: {  	_ =	shalt  }
0x3e: {  	_ =	shalt  }
0x3f: {  	_ =	shalt  }
0x40: {  	_ =	shalt  }
0x41: {  	_ =	shalt  }
0x42: {  	_ =	shalt  }
0x43: {  	_ =	shalt  }
0x44: {  	_ =	shalt  }
0x45: {  	_ =	shalt  }
0x46: {  	_ =	shalt  }
0x47: {  	_ =	shalt  }
0x48: {  	_ =	shalt  }
0x49: {  	_ =	shalt  }
0x4a: {  	_ =	shalt  }
0x4b: {  	_ =	shalt  }
0x4c: {  	_ =	shalt  }
0x4d: {  	_ =	shalt  }
0x4e: {  	_ =	shalt  }
0x4f: {  	_ =	shalt  }
0x50: {  	_ =	shalt  }
0x51: {  	_ =	shalt  }
0x52: {  	_ =	shalt  }
0x53: {  	_ =	shalt  }
0x54: {  	_ =	shalt  }
0x55: {  	_ =	shalt  }
0x56: {  	_ =	shalt  }
0x57: {  	_ =	shalt  }
0x58: {  	_ =	shalt  }
0x59: {  	_ =	shalt  }
0x5a: {  	_ =	shalt  }
0x5b: {  	_ =	shalt  }
0x5c: {  	_ =	shalt  }
0x5d: {  	_ =	shalt  }
0x5e: {  	_ =	shalt  }
0x5f: {  	_ =	shalt  }
0x60: {  	_ =	shalt  }
0x61: {  	_ =	shalt  }
0x62: {  	_ =	shalt  }
0x63: {  	_ =	shalt  }
0x64: {  	_ =	shalt  }
0x65: {  	_ =	shalt  }
0x66: {  	_ =	shalt  }
0x67: {  	_ =	shalt  }
0x68: {  	_ =	shalt  }
0x69: {  	_ =	shalt  }
0x6a: {  	_ =	shalt  }
0x6b: {  	_ =	shalt  }
0x6c: {  	_ =	shalt  }
0x6d: {  	_ =	shalt  }
0x6e: {  	_ =	shalt  }
0x6f: {  	_ =	shalt  }
0x70: {  	_ =	shalt  }
0x71: {  	_ =	shalt  }
0x72: {  	_ =	shalt  }
0x73: {  	_ =	shalt  }
0x74: {  	_ =	shalt  }
0x75: {  	_ =	shalt  }
0x76: {  	_ =	shalt  }
0x77: {  	_ =	shalt  }
0x78: {  	_ =	shalt  }
0x79: {  	_ =	shalt  }
0x7a: {  	_ =	shalt  }
0x7b: {  	_ =	shalt  }
0x7c: {  	_ =	shalt  }
0x7d: {  	_ =	shalt  }
0x7e: {  	_ =	shalt  }
0x7f: {  	_ =	shalt  }
0x80: {  	_ =	shalt  }
0x81: {  	_ =	shalt  }
0x82: {  	_ =	shalt  }
0x83: {  	_ =	shalt  }
0x84: {  	_ =	shalt  }
0x85: {  	_ =	shalt  }
0x86: {  	_ =	shalt  }
0x87: {  	_ =	shalt  }
.Lfunc_end0:
.L_simem_size_0:
called_computation.1_lowered:
.L_overlay_start_0:
0x88: {  	s2 =	sld [smem:$0x3FD9]  }
0x89: {  	s3 =	sld [smem:$0x3FFE];
	_ =	sdelay $0x1  }
0x8a: {  	s1 =	srdreg.scid  }
0x8b: {  	s0 =	sand.u32 $0x1, s1  }
0x8c: {  	s16 =	sshll.u32 s0, $0xA;
	s2 =	sadd.s32 s3, s2  }
0x8d: {  	s2 =	sadd.s32 s2, s16  }
0x8e: {  	[smem:$0x3FC0] =	sst s2  }
0x8f: {  	_ = 	snop  }
0x90: {  	(tm) =	ssettm $0x1  }
0x91: {  	s17 =	sld [smem:$0x3FFB];
	_ =	sdelay $0x3  }
0x92: {  	_ =	strace s17  }
0x93: {  	s2 =	sld [smem:$0x3FFC];
	_ =	sdelay $0x3  }
0x94: {  	_ =	strace s2  }
0x95: {  	s2 =	sld [smem:$0x3FFD];
	_ =	sdelay $0x3  }
0x96: {  	_ =	strace s2  }
0x97: {  	_ =	strace $0x8FFFFFFF  }
0x98: {  	s18 =	sld [smem:$0x3FDB];
	_ =	sdelay $0x1  }
0x99: {  	s19 =	simm.s32 $_scs_section_size  }
0x9a: {  	s4 =	simm.s32 $_size__tile_overlayer_lowered;
	s5 =	simm.s32 $_tile_overlayer_lowered  }
0x9b: {  	s22 =	simm.s32 $0x1BFF;
	s21 =	sshll.u32 s5, $0x1;
	s2 =	sadd.s32 s19, s18  }
0x9c: {  	s6 =	simm.s32 $0x0;
	s20 =	sshll.u32 s4, $0x1;
	s4 =	sadd.s32 s21, s2  }
0x9d: {  	[timem:s6], [sflag:s22] =	dma.local [hbm:s4], s20  }
0x9e: {  	_ =	swait.ge [sflag:s22], s20  }
0x9f: {  	s3 =	ssub.s32 $0x0, s20;
	[sflag:s22] =	ssyncset.done $0x0  }
0xa0: {  	[sflag:s22] =	ssyncadd.s32 s3;
	_ =	sdelay $0x1  }
0xa1: {  	s23 =	simm.s32 $0x1B8B  }
0xa2: {  	_ =	swait.ge [sflag:s23], $0x1  }
0xa3: {  	[sflag:s23] =	ssyncset.done $0x0  }
0xa4: {  	s25 =	simm.s32 $0x1B8E;
	s24 =	sld [smem:$0x3FFE];
	[sflag:s23] =	ssyncadd.s32 $0xFFFFFFFF  }
0xa5: {  	s26 =	simm.s32 $execute0_lowered;
	[smem:$0x3FD2] =	sst s25  }
0xa6: {  	s4 =	sshll.u32 s26, $0x1;
	_ =	strace $0x80000049;
	[dreg:$0x1] =	wrdreg $0xFFFFFFFF  }
0xa7: {  	s28 =	simm.s32 $_size_execute0_lowered;
	s2 =	sadd.s32 s2, s4;
	[dreg:$0x0] =	wrdreg $0x0  }
0xa8: {  	s4 =	sshll.u32 s28, $0x1;
	[dreg:$0x2] =	wrdreg s2  }
0xa9: {  	[dreg:$0x3] =	wrdreg s4  }
0xaa: {  	[dreg:$0x4] =	wrdreg $0xC0  }
0xab: {  	_ =	task [dreg:s6], $0x5FFFF  }
0xac: {  	[dreg:$0x1] =	wrdreg $0xFFFFFFFF  }
0xad: {  	[dreg:$0x0] =	wrdreg $0x60  }
0xae: {  	[dreg:$0x2] =	wrdreg s24  }
0xaf: {  	[dreg:$0x3] =	wrdreg $0x98000  }
0xb0: {  	[dreg:$0x4] =	wrdreg $0x9  }
0xb1: {  	_ =	task.clear_ibuf [dreg:s6], $0x5FFFF;
	_ =	strace $0x90000049  }
0xb2: {  	s29 =	simm.s32 $0x9;
	_ =	strace $0x8000004B  }
0xb3: {  	_ =	swait.ge [sflag:s29], $0x1  }
0xb4: {  	[sflag:s29] =	ssyncadd.s32 $0xFFFFFFFF  }
0xb5: {  	_ =	strace $0x9000004B  }
0xb6: {  	_ =	sfence  }
0xb7: {  	s30 =	sld [smem:$0x0];
	_ =	sdelay $0x2  }
0xb8: {  	s31 =	sshll.u32 s1, $0xD;
	s1 =	sshrl.u32 s1, $0x2  }
0xb9: {  	s3 =	sand.u32 $0x4000, s31;
	s1 =	sadd.s32 s1, s30  }
0xba: {  	s0 =	sor.u32 s3, s0;
	s1 =	sshll.u32 s1, $0x11  }
0xbb: {  	s0 =	sor.u32 s1, s0  }
0xbc: {  	s0 =	sadd.s32 $0x8F2B, s0  }
0xbd: {  	[sflag:s0] =	ssyncadd.remote.s32 $0x1  }
0xbe: {  	_ =	sfence.sel $0xFFFF  }
0xbf: {  	[dreg:$0x0] =	wrdreg $0xFFFFFFFF;
	(pc) =	sbr.abs _section_cstart, $3  }
0xc0: {  	[dreg:$0x1] =	wrdreg $0xFFFFFFFF  }
0xc1: {  	_ =	task.clear_ibuf [dreg:s6], $0x2FFFF;
	_ =	strace $0x9FFFFFFF  }
0xc2: {  	(tm) =	ssettm $0x7FFFFFFF  }
0xc3: {  	_ =	shalt  }
tec
execute0_lowered:
.L_overlay_start_1:
0x0: {  	(tag) =	ssettag $0x1  }
0x1: {  	s0 =	rddreg [dreg:$0x0]  }
0x2: {  	s2 =	rddreg [dreg:$0x1];
	s3 =	simm.s32 $0x0  }
0x3: {  	s10 =	stileid.u32;
	s1 =	srdreg.scid;
	s28 =	simm.s32 $0x9000  }
0x4: {  	s11 =	simm.s32 $0x1000;
	s12 =	simm.s32 $0x1;
	s13 =	simm.s32 $0x5000  }
0x5: {  	s14 =	simm.s32 $0x2;
	s29 =	simm.s32 $0x100;
	s5 =	smul.u32 $0x500, s10  }
0x6: {  	[smem:$0x7FF] =	sst s3;
	s1 =	sand.u32 $0x1, s1;
	s8 =	smul.u32 $0x50000, s10  }
0x7: {  	s4 =	sadd.s32 $0x16C00, s0;
	s30 =	smul.u32 $0x2800, s10;
	s10 =	simm.s32 $0x80  }
0x8: {  	_ =	strace $0x8000004A;
	s6 =	smul.u32 $0x28000, s1;
	s7 =	ssub.s32 $0x2, s1  }
0x9: {  	p0 =	seq.s32 s1, $0x1;
	s9 =	sadd.s32 s5, s0;
	s21 =	sshrl.u32 s7, $0x1  }
0xa: {  	s23 =	sshrl.u32 s8, $0x2;
	s8 =	simm.s32 $0x3;
	s24 =	sadd.s32 $0x2C00, s9  }
0xb: {  	s0 =	sadd.s32 s6, s0;
	s25 =	sadd.s32 $0xCC00, s9;
	[dreg:$0x3] =	wrdreg s24  }
.Ltmp0:
0xc: {  	s26 =	sadd.s32 $0x7C00, s9;
	[dreg:$0x4] =	wrdreg s25;
	(pc) =	sbr.rel .LBB2_1-.Ltmp0, $4  }
0xd: {  	s22 =	ssub.s32 s7, s21;
	s31 =	sadd.s32 $0x11C00, s9;
	[dreg:$0x5] =	wrdreg s26  }
0xe: {  	s0 =	sadd.s32 $0x3EC00, s0;
	s6 =	smax.u32 s22, $0x1;
	[dreg:$0x6] =	wrdreg s31  }
0xf: {  	s5 =	sadd.s32 s23, s2;
	[dreg:$0x7] =	wrdreg s6;
	s0 =	sadd.s32 s30, s0  }
0x10: {  	v0 =	vimm.f32 $0.0e+00;
	s9 =	simm.s32 $0x800;
	[dreg:$0x8] =	wrdreg s0;
	s0 =	simm.s32 $0x0  }
.LBB2_8:
0x11: {  	[sflag:s8] =	ssyncadd.s32 $0xFFFFC000;
	s26 =	sadd.s32 s25, s28  }
0x12: {  	[tilespmem:s3], [sflag:$0x3] =	stream.linear.gather [hbm4b:s26+s3], $0x800, $0x38;
	[tilespmem:$0x1D800] =	vst v63  }
0x13: {  	_ =	swait.ge [sflag:s8], $0x800  }
0x14: {  	s28 =	rddreg [dreg:$0x3];
	[sflag:s8] =	ssyncset.done $0x0  }
0x15: {  	s28 =	sadd.s32 s25, s28;
	[sflag:s8] =	ssyncadd.s32 $0xFFFFF800  }
0x16: {  	[tilespmem:s9], [sflag:$0x3] =	stream.linear.gather [hbm4b:s28+s3], $0x800, $0x38;
	[tilespmem:$0x1D800] =	vst v63  }
0x17: {  	_ =	swait.ge [sflag:s8], $0x800  }
0x18: {  	[sflag:s8] =	ssyncset.done $0x0  }
0x19: {  	[sflag:s8] =	ssyncadd.s32 $0xFFFFF800  }
0x1a: {  	[tilespmem:s11], [sflag:$0x1] =	stream.indirect.gather [hbm4b:s4+s10], $0x80, s3, s10, $0xb8;
	[tilespmem:$0x1D800] =	vst v63  }
0x1b: {  	_ =	swait.ge [sflag:s12], $0x4000  }
0x1c: {  	[sflag:s12] =	ssyncset.done $0x0  }
0x1d: {  	[sflag:s12] =	ssyncadd.s32 $0xFFFFC000  }
0x1e: {  	[tilespmem:s13], [sflag:$0x2] =	stream.indirect.gather [hbm4b:s4+s10], $0x80, s10, s10, $0xb8;
	[tilespmem:$0x1D800] =	vst v63  }
0x1f: {  	_ = 	snop  }
0x20: {  	[spmem:s2] =	stream.indirect.scatter.add.f32 [tilespmem:s11], [sflag:$0x3], $0x80, s9, s10, $0xb8;
	[tilespmem:$0x1D800] =	vst v63  }
0x21: {  	_ =	swait.ge [sflag:s8], $0x4000  }
0x22: {  	[sflag:s8] =	ssyncset.done $0x0  }
0x23: {  	[sflag:s8] =	ssyncadd.s32 $0xFFFFC000  }
0x24: {  	_ =	swait.ge [sflag:s14], $0x4000  }
0x25: {  	[sflag:s14] =	ssyncset.done $0x0  }
0x26: {  	[sflag:s14] =	ssyncadd.s32 $0xFFFFC000  }
0x27: {  	[tilespmem:s11], [sflag:$0x1] =	stream.indirect.gather [hbm4b:s4+s10], $0x80, s29, s10, $0xb8;
	[tilespmem:$0x1D800] =	vst v63  }
0x28: {  	_ = 	snop  }
0x29: {  	[spmem:s2] =	stream.indirect.scatter.add.f32 [tilespmem:s13], [sflag:$0x3], $0x80, s30, s10, $0xb8;
	[tilespmem:$0x1D800] =	vst v63  }
0x2a: {  	_ =	swait.ge [sflag:s8], $0x4000  }
0x2b: {  	[sflag:s8] =	ssyncset.done $0x0  }
0x2c: {  	[sflag:s8] =	ssyncadd.s32 $0xFFFFC000  }
0x2d: {  	_ =	swait.ge [sflag:s12], $0x4000  }
0x2e: {  	[sflag:s12] =	ssyncset.done $0x0  }
0x2f: {  	[sflag:s12] =	ssyncadd.s32 $0xFFFFC000  }
0x30: {  	[tilespmem:s13], [sflag:$0x2] =	stream.indirect.gather [hbm4b:s4+s10], $0x80, s31, s10, $0xb8;
	[tilespmem:$0x1D800] =	vst v63  }
0x31: {  	_ = 	snop  }
0x32: {  	[spmem:s2] =	stream.indirect.scatter.add.f32 [tilespmem:s11], [sflag:$0x3], $0x80, s0, s10, $0xb8;
	[tilespmem:$0x1D800] =	vst v63  }
0x33: {  	_ =	swait.ge [sflag:s8], $0x4000  }
0x34: {  	[sflag:s8] =	ssyncset.done $0x0  }
0x35: {  	[sflag:s8] =	ssyncadd.s32 $0xFFFFC000  }
0x36: {  	_ =	swait.ge [sflag:s14], $0x4000  }
0x37: {  	[sflag:s14] =	ssyncset.done $0x0  }
0x38: {  	[sflag:s14] =	ssyncadd.s32 $0xFFFFC000  }
0x39: {  	[tilespmem:s11], [sflag:$0x1] =	stream.indirect.gather [hbm4b:s4+s10], $0x80, s1, s10, $0xb8;
	[tilespmem:$0x1D800] =	vst v63  }
0x3a: {  	_ = 	snop  }
0x3b: {  	[spmem:s2] =	stream.indirect.scatter.add.f32 [tilespmem:s13], [sflag:$0x3], $0x80, s6, s10, $0xb8;
	[tilespmem:$0x1D800] =	vst v63  }
0x3c: {  	_ =	swait.ge [sflag:s8], $0x4000  }
0x3d: {  	[sflag:s8] =	ssyncset.done $0x0  }
0x3e: {  	[sflag:s8] =	ssyncadd.s32 $0xFFFFC000  }
0x3f: {  	_ =	swait.ge [sflag:s12], $0x4000  }
0x40: {  	[sflag:s12] =	ssyncset.done $0x0  }
0x41: {  	[sflag:s12] =	ssyncadd.s32 $0xFFFFC000  }
0x42: {  	[tilespmem:s13], [sflag:$0x2] =	stream.indirect.gather [hbm4b:s4+s10], $0x80, s24, s10, $0xb8;
	[tilespmem:$0x1D800] =	vst v63  }
0x43: {  	_ = 	snop  }
0x44: {  	[spmem:s2] =	stream.indirect.scatter.add.f32 [tilespmem:s11], [sflag:$0x3], $0x80, s7, s10, $0xb8;
	[tilespmem:$0x1D800] =	vst v63  }
0x45: {  	_ =	swait.ge [sflag:s8], $0x4000  }
0x46: {  	[sflag:s8] =	ssyncset.done $0x0  }
0x47: {  	[sflag:s8] =	ssyncadd.s32 $0xFFFFC000  }
0x48: {  	_ =	swait.ge [sflag:s14], $0x4000  }
0x49: {  	[sflag:s14] =	ssyncset.done $0x0  }
0x4a: {  	[sflag:s14] =	ssyncadd.s32 $0xFFFFC000  }
0x4b: {  	[tilespmem:s11], [sflag:$0x1] =	stream.indirect.gather [hbm4b:s4+s10], $0x80, s15, s10, $0xb8;
	[tilespmem:$0x1D800] =	vst v63  }
0x4c: {  	_ = 	snop  }
0x4d: {  	[spmem:s2] =	stream.indirect.scatter.add.f32 [tilespmem:s13], [sflag:$0x3], $0x80, s16, s10, $0xb8;
	[tilespmem:$0x1D800] =	vst v63  }
0x4e: {  	_ =	swait.ge [sflag:s8], $0x4000  }
0x4f: {  	[sflag:s8] =	ssyncset.done $0x0  }
0x50: {  	[sflag:s8] =	ssyncadd.s32 $0xFFFFC000  }
0x51: {  	_ =	swait.ge [sflag:s12], $0x4000  }
0x52: {  	[sflag:s12] =	ssyncset.done $0x0  }
0x53: {  	[sflag:s12] =	ssyncadd.s32 $0xFFFFC000  }
0x54: {  	[tilespmem:s13], [sflag:$0x2] =	stream.indirect.gather [hbm4b:s4+s10], $0x80, s17, s10, $0xb8;
	[tilespmem:$0x1D800] =	vst v63  }
0x55: {  	_ = 	snop  }
0x56: {  	[spmem:s2] =	stream.indirect.scatter.add.f32 [tilespmem:s11], [sflag:$0x3], $0x80, s18, s10, $0xb8;
	[tilespmem:$0x1D800] =	vst v63  }
0x57: {  	_ =	swait.ge [sflag:s8], $0x4000  }
0x58: {  	[sflag:s8] =	ssyncset.done $0x0  }
0x59: {  	[sflag:s8] =	ssyncadd.s32 $0xFFFFC000  }
0x5a: {  	_ =	swait.ge [sflag:s14], $0x4000  }
0x5b: {  	[sflag:s14] =	ssyncset.done $0x0  }
0x5c: {  	[sflag:s14] =	ssyncadd.s32 $0xFFFFC000  }
0x5d: {  	[tilespmem:s11], [sflag:$0x1] =	stream.indirect.gather [hbm4b:s4+s10], $0x80, s19, s10, $0xb8;
	[tilespmem:$0x1D800] =	vst v63  }
0x5e: {  	_ = 	snop  }
0x5f: {  	[spmem:s2] =	stream.indirect.scatter.add.f32 [tilespmem:s13], [sflag:$0x3], $0x80, s20, s10, $0xb8;
	[tilespmem:$0x1D800] =	vst v63  }
0x60: {  	_ =	swait.ge [sflag:s8], $0x4000  }
0x61: {  	[sflag:s8] =	ssyncset.done $0x0  }
0x62: {  	[sflag:s8] =	ssyncadd.s32 $0xFFFFC000  }
0x63: {  	_ =	swait.ge [sflag:s12], $0x4000  }
0x64: {  	[sflag:s12] =	ssyncset.done $0x0  }
0x65: {  	[sflag:s12] =	ssyncadd.s32 $0xFFFFC000  }
0x66: {  	[tilespmem:s13], [sflag:$0x2] =	stream.indirect.gather [hbm4b:s4+s10], $0x80, s21, s10, $0xb8;
	[tilespmem:$0x1D800] =	vst v63  }
0x67: {  	_ = 	snop  }
0x68: {  	[spmem:s2] =	stream.indirect.scatter.add.f32 [tilespmem:s11], [sflag:$0x3], $0x80, s22, s10, $0xb8;
	[tilespmem:$0x1D800] =	vst v63  }
0x69: {  	_ =	swait.ge [sflag:s8], $0x4000  }
0x6a: {  	[sflag:s8] =	ssyncset.done $0x0  }
0x6b: {  	[sflag:s8] =	ssyncadd.s32 $0xFFFFC000  }
0x6c: {  	_ =	swait.ge [sflag:s14], $0x4000  }
0x6d: {  	[sflag:s14] =	ssyncset.done $0x0  }
0x6e: {  	[sflag:s14] =	ssyncadd.s32 $0xFFFFC000  }
0x6f: {  	[tilespmem:s11], [sflag:$0x1] =	stream.indirect.gather [hbm4b:s4+s10], $0x80, s23, s10, $0xb8;
	[tilespmem:$0x1D800] =	vst v63  }
0x70: {  	s18 =	simm.s32 $0xC80  }
0x71: {  	[spmem:s2] =	stream.indirect.scatter.add.f32 [tilespmem:s13], [sflag:$0x3], $0x80, s18, s10, $0xb8;
	[tilespmem:$0x1D800] =	vst v63  }
0x72: {  	_ =	swait.ge [sflag:s8], $0x4000  }
0x73: {  	[sflag:s8] =	ssyncset.done $0x0  }
0x74: {  	[sflag:s8] =	ssyncadd.s32 $0xFFFFC000  }
0x75: {  	_ =	swait.ge [sflag:s12], $0x4000  }
0x76: {  	[sflag:s12] =	ssyncset.done $0x0  }
0x77: {  	s19 =	simm.s32 $0x580;
	[sflag:s12] =	ssyncadd.s32 $0xFFFFC000  }
0x78: {  	[tilespmem:s13], [sflag:$0x2] =	stream.indirect.gather [hbm4b:s4+s10], $0x80, s19, s10, $0xb8;
	[tilespmem:$0x1D800] =	vst v63  }
0x79: {  	s20 =	simm.s32 $0xD00  }
0x7a: {  	[spmem:s2] =	stream.indirect.scatter.add.f32 [tilespmem:s11], [sflag:$0x3], $0x80, s20, s10, $0xb8;
	[tilespmem:$0x1D800] =	vst v63  }
0x7b: {  	_ =	swait.ge [sflag:s8], $0x4000  }
0x7c: {  	[sflag:s8] =	ssyncset.done $0x0  }
0x7d: {  	[sflag:s8] =	ssyncadd.s32 $0xFFFFC000  }
0x7e: {  	_ =	swait.ge [sflag:s14], $0x4000  }
0x7f: {  	[sflag:s14] =	ssyncset.done $0x0  }
0x80: {  	s21 =	simm.s32 $0x600;
	[sflag:s14] =	ssyncadd.s32 $0xFFFFC000  }
0x81: {  	[tilespmem:s11], [sflag:$0x1] =	stream.indirect.gather [hbm4b:s4+s10], $0x80, s21, s10, $0xb8;
	[tilespmem:$0x1D800] =	vst v63  }
0x82: {  	s22 =	simm.s32 $0xD80  }
0x83: {  	[spmem:s2] =	stream.indirect.scatter.add.f32 [tilespmem:s13], [sflag:$0x3], $0x80, s22, s10, $0xb8;
	[tilespmem:$0x1D800] =	vst v63  }
0x84: {  	_ =	swait.ge [sflag:s8], $0x4000  }
0x85: {  	[sflag:s8] =	ssyncset.done $0x0  }
0x86: {  	[sflag:s8] =	ssyncadd.s32 $0xFFFFC000  }
0x87: {  	_ =	swait.ge [sflag:s12], $0x4000  }
0x88: {  	[sflag:s12] =	ssyncset.done $0x0  }
0x89: {  	s23 =	simm.s32 $0x680;
	[sflag:s12] =	ssyncadd.s32 $0xFFFFC000  }
0x8a: {  	[tilespmem:s13], [sflag:$0x2] =	stream.indirect.gather [hbm4b:s4+s10], $0x80, s23, s10, $0xb8;
	[tilespmem:$0x1D800] =	vst v63  }
0x8b: {  	s24 =	simm.s32 $0xE00  }
0x8c: {  	[spmem:s2] =	stream.indirect.scatter.add.f32 [tilespmem:s11], [sflag:$0x3], $0x80, s24, s10, $0xb8;
	[tilespmem:$0x1D800] =	vst v63  }
0x8d: {  	_ =	swait.ge [sflag:s8], $0x4000  }
0x8e: {  	[sflag:s8] =	ssyncset.done $0x0  }
0x8f: {  	[sflag:s8] =	ssyncadd.s32 $0xFFFFC000  }
0x90: {  	_ =	swait.ge [sflag:s14], $0x4000  }
0x91: {  	[sflag:s14] =	ssyncset.done $0x0  }
0x92: {  	s25 =	simm.s32 $0x700;
	[sflag:s14] =	ssyncadd.s32 $0xFFFFC000  }
0x93: {  	[tilespmem:s11], [sflag:$0x1] =	stream.indirect.gather [hbm4b:s4+s10], $0x80, s25, s10, $0xb8;
	[tilespmem:$0x1D800] =	vst v63  }
0x94: {  	s26 =	simm.s32 $0xE80  }
0x95: {  	[spmem:s2] =	stream.indirect.scatter.add.f32 [tilespmem:s13], [sflag:$0x3], $0x80, s26, s10, $0xb8;
	[tilespmem:$0x1D800] =	vst v63  }
0x96: {  	_ =	swait.ge [sflag:s8], $0x4000  }
0x97: {  	[sflag:s8] =	ssyncset.done $0x0  }
0x98: {  	[sflag:s8] =	ssyncadd.s32 $0xFFFFC000  }
0x99: {  	_ =	swait.ge [sflag:s12], $0x4000  }
0x9a: {  	[sflag:s12] =	ssyncset.done $0x0  }
0x9b: {  	s28 =	simm.s32 $0x780;
	[sflag:s12] =	ssyncadd.s32 $0xFFFFC000  }
0x9c: {  	[tilespmem:s13], [sflag:$0x2] =	stream.indirect.gather [hbm4b:s4+s10], $0x80, s28, s10, $0xb8;
	[tilespmem:$0x1D800] =	vst v63  }
0x9d: {  	s30 =	simm.s32 $0xF00  }
0x9e: {  	[spmem:s2] =	stream.indirect.scatter.add.f32 [tilespmem:s11], [sflag:$0x3], $0x80, s30, s10, $0xb8;
	[tilespmem:$0x1D800] =	vst v63  }
0x9f: {  	_ =	swait.ge [sflag:s8], $0x4000  }
0xa0: {  	[sflag:s8] =	ssyncset.done $0x0  }
0xa1: {  	[sflag:s8] =	ssyncadd.s32 $0xFFFFC000  }
0xa2: {  	_ =	swait.ge [sflag:s14], $0x4000  }
0xa3: {  	[sflag:s14] =	ssyncset.done $0x0  }
0xa4: {  	s31 =	simm.s32 $0xF80;
	[sflag:s14] =	ssyncadd.s32 $0xFFFFC000  }
0xa5: {  	[spmem:s2] =	stream.indirect.scatter.add.f32 [tilespmem:s13], [sflag:$0x3], $0x80, s31, s10, $0xb8;
	[tilespmem:$0x1D800] =	vst v63  }
0xa6: {  	_ =	swait.ge [sflag:s8], $0x4000  }
0xa7: {  	[sflag:s8] =	ssyncset.done $0x0  }
0xa8: {  	s1 =	rddreg [dreg:$0x9];
	[sflag:s8] =	ssyncadd.s32 $0xFFFFC000  }
.LBB2_12:
0xa9: {  	s25 =	stileid.u32  }
0xaa: {  	[bflag:$0x0] =	sbarrier.arrive $0xFFFF;
	s25 =	sshll.u32 s25, $0x6  }
0xab: {  	s26 =	sshrl.u32 s5, $0x3;
	s0 =	rddreg [dreg:$0x8];
	s25 =	sor.u32 $0x1C03, s25  }
0xac: {  	[hbm:s0], [sflag:s25] =	dma.local [spmem:s26], $0x2800  }
0xad: {  	_ =	swait.ge [sflag:s8], $0x2800  }
0xae: {  	s0 =	sadd.s32 $0x1, s1;
	s31 =	rddreg [dreg:$0x7]  }
0xaf: {  	p1 =	sne.s32 s0, s31  }
.Ltmp1:
0xb0: {  	_ = 	snop;
	(pc) =	sbr.rel @!p1 .LBB2_13-.Ltmp1, $3  }
0xb1: {  	_ =	sdelay $0x1  }
0xb2: {  	[sflag:s8] =	ssyncset.done $0x0  }
0xb3: {  	s28 =	simm.s32 $0x9000;
	[sflag:s8] =	ssyncadd.s32 $0xFFFFD800  }
.LBB2_1:
0xb4: {  	s25 =	simm.s32 $0x0;
	s26 =	simm.s32 $0x200  }
.LBB2_2:
0xb5: {  	p1 =	sne.s32 s26, $0x1E00;
	[tilespmem:s25+$0x9070] =	vst v0  }
0xb6: {  	[tilespmem:s25+$0x9000] =	vst v0  }
0xb7: {  	[tilespmem:s25+$0x9010] =	vst v0  }
.Ltmp2:
0xb8: {  	[tilespmem:s25+$0x9020] =	vst v0;
	(pc) =	sbr.rel @p1 .LBB2_2-.Ltmp2, $4  }
0xb9: {  	[tilespmem:s25+$0x9030] =	vst v0  }
0xba: {  	[tilespmem:s25+$0x9040] =	vst v0  }
0xbb: {  	[tilespmem:s25+$0x9050] =	vst v0  }
0xbc: {  	[tilespmem:s25+$0x9060] =	vst v0;
	s25 =	sshra.s32 s26, $0x2;
	s26 =	sadd.s32 $0x200, s26  }
0xbd: {  	[tilespmem:s25+$0x9070] =	vst v0  }
0xbe: {  	[tilespmem:s25+$0x9000] =	vst v0  }
0xbf: {  	[tilespmem:s25+$0x9010] =	vst v0  }
0xc0: {  	[tilespmem:s25+$0x9020] =	vst v0  }
0xc1: {  	[tilespmem:s25+$0x9030] =	vst v0  }
0xc2: {  	[tilespmem:s25+$0x9040] =	vst v0  }
0xc3: {  	[tilespmem:s25+$0x9050] =	vst v0  }
0xc4: {  	[tilespmem:s25+$0x9060] =	vst v0;
	s31 =	sadd.s32 $0x0, s5  }
0xc5: {  	[spmem:s31] =	stream.linear.scatter [tilespmem:s28], [sflag:$0x3], $0x800, $0x38;
	[tilespmem:$0x1D800] =	vst v63  }
0xc6: {  	s25 =	simm.s32 $0x2000;
	_ =	swait.ge [sflag:s8], $0x800  }
.LBB2_4:
0xc7: {  	s26 =	sshra.s32 s25, $0x2;
	[sflag:s8] =	ssyncset.done $0x0;
	p1 =	sne.s32 s25, $0x4E000  }
.Ltmp3:
0xc8: {  	s26 =	sadd.s32 s26, s5;
	[sflag:s8] =	ssyncadd.s32 $0xFFFFF800;
	(pc) =	sbr.rel @p1 .LBB2_4-.Ltmp3, $3  }
0xc9: {  	[spmem:s26] =	stream.linear.scatter [tilespmem:s28], [sflag:$0x3], $0x800, $0x38;
	[tilespmem:$0x1D800] =	vst v63  }
0xca: {  	s25 =	sadd.s32 $0x2000, s25;
	_ =	sdelay $0x1  }
0xcb: {  	_ =	swait.ge [sflag:s8], $0x800  }
.Ltmp4:
0xcc: {  	(pc) =	sbr.rel @!p0 .LBB2_6-.Ltmp4, $3  }
0xcd: {  	[sflag:s8] =	ssyncset.done $0x0  }
0xce: {  	[dreg:$0x9] =	wrdreg s0;
	[sflag:s8] =	ssyncadd.s32 $0xFFFFF800  }
0xcf: {  	[bflag:$0x0] =	sbarrier.arrive $0xFFFF;
	_ =	sdelay $0x1  }
0xd0: {  	s25 =	rddreg [dreg:$0x6]  }
0xd1: {  	s25 =	sadd.s32 $0x0, s25  }
0xd2: {  	[tilespmem:s3], [sflag:$0x3] =	stream.linear.gather [hbm4b:s25+s3], $0x800, $0x38;
	[tilespmem:$0x1D800] =	vst v63  }
0xd3: {  	_ =	swait.ge [sflag:s8], $0x800  }
0xd4: {  	s24 =	rddreg [dreg:$0x5];
	[sflag:s8] =	ssyncset.done $0x0  }
0xd5: {  	[sflag:s8] =	ssyncadd.s32 $0xFFFFF800;
	s25 =	sadd.s32 $0x0, s24  }
0xd6: {  	[tilespmem:s9], [sflag:$0x3] =	stream.linear.gather [hbm4b:s25+s3], $0x800, $0x38;
	[tilespmem:$0x1D800] =	vst v63  }
0xd7: {  	_ =	swait.ge [sflag:s8], $0x800  }
0xd8: {  	[sflag:s8] =	ssyncset.done $0x0  }
0xd9: {  	[sflag:s8] =	ssyncadd.s32 $0xFFFFF800  }
0xda: {  	[tilespmem:s11], [sflag:$0x1] =	stream.indirect.gather [hbm4b:s4+s10], $0x80, s3, s10, $0xb8;
	[tilespmem:$0x1D800] =	vst v63  }
0xdb: {  	_ =	swait.ge [sflag:s12], $0x4000  }
0xdc: {  	[sflag:s12] =	ssyncset.done $0x0  }
0xdd: {  	[sflag:s12] =	ssyncadd.s32 $0xFFFFC000  }
0xde: {  	[tilespmem:s13], [sflag:$0x2] =	stream.indirect.gather [hbm4b:s4+s10], $0x80, s10, s10, $0xb8;
	[tilespmem:$0x1D800] =	vst v63  }
0xdf: {  	_ = 	snop  }
0xe0: {  	[spmem:s2] =	stream.indirect.scatter.add.f32 [tilespmem:s11], [sflag:$0x3], $0x80, s9, s10, $0xb8;
	[tilespmem:$0x1D800] =	vst v63  }
0xe1: {  	_ =	swait.ge [sflag:s8], $0x4000  }
0xe2: {  	[sflag:s8] =	ssyncset.done $0x0  }
0xe3: {  	[sflag:s8] =	ssyncadd.s32 $0xFFFFC000  }
0xe4: {  	_ =	swait.ge [sflag:s14], $0x4000  }
0xe5: {  	[sflag:s14] =	ssyncset.done $0x0  }
0xe6: {  	[sflag:s14] =	ssyncadd.s32 $0xFFFFC000  }
0xe7: {  	[tilespmem:s11], [sflag:$0x1] =	stream.indirect.gather [hbm4b:s4+s10], $0x80, s29, s10, $0xb8;
	[tilespmem:$0x1D800] =	vst v63  }
0xe8: {  	s30 =	simm.s32 $0x880  }
0xe9: {  	[spmem:s2] =	stream.indirect.scatter.add.f32 [tilespmem:s13], [sflag:$0x3], $0x80, s30, s10, $0xb8;
	[tilespmem:$0x1D800] =	vst v63  }
0xea: {  	_ =	swait.ge [sflag:s8], $0x4000  }
0xeb: {  	[sflag:s8] =	ssyncset.done $0x0  }
0xec: {  	[sflag:s8] =	ssyncadd.s32 $0xFFFFC000  }
0xed: {  	_ =	swait.ge [sflag:s12], $0x4000  }
0xee: {  	[sflag:s12] =	ssyncset.done $0x0  }
0xef: {  	s31 =	simm.s32 $0x180;
	[sflag:s12] =	ssyncadd.s32 $0xFFFFC000  }
0xf0: {  	[tilespmem:s13], [sflag:$0x2] =	stream.indirect.gather [hbm4b:s4+s10], $0x80, s31, s10, $0xb8;
	[tilespmem:$0x1D800] =	vst v63  }
0xf1: {  	s0 =	simm.s32 $0x900  }
0xf2: {  	[spmem:s2] =	stream.indirect.scatter.add.f32 [tilespmem:s11], [sflag:$0x3], $0x80, s0, s10, $0xb8;
	[tilespmem:$0x1D800] =	vst v63  }
0xf3: {  	_ =	swait.ge [sflag:s8], $0x4000  }
0xf4: {  	[sflag:s8] =	ssyncset.done $0x0  }
0xf5: {  	[sflag:s8] =	ssyncadd.s32 $0xFFFFC000  }
0xf6: {  	_ =	swait.ge [sflag:s14], $0x4000  }
0xf7: {  	[sflag:s14] =	ssyncset.done $0x0  }
0xf8: {  	s1 =	simm.s32 $0x200;
	[sflag:s14] =	ssyncadd.s32 $0xFFFFC000  }
0xf9: {  	[tilespmem:s11], [sflag:$0x1] =	stream.indirect.gather [hbm4b:s4+s10], $0x80, s1, s10, $0xb8;
	[tilespmem:$0x1D800] =	vst v63  }
0xfa: {  	s6 =	simm.s32 $0x980  }
0xfb: {  	[spmem:s2] =	stream.indirect.scatter.add.f32 [tilespmem:s13], [sflag:$0x3], $0x80, s6, s10, $0xb8;
	[tilespmem:$0x1D800] =	vst v63  }
0xfc: {  	_ =	swait.ge [sflag:s8], $0x4000  }
0xfd: {  	[sflag:s8] =	ssyncset.done $0x0  }
0xfe: {  	[sflag:s8] =	ssyncadd.s32 $0xFFFFC000  }
0xff: {  	_ =	swait.ge [sflag:s12], $0x4000  }
0x100: {  	[sflag:s12] =	ssyncset.done $0x0  }
0x101: {  	s24 =	simm.s32 $0x280;
	[sflag:s12] =	ssyncadd.s32 $0xFFFFC000  }
0x102: {  	[tilespmem:s13], [sflag:$0x2] =	stream.indirect.gather [hbm4b:s4+s10], $0x80, s24, s10, $0xb8;
	[tilespmem:$0x1D800] =	vst v63  }
0x103: {  	s7 =	simm.s32 $0xA00  }
0x104: {  	[spmem:s2] =	stream.indirect.scatter.add.f32 [tilespmem:s11], [sflag:$0x3], $0x80, s7, s10, $0xb8;
	[tilespmem:$0x1D800] =	vst v63  }
0x105: {  	_ =	swait.ge [sflag:s8], $0x4000  }
0x106: {  	[sflag:s8] =	ssyncset.done $0x0  }
0x107: {  	[sflag:s8] =	ssyncadd.s32 $0xFFFFC000  }
0x108: {  	_ =	swait.ge [sflag:s14], $0x4000  }
0x109: {  	[sflag:s14] =	ssyncset.done $0x0  }
0x10a: {  	s15 =	simm.s32 $0x300;
	[sflag:s14] =	ssyncadd.s32 $0xFFFFC000  }
0x10b: {  	[tilespmem:s11], [sflag:$0x1] =	stream.indirect.gather [hbm4b:s4+s10], $0x80, s15, s10, $0xb8;
	[tilespmem:$0x1D800] =	vst v63  }
0x10c: {  	s16 =	simm.s32 $0xA80  }
0x10d: {  	[spmem:s2] =	stream.indirect.scatter.add.f32 [tilespmem:s13], [sflag:$0x3], $0x80, s16, s10, $0xb8;
	[tilespmem:$0x1D800] =	vst v63  }
0x10e: {  	_ =	swait.ge [sflag:s8], $0x4000  }
0x10f: {  	[sflag:s8] =	ssyncset.done $0x0  }
0x110: {  	[sflag:s8] =	ssyncadd.s32 $0xFFFFC000  }
0x111: {  	_ =	swait.ge [sflag:s12], $0x4000  }
0x112: {  	[sflag:s12] =	ssyncset.done $0x0  }
0x113: {  	s17 =	simm.s32 $0x380;
	[sflag:s12] =	ssyncadd.s32 $0xFFFFC000  }
0x114: {  	[tilespmem:s13], [sflag:$0x2] =	stream.indirect.gather [hbm4b:s4+s10], $0x80, s17, s10, $0xb8;
	[tilespmem:$0x1D800] =	vst v63  }
0x115: {  	s18 =	simm.s32 $0xB00  }
0x116: {  	[spmem:s2] =	stream.indirect.scatter.add.f32 [tilespmem:s11], [sflag:$0x3], $0x80, s18, s10, $0xb8;
	[tilespmem:$0x1D800] =	vst v63  }
0x117: {  	_ =	swait.ge [sflag:s8], $0x4000  }
0x118: {  	[sflag:s8] =	ssyncset.done $0x0  }
0x119: {  	[sflag:s8] =	ssyncadd.s32 $0xFFFFC000  }
0x11a: {  	_ =	swait.ge [sflag:s14], $0x4000  }
0x11b: {  	[sflag:s14] =	ssyncset.done $0x0  }
0x11c: {  	s19 =	simm.s32 $0x400;
	[sflag:s14] =	ssyncadd.s32 $0xFFFFC000  }
0x11d: {  	[tilespmem:s11], [sflag:$0x1] =	stream.indirect.gather [hbm4b:s4+s10], $0x80, s19, s10, $0xb8;
	[tilespmem:$0x1D800] =	vst v63  }
0x11e: {  	s20 =	simm.s32 $0xB80  }
0x11f: {  	[spmem:s2] =	stream.indirect.scatter.add.f32 [tilespmem:s13], [sflag:$0x3], $0x80, s20, s10, $0xb8;
	[tilespmem:$0x1D800] =	vst v63  }
0x120: {  	_ =	swait.ge [sflag:s8], $0x4000  }
0x121: {  	[sflag:s8] =	ssyncset.done $0x0  }
0x122: {  	[sflag:s8] =	ssyncadd.s32 $0xFFFFC000  }
0x123: {  	_ =	swait.ge [sflag:s12], $0x4000  }
0x124: {  	[sflag:s12] =	ssyncset.done $0x0  }
0x125: {  	s21 =	simm.s32 $0x480;
	[sflag:s12] =	ssyncadd.s32 $0xFFFFC000  }
0x126: {  	[tilespmem:s13], [sflag:$0x2] =	stream.indirect.gather [hbm4b:s4+s10], $0x80, s21, s10, $0xb8;
	[tilespmem:$0x1D800] =	vst v63  }
0x127: {  	s22 =	simm.s32 $0xC00  }
0x128: {  	[spmem:s2] =	stream.indirect.scatter.add.f32 [tilespmem:s11], [sflag:$0x3], $0x80, s22, s10, $0xb8;
	[tilespmem:$0x1D800] =	vst v63  }
0x129: {  	_ =	swait.ge [sflag:s8], $0x4000  }
0x12a: {  	[sflag:s8] =	ssyncset.done $0x0  }
0x12b: {  	[sflag:s8] =	ssyncadd.s32 $0xFFFFC000  }
0x12c: {  	_ =	swait.ge [sflag:s14], $0x4000  }
0x12d: {  	[sflag:s14] =	ssyncset.done $0x0  }
0x12e: {  	s23 =	simm.s32 $0x500;
	[sflag:s14] =	ssyncadd.s32 $0xFFFFC000  }
0x12f: {  	[tilespmem:s11], [sflag:$0x1] =	stream.indirect.gather [hbm4b:s4+s10], $0x80, s23, s10, $0xb8;
	[tilespmem:$0x1D800] =	vst v63  }
0x130: {  	s26 =	simm.s32 $0xC80  }
0x131: {  	[spmem:s2] =	stream.indirect.scatter.add.f32 [tilespmem:s13], [sflag:$0x3], $0x80, s26, s10, $0xb8;
	[tilespmem:$0x1D800] =	vst v63  }
0x132: {  	_ =	swait.ge [sflag:s8], $0x4000  }
0x133: {  	[sflag:s8] =	ssyncset.done $0x0  }
0x134: {  	[sflag:s8] =	ssyncadd.s32 $0xFFFFC000  }
0x135: {  	_ =	swait.ge [sflag:s12], $0x4000  }
0x136: {  	[sflag:s12] =	ssyncset.done $0x0  }
0x137: {  	s29 =	simm.s32 $0x580;
	[sflag:s12] =	ssyncadd.s32 $0xFFFFC000  }
0x138: {  	[tilespmem:s13], [sflag:$0x2] =	stream.indirect.gather [hbm4b:s4+s10], $0x80, s29, s10, $0xb8;
	[tilespmem:$0x1D800] =	vst v63  }
0x139: {  	s26 =	simm.s32 $0xD00  }
0x13a: {  	[spmem:s2] =	stream.indirect.scatter.add.f32 [tilespmem:s11], [sflag:$0x3], $0x80, s26, s10, $0xb8;
	[tilespmem:$0x1D800] =	vst v63  }
0x13b: {  	_ =	swait.ge [sflag:s8], $0x4000  }
0x13c: {  	[sflag:s8] =	ssyncset.done $0x0  }
0x13d: {  	[sflag:s8] =	ssyncadd.s32 $0xFFFFC000  }
0x13e: {  	_ =	swait.ge [sflag:s14], $0x4000  }
0x13f: {  	[sflag:s14] =	ssyncset.done $0x0  }
0x140: {  	s29 =	simm.s32 $0x600;
	[sflag:s14] =	ssyncadd.s32 $0xFFFFC000  }
0x141: {  	[tilespmem:s11], [sflag:$0x1] =	stream.indirect.gather [hbm4b:s4+s10], $0x80, s29, s10, $0xb8;
	[tilespmem:$0x1D800] =	vst v63  }
0x142: {  	s26 =	simm.s32 $0xD80  }
0x143: {  	[spmem:s2] =	stream.indirect.scatter.add.f32 [tilespmem:s13], [sflag:$0x3], $0x80, s26, s10, $0xb8;
	[tilespmem:$0x1D800] =	vst v63  }
0x144: {  	_ =	swait.ge [sflag:s8], $0x4000  }
0x145: {  	[sflag:s8] =	ssyncset.done $0x0  }
0x146: {  	[sflag:s8] =	ssyncadd.s32 $0xFFFFC000  }
0x147: {  	_ =	swait.ge [sflag:s12], $0x4000  }
0x148: {  	[sflag:s12] =	ssyncset.done $0x0  }
0x149: {  	s29 =	simm.s32 $0x680;
	[sflag:s12] =	ssyncadd.s32 $0xFFFFC000  }
0x14a: {  	[tilespmem:s13], [sflag:$0x2] =	stream.indirect.gather [hbm4b:s4+s10], $0x80, s29, s10, $0xb8;
	[tilespmem:$0x1D800] =	vst v63  }
0x14b: {  	s26 =	simm.s32 $0xE00  }
0x14c: {  	[spmem:s2] =	stream.indirect.scatter.add.f32 [tilespmem:s11], [sflag:$0x3], $0x80, s26, s10, $0xb8;
	[tilespmem:$0x1D800] =	vst v63  }
0x14d: {  	_ =	swait.ge [sflag:s8], $0x4000  }
0x14e: {  	[sflag:s8] =	ssyncset.done $0x0  }
0x14f: {  	[sflag:s8] =	ssyncadd.s32 $0xFFFFC000  }
0x150: {  	_ =	swait.ge [sflag:s14], $0x4000  }
0x151: {  	[sflag:s14] =	ssyncset.done $0x0  }
0x152: {  	s29 =	simm.s32 $0x700;
	[sflag:s14] =	ssyncadd.s32 $0xFFFFC000  }
0x153: {  	[tilespmem:s11], [sflag:$0x1] =	stream.indirect.gather [hbm4b:s4+s10], $0x80, s29, s10, $0xb8;
	[tilespmem:$0x1D800] =	vst v63  }
0x154: {  	s26 =	simm.s32 $0xE80  }
0x155: {  	[spmem:s2] =	stream.indirect.scatter.add.f32 [tilespmem:s13], [sflag:$0x3], $0x80, s26, s10, $0xb8;
	[tilespmem:$0x1D800] =	vst v63  }
0x156: {  	_ =	swait.ge [sflag:s8], $0x4000  }
0x157: {  	[sflag:s8] =	ssyncset.done $0x0  }
0x158: {  	[sflag:s8] =	ssyncadd.s32 $0xFFFFC000  }
0x159: {  	_ =	swait.ge [sflag:s12], $0x4000  }
0x15a: {  	[sflag:s12] =	ssyncset.done $0x0  }
0x15b: {  	s29 =	simm.s32 $0x780;
	[sflag:s12] =	ssyncadd.s32 $0xFFFFC000  }
0x15c: {  	[tilespmem:s13], [sflag:$0x2] =	stream.indirect.gather [hbm4b:s4+s10], $0x80, s29, s10, $0xb8;
	[tilespmem:$0x1D800] =	vst v63  }
0x15d: {  	s26 =	simm.s32 $0xF00  }
0x15e: {  	[spmem:s2] =	stream.indirect.scatter.add.f32 [tilespmem:s11], [sflag:$0x3], $0x80, s26, s10, $0xb8;
	[tilespmem:$0x1D800] =	vst v63  }
0x15f: {  	_ =	swait.ge [sflag:s8], $0x4000  }
0x160: {  	[sflag:s8] =	ssyncset.done $0x0  }
0x161: {  	[sflag:s8] =	ssyncadd.s32 $0xFFFFC000  }
0x162: {  	_ =	swait.ge [sflag:s14], $0x4000  }
0x163: {  	[sflag:s14] =	ssyncset.done $0x0  }
0x164: {  	s29 =	simm.s32 $0xF80;
	[sflag:s14] =	ssyncadd.s32 $0xFFFFC000  }
0x165: {  	[spmem:s2] =	stream.indirect.scatter.add.f32 [tilespmem:s13], [sflag:$0x3], $0x80, s29, s10, $0xb8;
	[tilespmem:$0x1D800] =	vst v63  }
0x166: {  	s25 =	simm.s32 $0x100;
	_ =	swait.ge [sflag:s8], $0x4000  }
0x167: {  	s26 =	simm.s32 $0x200;
	s28 =	rddreg [dreg:$0x6];
	[sflag:s8] =	ssyncset.done $0x0  }
.LBB2_10:
0x168: {  	[sflag:s8] =	ssyncadd.s32 $0xFFFFC000;
	s28 =	sadd.s32 s25, s28  }
0x169: {  	[tilespmem:s3], [sflag:$0x3] =	stream.linear.gather [hbm4b:s28+s3], $0x800, $0x38;
	[tilespmem:$0x1D800] =	vst v63  }
0x16a: {  	_ =	swait.ge [sflag:s8], $0x800  }
0x16b: {  	s28 =	rddreg [dreg:$0x5];
	[sflag:s8] =	ssyncset.done $0x0  }
0x16c: {  	[sflag:s8] =	ssyncadd.s32 $0xFFFFF800;
	s28 =	sadd.s32 s25, s28  }
0x16d: {  	[tilespmem:s9], [sflag:$0x3] =	stream.linear.gather [hbm4b:s28+s3], $0x800, $0x38;
	[tilespmem:$0x1D800] =	vst v63  }
0x16e: {  	_ =	swait.ge [sflag:s8], $0x800  }
0x16f: {  	[sflag:s8] =	ssyncset.done $0x0  }
0x170: {  	[sflag:s8] =	ssyncadd.s32 $0xFFFFF800  }
0x171: {  	[tilespmem:s11], [sflag:$0x1] =	stream.indirect.gather [hbm4b:s4+s10], $0x80, s3, s10, $0xb8;
	[tilespmem:$0x1D800] =	vst v63  }
0x172: {  	_ =	swait.ge [sflag:s12], $0x4000  }
0x173: {  	[sflag:s12] =	ssyncset.done $0x0  }
0x174: {  	[sflag:s12] =	ssyncadd.s32 $0xFFFFC000  }
0x175: {  	[tilespmem:s13], [sflag:$0x2] =	stream.indirect.gather [hbm4b:s4+s10], $0x80, s10, s10, $0xb8;
	[tilespmem:$0x1D800] =	vst v63  }
0x176: {  	_ = 	snop  }
0x177: {  	[spmem:s2] =	stream.indirect.scatter.add.f32 [tilespmem:s11], [sflag:$0x3], $0x80, s9, s10, $0xb8;
	[tilespmem:$0x1D800] =	vst v63  }
0x178: {  	_ =	swait.ge [sflag:s8], $0x4000  }
0x179: {  	[sflag:s8] =	ssyncset.done $0x0  }
0x17a: {  	[sflag:s8] =	ssyncadd.s32 $0xFFFFC000  }
0x17b: {  	_ =	swait.ge [sflag:s14], $0x4000  }
0x17c: {  	s29 =	smov.u32 s26;
	[sflag:s14] =	ssyncset.done $0x0  }
0x17d: {  	s25 =	smov.u32 s29;
	s29 =	simm.s32 $0x100;
	[sflag:s14] =	ssyncadd.s32 $0xFFFFC000  }
0x17e: {  	[tilespmem:s11], [sflag:$0x1] =	stream.indirect.gather [hbm4b:s4+s10], $0x80, s29, s10, $0xb8;
	[tilespmem:$0x1D800] =	vst v63  }
0x17f: {  	_ = 	snop  }
0x180: {  	[spmem:s2] =	stream.indirect.scatter.add.f32 [tilespmem:s13], [sflag:$0x3], $0x80, s30, s10, $0xb8;
	[tilespmem:$0x1D800] =	vst v63  }
0x181: {  	_ =	swait.ge [sflag:s8], $0x4000  }
0x182: {  	[sflag:s8] =	ssyncset.done $0x0  }
0x183: {  	[sflag:s8] =	ssyncadd.s32 $0xFFFFC000  }
0x184: {  	_ =	swait.ge [sflag:s12], $0x4000  }
0x185: {  	[sflag:s12] =	ssyncset.done $0x0  }
0x186: {  	[sflag:s12] =	ssyncadd.s32 $0xFFFFC000  }
0x187: {  	[tilespmem:s13], [sflag:$0x2] =	stream.indirect.gather [hbm4b:s4+s10], $0x80, s31, s10, $0xb8;
	[tilespmem:$0x1D800] =	vst v63  }
0x188: {  	_ = 	snop  }
0x189: {  	[spmem:s2] =	stream.indirect.scatter.add.f32 [tilespmem:s11], [sflag:$0x3], $0x80, s0, s10, $0xb8;
	[tilespmem:$0x1D800] =	vst v63  }
0x18a: {  	_ =	swait.ge [sflag:s8], $0x4000  }
0x18b: {  	[sflag:s8] =	ssyncset.done $0x0  }
0x18c: {  	[sflag:s8] =	ssyncadd.s32 $0xFFFFC000  }
0x18d: {  	_ =	swait.ge [sflag:s14], $0x4000  }
0x18e: {  	[sflag:s14] =	ssyncset.done $0x0  }
0x18f: {  	[sflag:s14] =	ssyncadd.s32 $0xFFFFC000  }
0x190: {  	[tilespmem:s11], [sflag:$0x1] =	stream.indirect.gather [hbm4b:s4+s10], $0x80, s1, s10, $0xb8;
	[tilespmem:$0x1D800] =	vst v63  }
0x191: {  	_ = 	snop  }
0x192: {  	[spmem:s2] =	stream.indirect.scatter.add.f32 [tilespmem:s13], [sflag:$0x3], $0x80, s6, s10, $0xb8;
	[tilespmem:$0x1D800] =	vst v63  }
0x193: {  	_ =	swait.ge [sflag:s8], $0x4000  }
0x194: {  	[sflag:s8] =	ssyncset.done $0x0  }
0x195: {  	[sflag:s8] =	ssyncadd.s32 $0xFFFFC000  }
0x196: {  	_ =	swait.ge [sflag:s12], $0x4000  }
0x197: {  	[sflag:s12] =	ssyncset.done $0x0  }
0x198: {  	[sflag:s12] =	ssyncadd.s32 $0xFFFFC000  }
0x199: {  	[tilespmem:s13], [sflag:$0x2] =	stream.indirect.gather [hbm4b:s4+s10], $0x80, s24, s10, $0xb8;
	[tilespmem:$0x1D800] =	vst v63  }
0x19a: {  	_ = 	snop  }
0x19b: {  	[spmem:s2] =	stream.indirect.scatter.add.f32 [tilespmem:s11], [sflag:$0x3], $0x80, s7, s10, $0xb8;
	[tilespmem:$0x1D800] =	vst v63  }
0x19c: {  	_ =	swait.ge [sflag:s8], $0x4000  }
0x19d: {  	[sflag:s8] =	ssyncset.done $0x0  }
0x19e: {  	[sflag:s8] =	ssyncadd.s32 $0xFFFFC000  }
0x19f: {  	_ =	swait.ge [sflag:s14], $0x4000  }
0x1a0: {  	[sflag:s14] =	ssyncset.done $0x0  }
0x1a1: {  	[sflag:s14] =	ssyncadd.s32 $0xFFFFC000  }
0x1a2: {  	[tilespmem:s11], [sflag:$0x1] =	stream.indirect.gather [hbm4b:s4+s10], $0x80, s15, s10, $0xb8;
	[tilespmem:$0x1D800] =	vst v63  }
0x1a3: {  	_ = 	snop  }
0x1a4: {  	[spmem:s2] =	stream.indirect.scatter.add.f32 [tilespmem:s13], [sflag:$0x3], $0x80, s16, s10, $0xb8;
	[tilespmem:$0x1D800] =	vst v63  }
0x1a5: {  	_ =	swait.ge [sflag:s8], $0x4000  }
0x1a6: {  	[sflag:s8] =	ssyncset.done $0x0  }
0x1a7: {  	[sflag:s8] =	ssyncadd.s32 $0xFFFFC000  }
0x1a8: {  	_ =	swait.ge [sflag:s12], $0x4000  }
0x1a9: {  	[sflag:s12] =	ssyncset.done $0x0  }
0x1aa: {  	[sflag:s12] =	ssyncadd.s32 $0xFFFFC000  }
0x1ab: {  	[tilespmem:s13], [sflag:$0x2] =	stream.indirect.gather [hbm4b:s4+s10], $0x80, s17, s10, $0xb8;
	[tilespmem:$0x1D800] =	vst v63  }
0x1ac: {  	_ = 	snop  }
0x1ad: {  	[spmem:s2] =	stream.indirect.scatter.add.f32 [tilespmem:s11], [sflag:$0x3], $0x80, s18, s10, $0xb8;
	[tilespmem:$0x1D800] =	vst v63  }
0x1ae: {  	_ =	swait.ge [sflag:s8], $0x4000  }
0x1af: {  	[sflag:s8] =	ssyncset.done $0x0  }
0x1b0: {  	[sflag:s8] =	ssyncadd.s32 $0xFFFFC000  }
0x1b1: {  	_ =	swait.ge [sflag:s14], $0x4000  }
0x1b2: {  	[sflag:s14] =	ssyncset.done $0x0  }
0x1b3: {  	[sflag:s14] =	ssyncadd.s32 $0xFFFFC000  }
0x1b4: {  	[tilespmem:s11], [sflag:$0x1] =	stream.indirect.gather [hbm4b:s4+s10], $0x80, s19, s10, $0xb8;
	[tilespmem:$0x1D800] =	vst v63  }
0x1b5: {  	_ = 	snop  }
0x1b6: {  	[spmem:s2] =	stream.indirect.scatter.add.f32 [tilespmem:s13], [sflag:$0x3], $0x80, s20, s10, $0xb8;
	[tilespmem:$0x1D800] =	vst v63  }
0x1b7: {  	_ =	swait.ge [sflag:s8], $0x4000  }
0x1b8: {  	[sflag:s8] =	ssyncset.done $0x0  }
0x1b9: {  	[sflag:s8] =	ssyncadd.s32 $0xFFFFC000  }
0x1ba: {  	_ =	swait.ge [sflag:s12], $0x4000  }
0x1bb: {  	[sflag:s12] =	ssyncset.done $0x0  }
0x1bc: {  	[sflag:s12] =	ssyncadd.s32 $0xFFFFC000  }
0x1bd: {  	[tilespmem:s13], [sflag:$0x2] =	stream.indirect.gather [hbm4b:s4+s10], $0x80, s21, s10, $0xb8;
	[tilespmem:$0x1D800] =	vst v63  }
0x1be: {  	_ = 	snop  }
0x1bf: {  	[spmem:s2] =	stream.indirect.scatter.add.f32 [tilespmem:s11], [sflag:$0x3], $0x80, s22, s10, $0xb8;
	[tilespmem:$0x1D800] =	vst v63  }
0x1c0: {  	_ =	swait.ge [sflag:s8], $0x4000  }
0x1c1: {  	[sflag:s8] =	ssyncset.done $0x0  }
0x1c2: {  	[sflag:s8] =	ssyncadd.s32 $0xFFFFC000  }
0x1c3: {  	_ =	swait.ge [sflag:s14], $0x4000  }
0x1c4: {  	[sflag:s14] =	ssyncset.done $0x0  }
0x1c5: {  	[sflag:s14] =	ssyncadd.s32 $0xFFFFC000  }
0x1c6: {  	[tilespmem:s11], [sflag:$0x1] =	stream.indirect.gather [hbm4b:s4+s10], $0x80, s23, s10, $0xb8;
	[tilespmem:$0x1D800] =	vst v63  }
0x1c7: {  	s28 =	simm.s32 $0xC80  }
0x1c8: {  	[spmem:s2] =	stream.indirect.scatter.add.f32 [tilespmem:s13], [sflag:$0x3], $0x80, s28, s10, $0xb8;
	[tilespmem:$0x1D800] =	vst v63  }
0x1c9: {  	_ =	swait.ge [sflag:s8], $0x4000  }
0x1ca: {  	[sflag:s8] =	ssyncset.done $0x0  }
0x1cb: {  	[sflag:s8] =	ssyncadd.s32 $0xFFFFC000  }
0x1cc: {  	_ =	swait.ge [sflag:s12], $0x4000  }
0x1cd: {  	[sflag:s12] =	ssyncset.done $0x0  }
0x1ce: {  	s28 =	simm.s32 $0x580;
	[sflag:s12] =	ssyncadd.s32 $0xFFFFC000  }
0x1cf: {  	[tilespmem:s13], [sflag:$0x2] =	stream.indirect.gather [hbm4b:s4+s10], $0x80, s28, s10, $0xb8;
	[tilespmem:$0x1D800] =	vst v63  }
0x1d0: {  	s28 =	simm.s32 $0xD00  }
0x1d1: {  	[spmem:s2] =	stream.indirect.scatter.add.f32 [tilespmem:s11], [sflag:$0x3], $0x80, s28, s10, $0xb8;
	[tilespmem:$0x1D800] =	vst v63  }
0x1d2: {  	_ =	swait.ge [sflag:s8], $0x4000  }
0x1d3: {  	[sflag:s8] =	ssyncset.done $0x0  }
0x1d4: {  	[sflag:s8] =	ssyncadd.s32 $0xFFFFC000  }
0x1d5: {  	_ =	swait.ge [sflag:s14], $0x4000  }
0x1d6: {  	[sflag:s14] =	ssyncset.done $0x0  }
0x1d7: {  	s28 =	simm.s32 $0x600;
	[sflag:s14] =	ssyncadd.s32 $0xFFFFC000  }
0x1d8: {  	[tilespmem:s11], [sflag:$0x1] =	stream.indirect.gather [hbm4b:s4+s10], $0x80, s28, s10, $0xb8;
	[tilespmem:$0x1D800] =	vst v63  }
0x1d9: {  	s28 =	simm.s32 $0xD80  }
0x1da: {  	[spmem:s2] =	stream.indirect.scatter.add.f32 [tilespmem:s13], [sflag:$0x3], $0x80, s28, s10, $0xb8;
	[tilespmem:$0x1D800] =	vst v63  }
0x1db: {  	_ =	swait.ge [sflag:s8], $0x4000  }
0x1dc: {  	[sflag:s8] =	ssyncset.done $0x0  }
0x1dd: {  	[sflag:s8] =	ssyncadd.s32 $0xFFFFC000  }
0x1de: {  	_ =	swait.ge [sflag:s12], $0x4000  }
0x1df: {  	[sflag:s12] =	ssyncset.done $0x0  }
0x1e0: {  	s28 =	simm.s32 $0x680;
	[sflag:s12] =	ssyncadd.s32 $0xFFFFC000  }
0x1e1: {  	[tilespmem:s13], [sflag:$0x2] =	stream.indirect.gather [hbm4b:s4+s10], $0x80, s28, s10, $0xb8;
	[tilespmem:$0x1D800] =	vst v63  }
0x1e2: {  	s28 =	simm.s32 $0xE00  }
0x1e3: {  	[spmem:s2] =	stream.indirect.scatter.add.f32 [tilespmem:s11], [sflag:$0x3], $0x80, s28, s10, $0xb8;
	[tilespmem:$0x1D800] =	vst v63  }
0x1e4: {  	_ =	swait.ge [sflag:s8], $0x4000  }
0x1e5: {  	[sflag:s8] =	ssyncset.done $0x0  }
0x1e6: {  	[sflag:s8] =	ssyncadd.s32 $0xFFFFC000  }
0x1e7: {  	_ =	swait.ge [sflag:s14], $0x4000  }
0x1e8: {  	[sflag:s14] =	ssyncset.done $0x0  }
0x1e9: {  	s28 =	simm.s32 $0x700;
	[sflag:s14] =	ssyncadd.s32 $0xFFFFC000  }
0x1ea: {  	[tilespmem:s11], [sflag:$0x1] =	stream.indirect.gather [hbm4b:s4+s10], $0x80, s28, s10, $0xb8;
	[tilespmem:$0x1D800] =	vst v63  }
0x1eb: {  	s28 =	simm.s32 $0xE80  }
0x1ec: {  	[spmem:s2] =	stream.indirect.scatter.add.f32 [tilespmem:s13], [sflag:$0x3], $0x80, s28, s10, $0xb8;
	[tilespmem:$0x1D800] =	vst v63  }
0x1ed: {  	_ =	swait.ge [sflag:s8], $0x4000  }
0x1ee: {  	[sflag:s8] =	ssyncset.done $0x0  }
0x1ef: {  	[sflag:s8] =	ssyncadd.s32 $0xFFFFC000  }
0x1f0: {  	_ =	swait.ge [sflag:s12], $0x4000  }
0x1f1: {  	[sflag:s12] =	ssyncset.done $0x0  }
0x1f2: {  	s28 =	simm.s32 $0x780;
	[sflag:s12] =	ssyncadd.s32 $0xFFFFC000  }
0x1f3: {  	[tilespmem:s13], [sflag:$0x2] =	stream.indirect.gather [hbm4b:s4+s10], $0x80, s28, s10, $0xb8;
	[tilespmem:$0x1D800] =	vst v63  }
0x1f4: {  	s28 =	simm.s32 $0xF00  }
0x1f5: {  	[spmem:s2] =	stream.indirect.scatter.add.f32 [tilespmem:s11], [sflag:$0x3], $0x80, s28, s10, $0xb8;
	[tilespmem:$0x1D800] =	vst v63  }
0x1f6: {  	_ =	swait.ge [sflag:s8], $0x4000  }
0x1f7: {  	[sflag:s8] =	ssyncset.done $0x0  }
0x1f8: {  	[sflag:s8] =	ssyncadd.s32 $0xFFFFC000  }
0x1f9: {  	p1 =	sne.s32 s26, $0x400;
	_ =	swait.ge [sflag:s14], $0x4000  }
.Ltmp5:
0x1fa: {  	[sflag:s14] =	ssyncset.done $0x0;
	(pc) =	sbr.rel @p1 .LBB2_10-.Ltmp5, $4  }
0x1fb: {  	s28 =	simm.s32 $0xF80;
	[sflag:s14] =	ssyncadd.s32 $0xFFFFC000  }
0x1fc: {  	[spmem:s2] =	stream.indirect.scatter.add.f32 [tilespmem:s13], [sflag:$0x3], $0x80, s28, s10, $0xb8;
	[tilespmem:$0x1D800] =	vst v63  }
0x1fd: {  	_ =	swait.ge [sflag:s8], $0x4000  }
0x1fe: {  	s26 =	sadd.s32 $0x100, s26;
	s28 =	rddreg [dreg:$0x6];
	[sflag:s8] =	ssyncset.done $0x0  }
0x1ff: {  	[sflag:s8] =	ssyncadd.s32 $0xFFFFC000;
	s26 =	sadd.s32 s25, s28  }
0x200: {  	[tilespmem:s3], [sflag:$0x3] =	stream.linear.gather [hbm4b:s26+s3], $0x800, $0x38;
	[tilespmem:$0x1D800] =	vst v63  }
0x201: {  	_ =	swait.ge [sflag:s8], $0x800  }
0x202: {  	s28 =	rddreg [dreg:$0x5];
	[sflag:s8] =	ssyncset.done $0x0  }
0x203: {  	s28 =	sadd.s32 s25, s28;
	[sflag:s8] =	ssyncadd.s32 $0xFFFFF800  }
0x204: {  	[tilespmem:s9], [sflag:$0x3] =	stream.linear.gather [hbm4b:s28+s3], $0x800, $0x38;
	[tilespmem:$0x1D800] =	vst v63  }
0x205: {  	_ =	swait.ge [sflag:s8], $0x800  }
0x206: {  	[sflag:s8] =	ssyncset.done $0x0  }
0x207: {  	[sflag:s8] =	ssyncadd.s32 $0xFFFFF800  }
0x208: {  	[tilespmem:s11], [sflag:$0x1] =	stream.indirect.gather [hbm4b:s4+s10], $0x80, s3, s10, $0xb8;
	[tilespmem:$0x1D800] =	vst v63  }
0x209: {  	_ =	swait.ge [sflag:s12], $0x4000  }
0x20a: {  	[sflag:s12] =	ssyncset.done $0x0  }
0x20b: {  	[sflag:s12] =	ssyncadd.s32 $0xFFFFC000  }
0x20c: {  	[tilespmem:s13], [sflag:$0x2] =	stream.indirect.gather [hbm4b:s4+s10], $0x80, s10, s10, $0xb8;
	[tilespmem:$0x1D800] =	vst v63  }
0x20d: {  	_ = 	snop  }
0x20e: {  	[spmem:s2] =	stream.indirect.scatter.add.f32 [tilespmem:s11], [sflag:$0x3], $0x80, s9, s10, $0xb8;
	[tilespmem:$0x1D800] =	vst v63  }
0x20f: {  	_ =	swait.ge [sflag:s8], $0x4000  }
0x210: {  	[sflag:s8] =	ssyncset.done $0x0  }
0x211: {  	[sflag:s8] =	ssyncadd.s32 $0xFFFFC000  }
0x212: {  	_ =	swait.ge [sflag:s14], $0x4000  }
0x213: {  	[sflag:s14] =	ssyncset.done $0x0  }
0x214: {  	[sflag:s14] =	ssyncadd.s32 $0xFFFFC000  }
0x215: {  	[tilespmem:s11], [sflag:$0x1] =	stream.indirect.gather [hbm4b:s4+s10], $0x80, s29, s10, $0xb8;
	[tilespmem:$0x1D800] =	vst v63  }
0x216: {  	_ = 	snop  }
0x217: {  	[spmem:s2] =	stream.indirect.scatter.add.f32 [tilespmem:s13], [sflag:$0x3], $0x80, s30, s10, $0xb8;
	[tilespmem:$0x1D800] =	vst v63  }
0x218: {  	_ =	swait.ge [sflag:s8], $0x4000  }
0x219: {  	[sflag:s8] =	ssyncset.done $0x0  }
0x21a: {  	[sflag:s8] =	ssyncadd.s32 $0xFFFFC000  }
0x21b: {  	_ =	swait.ge [sflag:s12], $0x4000  }
0x21c: {  	[sflag:s12] =	ssyncset.done $0x0  }
0x21d: {  	[sflag:s12] =	ssyncadd.s32 $0xFFFFC000  }
0x21e: {  	[tilespmem:s13], [sflag:$0x2] =	stream.indirect.gather [hbm4b:s4+s10], $0x80, s31, s10, $0xb8;
	[tilespmem:$0x1D800] =	vst v63  }
0x21f: {  	_ = 	snop  }
0x220: {  	[spmem:s2] =	stream.indirect.scatter.add.f32 [tilespmem:s11], [sflag:$0x3], $0x80, s0, s10, $0xb8;
	[tilespmem:$0x1D800] =	vst v63  }
0x221: {  	_ =	swait.ge [sflag:s8], $0x4000  }
0x222: {  	[sflag:s8] =	ssyncset.done $0x0  }
0x223: {  	[sflag:s8] =	ssyncadd.s32 $0xFFFFC000  }
0x224: {  	_ =	swait.ge [sflag:s14], $0x4000  }
0x225: {  	[sflag:s14] =	ssyncset.done $0x0  }
0x226: {  	[sflag:s14] =	ssyncadd.s32 $0xFFFFC000  }
0x227: {  	[tilespmem:s11], [sflag:$0x1] =	stream.indirect.gather [hbm4b:s4+s10], $0x80, s1, s10, $0xb8;
	[tilespmem:$0x1D800] =	vst v63  }
0x228: {  	_ = 	snop  }
0x229: {  	[spmem:s2] =	stream.indirect.scatter.add.f32 [tilespmem:s13], [sflag:$0x3], $0x80, s6, s10, $0xb8;
	[tilespmem:$0x1D800] =	vst v63  }
0x22a: {  	_ =	swait.ge [sflag:s8], $0x4000  }
0x22b: {  	[sflag:s8] =	ssyncset.done $0x0  }
0x22c: {  	[sflag:s8] =	ssyncadd.s32 $0xFFFFC000  }
0x22d: {  	_ =	swait.ge [sflag:s12], $0x4000  }
0x22e: {  	[sflag:s12] =	ssyncset.done $0x0  }
0x22f: {  	[sflag:s12] =	ssyncadd.s32 $0xFFFFC000  }
0x230: {  	[tilespmem:s13], [sflag:$0x2] =	stream.indirect.gather [hbm4b:s4+s10], $0x80, s24, s10, $0xb8;
	[tilespmem:$0x1D800] =	vst v63  }
0x231: {  	_ = 	snop  }
0x232: {  	[spmem:s2] =	stream.indirect.scatter.add.f32 [tilespmem:s11], [sflag:$0x3], $0x80, s7, s10, $0xb8;
	[tilespmem:$0x1D800] =	vst v63  }
0x233: {  	_ =	swait.ge [sflag:s8], $0x4000  }
0x234: {  	[sflag:s8] =	ssyncset.done $0x0  }
0x235: {  	[sflag:s8] =	ssyncadd.s32 $0xFFFFC000  }
0x236: {  	_ =	swait.ge [sflag:s14], $0x4000  }
0x237: {  	[sflag:s14] =	ssyncset.done $0x0  }
0x238: {  	[sflag:s14] =	ssyncadd.s32 $0xFFFFC000  }
0x239: {  	[tilespmem:s11], [sflag:$0x1] =	stream.indirect.gather [hbm4b:s4+s10], $0x80, s15, s10, $0xb8;
	[tilespmem:$0x1D800] =	vst v63  }
0x23a: {  	_ = 	snop  }
0x23b: {  	[spmem:s2] =	stream.indirect.scatter.add.f32 [tilespmem:s13], [sflag:$0x3], $0x80, s16, s10, $0xb8;
	[tilespmem:$0x1D800] =	vst v63  }
0x23c: {  	_ =	swait.ge [sflag:s8], $0x4000  }
0x23d: {  	[sflag:s8] =	ssyncset.done $0x0  }
0x23e: {  	[sflag:s8] =	ssyncadd.s32 $0xFFFFC000  }
0x23f: {  	_ =	swait.ge [sflag:s12], $0x4000  }
0x240: {  	[sflag:s12] =	ssyncset.done $0x0  }
0x241: {  	[sflag:s12] =	ssyncadd.s32 $0xFFFFC000  }
0x242: {  	[tilespmem:s13], [sflag:$0x2] =	stream.indirect.gather [hbm4b:s4+s10], $0x80, s17, s10, $0xb8;
	[tilespmem:$0x1D800] =	vst v63  }
0x243: {  	_ = 	snop  }
0x244: {  	[spmem:s2] =	stream.indirect.scatter.add.f32 [tilespmem:s11], [sflag:$0x3], $0x80, s18, s10, $0xb8;
	[tilespmem:$0x1D800] =	vst v63  }
0x245: {  	_ =	swait.ge [sflag:s8], $0x4000  }
0x246: {  	[sflag:s8] =	ssyncset.done $0x0  }
0x247: {  	[sflag:s8] =	ssyncadd.s32 $0xFFFFC000  }
0x248: {  	_ =	swait.ge [sflag:s14], $0x4000  }
0x249: {  	[sflag:s14] =	ssyncset.done $0x0  }
0x24a: {  	[sflag:s14] =	ssyncadd.s32 $0xFFFFC000  }
0x24b: {  	[tilespmem:s11], [sflag:$0x1] =	stream.indirect.gather [hbm4b:s4+s10], $0x80, s19, s10, $0xb8;
	[tilespmem:$0x1D800] =	vst v63  }
0x24c: {  	_ = 	snop  }
0x24d: {  	[spmem:s2] =	stream.indirect.scatter.add.f32 [tilespmem:s13], [sflag:$0x3], $0x80, s20, s10, $0xb8;
	[tilespmem:$0x1D800] =	vst v63  }
0x24e: {  	_ =	swait.ge [sflag:s8], $0x4000  }
0x24f: {  	[sflag:s8] =	ssyncset.done $0x0  }
0x250: {  	[sflag:s8] =	ssyncadd.s32 $0xFFFFC000  }
0x251: {  	_ =	swait.ge [sflag:s12], $0x4000  }
0x252: {  	[sflag:s12] =	ssyncset.done $0x0  }
0x253: {  	[sflag:s12] =	ssyncadd.s32 $0xFFFFC000  }
0x254: {  	[tilespmem:s13], [sflag:$0x2] =	stream.indirect.gather [hbm4b:s4+s10], $0x80, s21, s10, $0xb8;
	[tilespmem:$0x1D800] =	vst v63  }
0x255: {  	_ = 	snop  }
0x256: {  	[spmem:s2] =	stream.indirect.scatter.add.f32 [tilespmem:s11], [sflag:$0x3], $0x80, s22, s10, $0xb8;
	[tilespmem:$0x1D800] =	vst v63  }
0x257: {  	_ =	swait.ge [sflag:s8], $0x4000  }
0x258: {  	[sflag:s8] =	ssyncset.done $0x0  }
0x259: {  	[sflag:s8] =	ssyncadd.s32 $0xFFFFC000  }
0x25a: {  	_ =	swait.ge [sflag:s14], $0x4000  }
0x25b: {  	[sflag:s14] =	ssyncset.done $0x0  }
0x25c: {  	[sflag:s14] =	ssyncadd.s32 $0xFFFFC000  }
0x25d: {  	[tilespmem:s11], [sflag:$0x1] =	stream.indirect.gather [hbm4b:s4+s10], $0x80, s23, s10, $0xb8;
	[tilespmem:$0x1D800] =	vst v63  }
0x25e: {  	s18 =	simm.s32 $0xC80  }
0x25f: {  	[spmem:s2] =	stream.indirect.scatter.add.f32 [tilespmem:s13], [sflag:$0x3], $0x80, s18, s10, $0xb8;
	[tilespmem:$0x1D800] =	vst v63  }
0x260: {  	_ =	swait.ge [sflag:s8], $0x4000  }
0x261: {  	[sflag:s8] =	ssyncset.done $0x0  }
0x262: {  	[sflag:s8] =	ssyncadd.s32 $0xFFFFC000  }
0x263: {  	_ =	swait.ge [sflag:s12], $0x4000  }
0x264: {  	[sflag:s12] =	ssyncset.done $0x0  }
0x265: {  	s19 =	simm.s32 $0x580;
	[sflag:s12] =	ssyncadd.s32 $0xFFFFC000  }
0x266: {  	[tilespmem:s13], [sflag:$0x2] =	stream.indirect.gather [hbm4b:s4+s10], $0x80, s19, s10, $0xb8;
	[tilespmem:$0x1D800] =	vst v63  }
0x267: {  	s20 =	simm.s32 $0xD00  }
0x268: {  	[spmem:s2] =	stream.indirect.scatter.add.f32 [tilespmem:s11], [sflag:$0x3], $0x80, s20, s10, $0xb8;
	[tilespmem:$0x1D800] =	vst v63  }
0x269: {  	_ =	swait.ge [sflag:s8], $0x4000  }
0x26a: {  	[sflag:s8] =	ssyncset.done $0x0  }
0x26b: {  	[sflag:s8] =	ssyncadd.s32 $0xFFFFC000  }
0x26c: {  	_ =	swait.ge [sflag:s14], $0x4000  }
0x26d: {  	[sflag:s14] =	ssyncset.done $0x0  }
0x26e: {  	s21 =	simm.s32 $0x600;
	[sflag:s14] =	ssyncadd.s32 $0xFFFFC000  }
0x26f: {  	[tilespmem:s11], [sflag:$0x1] =	stream.indirect.gather [hbm4b:s4+s10], $0x80, s21, s10, $0xb8;
	[tilespmem:$0x1D800] =	vst v63  }
0x270: {  	s22 =	simm.s32 $0xD80  }
0x271: {  	[spmem:s2] =	stream.indirect.scatter.add.f32 [tilespmem:s13], [sflag:$0x3], $0x80, s22, s10, $0xb8;
	[tilespmem:$0x1D800] =	vst v63  }
0x272: {  	_ =	swait.ge [sflag:s8], $0x4000  }
0x273: {  	[sflag:s8] =	ssyncset.done $0x0  }
0x274: {  	[sflag:s8] =	ssyncadd.s32 $0xFFFFC000  }
0x275: {  	_ =	swait.ge [sflag:s12], $0x4000  }
0x276: {  	[sflag:s12] =	ssyncset.done $0x0  }
0x277: {  	s23 =	simm.s32 $0x680;
	[sflag:s12] =	ssyncadd.s32 $0xFFFFC000  }
0x278: {  	[tilespmem:s13], [sflag:$0x2] =	stream.indirect.gather [hbm4b:s4+s10], $0x80, s23, s10, $0xb8;
	[tilespmem:$0x1D800] =	vst v63  }
0x279: {  	s24 =	simm.s32 $0xE00  }
0x27a: {  	[spmem:s2] =	stream.indirect.scatter.add.f32 [tilespmem:s11], [sflag:$0x3], $0x80, s24, s10, $0xb8;
	[tilespmem:$0x1D800] =	vst v63  }
0x27b: {  	_ =	swait.ge [sflag:s8], $0x4000  }
0x27c: {  	[sflag:s8] =	ssyncset.done $0x0  }
0x27d: {  	[sflag:s8] =	ssyncadd.s32 $0xFFFFC000  }
0x27e: {  	_ =	swait.ge [sflag:s14], $0x4000  }
0x27f: {  	[sflag:s14] =	ssyncset.done $0x0  }
0x280: {  	s25 =	simm.s32 $0x700;
	[sflag:s14] =	ssyncadd.s32 $0xFFFFC000  }
0x281: {  	[tilespmem:s11], [sflag:$0x1] =	stream.indirect.gather [hbm4b:s4+s10], $0x80, s25, s10, $0xb8;
	[tilespmem:$0x1D800] =	vst v63  }
0x282: {  	s26 =	simm.s32 $0xE80  }
0x283: {  	[spmem:s2] =	stream.indirect.scatter.add.f32 [tilespmem:s13], [sflag:$0x3], $0x80, s26, s10, $0xb8;
	[tilespmem:$0x1D800] =	vst v63  }
0x284: {  	_ =	swait.ge [sflag:s8], $0x4000  }
0x285: {  	[sflag:s8] =	ssyncset.done $0x0  }
0x286: {  	[sflag:s8] =	ssyncadd.s32 $0xFFFFC000  }
0x287: {  	_ =	swait.ge [sflag:s12], $0x4000  }
0x288: {  	[sflag:s12] =	ssyncset.done $0x0  }
0x289: {  	s28 =	simm.s32 $0x780;
	[sflag:s12] =	ssyncadd.s32 $0xFFFFC000  }
0x28a: {  	[tilespmem:s13], [sflag:$0x2] =	stream.indirect.gather [hbm4b:s4+s10], $0x80, s28, s10, $0xb8;
	[tilespmem:$0x1D800] =	vst v63  }
0x28b: {  	s30 =	simm.s32 $0xF00  }
0x28c: {  	[spmem:s2] =	stream.indirect.scatter.add.f32 [tilespmem:s11], [sflag:$0x3], $0x80, s30, s10, $0xb8;
	[tilespmem:$0x1D800] =	vst v63  }
0x28d: {  	_ =	swait.ge [sflag:s8], $0x4000  }
0x28e: {  	[sflag:s8] =	ssyncset.done $0x0  }
0x28f: {  	[sflag:s8] =	ssyncadd.s32 $0xFFFFC000  }
0x290: {  	_ =	swait.ge [sflag:s14], $0x4000  }
0x291: {  	[sflag:s14] =	ssyncset.done $0x0  }
.Ltmp6:
0x292: {  	s31 =	simm.s32 $0xF80;
	[sflag:s14] =	ssyncadd.s32 $0xFFFFC000;
	(pc) =	sbr.rel .LBB2_12-.Ltmp6, $4  }
0x293: {  	[spmem:s2] =	stream.indirect.scatter.add.f32 [tilespmem:s13], [sflag:$0x3], $0x80, s31, s10, $0xb8;
	[tilespmem:$0x1D800] =	vst v63  }
0x294: {  	_ =	swait.ge [sflag:s8], $0x4000  }
0x295: {  	[sflag:s8] =	ssyncset.done $0x0  }
0x296: {  	s1 =	rddreg [dreg:$0x9];
	[sflag:s8] =	ssyncadd.s32 $0xFFFFC000  }
.LBB2_6:
0x297: {  	s25 =	rddreg [dreg:$0x4]  }
0x298: {  	s25 =	sadd.s32 $0x0, s25  }
0x299: {  	[tilespmem:s3], [sflag:$0x3] =	stream.linear.gather [hbm4b:s25+s3], $0x800, $0x38;
	[tilespmem:$0x1D800] =	vst v63  }
0x29a: {  	_ =	swait.ge [sflag:s8], $0x800  }
0x29b: {  	s24 =	rddreg [dreg:$0x3];
	[sflag:s8] =	ssyncset.done $0x0  }
0x29c: {  	[sflag:s8] =	ssyncadd.s32 $0xFFFFF800;
	s25 =	sadd.s32 $0x0, s24  }
0x29d: {  	[tilespmem:s9], [sflag:$0x3] =	stream.linear.gather [hbm4b:s25+s3], $0x800, $0x38;
	[tilespmem:$0x1D800] =	vst v63  }
0x29e: {  	_ =	swait.ge [sflag:s8], $0x800  }
0x29f: {  	[sflag:s8] =	ssyncset.done $0x0  }
0x2a0: {  	[sflag:s8] =	ssyncadd.s32 $0xFFFFF800  }
0x2a1: {  	[tilespmem:s11], [sflag:$0x1] =	stream.indirect.gather [hbm4b:s4+s10], $0x80, s3, s10, $0xb8;
	[tilespmem:$0x1D800] =	vst v63  }
0x2a2: {  	_ =	swait.ge [sflag:s12], $0x4000  }
0x2a3: {  	[sflag:s12] =	ssyncset.done $0x0  }
0x2a4: {  	[sflag:s12] =	ssyncadd.s32 $0xFFFFC000  }
0x2a5: {  	[tilespmem:s13], [sflag:$0x2] =	stream.indirect.gather [hbm4b:s4+s10], $0x80, s10, s10, $0xb8;
	[tilespmem:$0x1D800] =	vst v63  }
0x2a6: {  	_ = 	snop  }
0x2a7: {  	[spmem:s2] =	stream.indirect.scatter.add.f32 [tilespmem:s11], [sflag:$0x3], $0x80, s9, s10, $0xb8;
	[tilespmem:$0x1D800] =	vst v63  }
0x2a8: {  	_ =	swait.ge [sflag:s8], $0x4000  }
0x2a9: {  	[sflag:s8] =	ssyncset.done $0x0  }
0x2aa: {  	[sflag:s8] =	ssyncadd.s32 $0xFFFFC000  }
0x2ab: {  	_ =	swait.ge [sflag:s14], $0x4000  }
0x2ac: {  	[sflag:s14] =	ssyncset.done $0x0  }
0x2ad: {  	[sflag:s14] =	ssyncadd.s32 $0xFFFFC000  }
0x2ae: {  	[tilespmem:s11], [sflag:$0x1] =	stream.indirect.gather [hbm4b:s4+s10], $0x80, s29, s10, $0xb8;
	[tilespmem:$0x1D800] =	vst v63  }
0x2af: {  	s30 =	simm.s32 $0x880  }
0x2b0: {  	[spmem:s2] =	stream.indirect.scatter.add.f32 [tilespmem:s13], [sflag:$0x3], $0x80, s30, s10, $0xb8;
	[tilespmem:$0x1D800] =	vst v63  }
0x2b1: {  	_ =	swait.ge [sflag:s8], $0x4000  }
0x2b2: {  	[sflag:s8] =	ssyncset.done $0x0  }
0x2b3: {  	[sflag:s8] =	ssyncadd.s32 $0xFFFFC000  }
0x2b4: {  	_ =	swait.ge [sflag:s12], $0x4000  }
0x2b5: {  	[sflag:s12] =	ssyncset.done $0x0  }
0x2b6: {  	s31 =	simm.s32 $0x180;
	[sflag:s12] =	ssyncadd.s32 $0xFFFFC000  }
0x2b7: {  	[tilespmem:s13], [sflag:$0x2] =	stream.indirect.gather [hbm4b:s4+s10], $0x80, s31, s10, $0xb8;
	[tilespmem:$0x1D800] =	vst v63  }
0x2b8: {  	s0 =	simm.s32 $0x900  }
0x2b9: {  	[spmem:s2] =	stream.indirect.scatter.add.f32 [tilespmem:s11], [sflag:$0x3], $0x80, s0, s10, $0xb8;
	[tilespmem:$0x1D800] =	vst v63  }
0x2ba: {  	_ =	swait.ge [sflag:s8], $0x4000  }
0x2bb: {  	[sflag:s8] =	ssyncset.done $0x0  }
0x2bc: {  	[sflag:s8] =	ssyncadd.s32 $0xFFFFC000  }
0x2bd: {  	_ =	swait.ge [sflag:s14], $0x4000  }
0x2be: {  	[sflag:s14] =	ssyncset.done $0x0  }
0x2bf: {  	s1 =	simm.s32 $0x200;
	[sflag:s14] =	ssyncadd.s32 $0xFFFFC000  }
0x2c0: {  	[tilespmem:s11], [sflag:$0x1] =	stream.indirect.gather [hbm4b:s4+s10], $0x80, s1, s10, $0xb8;
	[tilespmem:$0x1D800] =	vst v63  }
0x2c1: {  	s6 =	simm.s32 $0x980  }
0x2c2: {  	[spmem:s2] =	stream.indirect.scatter.add.f32 [tilespmem:s13], [sflag:$0x3], $0x80, s6, s10, $0xb8;
	[tilespmem:$0x1D800] =	vst v63  }
0x2c3: {  	_ =	swait.ge [sflag:s8], $0x4000  }
0x2c4: {  	[sflag:s8] =	ssyncset.done $0x0  }
0x2c5: {  	[sflag:s8] =	ssyncadd.s32 $0xFFFFC000  }
0x2c6: {  	_ =	swait.ge [sflag:s12], $0x4000  }
0x2c7: {  	[sflag:s12] =	ssyncset.done $0x0  }
0x2c8: {  	s24 =	simm.s32 $0x280;
	[sflag:s12] =	ssyncadd.s32 $0xFFFFC000  }
0x2c9: {  	[tilespmem:s13], [sflag:$0x2] =	stream.indirect.gather [hbm4b:s4+s10], $0x80, s24, s10, $0xb8;
	[tilespmem:$0x1D800] =	vst v63  }
0x2ca: {  	s7 =	simm.s32 $0xA00  }
0x2cb: {  	[spmem:s2] =	stream.indirect.scatter.add.f32 [tilespmem:s11], [sflag:$0x3], $0x80, s7, s10, $0xb8;
	[tilespmem:$0x1D800] =	vst v63  }
0x2cc: {  	_ =	swait.ge [sflag:s8], $0x4000  }
0x2cd: {  	[sflag:s8] =	ssyncset.done $0x0  }
0x2ce: {  	[sflag:s8] =	ssyncadd.s32 $0xFFFFC000  }
0x2cf: {  	_ =	swait.ge [sflag:s14], $0x4000  }
0x2d0: {  	[sflag:s14] =	ssyncset.done $0x0  }
0x2d1: {  	s15 =	simm.s32 $0x300;
	[sflag:s14] =	ssyncadd.s32 $0xFFFFC000  }
0x2d2: {  	[tilespmem:s11], [sflag:$0x1] =	stream.indirect.gather [hbm4b:s4+s10], $0x80, s15, s10, $0xb8;
	[tilespmem:$0x1D800] =	vst v63  }
0x2d3: {  	s16 =	simm.s32 $0xA80  }
0x2d4: {  	[spmem:s2] =	stream.indirect.scatter.add.f32 [tilespmem:s13], [sflag:$0x3], $0x80, s16, s10, $0xb8;
	[tilespmem:$0x1D800] =	vst v63  }
0x2d5: {  	_ =	swait.ge [sflag:s8], $0x4000  }
0x2d6: {  	[sflag:s8] =	ssyncset.done $0x0  }
0x2d7: {  	[sflag:s8] =	ssyncadd.s32 $0xFFFFC000  }
0x2d8: {  	_ =	swait.ge [sflag:s12], $0x4000  }
0x2d9: {  	[sflag:s12] =	ssyncset.done $0x0  }
0x2da: {  	s17 =	simm.s32 $0x380;
	[sflag:s12] =	ssyncadd.s32 $0xFFFFC000  }
0x2db: {  	[tilespmem:s13], [sflag:$0x2] =	stream.indirect.gather [hbm4b:s4+s10], $0x80, s17, s10, $0xb8;
	[tilespmem:$0x1D800] =	vst v63  }
0x2dc: {  	s18 =	simm.s32 $0xB00  }
0x2dd: {  	[spmem:s2] =	stream.indirect.scatter.add.f32 [tilespmem:s11], [sflag:$0x3], $0x80, s18, s10, $0xb8;
	[tilespmem:$0x1D800] =	vst v63  }
0x2de: {  	_ =	swait.ge [sflag:s8], $0x4000  }
0x2df: {  	[sflag:s8] =	ssyncset.done $0x0  }
0x2e0: {  	[sflag:s8] =	ssyncadd.s32 $0xFFFFC000  }
0x2e1: {  	_ =	swait.ge [sflag:s14], $0x4000  }
0x2e2: {  	[sflag:s14] =	ssyncset.done $0x0  }
0x2e3: {  	s19 =	simm.s32 $0x400;
	[sflag:s14] =	ssyncadd.s32 $0xFFFFC000  }
0x2e4: {  	[tilespmem:s11], [sflag:$0x1] =	stream.indirect.gather [hbm4b:s4+s10], $0x80, s19, s10, $0xb8;
	[tilespmem:$0x1D800] =	vst v63  }
0x2e5: {  	s20 =	simm.s32 $0xB80  }
0x2e6: {  	[spmem:s2] =	stream.indirect.scatter.add.f32 [tilespmem:s13], [sflag:$0x3], $0x80, s20, s10, $0xb8;
	[tilespmem:$0x1D800] =	vst v63  }
0x2e7: {  	_ =	swait.ge [sflag:s8], $0x4000  }
0x2e8: {  	[sflag:s8] =	ssyncset.done $0x0  }
0x2e9: {  	[sflag:s8] =	ssyncadd.s32 $0xFFFFC000  }
0x2ea: {  	_ =	swait.ge [sflag:s12], $0x4000  }
0x2eb: {  	[sflag:s12] =	ssyncset.done $0x0  }
0x2ec: {  	s21 =	simm.s32 $0x480;
	[sflag:s12] =	ssyncadd.s32 $0xFFFFC000  }
0x2ed: {  	[tilespmem:s13], [sflag:$0x2] =	stream.indirect.gather [hbm4b:s4+s10], $0x80, s21, s10, $0xb8;
	[tilespmem:$0x1D800] =	vst v63  }
0x2ee: {  	s22 =	simm.s32 $0xC00  }
0x2ef: {  	[spmem:s2] =	stream.indirect.scatter.add.f32 [tilespmem:s11], [sflag:$0x3], $0x80, s22, s10, $0xb8;
	[tilespmem:$0x1D800] =	vst v63  }
0x2f0: {  	_ =	swait.ge [sflag:s8], $0x4000  }
0x2f1: {  	[sflag:s8] =	ssyncset.done $0x0  }
0x2f2: {  	[sflag:s8] =	ssyncadd.s32 $0xFFFFC000  }
0x2f3: {  	_ =	swait.ge [sflag:s14], $0x4000  }
0x2f4: {  	[sflag:s14] =	ssyncset.done $0x0  }
0x2f5: {  	s23 =	simm.s32 $0x500;
	[sflag:s14] =	ssyncadd.s32 $0xFFFFC000  }
0x2f6: {  	[tilespmem:s11], [sflag:$0x1] =	stream.indirect.gather [hbm4b:s4+s10], $0x80, s23, s10, $0xb8;
	[tilespmem:$0x1D800] =	vst v63  }
0x2f7: {  	s26 =	simm.s32 $0xC80  }
0x2f8: {  	[spmem:s2] =	stream.indirect.scatter.add.f32 [tilespmem:s13], [sflag:$0x3], $0x80, s26, s10, $0xb8;
	[tilespmem:$0x1D800] =	vst v63  }
0x2f9: {  	_ =	swait.ge [sflag:s8], $0x4000  }
0x2fa: {  	[sflag:s8] =	ssyncset.done $0x0  }
0x2fb: {  	[sflag:s8] =	ssyncadd.s32 $0xFFFFC000  }
0x2fc: {  	_ =	swait.ge [sflag:s12], $0x4000  }
0x2fd: {  	[sflag:s12] =	ssyncset.done $0x0  }
0x2fe: {  	s29 =	simm.s32 $0x580;
	[sflag:s12] =	ssyncadd.s32 $0xFFFFC000  }
0x2ff: {  	[tilespmem:s13], [sflag:$0x2] =	stream.indirect.gather [hbm4b:s4+s10], $0x80, s29, s10, $0xb8;
	[tilespmem:$0x1D800] =	vst v63  }
0x300: {  	s26 =	simm.s32 $0xD00  }
0x301: {  	[spmem:s2] =	stream.indirect.scatter.add.f32 [tilespmem:s11], [sflag:$0x3], $0x80, s26, s10, $0xb8;
	[tilespmem:$0x1D800] =	vst v63  }
0x302: {  	_ =	swait.ge [sflag:s8], $0x4000  }
0x303: {  	[sflag:s8] =	ssyncset.done $0x0  }
0x304: {  	[sflag:s8] =	ssyncadd.s32 $0xFFFFC000  }
0x305: {  	_ =	swait.ge [sflag:s14], $0x4000  }
0x306: {  	[sflag:s14] =	ssyncset.done $0x0  }
0x307: {  	s29 =	simm.s32 $0x600;
	[sflag:s14] =	ssyncadd.s32 $0xFFFFC000  }
0x308: {  	[tilespmem:s11], [sflag:$0x1] =	stream.indirect.gather [hbm4b:s4+s10], $0x80, s29, s10, $0xb8;
	[tilespmem:$0x1D800] =	vst v63  }
0x309: {  	s26 =	simm.s32 $0xD80  }
0x30a: {  	[spmem:s2] =	stream.indirect.scatter.add.f32 [tilespmem:s13], [sflag:$0x3], $0x80, s26, s10, $0xb8;
	[tilespmem:$0x1D800] =	vst v63  }
0x30b: {  	_ =	swait.ge [sflag:s8], $0x4000  }
0x30c: {  	[sflag:s8] =	ssyncset.done $0x0  }
0x30d: {  	[sflag:s8] =	ssyncadd.s32 $0xFFFFC000  }
0x30e: {  	_ =	swait.ge [sflag:s12], $0x4000  }
0x30f: {  	[sflag:s12] =	ssyncset.done $0x0  }
0x310: {  	s29 =	simm.s32 $0x680;
	[sflag:s12] =	ssyncadd.s32 $0xFFFFC000  }
0x311: {  	[tilespmem:s13], [sflag:$0x2] =	stream.indirect.gather [hbm4b:s4+s10], $0x80, s29, s10, $0xb8;
	[tilespmem:$0x1D800] =	vst v63  }
0x312: {  	s26 =	simm.s32 $0xE00  }
0x313: {  	[spmem:s2] =	stream.indirect.scatter.add.f32 [tilespmem:s11], [sflag:$0x3], $0x80, s26, s10, $0xb8;
	[tilespmem:$0x1D800] =	vst v63  }
0x314: {  	_ =	swait.ge [sflag:s8], $0x4000  }
0x315: {  	[sflag:s8] =	ssyncset.done $0x0  }
0x316: {  	[sflag:s8] =	ssyncadd.s32 $0xFFFFC000  }
0x317: {  	_ =	swait.ge [sflag:s14], $0x4000  }
0x318: {  	[sflag:s14] =	ssyncset.done $0x0  }
0x319: {  	s29 =	simm.s32 $0x700;
	[sflag:s14] =	ssyncadd.s32 $0xFFFFC000  }
0x31a: {  	[tilespmem:s11], [sflag:$0x1] =	stream.indirect.gather [hbm4b:s4+s10], $0x80, s29, s10, $0xb8;
	[tilespmem:$0x1D800] =	vst v63  }
0x31b: {  	s26 =	simm.s32 $0xE80  }
0x31c: {  	[spmem:s2] =	stream.indirect.scatter.add.f32 [tilespmem:s13], [sflag:$0x3], $0x80, s26, s10, $0xb8;
	[tilespmem:$0x1D800] =	vst v63  }
0x31d: {  	_ =	swait.ge [sflag:s8], $0x4000  }
0x31e: {  	[sflag:s8] =	ssyncset.done $0x0  }
0x31f: {  	[sflag:s8] =	ssyncadd.s32 $0xFFFFC000  }
0x320: {  	_ =	swait.ge [sflag:s12], $0x4000  }
0x321: {  	[sflag:s12] =	ssyncset.done $0x0  }
0x322: {  	s29 =	simm.s32 $0x780;
	[sflag:s12] =	ssyncadd.s32 $0xFFFFC000  }
0x323: {  	[tilespmem:s13], [sflag:$0x2] =	stream.indirect.gather [hbm4b:s4+s10], $0x80, s29, s10, $0xb8;
	[tilespmem:$0x1D800] =	vst v63  }
0x324: {  	s26 =	simm.s32 $0xF00  }
0x325: {  	[spmem:s2] =	stream.indirect.scatter.add.f32 [tilespmem:s11], [sflag:$0x3], $0x80, s26, s10, $0xb8;
	[tilespmem:$0x1D800] =	vst v63  }
0x326: {  	_ =	swait.ge [sflag:s8], $0x4000  }
0x327: {  	[sflag:s8] =	ssyncset.done $0x0  }
0x328: {  	[sflag:s8] =	ssyncadd.s32 $0xFFFFC000  }
0x329: {  	_ =	swait.ge [sflag:s14], $0x4000  }
0x32a: {  	[sflag:s14] =	ssyncset.done $0x0  }
0x32b: {  	s29 =	simm.s32 $0xF80;
	[sflag:s14] =	ssyncadd.s32 $0xFFFFC000  }
0x32c: {  	[spmem:s2] =	stream.indirect.scatter.add.f32 [tilespmem:s13], [sflag:$0x3], $0x80, s29, s10, $0xb8;
	[tilespmem:$0x1D800] =	vst v63  }
0x32d: {  	s25 =	simm.s32 $0x100;
	_ =	swait.ge [sflag:s8], $0x4000  }
0x32e: {  	s26 =	simm.s32 $0x200;
	s28 =	rddreg [dreg:$0x4];
	[sflag:s8] =	ssyncset.done $0x0  }
.LBB2_7:
0x32f: {  	[sflag:s8] =	ssyncadd.s32 $0xFFFFC000;
	s28 =	sadd.s32 s25, s28  }
0x330: {  	[tilespmem:s3], [sflag:$0x3] =	stream.linear.gather [hbm4b:s28+s3], $0x800, $0x38;
	[tilespmem:$0x1D800] =	vst v63  }
0x331: {  	_ =	swait.ge [sflag:s8], $0x800  }
0x332: {  	s28 =	rddreg [dreg:$0x3];
	[sflag:s8] =	ssyncset.done $0x0  }
0x333: {  	[sflag:s8] =	ssyncadd.s32 $0xFFFFF800;
	s28 =	sadd.s32 s25, s28  }
0x334: {  	[tilespmem:s9], [sflag:$0x3] =	stream.linear.gather [hbm4b:s28+s3], $0x800, $0x38;
	[tilespmem:$0x1D800] =	vst v63  }
0x335: {  	_ =	swait.ge [sflag:s8], $0x800  }
0x336: {  	[sflag:s8] =	ssyncset.done $0x0  }
0x337: {  	[sflag:s8] =	ssyncadd.s32 $0xFFFFF800  }
0x338: {  	[tilespmem:s11], [sflag:$0x1] =	stream.indirect.gather [hbm4b:s4+s10], $0x80, s3, s10, $0xb8;
	[tilespmem:$0x1D800] =	vst v63  }
0x339: {  	_ =	swait.ge [sflag:s12], $0x4000  }
0x33a: {  	[sflag:s12] =	ssyncset.done $0x0  }
0x33b: {  	[sflag:s12] =	ssyncadd.s32 $0xFFFFC000  }
0x33c: {  	[tilespmem:s13], [sflag:$0x2] =	stream.indirect.gather [hbm4b:s4+s10], $0x80, s10, s10, $0xb8;
	[tilespmem:$0x1D800] =	vst v63  }
0x33d: {  	_ = 	snop  }
0x33e: {  	[spmem:s2] =	stream.indirect.scatter.add.f32 [tilespmem:s11], [sflag:$0x3], $0x80, s9, s10, $0xb8;
	[tilespmem:$0x1D800] =	vst v63  }
0x33f: {  	_ =	swait.ge [sflag:s8], $0x4000  }
0x340: {  	[sflag:s8] =	ssyncset.done $0x0  }
0x341: {  	[sflag:s8] =	ssyncadd.s32 $0xFFFFC000  }
0x342: {  	_ =	swait.ge [sflag:s14], $0x4000  }
0x343: {  	s29 =	smov.u32 s26;
	[sflag:s14] =	ssyncset.done $0x0  }
0x344: {  	s25 =	smov.u32 s29;
	s29 =	simm.s32 $0x100;
	[sflag:s14] =	ssyncadd.s32 $0xFFFFC000  }
0x345: {  	[tilespmem:s11], [sflag:$0x1] =	stream.indirect.gather [hbm4b:s4+s10], $0x80, s29, s10, $0xb8;
	[tilespmem:$0x1D800] =	vst v63  }
0x346: {  	_ = 	snop  }
0x347: {  	[spmem:s2] =	stream.indirect.scatter.add.f32 [tilespmem:s13], [sflag:$0x3], $0x80, s30, s10, $0xb8;
	[tilespmem:$0x1D800] =	vst v63  }
0x348: {  	_ =	swait.ge [sflag:s8], $0x4000  }
0x349: {  	[sflag:s8] =	ssyncset.done $0x0  }
0x34a: {  	[sflag:s8] =	ssyncadd.s32 $0xFFFFC000  }
0x34b: {  	_ =	swait.ge [sflag:s12], $0x4000  }
0x34c: {  	[sflag:s12] =	ssyncset.done $0x0  }
0x34d: {  	[sflag:s12] =	ssyncadd.s32 $0xFFFFC000  }
0x34e: {  	[tilespmem:s13], [sflag:$0x2] =	stream.indirect.gather [hbm4b:s4+s10], $0x80, s31, s10, $0xb8;
	[tilespmem:$0x1D800] =	vst v63  }
0x34f: {  	_ = 	snop  }
0x350: {  	[spmem:s2] =	stream.indirect.scatter.add.f32 [tilespmem:s11], [sflag:$0x3], $0x80, s0, s10, $0xb8;
	[tilespmem:$0x1D800] =	vst v63  }
0x351: {  	_ =	swait.ge [sflag:s8], $0x4000  }
0x352: {  	[sflag:s8] =	ssyncset.done $0x0  }
0x353: {  	[sflag:s8] =	ssyncadd.s32 $0xFFFFC000  }
0x354: {  	_ =	swait.ge [sflag:s14], $0x4000  }
0x355: {  	[sflag:s14] =	ssyncset.done $0x0  }
0x356: {  	[sflag:s14] =	ssyncadd.s32 $0xFFFFC000  }
0x357: {  	[tilespmem:s11], [sflag:$0x1] =	stream.indirect.gather [hbm4b:s4+s10], $0x80, s1, s10, $0xb8;
	[tilespmem:$0x1D800] =	vst v63  }
0x358: {  	_ = 	snop  }
0x359: {  	[spmem:s2] =	stream.indirect.scatter.add.f32 [tilespmem:s13], [sflag:$0x3], $0x80, s6, s10, $0xb8;
	[tilespmem:$0x1D800] =	vst v63  }
0x35a: {  	_ =	swait.ge [sflag:s8], $0x4000  }
0x35b: {  	[sflag:s8] =	ssyncset.done $0x0  }
0x35c: {  	[sflag:s8] =	ssyncadd.s32 $0xFFFFC000  }
0x35d: {  	_ =	swait.ge [sflag:s12], $0x4000  }
0x35e: {  	[sflag:s12] =	ssyncset.done $0x0  }
0x35f: {  	[sflag:s12] =	ssyncadd.s32 $0xFFFFC000  }
0x360: {  	[tilespmem:s13], [sflag:$0x2] =	stream.indirect.gather [hbm4b:s4+s10], $0x80, s24, s10, $0xb8;
	[tilespmem:$0x1D800] =	vst v63  }
0x361: {  	_ = 	snop  }
0x362: {  	[spmem:s2] =	stream.indirect.scatter.add.f32 [tilespmem:s11], [sflag:$0x3], $0x80, s7, s10, $0xb8;
	[tilespmem:$0x1D800] =	vst v63  }
0x363: {  	_ =	swait.ge [sflag:s8], $0x4000  }
0x364: {  	[sflag:s8] =	ssyncset.done $0x0  }
0x365: {  	[sflag:s8] =	ssyncadd.s32 $0xFFFFC000  }
0x366: {  	_ =	swait.ge [sflag:s14], $0x4000  }
0x367: {  	[sflag:s14] =	ssyncset.done $0x0  }
0x368: {  	[sflag:s14] =	ssyncadd.s32 $0xFFFFC000  }
0x369: {  	[tilespmem:s11], [sflag:$0x1] =	stream.indirect.gather [hbm4b:s4+s10], $0x80, s15, s10, $0xb8;
	[tilespmem:$0x1D800] =	vst v63  }
0x36a: {  	_ = 	snop  }
0x36b: {  	[spmem:s2] =	stream.indirect.scatter.add.f32 [tilespmem:s13], [sflag:$0x3], $0x80, s16, s10, $0xb8;
	[tilespmem:$0x1D800] =	vst v63  }
0x36c: {  	_ =	swait.ge [sflag:s8], $0x4000  }
0x36d: {  	[sflag:s8] =	ssyncset.done $0x0  }
0x36e: {  	[sflag:s8] =	ssyncadd.s32 $0xFFFFC000  }
0x36f: {  	_ =	swait.ge [sflag:s12], $0x4000  }
0x370: {  	[sflag:s12] =	ssyncset.done $0x0  }
0x371: {  	[sflag:s12] =	ssyncadd.s32 $0xFFFFC000  }
0x372: {  	[tilespmem:s13], [sflag:$0x2] =	stream.indirect.gather [hbm4b:s4+s10], $0x80, s17, s10, $0xb8;
	[tilespmem:$0x1D800] =	vst v63  }
0x373: {  	_ = 	snop  }
0x374: {  	[spmem:s2] =	stream.indirect.scatter.add.f32 [tilespmem:s11], [sflag:$0x3], $0x80, s18, s10, $0xb8;
	[tilespmem:$0x1D800] =	vst v63  }
0x375: {  	_ =	swait.ge [sflag:s8], $0x4000  }
0x376: {  	[sflag:s8] =	ssyncset.done $0x0  }
0x377: {  	[sflag:s8] =	ssyncadd.s32 $0xFFFFC000  }
0x378: {  	_ =	swait.ge [sflag:s14], $0x4000  }
0x379: {  	[sflag:s14] =	ssyncset.done $0x0  }
0x37a: {  	[sflag:s14] =	ssyncadd.s32 $0xFFFFC000  }
0x37b: {  	[tilespmem:s11], [sflag:$0x1] =	stream.indirect.gather [hbm4b:s4+s10], $0x80, s19, s10, $0xb8;
	[tilespmem:$0x1D800] =	vst v63  }
0x37c: {  	_ = 	snop  }
0x37d: {  	[spmem:s2] =	stream.indirect.scatter.add.f32 [tilespmem:s13], [sflag:$0x3], $0x80, s20, s10, $0xb8;
	[tilespmem:$0x1D800] =	vst v63  }
0x37e: {  	_ =	swait.ge [sflag:s8], $0x4000  }
0x37f: {  	[sflag:s8] =	ssyncset.done $0x0  }
0x380: {  	[sflag:s8] =	ssyncadd.s32 $0xFFFFC000  }
0x381: {  	_ =	swait.ge [sflag:s12], $0x4000  }
0x382: {  	[sflag:s12] =	ssyncset.done $0x0  }
0x383: {  	[sflag:s12] =	ssyncadd.s32 $0xFFFFC000  }
0x384: {  	[tilespmem:s13], [sflag:$0x2] =	stream.indirect.gather [hbm4b:s4+s10], $0x80, s21, s10, $0xb8;
	[tilespmem:$0x1D800] =	vst v63  }
0x385: {  	_ = 	snop  }
0x386: {  	[spmem:s2] =	stream.indirect.scatter.add.f32 [tilespmem:s11], [sflag:$0x3], $0x80, s22, s10, $0xb8;
	[tilespmem:$0x1D800] =	vst v63  }
0x387: {  	_ =	swait.ge [sflag:s8], $0x4000  }
0x388: {  	[sflag:s8] =	ssyncset.done $0x0  }
0x389: {  	[sflag:s8] =	ssyncadd.s32 $0xFFFFC000  }
0x38a: {  	_ =	swait.ge [sflag:s14], $0x4000  }
0x38b: {  	[sflag:s14] =	ssyncset.done $0x0  }
0x38c: {  	[sflag:s14] =	ssyncadd.s32 $0xFFFFC000  }
0x38d: {  	[tilespmem:s11], [sflag:$0x1] =	stream.indirect.gather [hbm4b:s4+s10], $0x80, s23, s10, $0xb8;
	[tilespmem:$0x1D800] =	vst v63  }
0x38e: {  	s28 =	simm.s32 $0xC80  }
0x38f: {  	[spmem:s2] =	stream.indirect.scatter.add.f32 [tilespmem:s13], [sflag:$0x3], $0x80, s28, s10, $0xb8;
	[tilespmem:$0x1D800] =	vst v63  }
0x390: {  	_ =	swait.ge [sflag:s8], $0x4000  }
0x391: {  	[sflag:s8] =	ssyncset.done $0x0  }
0x392: {  	[sflag:s8] =	ssyncadd.s32 $0xFFFFC000  }
0x393: {  	_ =	swait.ge [sflag:s12], $0x4000  }
0x394: {  	[sflag:s12] =	ssyncset.done $0x0  }
0x395: {  	s28 =	simm.s32 $0x580;
	[sflag:s12] =	ssyncadd.s32 $0xFFFFC000  }
0x396: {  	[tilespmem:s13], [sflag:$0x2] =	stream.indirect.gather [hbm4b:s4+s10], $0x80, s28, s10, $0xb8;
	[tilespmem:$0x1D800] =	vst v63  }
0x397: {  	s28 =	simm.s32 $0xD00  }
0x398: {  	[spmem:s2] =	stream.indirect.scatter.add.f32 [tilespmem:s11], [sflag:$0x3], $0x80, s28, s10, $0xb8;
	[tilespmem:$0x1D800] =	vst v63  }
0x399: {  	_ =	swait.ge [sflag:s8], $0x4000  }
0x39a: {  	[sflag:s8] =	ssyncset.done $0x0  }
0x39b: {  	[sflag:s8] =	ssyncadd.s32 $0xFFFFC000  }
0x39c: {  	_ =	swait.ge [sflag:s14], $0x4000  }
0x39d: {  	[sflag:s14] =	ssyncset.done $0x0  }
0x39e: {  	s28 =	simm.s32 $0x600;
	[sflag:s14] =	ssyncadd.s32 $0xFFFFC000  }
0x39f: {  	[tilespmem:s11], [sflag:$0x1] =	stream.indirect.gather [hbm4b:s4+s10], $0x80, s28, s10, $0xb8;
	[tilespmem:$0x1D800] =	vst v63  }
0x3a0: {  	s28 =	simm.s32 $0xD80  }
0x3a1: {  	[spmem:s2] =	stream.indirect.scatter.add.f32 [tilespmem:s13], [sflag:$0x3], $0x80, s28, s10, $0xb8;
	[tilespmem:$0x1D800] =	vst v63  }
0x3a2: {  	_ =	swait.ge [sflag:s8], $0x4000  }
0x3a3: {  	[sflag:s8] =	ssyncset.done $0x0  }
0x3a4: {  	[sflag:s8] =	ssyncadd.s32 $0xFFFFC000  }
0x3a5: {  	_ =	swait.ge [sflag:s12], $0x4000  }
0x3a6: {  	[sflag:s12] =	ssyncset.done $0x0  }
0x3a7: {  	s28 =	simm.s32 $0x680;
	[sflag:s12] =	ssyncadd.s32 $0xFFFFC000  }
0x3a8: {  	[tilespmem:s13], [sflag:$0x2] =	stream.indirect.gather [hbm4b:s4+s10], $0x80, s28, s10, $0xb8;
	[tilespmem:$0x1D800] =	vst v63  }
0x3a9: {  	s28 =	simm.s32 $0xE00  }
0x3aa: {  	[spmem:s2] =	stream.indirect.scatter.add.f32 [tilespmem:s11], [sflag:$0x3], $0x80, s28, s10, $0xb8;
	[tilespmem:$0x1D800] =	vst v63  }
0x3ab: {  	_ =	swait.ge [sflag:s8], $0x4000  }
0x3ac: {  	[sflag:s8] =	ssyncset.done $0x0  }
0x3ad: {  	[sflag:s8] =	ssyncadd.s32 $0xFFFFC000  }
0x3ae: {  	_ =	swait.ge [sflag:s14], $0x4000  }
0x3af: {  	[sflag:s14] =	ssyncset.done $0x0  }
0x3b0: {  	s28 =	simm.s32 $0x700;
	[sflag:s14] =	ssyncadd.s32 $0xFFFFC000  }
0x3b1: {  	[tilespmem:s11], [sflag:$0x1] =	stream.indirect.gather [hbm4b:s4+s10], $0x80, s28, s10, $0xb8;
	[tilespmem:$0x1D800] =	vst v63  }
0x3b2: {  	s28 =	simm.s32 $0xE80  }
0x3b3: {  	[spmem:s2] =	stream.indirect.scatter.add.f32 [tilespmem:s13], [sflag:$0x3], $0x80, s28, s10, $0xb8;
	[tilespmem:$0x1D800] =	vst v63  }
0x3b4: {  	_ =	swait.ge [sflag:s8], $0x4000  }
0x3b5: {  	[sflag:s8] =	ssyncset.done $0x0  }
0x3b6: {  	[sflag:s8] =	ssyncadd.s32 $0xFFFFC000  }
0x3b7: {  	_ =	swait.ge [sflag:s12], $0x4000  }
0x3b8: {  	[sflag:s12] =	ssyncset.done $0x0  }
0x3b9: {  	s28 =	simm.s32 $0x780;
	[sflag:s12] =	ssyncadd.s32 $0xFFFFC000  }
0x3ba: {  	[tilespmem:s13], [sflag:$0x2] =	stream.indirect.gather [hbm4b:s4+s10], $0x80, s28, s10, $0xb8;
	[tilespmem:$0x1D800] =	vst v63  }
0x3bb: {  	s28 =	simm.s32 $0xF00  }
0x3bc: {  	[spmem:s2] =	stream.indirect.scatter.add.f32 [tilespmem:s11], [sflag:$0x3], $0x80, s28, s10, $0xb8;
	[tilespmem:$0x1D800] =	vst v63  }
0x3bd: {  	_ =	swait.ge [sflag:s8], $0x4000  }
0x3be: {  	[sflag:s8] =	ssyncset.done $0x0  }
0x3bf: {  	[sflag:s8] =	ssyncadd.s32 $0xFFFFC000  }
0x3c0: {  	p1 =	seq.s32 s26, $0x400;
	_ =	swait.ge [sflag:s14], $0x4000  }
.Ltmp7:
0x3c1: {  	[sflag:s14] =	ssyncset.done $0x0;
	(pc) =	sbr.rel @!p1 .LBB2_7-.Ltmp7, $4  }
0x3c2: {  	s28 =	simm.s32 $0xF80;
	[sflag:s14] =	ssyncadd.s32 $0xFFFFC000  }
0x3c3: {  	[spmem:s2] =	stream.indirect.scatter.add.f32 [tilespmem:s13], [sflag:$0x3], $0x80, s28, s10, $0xb8;
	[tilespmem:$0x1D800] =	vst v63  }
0x3c4: {  	_ =	swait.ge [sflag:s8], $0x4000  }
0x3c5: {  	s26 =	sadd.s32 $0x100, s26;
	s28 =	rddreg [dreg:$0x4];
	[sflag:s8] =	ssyncset.done $0x0  }
.Ltmp8:
0x3c6: {  	_ = 	snop;
	(pc) =	sbr.rel .LBB2_8-.Ltmp8, $1  }
0x3c7: {  	_ =	sdelay $0x3  }
.LBB2_13:
0x3c8: {  	_ =	sfence.sel $0x180000  }
0x3c9: {  	[bflag:$0x0] =	sbarrier.arrive $0xFFFF  }
0x3ca: {  	_ =	strace $0x9000004A  }
0x3cb: {  	s0 =	stileid.u32;
	[bflag:$0x2] =	sbarrier.arrive $0xFFFF  }
0x3cc: {  	p0 =	sne.s32 s0, $0x0;
	s0 =	rddreg [dreg:$0x2]  }
0x3cd: {  	s0 =	sadd.s32 @!p0 $0x100000, s0  }
0x3ce: {  	[sflag:s0] =	ssyncadd.tile.s32 @!p0 $0x1;
	_ =	shalt  }
.Lfunc_end2:
_tile_overlayer_lowered:
.L_overlay_start_2:
0x3cf: {  	(tag) =	ssettag $0x2  }
0x3d0: {  	s0 =	rddreg [dreg:$0x0];
	s2 =	stileid.u32  }
0x3d1: {  	s1 =	rddreg [dreg:$0x1];
	p0 =	sne.s32 s2, $0x0  }
0x3d2: {  	s3 =	rddreg [dreg:$0x2];
	[bflag:$0x3] =	sbarrier.arrive $0xFFFF;
	s2 =	simm.s32 @!p0 $0x1C03  }
0x3d3: {  	[timem:s3], [sflag:s2] =	dma.local @!p0 [hbm:s0], s1  }
0x3d4: {  	s0 =	simm.s32 @!p0 $0x3  }
0x3d5: {  	_ =	swait.ge @!p0 [sflag:s0], s1  }
0x3d6: {  	s1 =	ssub.s32 @!p0 $0x0, s1;
	[sflag:s0] =	ssyncset.done @!p0 $0x0  }
0x3d7: {  	[sflag:s0] =	ssyncadd.s32 @!p0 s1  }
0x3d8: {  	[bflag:$0x3] =	sbarrier.arrive $0xFFFF  }
0x3d9: {  	_ =	shalt  }

// kernel: kernel.14.cloned.1.call-start
scs
__scs_entry_jumppad:
0x0: {  	(pc) =	sbr.rel $0x88, $3  }
0x1: {  	(tag) =	ssettag $0x0;
	lr =	simm.s32 $0x1  }
0x2: {  	[smem:$0x3F99] =	sst lr;
	_ =	strace $0xD0000000  }
0x3: {  	_ = 	snop  }
0x4: {  	_ = 	snop  }
0x5: {  	_ = 	snop  }
0x6: {  	_ = 	snop  }
0x7: {  	_ = 	snop  }
__scs_overlays_trampoline_lowered:
0x8: {  	[smem:$0x3FA8] =	sst s0  }
0x9: {  	[smem:$0x3FA9] =	sst s1  }
0xa: {  	[smem:$0x3FAA] =	sst s2  }
0xb: {  	[smem:$0x3FAB] =	sst s3  }
0xc: {  	[smem:$0x3FAC] =	sst s4  }
0xd: {  	[smem:$0x3FAD] =	sst s5  }
0xe: {  	[smem:$0x3FAE] =	sst s6  }
0xf: {  	[smem:$0x3FAF] =	sst s7  }
0x10: {  	[smem:$0x3FB0] =	sst s8  }
0x11: {  	[smem:$0x3FB1] =	sst s9;
	s0 =	simm.s32 @!p0 $0x0  }
0x12: {  	s1 =	sld [smem:$0x3F97];
	s0 =	simm.s32 @p0 $0x1  }
0x13: {  	[smem:$0x3FB2] =	sst s0;
	s0 =	simm.s32 @!p1 $0x0  }
0x14: {  	s2 =	sld [smem:$0x3F96];
	s0 =	simm.s32 @p1 $0x1  }
0x15: {  	[smem:$0x3FB3] =	sst s0;
	s0 =	simm.s32 @!p2 $0x0  }
0x16: {  	s3 =	sld [smem:$0x3FDB];
	s0 =	simm.s32 @p2 $0x1  }
0x17: {  	s4 =	simm.s32 $0x1BF5;
	[smem:$0x3FB5] =	sst s0  }
0x18: {  	s0 =	sld [smem:$0x3F98];
	_ =	swait.ge [sflag:s4], $0x0  }
0x19: {  	s7 =	sld [smem:$0x3F99]  }
0x1a: {  	s8 =	sadd.s32 $0xFFFFE003, lr  }
0x1b: {  	s9 =	sadd.s32 $0xFFFFFEF7, lr;
	s5 =	simm.s32 $0xFFFFFFFF;
	p2 =	slt.u32 s8, $0xFFFFF086  }
0x1c: {  	p1 =	slt.u32 s9, $0xF7A;
	s5 =	simm.s32 @!p2 $0x0  }
0x1d: {  	s5 =	simm.s32 @p1 $0x1;
	p0 =	seq.s32 s7, s2  }
0x1e: {  	s7 =	smul.u32 @!p0 $0xF7A, s2;
	p2 =	seq.s32 @!p0 s5, $0x0  }
0x1f: {  	s9 =	smul.u32 $0xF7A, s1;
	s8 =	simm.s32 @!p0 $0x1BF5;
	p2 =	por !p2, p0  }
0x20: {  	[sflag:s8] =	ssyncset.s32 @!p0 $0xFFFFF086;
	s6 =	sadd.s32 @!p0 s3, s7;
	s7 =	simm.s32 @!p0 $0x108  }
0x21: {  	s3 =	sadd.s32 s3, s9;
	s6 =	sadd.s32 @!p0 $0x88, s6;
	s7 =	simm.s32 @p2 $0x1082  }
0x22: {  	[simem:s7], [sflag:s8] =	dma.local @!p0 [hbm:s6], $0xF7A  }
0x23: {  	s9 =	sor.u32 $0xD0000000, s2;
	s6 =	simm.s32 $0x108;
	_ =	swait.ge @!p0 [sflag:s8], $0x0  }
0x24: {  	s3 =	sadd.s32 $0x88, s3;
	s6 =	simm.s32 @!p1 $0x1082;
	[sflag:s4] =	ssyncset.s32 $0xFFFFF086  }
0x25: {  	[simem:s6], [sflag:s4] =	dma.local [hbm:s3], $0xF7A  }
0x26: {  	[smem:$0x3F99] =	sst s1;
	(tag) =	ssettag s2;
	_ =	strace s9  }
0x27: {  	s1 =	sld [smem:$0x3FA9]  }
0x28: {  	s2 =	sld [smem:$0x3FAA]  }
0x29: {  	s4 =	sld [smem:$0x3FAC]  }
0x2a: {  	p0 =	seq.s32 s5, $0x0;
	s5 =	sld [smem:$0x3FAD]  }
0x2b: {  	s6 =	sld [smem:$0x3FAE]  }
0x2c: {  	s7 =	sld [smem:$0x3FAF]  }
0x2d: {  	s3 =	simm.s32 $0x108;
	s8 =	sld [smem:$0x3FB0]  }
0x2e: {  	s3 =	simm.s32 @!p0 $0x1082;
	s9 =	sld [smem:$0x3FB1]  }
0x2f: {  	lr =	sadd.s32 s0, s3;
	s0 =	sld [smem:$0x3FA8]  }
0x30: {  	s3 =	sld [smem:$0x3FAB]  }
0x31: {  	[smem:$0x3FB4] =	sst s10  }
0x32: {  	s10 =	sld [smem:$0x3FB2];
	_ =	sdelay $0x3  }
0x33: {  	p0 =	seq.s32 s10, $0x1;
	s10 =	sld [smem:$0x3FB4];
	_ =	sdelay $0x3  }
0x34: {  	[smem:$0x3FB4] =	sst s10  }
0x35: {  	s10 =	sld [smem:$0x3FB3];
	_ =	sdelay $0x3  }
0x36: {  	p1 =	seq.s32 s10, $0x1;
	s10 =	sld [smem:$0x3FB4];
	_ =	sdelay $0x3  }
0x37: {  	[smem:$0x3FB4] =	sst s10  }
0x38: {  	s10 =	sld [smem:$0x3FB5]  }
0x39: {  	_ = 	snop;
	(pc) =	sbr.ind lr, $3  }
0x3a: {  	_ = 	snop  }
0x3b: {  	_ = 	snop  }
0x3c: {  	p2 =	seq.s32 s10, $0x1;
	s10 =	sld [smem:$0x3FB4]  }
0x3d: {  	_ =	shalt  }
0x3e: {  	_ =	shalt  }
0x3f: {  	_ =	shalt  }
0x40: {  	_ =	shalt  }
0x41: {  	_ =	shalt  }
0x42: {  	_ =	shalt  }
0x43: {  	_ =	shalt  }
0x44: {  	_ =	shalt  }
0x45: {  	_ =	shalt  }
0x46: {  	_ =	shalt  }
0x47: {  	_ =	shalt  }
0x48: {  	_ =	shalt  }
0x49: {  	_ =	shalt  }
0x4a: {  	_ =	shalt  }
0x4b: {  	_ =	shalt  }
0x4c: {  	_ =	shalt  }
0x4d: {  	_ =	shalt  }
0x4e: {  	_ =	shalt  }
0x4f: {  	_ =	shalt  }
0x50: {  	_ =	shalt  }
0x51: {  	_ =	shalt  }
0x52: {  	_ =	shalt  }
0x53: {  	_ =	shalt  }
0x54: {  	_ =	shalt  }
0x55: {  	_ =	shalt  }
0x56: {  	_ =	shalt  }
0x57: {  	_ =	shalt  }
0x58: {  	_ =	shalt  }
0x59: {  	_ =	shalt  }
0x5a: {  	_ =	shalt  }
0x5b: {  	_ =	shalt  }
0x5c: {  	_ =	shalt  }
0x5d: {  	_ =	shalt  }
0x5e: {  	_ =	shalt  }
0x5f: {  	_ =	shalt  }
0x60: {  	_ =	shalt  }
0x61: {  	_ =	shalt  }
0x62: {  	_ =	shalt  }
0x63: {  	_ =	shalt  }
0x64: {  	_ =	shalt  }
0x65: {  	_ =	shalt  }
0x66: {  	_ =	shalt  }
0x67: {  	_ =	shalt  }
0x68: {  	_ =	shalt  }
0x69: {  	_ =	shalt  }
0x6a: {  	_ =	shalt  }
0x6b: {  	_ =	shalt  }
0x6c: {  	_ =	shalt  }
0x6d: {  	_ =	shalt  }
0x6e: {  	_ =	shalt  }
0x6f: {  	_ =	shalt  }
0x70: {  	_ =	shalt  }
0x71: {  	_ =	shalt  }
0x72: {  	_ =	shalt  }
0x73: {  	_ =	shalt  }
0x74: {  	_ =	shalt  }
0x75: {  	_ =	shalt  }
0x76: {  	_ =	shalt  }
0x77: {  	_ =	shalt  }
0x78: {  	_ =	shalt  }
0x79: {  	_ =	shalt  }
0x7a: {  	_ =	shalt  }
0x7b: {  	_ =	shalt  }
0x7c: {  	_ =	shalt  }
0x7d: {  	_ =	shalt  }
0x7e: {  	_ =	shalt  }
0x7f: {  	_ =	shalt  }
0x80: {  	_ =	shalt  }
0x81: {  	_ =	shalt  }
0x82: {  	_ =	shalt  }
0x83: {  	_ =	shalt  }
0x84: {  	_ =	shalt  }
0x85: {  	_ =	shalt  }
0x86: {  	_ =	shalt  }
0x87: {  	_ =	shalt  }
.Lfunc_end0:
.L_simem_size_0:
called_computation.2_lowered:
.L_overlay_start_0:
0x88: {  	s2 =	sld [smem:$0x3FD9]  }
0x89: {  	s3 =	sld [smem:$0x3FFE];
	_ =	sdelay $0x1  }
0x8a: {  	s1 =	srdreg.scid  }
0x8b: {  	s0 =	sand.u32 $0x1, s1  }
0x8c: {  	s16 =	sshll.u32 s0, $0xA;
	s2 =	sadd.s32 s3, s2  }
0x8d: {  	s2 =	sadd.s32 s2, s16  }
0x8e: {  	[smem:$0x3FC0] =	sst s2  }
0x8f: {  	_ = 	snop  }
0x90: {  	(tm) =	ssettm $0x1  }
0x91: {  	s17 =	sld [smem:$0x3FFB];
	_ =	sdelay $0x3  }
0x92: {  	_ =	strace s17  }
0x93: {  	s2 =	sld [smem:$0x3FFC];
	_ =	sdelay $0x3  }
0x94: {  	_ =	strace s2  }
0x95: {  	s2 =	sld [smem:$0x3FFD];
	_ =	sdelay $0x3  }
0x96: {  	_ =	strace s2  }
0x97: {  	_ =	strace $0x8FFFFFFF  }
0x98: {  	s18 =	sld [smem:$0x3FDB];
	_ =	sdelay $0x1  }
0x99: {  	s19 =	simm.s32 $_scs_section_size  }
0x9a: {  	s4 =	simm.s32 $_size__tile_overlayer_lowered;
	s5 =	simm.s32 $_tile_overlayer_lowered  }
0x9b: {  	s22 =	simm.s32 $0x1BFF;
	s21 =	sshll.u32 s5, $0x1;
	s2 =	sadd.s32 s19, s18  }
0x9c: {  	s6 =	simm.s32 $0x0;
	s20 =	sshll.u32 s4, $0x1;
	s4 =	sadd.s32 s21, s2  }
0x9d: {  	[timem:s6], [sflag:s22] =	dma.local [hbm:s4], s20  }
0x9e: {  	_ =	swait.ge [sflag:s22], s20  }
0x9f: {  	s3 =	ssub.s32 $0x0, s20;
	[sflag:s22] =	ssyncset.done $0x0  }
0xa0: {  	[sflag:s22] =	ssyncadd.s32 s3;
	_ =	sdelay $0x1  }
0xa1: {  	s23 =	simm.s32 $0x1B8B  }
0xa2: {  	_ =	swait.ge [sflag:s23], $0x1  }
0xa3: {  	[sflag:s23] =	ssyncset.done $0x0  }
0xa4: {  	s25 =	simm.s32 $0x1B8E;
	s24 =	sld [smem:$0x3FFE];
	[sflag:s23] =	ssyncadd.s32 $0xFFFFFFFF  }
0xa5: {  	s26 =	simm.s32 $execute0_lowered;
	[smem:$0x3FD2] =	sst s25  }
0xa6: {  	s4 =	sshll.u32 s26, $0x1;
	_ =	strace $0x8000004C;
	[dreg:$0x1] =	wrdreg $0xFFFFFFFF  }
0xa7: {  	s28 =	simm.s32 $_size_execute0_lowered;
	s2 =	sadd.s32 s2, s4;
	[dreg:$0x0] =	wrdreg $0x0  }
0xa8: {  	s4 =	sshll.u32 s28, $0x1;
	[dreg:$0x2] =	wrdreg s2  }
0xa9: {  	[dreg:$0x3] =	wrdreg s4  }
0xaa: {  	[dreg:$0x4] =	wrdreg $0xC0  }
0xab: {  	_ =	task [dreg:s6], $0x5FFFF  }
0xac: {  	[dreg:$0x1] =	wrdreg $0xFFFFFFFF  }
0xad: {  	[dreg:$0x0] =	wrdreg $0x60  }
0xae: {  	[dreg:$0x2] =	wrdreg s24  }
0xaf: {  	[dreg:$0x3] =	wrdreg $0x98000  }
0xb0: {  	[dreg:$0x4] =	wrdreg $0x9  }
0xb1: {  	_ =	task.clear_ibuf [dreg:s6], $0x5FFFF;
	_ =	strace $0x9000004C  }
0xb2: {  	s29 =	simm.s32 $0x9;
	_ =	strace $0x8000004E  }
0xb3: {  	_ =	swait.ge [sflag:s29], $0x1  }
0xb4: {  	[sflag:s29] =	ssyncadd.s32 $0xFFFFFFFF  }
0xb5: {  	_ =	strace $0x9000004E  }
0xb6: {  	_ =	sfence  }
0xb7: {  	s30 =	sld [smem:$0x0];
	_ =	sdelay $0x2  }
0xb8: {  	s31 =	sshll.u32 s1, $0xD;
	s1 =	sshrl.u32 s1, $0x2  }
0xb9: {  	s3 =	sand.u32 $0x4000, s31;
	s1 =	sadd.s32 s1, s30  }
0xba: {  	s0 =	sor.u32 s3, s0;
	s1 =	sshll.u32 s1, $0x11  }
0xbb: {  	s0 =	sor.u32 s1, s0  }
0xbc: {  	s0 =	sadd.s32 $0x8F2B, s0  }
0xbd: {  	[sflag:s0] =	ssyncadd.remote.s32 $0x1  }
0xbe: {  	_ =	sfence.sel $0xFFFF  }
0xbf: {  	[dreg:$0x0] =	wrdreg $0xFFFFFFFF;
	(pc) =	sbr.abs _section_cstart, $3  }
0xc0: {  	[dreg:$0x1] =	wrdreg $0xFFFFFFFF  }
0xc1: {  	_ =	task.clear_ibuf [dreg:s6], $0x2FFFF;
	_ =	strace $0x9FFFFFFF  }
0xc2: {  	(tm) =	ssettm $0x7FFFFFFF  }
0xc3: {  	_ =	shalt  }
tec
execute0_lowered:
.L_overlay_start_1:
0x0: {  	(tag) =	ssettag $0x1  }
0x1: {  	s0 =	rddreg [dreg:$0x0]  }
0x2: {  	s2 =	rddreg [dreg:$0x1];
	s3 =	simm.s32 $0x0  }
0x3: {  	s10 =	stileid.u32;
	s1 =	srdreg.scid;
	s28 =	simm.s32 $0x9000  }
0x4: {  	s11 =	simm.s32 $0x1000;
	s12 =	simm.s32 $0x1;
	s13 =	simm.s32 $0x5000  }
0x5: {  	s14 =	simm.s32 $0x2;
	s29 =	simm.s32 $0x100;
	s5 =	smul.u32 $0x500, s10  }
0x6: {  	[smem:$0x7FF] =	sst s3;
	s1 =	sand.u32 $0x1, s1;
	s8 =	smul.u32 $0x50000, s10  }
0x7: {  	s4 =	sadd.s32 $0x16C00, s0;
	s30 =	smul.u32 $0x2800, s10;
	s10 =	simm.s32 $0x80  }
0x8: {  	_ =	strace $0x8000004D;
	s6 =	smul.u32 $0x28000, s1;
	s7 =	ssub.s32 $0x2, s1  }
0x9: {  	p0 =	seq.s32 s1, $0x1;
	s9 =	sadd.s32 s5, s0;
	s21 =	sshrl.u32 s7, $0x1  }
0xa: {  	s23 =	sshrl.u32 s8, $0x2;
	s8 =	simm.s32 $0x3;
	s24 =	sadd.s32 $0x2C00, s9  }
0xb: {  	s0 =	sadd.s32 s6, s0;
	s25 =	sadd.s32 $0xCC00, s9;
	[dreg:$0x3] =	wrdreg s24  }
.Ltmp0:
0xc: {  	s26 =	sadd.s32 $0x7C00, s9;
	[dreg:$0x4] =	wrdreg s25;
	(pc) =	sbr.rel .LBB2_1-.Ltmp0, $4  }
0xd: {  	s22 =	ssub.s32 s7, s21;
	s31 =	sadd.s32 $0x11C00, s9;
	[dreg:$0x5] =	wrdreg s26  }
0xe: {  	s0 =	sadd.s32 $0x3EC00, s0;
	s6 =	smax.u32 s22, $0x1;
	[dreg:$0x6] =	wrdreg s31  }
0xf: {  	s5 =	sadd.s32 s23, s2;
	[dreg:$0x7] =	wrdreg s6;
	s0 =	sadd.s32 s30, s0  }
0x10: {  	v0 =	vimm.f32 $0.0e+00;
	s9 =	simm.s32 $0x800;
	[dreg:$0x8] =	wrdreg s0;
	s0 =	simm.s32 $0x0  }
.LBB2_8:
0x11: {  	[sflag:s8] =	ssyncadd.s32 $0xFFFFC000;
	s26 =	sadd.s32 s25, s28  }
0x12: {  	[tilespmem:s3], [sflag:$0x3] =	stream.linear.gather [hbm4b:s26+s3], $0x800, $0x38;
	[tilespmem:$0x1D800] =	vst v63  }
0x13: {  	_ =	swait.ge [sflag:s8], $0x800  }
0x14: {  	s28 =	rddreg [dreg:$0x3];
	[sflag:s8] =	ssyncset.done $0x0  }
0x15: {  	s28 =	sadd.s32 s25, s28;
	[sflag:s8] =	ssyncadd.s32 $0xFFFFF800  }
0x16: {  	[tilespmem:s9], [sflag:$0x3] =	stream.linear.gather [hbm4b:s28+s3], $0x800, $0x38;
	[tilespmem:$0x1D800] =	vst v63  }
0x17: {  	_ =	swait.ge [sflag:s8], $0x800  }
0x18: {  	[sflag:s8] =	ssyncset.done $0x0  }
0x19: {  	[sflag:s8] =	ssyncadd.s32 $0xFFFFF800  }
0x1a: {  	[tilespmem:s11], [sflag:$0x1] =	stream.indirect.gather [hbm4b:s4+s10], $0x80, s3, s10, $0xb8;
	[tilespmem:$0x1D800] =	vst v63  }
0x1b: {  	_ =	swait.ge [sflag:s12], $0x4000  }
0x1c: {  	[sflag:s12] =	ssyncset.done $0x0  }
0x1d: {  	[sflag:s12] =	ssyncadd.s32 $0xFFFFC000  }
0x1e: {  	[tilespmem:s13], [sflag:$0x2] =	stream.indirect.gather [hbm4b:s4+s10], $0x80, s10, s10, $0xb8;
	[tilespmem:$0x1D800] =	vst v63  }
0x1f: {  	_ = 	snop  }
0x20: {  	[spmem:s2] =	stream.indirect.scatter.add.f32 [tilespmem:s11], [sflag:$0x3], $0x80, s9, s10, $0xb8;
	[tilespmem:$0x1D800] =	vst v63  }
0x21: {  	_ =	swait.ge [sflag:s8], $0x4000  }
0x22: {  	[sflag:s8] =	ssyncset.done $0x0  }
0x23: {  	[sflag:s8] =	ssyncadd.s32 $0xFFFFC000  }
0x24: {  	_ =	swait.ge [sflag:s14], $0x4000  }
0x25: {  	[sflag:s14] =	ssyncset.done $0x0  }
0x26: {  	[sflag:s14] =	ssyncadd.s32 $0xFFFFC000  }
0x27: {  	[tilespmem:s11], [sflag:$0x1] =	stream.indirect.gather [hbm4b:s4+s10], $0x80, s29, s10, $0xb8;
	[tilespmem:$0x1D800] =	vst v63  }
0x28: {  	_ = 	snop  }
0x29: {  	[spmem:s2] =	stream.indirect.scatter.add.f32 [tilespmem:s13], [sflag:$0x3], $0x80, s30, s10, $0xb8;
	[tilespmem:$0x1D800] =	vst v63  }
0x2a: {  	_ =	swait.ge [sflag:s8], $0x4000  }
0x2b: {  	[sflag:s8] =	ssyncset.done $0x0  }
0x2c: {  	[sflag:s8] =	ssyncadd.s32 $0xFFFFC000  }
0x2d: {  	_ =	swait.ge [sflag:s12], $0x4000  }
0x2e: {  	[sflag:s12] =	ssyncset.done $0x0  }
0x2f: {  	[sflag:s12] =	ssyncadd.s32 $0xFFFFC000  }
0x30: {  	[tilespmem:s13], [sflag:$0x2] =	stream.indirect.gather [hbm4b:s4+s10], $0x80, s31, s10, $0xb8;
	[tilespmem:$0x1D800] =	vst v63  }
0x31: {  	_ = 	snop  }
0x32: {  	[spmem:s2] =	stream.indirect.scatter.add.f32 [tilespmem:s11], [sflag:$0x3], $0x80, s0, s10, $0xb8;
	[tilespmem:$0x1D800] =	vst v63  }
0x33: {  	_ =	swait.ge [sflag:s8], $0x4000  }
0x34: {  	[sflag:s8] =	ssyncset.done $0x0  }
0x35: {  	[sflag:s8] =	ssyncadd.s32 $0xFFFFC000  }
0x36: {  	_ =	swait.ge [sflag:s14], $0x4000  }
0x37: {  	[sflag:s14] =	ssyncset.done $0x0  }
0x38: {  	[sflag:s14] =	ssyncadd.s32 $0xFFFFC000  }
0x39: {  	[tilespmem:s11], [sflag:$0x1] =	stream.indirect.gather [hbm4b:s4+s10], $0x80, s1, s10, $0xb8;
	[tilespmem:$0x1D800] =	vst v63  }
0x3a: {  	_ = 	snop  }
0x3b: {  	[spmem:s2] =	stream.indirect.scatter.add.f32 [tilespmem:s13], [sflag:$0x3], $0x80, s6, s10, $0xb8;
	[tilespmem:$0x1D800] =	vst v63  }
0x3c: {  	_ =	swait.ge [sflag:s8], $0x4000  }
0x3d: {  	[sflag:s8] =	ssyncset.done $0x0  }
0x3e: {  	[sflag:s8] =	ssyncadd.s32 $0xFFFFC000  }
0x3f: {  	_ =	swait.ge [sflag:s12], $0x4000  }
0x40: {  	[sflag:s12] =	ssyncset.done $0x0  }
0x41: {  	[sflag:s12] =	ssyncadd.s32 $0xFFFFC000  }
0x42: {  	[tilespmem:s13], [sflag:$0x2] =	stream.indirect.gather [hbm4b:s4+s10], $0x80, s24, s10, $0xb8;
	[tilespmem:$0x1D800] =	vst v63  }
0x43: {  	_ = 	snop  }
0x44: {  	[spmem:s2] =	stream.indirect.scatter.add.f32 [tilespmem:s11], [sflag:$0x3], $0x80, s7, s10, $0xb8;
	[tilespmem:$0x1D800] =	vst v63  }
0x45: {  	_ =	swait.ge [sflag:s8], $0x4000  }
0x46: {  	[sflag:s8] =	ssyncset.done $0x0  }
0x47: {  	[sflag:s8] =	ssyncadd.s32 $0xFFFFC000  }
0x48: {  	_ =	swait.ge [sflag:s14], $0x4000  }
0x49: {  	[sflag:s14] =	ssyncset.done $0x0  }
0x4a: {  	[sflag:s14] =	ssyncadd.s32 $0xFFFFC000  }
0x4b: {  	[tilespmem:s11], [sflag:$0x1] =	stream.indirect.gather [hbm4b:s4+s10], $0x80, s15, s10, $0xb8;
	[tilespmem:$0x1D800] =	vst v63  }
0x4c: {  	_ = 	snop  }
0x4d: {  	[spmem:s2] =	stream.indirect.scatter.add.f32 [tilespmem:s13], [sflag:$0x3], $0x80, s16, s10, $0xb8;
	[tilespmem:$0x1D800] =	vst v63  }
0x4e: {  	_ =	swait.ge [sflag:s8], $0x4000  }
0x4f: {  	[sflag:s8] =	ssyncset.done $0x0  }
0x50: {  	[sflag:s8] =	ssyncadd.s32 $0xFFFFC000  }
0x51: {  	_ =	swait.ge [sflag:s12], $0x4000  }
0x52: {  	[sflag:s12] =	ssyncset.done $0x0  }
0x53: {  	[sflag:s12] =	ssyncadd.s32 $0xFFFFC000  }
0x54: {  	[tilespmem:s13], [sflag:$0x2] =	stream.indirect.gather [hbm4b:s4+s10], $0x80, s17, s10, $0xb8;
	[tilespmem:$0x1D800] =	vst v63  }
0x55: {  	_ = 	snop  }
0x56: {  	[spmem:s2] =	stream.indirect.scatter.add.f32 [tilespmem:s11], [sflag:$0x3], $0x80, s18, s10, $0xb8;
	[tilespmem:$0x1D800] =	vst v63  }
0x57: {  	_ =	swait.ge [sflag:s8], $0x4000  }
0x58: {  	[sflag:s8] =	ssyncset.done $0x0  }
0x59: {  	[sflag:s8] =	ssyncadd.s32 $0xFFFFC000  }
0x5a: {  	_ =	swait.ge [sflag:s14], $0x4000  }
0x5b: {  	[sflag:s14] =	ssyncset.done $0x0  }
0x5c: {  	[sflag:s14] =	ssyncadd.s32 $0xFFFFC000  }
0x5d: {  	[tilespmem:s11], [sflag:$0x1] =	stream.indirect.gather [hbm4b:s4+s10], $0x80, s19, s10, $0xb8;
	[tilespmem:$0x1D800] =	vst v63  }
0x5e: {  	_ = 	snop  }
0x5f: {  	[spmem:s2] =	stream.indirect.scatter.add.f32 [tilespmem:s13], [sflag:$0x3], $0x80, s20, s10, $0xb8;
	[tilespmem:$0x1D800] =	vst v63  }
0x60: {  	_ =	swait.ge [sflag:s8], $0x4000  }
0x61: {  	[sflag:s8] =	ssyncset.done $0x0  }
0x62: {  	[sflag:s8] =	ssyncadd.s32 $0xFFFFC000  }
0x63: {  	_ =	swait.ge [sflag:s12], $0x4000  }
0x64: {  	[sflag:s12] =	ssyncset.done $0x0  }
0x65: {  	[sflag:s12] =	ssyncadd.s32 $0xFFFFC000  }
0x66: {  	[tilespmem:s13], [sflag:$0x2] =	stream.indirect.gather [hbm4b:s4+s10], $0x80, s21, s10, $0xb8;
	[tilespmem:$0x1D800] =	vst v63  }
0x67: {  	_ = 	snop  }
0x68: {  	[spmem:s2] =	stream.indirect.scatter.add.f32 [tilespmem:s11], [sflag:$0x3], $0x80, s22, s10, $0xb8;
	[tilespmem:$0x1D800] =	vst v63  }
0x69: {  	_ =	swait.ge [sflag:s8], $0x4000  }
0x6a: {  	[sflag:s8] =	ssyncset.done $0x0  }
0x6b: {  	[sflag:s8] =	ssyncadd.s32 $0xFFFFC000  }
0x6c: {  	_ =	swait.ge [sflag:s14], $0x4000  }
0x6d: {  	[sflag:s14] =	ssyncset.done $0x0  }
0x6e: {  	[sflag:s14] =	ssyncadd.s32 $0xFFFFC000  }
0x6f: {  	[tilespmem:s11], [sflag:$0x1] =	stream.indirect.gather [hbm4b:s4+s10], $0x80, s23, s10, $0xb8;
	[tilespmem:$0x1D800] =	vst v63  }
0x70: {  	s18 =	simm.s32 $0xC80  }
0x71: {  	[spmem:s2] =	stream.indirect.scatter.add.f32 [tilespmem:s13], [sflag:$0x3], $0x80, s18, s10, $0xb8;
	[tilespmem:$0x1D800] =	vst v63  }
0x72: {  	_ =	swait.ge [sflag:s8], $0x4000  }
0x73: {  	[sflag:s8] =	ssyncset.done $0x0  }
0x74: {  	[sflag:s8] =	ssyncadd.s32 $0xFFFFC000  }
0x75: {  	_ =	swait.ge [sflag:s12], $0x4000  }
0x76: {  	[sflag:s12] =	ssyncset.done $0x0  }
0x77: {  	s19 =	simm.s32 $0x580;
	[sflag:s12] =	ssyncadd.s32 $0xFFFFC000  }
0x78: {  	[tilespmem:s13], [sflag:$0x2] =	stream.indirect.gather [hbm4b:s4+s10], $0x80, s19, s10, $0xb8;
	[tilespmem:$0x1D800] =	vst v63  }
0x79: {  	s20 =	simm.s32 $0xD00  }
0x7a: {  	[spmem:s2] =	stream.indirect.scatter.add.f32 [tilespmem:s11], [sflag:$0x3], $0x80, s20, s10, $0xb8;
	[tilespmem:$0x1D800] =	vst v63  }
0x7b: {  	_ =	swait.ge [sflag:s8], $0x4000  }
0x7c: {  	[sflag:s8] =	ssyncset.done $0x0  }
0x7d: {  	[sflag:s8] =	ssyncadd.s32 $0xFFFFC000  }
0x7e: {  	_ =	swait.ge [sflag:s14], $0x4000  }
0x7f: {  	[sflag:s14] =	ssyncset.done $0x0  }
0x80: {  	s21 =	simm.s32 $0x600;
	[sflag:s14] =	ssyncadd.s32 $0xFFFFC000  }
0x81: {  	[tilespmem:s11], [sflag:$0x1] =	stream.indirect.gather [hbm4b:s4+s10], $0x80, s21, s10, $0xb8;
	[tilespmem:$0x1D800] =	vst v63  }
0x82: {  	s22 =	simm.s32 $0xD80  }
0x83: {  	[spmem:s2] =	stream.indirect.scatter.add.f32 [tilespmem:s13], [sflag:$0x3], $0x80, s22, s10, $0xb8;
	[tilespmem:$0x1D800] =	vst v63  }
0x84: {  	_ =	swait.ge [sflag:s8], $0x4000  }
0x85: {  	[sflag:s8] =	ssyncset.done $0x0  }
0x86: {  	[sflag:s8] =	ssyncadd.s32 $0xFFFFC000  }
0x87: {  	_ =	swait.ge [sflag:s12], $0x4000  }
0x88: {  	[sflag:s12] =	ssyncset.done $0x0  }
0x89: {  	s23 =	simm.s32 $0x680;
	[sflag:s12] =	ssyncadd.s32 $0xFFFFC000  }
0x8a: {  	[tilespmem:s13], [sflag:$0x2] =	stream.indirect.gather [hbm4b:s4+s10], $0x80, s23, s10, $0xb8;
	[tilespmem:$0x1D800] =	vst v63  }
0x8b: {  	s24 =	simm.s32 $0xE00  }
0x8c: {  	[spmem:s2] =	stream.indirect.scatter.add.f32 [tilespmem:s11], [sflag:$0x3], $0x80, s24, s10, $0xb8;
	[tilespmem:$0x1D800] =	vst v63  }
0x8d: {  	_ =	swait.ge [sflag:s8], $0x4000  }
0x8e: {  	[sflag:s8] =	ssyncset.done $0x0  }
0x8f: {  	[sflag:s8] =	ssyncadd.s32 $0xFFFFC000  }
0x90: {  	_ =	swait.ge [sflag:s14], $0x4000  }
0x91: {  	[sflag:s14] =	ssyncset.done $0x0  }
0x92: {  	s25 =	simm.s32 $0x700;
	[sflag:s14] =	ssyncadd.s32 $0xFFFFC000  }
0x93: {  	[tilespmem:s11], [sflag:$0x1] =	stream.indirect.gather [hbm4b:s4+s10], $0x80, s25, s10, $0xb8;
	[tilespmem:$0x1D800] =	vst v63  }
0x94: {  	s26 =	simm.s32 $0xE80  }
0x95: {  	[spmem:s2] =	stream.indirect.scatter.add.f32 [tilespmem:s13], [sflag:$0x3], $0x80, s26, s10, $0xb8;
	[tilespmem:$0x1D800] =	vst v63  }
0x96: {  	_ =	swait.ge [sflag:s8], $0x4000  }
0x97: {  	[sflag:s8] =	ssyncset.done $0x0  }
0x98: {  	[sflag:s8] =	ssyncadd.s32 $0xFFFFC000  }
0x99: {  	_ =	swait.ge [sflag:s12], $0x4000  }
0x9a: {  	[sflag:s12] =	ssyncset.done $0x0  }
0x9b: {  	s28 =	simm.s32 $0x780;
	[sflag:s12] =	ssyncadd.s32 $0xFFFFC000  }
0x9c: {  	[tilespmem:s13], [sflag:$0x2] =	stream.indirect.gather [hbm4b:s4+s10], $0x80, s28, s10, $0xb8;
	[tilespmem:$0x1D800] =	vst v63  }
0x9d: {  	s30 =	simm.s32 $0xF00  }
0x9e: {  	[spmem:s2] =	stream.indirect.scatter.add.f32 [tilespmem:s11], [sflag:$0x3], $0x80, s30, s10, $0xb8;
	[tilespmem:$0x1D800] =	vst v63  }
0x9f: {  	_ =	swait.ge [sflag:s8], $0x4000  }
0xa0: {  	[sflag:s8] =	ssyncset.done $0x0  }
0xa1: {  	[sflag:s8] =	ssyncadd.s32 $0xFFFFC000  }
0xa2: {  	_ =	swait.ge [sflag:s14], $0x4000  }
0xa3: {  	[sflag:s14] =	ssyncset.done $0x0  }
0xa4: {  	s31 =	simm.s32 $0xF80;
	[sflag:s14] =	ssyncadd.s32 $0xFFFFC000  }
0xa5: {  	[spmem:s2] =	stream.indirect.scatter.add.f32 [tilespmem:s13], [sflag:$0x3], $0x80, s31, s10, $0xb8;
	[tilespmem:$0x1D800] =	vst v63  }
0xa6: {  	_ =	swait.ge [sflag:s8], $0x4000  }
0xa7: {  	[sflag:s8] =	ssyncset.done $0x0  }
0xa8: {  	s1 =	rddreg [dreg:$0x9];
	[sflag:s8] =	ssyncadd.s32 $0xFFFFC000  }
.LBB2_12:
0xa9: {  	s25 =	stileid.u32  }
0xaa: {  	[bflag:$0x0] =	sbarrier.arrive $0xFFFF;
	s25 =	sshll.u32 s25, $0x6  }
0xab: {  	s26 =	sshrl.u32 s5, $0x3;
	s0 =	rddreg [dreg:$0x8];
	s25 =	sor.u32 $0x1C03, s25  }
0xac: {  	[hbm:s0], [sflag:s25] =	dma.local [spmem:s26], $0x2800  }
0xad: {  	_ =	swait.ge [sflag:s8], $0x2800  }
0xae: {  	s0 =	sadd.s32 $0x1, s1;
	s31 =	rddreg [dreg:$0x7]  }
0xaf: {  	p1 =	sne.s32 s0, s31  }
.Ltmp1:
0xb0: {  	_ = 	snop;
	(pc) =	sbr.rel @!p1 .LBB2_13-.Ltmp1, $3  }
0xb1: {  	_ =	sdelay $0x1  }
0xb2: {  	[sflag:s8] =	ssyncset.done $0x0  }
0xb3: {  	s28 =	simm.s32 $0x9000;
	[sflag:s8] =	ssyncadd.s32 $0xFFFFD800  }
.LBB2_1:
0xb4: {  	s25 =	simm.s32 $0x0;
	s26 =	simm.s32 $0x200  }
.LBB2_2:
0xb5: {  	p1 =	sne.s32 s26, $0x1E00;
	[tilespmem:s25+$0x9070] =	vst v0  }
0xb6: {  	[tilespmem:s25+$0x9000] =	vst v0  }
0xb7: {  	[tilespmem:s25+$0x9010] =	vst v0  }
.Ltmp2:
0xb8: {  	[tilespmem:s25+$0x9020] =	vst v0;
	(pc) =	sbr.rel @p1 .LBB2_2-.Ltmp2, $4  }
0xb9: {  	[tilespmem:s25+$0x9030] =	vst v0  }
0xba: {  	[tilespmem:s25+$0x9040] =	vst v0  }
0xbb: {  	[tilespmem:s25+$0x9050] =	vst v0  }
0xbc: {  	[tilespmem:s25+$0x9060] =	vst v0;
	s25 =	sshra.s32 s26, $0x2;
	s26 =	sadd.s32 $0x200, s26  }
0xbd: {  	[tilespmem:s25+$0x9070] =	vst v0  }
0xbe: {  	[tilespmem:s25+$0x9000] =	vst v0  }
0xbf: {  	[tilespmem:s25+$0x9010] =	vst v0  }
0xc0: {  	[tilespmem:s25+$0x9020] =	vst v0  }
0xc1: {  	[tilespmem:s25+$0x9030] =	vst v0  }
0xc2: {  	[tilespmem:s25+$0x9040] =	vst v0  }
0xc3: {  	[tilespmem:s25+$0x9050] =	vst v0  }
0xc4: {  	[tilespmem:s25+$0x9060] =	vst v0;
	s31 =	sadd.s32 $0x0, s5  }
0xc5: {  	[spmem:s31] =	stream.linear.scatter [tilespmem:s28], [sflag:$0x3], $0x800, $0x38;
	[tilespmem:$0x1D800] =	vst v63  }
0xc6: {  	s25 =	simm.s32 $0x2000;
	_ =	swait.ge [sflag:s8], $0x800  }
.LBB2_4:
0xc7: {  	s26 =	sshra.s32 s25, $0x2;
	[sflag:s8] =	ssyncset.done $0x0;
	p1 =	sne.s32 s25, $0x4E000  }
.Ltmp3:
0xc8: {  	s26 =	sadd.s32 s26, s5;
	[sflag:s8] =	ssyncadd.s32 $0xFFFFF800;
	(pc) =	sbr.rel @p1 .LBB2_4-.Ltmp3, $3  }
0xc9: {  	[spmem:s26] =	stream.linear.scatter [tilespmem:s28], [sflag:$0x3], $0x800, $0x38;
	[tilespmem:$0x1D800] =	vst v63  }
0xca: {  	s25 =	sadd.s32 $0x2000, s25;
	_ =	sdelay $0x1  }
0xcb: {  	_ =	swait.ge [sflag:s8], $0x800  }
.Ltmp4:
0xcc: {  	(pc) =	sbr.rel @!p0 .LBB2_6-.Ltmp4, $3  }
0xcd: {  	[sflag:s8] =	ssyncset.done $0x0  }
0xce: {  	[dreg:$0x9] =	wrdreg s0;
	[sflag:s8] =	ssyncadd.s32 $0xFFFFF800  }
0xcf: {  	[bflag:$0x0] =	sbarrier.arrive $0xFFFF;
	_ =	sdelay $0x1  }
0xd0: {  	s25 =	rddreg [dreg:$0x6]  }
0xd1: {  	s25 =	sadd.s32 $0x0, s25  }
0xd2: {  	[tilespmem:s3], [sflag:$0x3] =	stream.linear.gather [hbm4b:s25+s3], $0x800, $0x38;
	[tilespmem:$0x1D800] =	vst v63  }
0xd3: {  	_ =	swait.ge [sflag:s8], $0x800  }
0xd4: {  	s24 =	rddreg [dreg:$0x5];
	[sflag:s8] =	ssyncset.done $0x0  }
0xd5: {  	[sflag:s8] =	ssyncadd.s32 $0xFFFFF800;
	s25 =	sadd.s32 $0x0, s24  }
0xd6: {  	[tilespmem:s9], [sflag:$0x3] =	stream.linear.gather [hbm4b:s25+s3], $0x800, $0x38;
	[tilespmem:$0x1D800] =	vst v63  }
0xd7: {  	_ =	swait.ge [sflag:s8], $0x800  }
0xd8: {  	[sflag:s8] =	ssyncset.done $0x0  }
0xd9: {  	[sflag:s8] =	ssyncadd.s32 $0xFFFFF800  }
0xda: {  	[tilespmem:s11], [sflag:$0x1] =	stream.indirect.gather [hbm4b:s4+s10], $0x80, s3, s10, $0xb8;
	[tilespmem:$0x1D800] =	vst v63  }
0xdb: {  	_ =	swait.ge [sflag:s12], $0x4000  }
0xdc: {  	[sflag:s12] =	ssyncset.done $0x0  }
0xdd: {  	[sflag:s12] =	ssyncadd.s32 $0xFFFFC000  }
0xde: {  	[tilespmem:s13], [sflag:$0x2] =	stream.indirect.gather [hbm4b:s4+s10], $0x80, s10, s10, $0xb8;
	[tilespmem:$0x1D800] =	vst v63  }
0xdf: {  	_ = 	snop  }
0xe0: {  	[spmem:s2] =	stream.indirect.scatter.add.f32 [tilespmem:s11], [sflag:$0x3], $0x80, s9, s10, $0xb8;
	[tilespmem:$0x1D800] =	vst v63  }
0xe1: {  	_ =	swait.ge [sflag:s8], $0x4000  }
0xe2: {  	[sflag:s8] =	ssyncset.done $0x0  }
0xe3: {  	[sflag:s8] =	ssyncadd.s32 $0xFFFFC000  }
0xe4: {  	_ =	swait.ge [sflag:s14], $0x4000  }
0xe5: {  	[sflag:s14] =	ssyncset.done $0x0  }
0xe6: {  	[sflag:s14] =	ssyncadd.s32 $0xFFFFC000  }
0xe7: {  	[tilespmem:s11], [sflag:$0x1] =	stream.indirect.gather [hbm4b:s4+s10], $0x80, s29, s10, $0xb8;
	[tilespmem:$0x1D800] =	vst v63  }
0xe8: {  	s30 =	simm.s32 $0x880  }
0xe9: {  	[spmem:s2] =	stream.indirect.scatter.add.f32 [tilespmem:s13], [sflag:$0x3], $0x80, s30, s10, $0xb8;
	[tilespmem:$0x1D800] =	vst v63  }
0xea: {  	_ =	swait.ge [sflag:s8], $0x4000  }
0xeb: {  	[sflag:s8] =	ssyncset.done $0x0  }
0xec: {  	[sflag:s8] =	ssyncadd.s32 $0xFFFFC000  }
0xed: {  	_ =	swait.ge [sflag:s12], $0x4000  }
0xee: {  	[sflag:s12] =	ssyncset.done $0x0  }
0xef: {  	s31 =	simm.s32 $0x180;
	[sflag:s12] =	ssyncadd.s32 $0xFFFFC000  }
0xf0: {  	[tilespmem:s13], [sflag:$0x2] =	stream.indirect.gather [hbm4b:s4+s10], $0x80, s31, s10, $0xb8;
	[tilespmem:$0x1D800] =	vst v63  }
0xf1: {  	s0 =	simm.s32 $0x900  }
0xf2: {  	[spmem:s2] =	stream.indirect.scatter.add.f32 [tilespmem:s11], [sflag:$0x3], $0x80, s0, s10, $0xb8;
	[tilespmem:$0x1D800] =	vst v63  }
0xf3: {  	_ =	swait.ge [sflag:s8], $0x4000  }
0xf4: {  	[sflag:s8] =	ssyncset.done $0x0  }
0xf5: {  	[sflag:s8] =	ssyncadd.s32 $0xFFFFC000  }
0xf6: {  	_ =	swait.ge [sflag:s14], $0x4000  }
0xf7: {  	[sflag:s14] =	ssyncset.done $0x0  }
0xf8: {  	s1 =	simm.s32 $0x200;
	[sflag:s14] =	ssyncadd.s32 $0xFFFFC000  }
0xf9: {  	[tilespmem:s11], [sflag:$0x1] =	stream.indirect.gather [hbm4b:s4+s10], $0x80, s1, s10, $0xb8;
	[tilespmem:$0x1D800] =	vst v63  }
0xfa: {  	s6 =	simm.s32 $0x980  }
0xfb: {  	[spmem:s2] =	stream.indirect.scatter.add.f32 [tilespmem:s13], [sflag:$0x3], $0x80, s6, s10, $0xb8;
	[tilespmem:$0x1D800] =	vst v63  }
0xfc: {  	_ =	swait.ge [sflag:s8], $0x4000  }
0xfd: {  	[sflag:s8] =	ssyncset.done $0x0  }
0xfe: {  	[sflag:s8] =	ssyncadd.s32 $0xFFFFC000  }
0xff: {  	_ =	swait.ge [sflag:s12], $0x4000  }
0x100: {  	[sflag:s12] =	ssyncset.done $0x0  }
0x101: {  	s24 =	simm.s32 $0x280;
	[sflag:s12] =	ssyncadd.s32 $0xFFFFC000  }
0x102: {  	[tilespmem:s13], [sflag:$0x2] =	stream.indirect.gather [hbm4b:s4+s10], $0x80, s24, s10, $0xb8;
	[tilespmem:$0x1D800] =	vst v63  }
0x103: {  	s7 =	simm.s32 $0xA00  }
0x104: {  	[spmem:s2] =	stream.indirect.scatter.add.f32 [tilespmem:s11], [sflag:$0x3], $0x80, s7, s10, $0xb8;
	[tilespmem:$0x1D800] =	vst v63  }
0x105: {  	_ =	swait.ge [sflag:s8], $0x4000  }
0x106: {  	[sflag:s8] =	ssyncset.done $0x0  }
0x107: {  	[sflag:s8] =	ssyncadd.s32 $0xFFFFC000  }
0x108: {  	_ =	swait.ge [sflag:s14], $0x4000  }
0x109: {  	[sflag:s14] =	ssyncset.done $0x0  }
0x10a: {  	s15 =	simm.s32 $0x300;
	[sflag:s14] =	ssyncadd.s32 $0xFFFFC000  }
0x10b: {  	[tilespmem:s11], [sflag:$0x1] =	stream.indirect.gather [hbm4b:s4+s10], $0x80, s15, s10, $0xb8;
	[tilespmem:$0x1D800] =	vst v63  }
0x10c: {  	s16 =	simm.s32 $0xA80  }
0x10d: {  	[spmem:s2] =	stream.indirect.scatter.add.f32 [tilespmem:s13], [sflag:$0x3], $0x80, s16, s10, $0xb8;
	[tilespmem:$0x1D800] =	vst v63  }
0x10e: {  	_ =	swait.ge [sflag:s8], $0x4000  }
0x10f: {  	[sflag:s8] =	ssyncset.done $0x0  }
0x110: {  	[sflag:s8] =	ssyncadd.s32 $0xFFFFC000  }
0x111: {  	_ =	swait.ge [sflag:s12], $0x4000  }
0x112: {  	[sflag:s12] =	ssyncset.done $0x0  }
0x113: {  	s17 =	simm.s32 $0x380;
	[sflag:s12] =	ssyncadd.s32 $0xFFFFC000  }
0x114: {  	[tilespmem:s13], [sflag:$0x2] =	stream.indirect.gather [hbm4b:s4+s10], $0x80, s17, s10, $0xb8;
	[tilespmem:$0x1D800] =	vst v63  }
0x115: {  	s18 =	simm.s32 $0xB00  }
0x116: {  	[spmem:s2] =	stream.indirect.scatter.add.f32 [tilespmem:s11], [sflag:$0x3], $0x80, s18, s10, $0xb8;
	[tilespmem:$0x1D800] =	vst v63  }
0x117: {  	_ =	swait.ge [sflag:s8], $0x4000  }
0x118: {  	[sflag:s8] =	ssyncset.done $0x0  }
0x119: {  	[sflag:s8] =	ssyncadd.s32 $0xFFFFC000  }
0x11a: {  	_ =	swait.ge [sflag:s14], $0x4000  }
0x11b: {  	[sflag:s14] =	ssyncset.done $0x0  }
0x11c: {  	s19 =	simm.s32 $0x400;
	[sflag:s14] =	ssyncadd.s32 $0xFFFFC000  }
0x11d: {  	[tilespmem:s11], [sflag:$0x1] =	stream.indirect.gather [hbm4b:s4+s10], $0x80, s19, s10, $0xb8;
	[tilespmem:$0x1D800] =	vst v63  }
0x11e: {  	s20 =	simm.s32 $0xB80  }
0x11f: {  	[spmem:s2] =	stream.indirect.scatter.add.f32 [tilespmem:s13], [sflag:$0x3], $0x80, s20, s10, $0xb8;
	[tilespmem:$0x1D800] =	vst v63  }
0x120: {  	_ =	swait.ge [sflag:s8], $0x4000  }
0x121: {  	[sflag:s8] =	ssyncset.done $0x0  }
0x122: {  	[sflag:s8] =	ssyncadd.s32 $0xFFFFC000  }
0x123: {  	_ =	swait.ge [sflag:s12], $0x4000  }
0x124: {  	[sflag:s12] =	ssyncset.done $0x0  }
0x125: {  	s21 =	simm.s32 $0x480;
	[sflag:s12] =	ssyncadd.s32 $0xFFFFC000  }
0x126: {  	[tilespmem:s13], [sflag:$0x2] =	stream.indirect.gather [hbm4b:s4+s10], $0x80, s21, s10, $0xb8;
	[tilespmem:$0x1D800] =	vst v63  }
0x127: {  	s22 =	simm.s32 $0xC00  }
0x128: {  	[spmem:s2] =	stream.indirect.scatter.add.f32 [tilespmem:s11], [sflag:$0x3], $0x80, s22, s10, $0xb8;
	[tilespmem:$0x1D800] =	vst v63  }
0x129: {  	_ =	swait.ge [sflag:s8], $0x4000  }
0x12a: {  	[sflag:s8] =	ssyncset.done $0x0  }
0x12b: {  	[sflag:s8] =	ssyncadd.s32 $0xFFFFC000  }
0x12c: {  	_ =	swait.ge [sflag:s14], $0x4000  }
0x12d: {  	[sflag:s14] =	ssyncset.done $0x0  }
0x12e: {  	s23 =	simm.s32 $0x500;
	[sflag:s14] =	ssyncadd.s32 $0xFFFFC000  }
0x12f: {  	[tilespmem:s11], [sflag:$0x1] =	stream.indirect.gather [hbm4b:s4+s10], $0x80, s23, s10, $0xb8;
	[tilespmem:$0x1D800] =	vst v63  }
0x130: {  	s26 =	simm.s32 $0xC80  }
0x131: {  	[spmem:s2] =	stream.indirect.scatter.add.f32 [tilespmem:s13], [sflag:$0x3], $0x80, s26, s10, $0xb8;
	[tilespmem:$0x1D800] =	vst v63  }
0x132: {  	_ =	swait.ge [sflag:s8], $0x4000  }
0x133: {  	[sflag:s8] =	ssyncset.done $0x0  }
0x134: {  	[sflag:s8] =	ssyncadd.s32 $0xFFFFC000  }
0x135: {  	_ =	swait.ge [sflag:s12], $0x4000  }
0x136: {  	[sflag:s12] =	ssyncset.done $0x0  }
0x137: {  	s29 =	simm.s32 $0x580;
	[sflag:s12] =	ssyncadd.s32 $0xFFFFC000  }
0x138: {  	[tilespmem:s13], [sflag:$0x2] =	stream.indirect.gather [hbm4b:s4+s10], $0x80, s29, s10, $0xb8;
	[tilespmem:$0x1D800] =	vst v63  }
0x139: {  	s26 =	simm.s32 $0xD00  }
0x13a: {  	[spmem:s2] =	stream.indirect.scatter.add.f32 [tilespmem:s11], [sflag:$0x3], $0x80, s26, s10, $0xb8;
	[tilespmem:$0x1D800] =	vst v63  }
0x13b: {  	_ =	swait.ge [sflag:s8], $0x4000  }
0x13c: {  	[sflag:s8] =	ssyncset.done $0x0  }
0x13d: {  	[sflag:s8] =	ssyncadd.s32 $0xFFFFC000  }
0x13e: {  	_ =	swait.ge [sflag:s14], $0x4000  }
0x13f: {  	[sflag:s14] =	ssyncset.done $0x0  }
0x140: {  	s29 =	simm.s32 $0x600;
	[sflag:s14] =	ssyncadd.s32 $0xFFFFC000  }
0x141: {  	[tilespmem:s11], [sflag:$0x1] =	stream.indirect.gather [hbm4b:s4+s10], $0x80, s29, s10, $0xb8;
	[tilespmem:$0x1D800] =	vst v63  }
0x142: {  	s26 =	simm.s32 $0xD80  }
0x143: {  	[spmem:s2] =	stream.indirect.scatter.add.f32 [tilespmem:s13], [sflag:$0x3], $0x80, s26, s10, $0xb8;
	[tilespmem:$0x1D800] =	vst v63  }
0x144: {  	_ =	swait.ge [sflag:s8], $0x4000  }
0x145: {  	[sflag:s8] =	ssyncset.done $0x0  }
0x146: {  	[sflag:s8] =	ssyncadd.s32 $0xFFFFC000  }
0x147: {  	_ =	swait.ge [sflag:s12], $0x4000  }
0x148: {  	[sflag:s12] =	ssyncset.done $0x0  }
0x149: {  	s29 =	simm.s32 $0x680;
	[sflag:s12] =	ssyncadd.s32 $0xFFFFC000  }
0x14a: {  	[tilespmem:s13], [sflag:$0x2] =	stream.indirect.gather [hbm4b:s4+s10], $0x80, s29, s10, $0xb8;
	[tilespmem:$0x1D800] =	vst v63  }
0x14b: {  	s26 =	simm.s32 $0xE00  }
0x14c: {  	[spmem:s2] =	stream.indirect.scatter.add.f32 [tilespmem:s11], [sflag:$0x3], $0x80, s26, s10, $0xb8;
	[tilespmem:$0x1D800] =	vst v63  }
0x14d: {  	_ =	swait.ge [sflag:s8], $0x4000  }
0x14e: {  	[sflag:s8] =	ssyncset.done $0x0  }
0x14f: {  	[sflag:s8] =	ssyncadd.s32 $0xFFFFC000  }
0x150: {  	_ =	swait.ge [sflag:s14], $0x4000  }
0x151: {  	[sflag:s14] =	ssyncset.done $0x0  }
0x152: {  	s29 =	simm.s32 $0x700;
	[sflag:s14] =	ssyncadd.s32 $0xFFFFC000  }
0x153: {  	[tilespmem:s11], [sflag:$0x1] =	stream.indirect.gather [hbm4b:s4+s10], $0x80, s29, s10, $0xb8;
	[tilespmem:$0x1D800] =	vst v63  }
0x154: {  	s26 =	simm.s32 $0xE80  }
0x155: {  	[spmem:s2] =	stream.indirect.scatter.add.f32 [tilespmem:s13], [sflag:$0x3], $0x80, s26, s10, $0xb8;
	[tilespmem:$0x1D800] =	vst v63  }
0x156: {  	_ =	swait.ge [sflag:s8], $0x4000  }
0x157: {  	[sflag:s8] =	ssyncset.done $0x0  }
0x158: {  	[sflag:s8] =	ssyncadd.s32 $0xFFFFC000  }
0x159: {  	_ =	swait.ge [sflag:s12], $0x4000  }
0x15a: {  	[sflag:s12] =	ssyncset.done $0x0  }
0x15b: {  	s29 =	simm.s32 $0x780;
	[sflag:s12] =	ssyncadd.s32 $0xFFFFC000  }
0x15c: {  	[tilespmem:s13], [sflag:$0x2] =	stream.indirect.gather [hbm4b:s4+s10], $0x80, s29, s10, $0xb8;
	[tilespmem:$0x1D800] =	vst v63  }
0x15d: {  	s26 =	simm.s32 $0xF00  }
0x15e: {  	[spmem:s2] =	stream.indirect.scatter.add.f32 [tilespmem:s11], [sflag:$0x3], $0x80, s26, s10, $0xb8;
	[tilespmem:$0x1D800] =	vst v63  }
0x15f: {  	_ =	swait.ge [sflag:s8], $0x4000  }
0x160: {  	[sflag:s8] =	ssyncset.done $0x0  }
0x161: {  	[sflag:s8] =	ssyncadd.s32 $0xFFFFC000  }
0x162: {  	_ =	swait.ge [sflag:s14], $0x4000  }
0x163: {  	[sflag:s14] =	ssyncset.done $0x0  }
0x164: {  	s29 =	simm.s32 $0xF80;
	[sflag:s14] =	ssyncadd.s32 $0xFFFFC000  }
0x165: {  	[spmem:s2] =	stream.indirect.scatter.add.f32 [tilespmem:s13], [sflag:$0x3], $0x80, s29, s10, $0xb8;
	[tilespmem:$0x1D800] =	vst v63  }
0x166: {  	s25 =	simm.s32 $0x100;
	_ =	swait.ge [sflag:s8], $0x4000  }
0x167: {  	s26 =	simm.s32 $0x200;
	s28 =	rddreg [dreg:$0x6];
	[sflag:s8] =	ssyncset.done $0x0  }
.LBB2_10:
0x168: {  	[sflag:s8] =	ssyncadd.s32 $0xFFFFC000;
	s28 =	sadd.s32 s25, s28  }
0x169: {  	[tilespmem:s3], [sflag:$0x3] =	stream.linear.gather [hbm4b:s28+s3], $0x800, $0x38;
	[tilespmem:$0x1D800] =	vst v63  }
0x16a: {  	_ =	swait.ge [sflag:s8], $0x800  }
0x16b: {  	s28 =	rddreg [dreg:$0x5];
	[sflag:s8] =	ssyncset.done $0x0  }
0x16c: {  	[sflag:s8] =	ssyncadd.s32 $0xFFFFF800;
	s28 =	sadd.s32 s25, s28  }
0x16d: {  	[tilespmem:s9], [sflag:$0x3] =	stream.linear.gather [hbm4b:s28+s3], $0x800, $0x38;
	[tilespmem:$0x1D800] =	vst v63  }
0x16e: {  	_ =	swait.ge [sflag:s8], $0x800  }
0x16f: {  	[sflag:s8] =	ssyncset.done $0x0  }
0x170: {  	[sflag:s8] =	ssyncadd.s32 $0xFFFFF800  }
0x171: {  	[tilespmem:s11], [sflag:$0x1] =	stream.indirect.gather [hbm4b:s4+s10], $0x80, s3, s10, $0xb8;
	[tilespmem:$0x1D800] =	vst v63  }
0x172: {  	_ =	swait.ge [sflag:s12], $0x4000  }
0x173: {  	[sflag:s12] =	ssyncset.done $0x0  }
0x174: {  	[sflag:s12] =	ssyncadd.s32 $0xFFFFC000  }
0x175: {  	[tilespmem:s13], [sflag:$0x2] =	stream.indirect.gather [hbm4b:s4+s10], $0x80, s10, s10, $0xb8;
	[tilespmem:$0x1D800] =	vst v63  }
0x176: {  	_ = 	snop  }
0x177: {  	[spmem:s2] =	stream.indirect.scatter.add.f32 [tilespmem:s11], [sflag:$0x3], $0x80, s9, s10, $0xb8;
	[tilespmem:$0x1D800] =	vst v63  }
0x178: {  	_ =	swait.ge [sflag:s8], $0x4000  }
0x179: {  	[sflag:s8] =	ssyncset.done $0x0  }
0x17a: {  	[sflag:s8] =	ssyncadd.s32 $0xFFFFC000  }
0x17b: {  	_ =	swait.ge [sflag:s14], $0x4000  }
0x17c: {  	s29 =	smov.u32 s26;
	[sflag:s14] =	ssyncset.done $0x0  }
0x17d: {  	s25 =	smov.u32 s29;
	s29 =	simm.s32 $0x100;
	[sflag:s14] =	ssyncadd.s32 $0xFFFFC000  }
0x17e: {  	[tilespmem:s11], [sflag:$0x1] =	stream.indirect.gather [hbm4b:s4+s10], $0x80, s29, s10, $0xb8;
	[tilespmem:$0x1D800] =	vst v63  }
0x17f: {  	_ = 	snop  }
0x180: {  	[spmem:s2] =	stream.indirect.scatter.add.f32 [tilespmem:s13], [sflag:$0x3], $0x80, s30, s10, $0xb8;
	[tilespmem:$0x1D800] =	vst v63  }
0x181: {  	_ =	swait.ge [sflag:s8], $0x4000  }
0x182: {  	[sflag:s8] =	ssyncset.done $0x0  }
0x183: {  	[sflag:s8] =	ssyncadd.s32 $0xFFFFC000  }
0x184: {  	_ =	swait.ge [sflag:s12], $0x4000  }
0x185: {  	[sflag:s12] =	ssyncset.done $0x0  }
0x186: {  	[sflag:s12] =	ssyncadd.s32 $0xFFFFC000  }
0x187: {  	[tilespmem:s13], [sflag:$0x2] =	stream.indirect.gather [hbm4b:s4+s10], $0x80, s31, s10, $0xb8;
	[tilespmem:$0x1D800] =	vst v63  }
0x188: {  	_ = 	snop  }
0x189: {  	[spmem:s2] =	stream.indirect.scatter.add.f32 [tilespmem:s11], [sflag:$0x3], $0x80, s0, s10, $0xb8;
	[tilespmem:$0x1D800] =	vst v63  }
0x18a: {  	_ =	swait.ge [sflag:s8], $0x4000  }
0x18b: {  	[sflag:s8] =	ssyncset.done $0x0  }
0x18c: {  	[sflag:s8] =	ssyncadd.s32 $0xFFFFC000  }
0x18d: {  	_ =	swait.ge [sflag:s14], $0x4000  }
0x18e: {  	[sflag:s14] =	ssyncset.done $0x0  }
0x18f: {  	[sflag:s14] =	ssyncadd.s32 $0xFFFFC000  }
0x190: {  	[tilespmem:s11], [sflag:$0x1] =	stream.indirect.gather [hbm4b:s4+s10], $0x80, s1, s10, $0xb8;
	[tilespmem:$0x1D800] =	vst v63  }
0x191: {  	_ = 	snop  }
0x192: {  	[spmem:s2] =	stream.indirect.scatter.add.f32 [tilespmem:s13], [sflag:$0x3], $0x80, s6, s10, $0xb8;
	[tilespmem:$0x1D800] =	vst v63  }
0x193: {  	_ =	swait.ge [sflag:s8], $0x4000  }
0x194: {  	[sflag:s8] =	ssyncset.done $0x0  }
0x195: {  	[sflag:s8] =	ssyncadd.s32 $0xFFFFC000  }
0x196: {  	_ =	swait.ge [sflag:s12], $0x4000  }
0x197: {  	[sflag:s12] =	ssyncset.done $0x0  }
0x198: {  	[sflag:s12] =	ssyncadd.s32 $0xFFFFC000  }
0x199: {  	[tilespmem:s13], [sflag:$0x2] =	stream.indirect.gather [hbm4b:s4+s10], $0x80, s24, s10, $0xb8;
	[tilespmem:$0x1D800] =	vst v63  }
0x19a: {  	_ = 	snop  }
0x19b: {  	[spmem:s2] =	stream.indirect.scatter.add.f32 [tilespmem:s11], [sflag:$0x3], $0x80, s7, s10, $0xb8;
	[tilespmem:$0x1D800] =	vst v63  }
0x19c: {  	_ =	swait.ge [sflag:s8], $0x4000  }
0x19d: {  	[sflag:s8] =	ssyncset.done $0x0  }
0x19e: {  	[sflag:s8] =	ssyncadd.s32 $0xFFFFC000  }
0x19f: {  	_ =	swait.ge [sflag:s14], $0x4000  }
0x1a0: {  	[sflag:s14] =	ssyncset.done $0x0  }
0x1a1: {  	[sflag:s14] =	ssyncadd.s32 $0xFFFFC000  }
0x1a2: {  	[tilespmem:s11], [sflag:$0x1] =	stream.indirect.gather [hbm4b:s4+s10], $0x80, s15, s10, $0xb8;
	[tilespmem:$0x1D800] =	vst v63  }
0x1a3: {  	_ = 	snop  }
0x1a4: {  	[spmem:s2] =	stream.indirect.scatter.add.f32 [tilespmem:s13], [sflag:$0x3], $0x80, s16, s10, $0xb8;
	[tilespmem:$0x1D800] =	vst v63  }
0x1a5: {  	_ =	swait.ge [sflag:s8], $0x4000  }
0x1a6: {  	[sflag:s8] =	ssyncset.done $0x0  }
0x1a7: {  	[sflag:s8] =	ssyncadd.s32 $0xFFFFC000  }
0x1a8: {  	_ =	swait.ge [sflag:s12], $0x4000  }
0x1a9: {  	[sflag:s12] =	ssyncset.done $0x0  }
0x1aa: {  	[sflag:s12] =	ssyncadd.s32 $0xFFFFC000  }
0x1ab: {  	[tilespmem:s13], [sflag:$0x2] =	stream.indirect.gather [hbm4b:s4+s10], $0x80, s17, s10, $0xb8;
	[tilespmem:$0x1D800] =	vst v63  }
0x1ac: {  	_ = 	snop  }
0x1ad: {  	[spmem:s2] =	stream.indirect.scatter.add.f32 [tilespmem:s11], [sflag:$0x3], $0x80, s18, s10, $0xb8;
	[tilespmem:$0x1D800] =	vst v63  }
0x1ae: {  	_ =	swait.ge [sflag:s8], $0x4000  }
0x1af: {  	[sflag:s8] =	ssyncset.done $0x0  }
0x1b0: {  	[sflag:s8] =	ssyncadd.s32 $0xFFFFC000  }
0x1b1: {  	_ =	swait.ge [sflag:s14], $0x4000  }
0x1b2: {  	[sflag:s14] =	ssyncset.done $0x0  }
0x1b3: {  	[sflag:s14] =	ssyncadd.s32 $0xFFFFC000  }
0x1b4: {  	[tilespmem:s11], [sflag:$0x1] =	stream.indirect.gather [hbm4b:s4+s10], $0x80, s19, s10, $0xb8;
	[tilespmem:$0x1D800] =	vst v63  }
0x1b5: {  	_ = 	snop  }
0x1b6: {  	[spmem:s2] =	stream.indirect.scatter.add.f32 [tilespmem:s13], [sflag:$0x3], $0x80, s20, s10, $0xb8;
	[tilespmem:$0x1D800] =	vst v63  }
0x1b7: {  	_ =	swait.ge [sflag:s8], $0x4000  }
0x1b8: {  	[sflag:s8] =	ssyncset.done $0x0  }
0x1b9: {  	[sflag:s8] =	ssyncadd.s32 $0xFFFFC000  }
0x1ba: {  	_ =	swait.ge [sflag:s12], $0x4000  }
0x1bb: {  	[sflag:s12] =	ssyncset.done $0x0  }
0x1bc: {  	[sflag:s12] =	ssyncadd.s32 $0xFFFFC000  }
0x1bd: {  	[tilespmem:s13], [sflag:$0x2] =	stream.indirect.gather [hbm4b:s4+s10], $0x80, s21, s10, $0xb8;
	[tilespmem:$0x1D800] =	vst v63  }
0x1be: {  	_ = 	snop  }
0x1bf: {  	[spmem:s2] =	stream.indirect.scatter.add.f32 [tilespmem:s11], [sflag:$0x3], $0x80, s22, s10, $0xb8;
	[tilespmem:$0x1D800] =	vst v63  }
0x1c0: {  	_ =	swait.ge [sflag:s8], $0x4000  }
0x1c1: {  	[sflag:s8] =	ssyncset.done $0x0  }
0x1c2: {  	[sflag:s8] =	ssyncadd.s32 $0xFFFFC000  }
0x1c3: {  	_ =	swait.ge [sflag:s14], $0x4000  }
0x1c4: {  	[sflag:s14] =	ssyncset.done $0x0  }
0x1c5: {  	[sflag:s14] =	ssyncadd.s32 $0xFFFFC000  }
0x1c6: {  	[tilespmem:s11], [sflag:$0x1] =	stream.indirect.gather [hbm4b:s4+s10], $0x80, s23, s10, $0xb8;
	[tilespmem:$0x1D800] =	vst v63  }
0x1c7: {  	s28 =	simm.s32 $0xC80  }
0x1c8: {  	[spmem:s2] =	stream.indirect.scatter.add.f32 [tilespmem:s13], [sflag:$0x3], $0x80, s28, s10, $0xb8;
	[tilespmem:$0x1D800] =	vst v63  }
0x1c9: {  	_ =	swait.ge [sflag:s8], $0x4000  }
0x1ca: {  	[sflag:s8] =	ssyncset.done $0x0  }
0x1cb: {  	[sflag:s8] =	ssyncadd.s32 $0xFFFFC000  }
0x1cc: {  	_ =	swait.ge [sflag:s12], $0x4000  }
0x1cd: {  	[sflag:s12] =	ssyncset.done $0x0  }
0x1ce: {  	s28 =	simm.s32 $0x580;
	[sflag:s12] =	ssyncadd.s32 $0xFFFFC000  }
0x1cf: {  	[tilespmem:s13], [sflag:$0x2] =	stream.indirect.gather [hbm4b:s4+s10], $0x80, s28, s10, $0xb8;
	[tilespmem:$0x1D800] =	vst v63  }
0x1d0: {  	s28 =	simm.s32 $0xD00  }
0x1d1: {  	[spmem:s2] =	stream.indirect.scatter.add.f32 [tilespmem:s11], [sflag:$0x3], $0x80, s28, s10, $0xb8;
	[tilespmem:$0x1D800] =	vst v63  }
0x1d2: {  	_ =	swait.ge [sflag:s8], $0x4000  }
0x1d3: {  	[sflag:s8] =	ssyncset.done $0x0  }
0x1d4: {  	[sflag:s8] =	ssyncadd.s32 $0xFFFFC000  }
0x1d5: {  	_ =	swait.ge [sflag:s14], $0x4000  }
0x1d6: {  	[sflag:s14] =	ssyncset.done $0x0  }
0x1d7: {  	s28 =	simm.s32 $0x600;
	[sflag:s14] =	ssyncadd.s32 $0xFFFFC000  }
0x1d8: {  	[tilespmem:s11], [sflag:$0x1] =	stream.indirect.gather [hbm4b:s4+s10], $0x80, s28, s10, $0xb8;
	[tilespmem:$0x1D800] =	vst v63  }
0x1d9: {  	s28 =	simm.s32 $0xD80  }
0x1da: {  	[spmem:s2] =	stream.indirect.scatter.add.f32 [tilespmem:s13], [sflag:$0x3], $0x80, s28, s10, $0xb8;
	[tilespmem:$0x1D800] =	vst v63  }
0x1db: {  	_ =	swait.ge [sflag:s8], $0x4000  }
0x1dc: {  	[sflag:s8] =	ssyncset.done $0x0  }
0x1dd: {  	[sflag:s8] =	ssyncadd.s32 $0xFFFFC000  }
0x1de: {  	_ =	swait.ge [sflag:s12], $0x4000  }
0x1df: {  	[sflag:s12] =	ssyncset.done $0x0  }
0x1e0: {  	s28 =	simm.s32 $0x680;
	[sflag:s12] =	ssyncadd.s32 $0xFFFFC000  }
0x1e1: {  	[tilespmem:s13], [sflag:$0x2] =	stream.indirect.gather [hbm4b:s4+s10], $0x80, s28, s10, $0xb8;
	[tilespmem:$0x1D800] =	vst v63  }
0x1e2: {  	s28 =	simm.s32 $0xE00  }
0x1e3: {  	[spmem:s2] =	stream.indirect.scatter.add.f32 [tilespmem:s11], [sflag:$0x3], $0x80, s28, s10, $0xb8;
	[tilespmem:$0x1D800] =	vst v63  }
0x1e4: {  	_ =	swait.ge [sflag:s8], $0x4000  }
0x1e5: {  	[sflag:s8] =	ssyncset.done $0x0  }
0x1e6: {  	[sflag:s8] =	ssyncadd.s32 $0xFFFFC000  }
0x1e7: {  	_ =	swait.ge [sflag:s14], $0x4000  }
0x1e8: {  	[sflag:s14] =	ssyncset.done $0x0  }
0x1e9: {  	s28 =	simm.s32 $0x700;
	[sflag:s14] =	ssyncadd.s32 $0xFFFFC000  }
0x1ea: {  	[tilespmem:s11], [sflag:$0x1] =	stream.indirect.gather [hbm4b:s4+s10], $0x80, s28, s10, $0xb8;
	[tilespmem:$0x1D800] =	vst v63  }
0x1eb: {  	s28 =	simm.s32 $0xE80  }
0x1ec: {  	[spmem:s2] =	stream.indirect.scatter.add.f32 [tilespmem:s13], [sflag:$0x3], $0x80, s28, s10, $0xb8;
	[tilespmem:$0x1D800] =	vst v63  }
0x1ed: {  	_ =	swait.ge [sflag:s8], $0x4000  }
0x1ee: {  	[sflag:s8] =	ssyncset.done $0x0  }
0x1ef: {  	[sflag:s8] =	ssyncadd.s32 $0xFFFFC000  }
0x1f0: {  	_ =	swait.ge [sflag:s12], $0x4000  }
0x1f1: {  	[sflag:s12] =	ssyncset.done $0x0  }
0x1f2: {  	s28 =	simm.s32 $0x780;
	[sflag:s12] =	ssyncadd.s32 $0xFFFFC000  }
0x1f3: {  	[tilespmem:s13], [sflag:$0x2] =	stream.indirect.gather [hbm4b:s4+s10], $0x80, s28, s10, $0xb8;
	[tilespmem:$0x1D800] =	vst v63  }
0x1f4: {  	s28 =	simm.s32 $0xF00  }
0x1f5: {  	[spmem:s2] =	stream.indirect.scatter.add.f32 [tilespmem:s11], [sflag:$0x3], $0x80, s28, s10, $0xb8;
	[tilespmem:$0x1D800] =	vst v63  }
0x1f6: {  	_ =	swait.ge [sflag:s8], $0x4000  }
0x1f7: {  	[sflag:s8] =	ssyncset.done $0x0  }
0x1f8: {  	[sflag:s8] =	ssyncadd.s32 $0xFFFFC000  }
0x1f9: {  	p1 =	sne.s32 s26, $0x400;
	_ =	swait.ge [sflag:s14], $0x4000  }
.Ltmp5:
0x1fa: {  	[sflag:s14] =	ssyncset.done $0x0;
	(pc) =	sbr.rel @p1 .LBB2_10-.Ltmp5, $4  }
0x1fb: {  	s28 =	simm.s32 $0xF80;
	[sflag:s14] =	ssyncadd.s32 $0xFFFFC000  }
0x1fc: {  	[spmem:s2] =	stream.indirect.scatter.add.f32 [tilespmem:s13], [sflag:$0x3], $0x80, s28, s10, $0xb8;
	[tilespmem:$0x1D800] =	vst v63  }
0x1fd: {  	_ =	swait.ge [sflag:s8], $0x4000  }
0x1fe: {  	s26 =	sadd.s32 $0x100, s26;
	s28 =	rddreg [dreg:$0x6];
	[sflag:s8] =	ssyncset.done $0x0  }
0x1ff: {  	[sflag:s8] =	ssyncadd.s32 $0xFFFFC000;
	s26 =	sadd.s32 s25, s28  }
0x200: {  	[tilespmem:s3], [sflag:$0x3] =	stream.linear.gather [hbm4b:s26+s3], $0x800, $0x38;
	[tilespmem:$0x1D800] =	vst v63  }
0x201: {  	_ =	swait.ge [sflag:s8], $0x800  }
0x202: {  	s28 =	rddreg [dreg:$0x5];
	[sflag:s8] =	ssyncset.done $0x0  }
0x203: {  	s28 =	sadd.s32 s25, s28;
	[sflag:s8] =	ssyncadd.s32 $0xFFFFF800  }
0x204: {  	[tilespmem:s9], [sflag:$0x3] =	stream.linear.gather [hbm4b:s28+s3], $0x800, $0x38;
	[tilespmem:$0x1D800] =	vst v63  }
0x205: {  	_ =	swait.ge [sflag:s8], $0x800  }
0x206: {  	[sflag:s8] =	ssyncset.done $0x0  }
0x207: {  	[sflag:s8] =	ssyncadd.s32 $0xFFFFF800  }
0x208: {  	[tilespmem:s11], [sflag:$0x1] =	stream.indirect.gather [hbm4b:s4+s10], $0x80, s3, s10, $0xb8;
	[tilespmem:$0x1D800] =	vst v63  }
0x209: {  	_ =	swait.ge [sflag:s12], $0x4000  }
0x20a: {  	[sflag:s12] =	ssyncset.done $0x0  }
0x20b: {  	[sflag:s12] =	ssyncadd.s32 $0xFFFFC000  }
0x20c: {  	[tilespmem:s13], [sflag:$0x2] =	stream.indirect.gather [hbm4b:s4+s10], $0x80, s10, s10, $0xb8;
	[tilespmem:$0x1D800] =	vst v63  }
0x20d: {  	_ = 	snop  }
0x20e: {  	[spmem:s2] =	stream.indirect.scatter.add.f32 [tilespmem:s11], [sflag:$0x3], $0x80, s9, s10, $0xb8;
	[tilespmem:$0x1D800] =	vst v63  }
0x20f: {  	_ =	swait.ge [sflag:s8], $0x4000  }
0x210: {  	[sflag:s8] =	ssyncset.done $0x0  }
0x211: {  	[sflag:s8] =	ssyncadd.s32 $0xFFFFC000  }
0x212: {  	_ =	swait.ge [sflag:s14], $0x4000  }
0x213: {  	[sflag:s14] =	ssyncset.done $0x0  }
0x214: {  	[sflag:s14] =	ssyncadd.s32 $0xFFFFC000  }
0x215: {  	[tilespmem:s11], [sflag:$0x1] =	stream.indirect.gather [hbm4b:s4+s10], $0x80, s29, s10, $0xb8;
	[tilespmem:$0x1D800] =	vst v63  }
0x216: {  	_ = 	snop  }
0x217: {  	[spmem:s2] =	stream.indirect.scatter.add.f32 [tilespmem:s13], [sflag:$0x3], $0x80, s30, s10, $0xb8;
	[tilespmem:$0x1D800] =	vst v63  }
0x218: {  	_ =	swait.ge [sflag:s8], $0x4000  }
0x219: {  	[sflag:s8] =	ssyncset.done $0x0  }
0x21a: {  	[sflag:s8] =	ssyncadd.s32 $0xFFFFC000  }
0x21b: {  	_ =	swait.ge [sflag:s12], $0x4000  }
0x21c: {  	[sflag:s12] =	ssyncset.done $0x0  }
0x21d: {  	[sflag:s12] =	ssyncadd.s32 $0xFFFFC000  }
0x21e: {  	[tilespmem:s13], [sflag:$0x2] =	stream.indirect.gather [hbm4b:s4+s10], $0x80, s31, s10, $0xb8;
	[tilespmem:$0x1D800] =	vst v63  }
0x21f: {  	_ = 	snop  }
0x220: {  	[spmem:s2] =	stream.indirect.scatter.add.f32 [tilespmem:s11], [sflag:$0x3], $0x80, s0, s10, $0xb8;
	[tilespmem:$0x1D800] =	vst v63  }
0x221: {  	_ =	swait.ge [sflag:s8], $0x4000  }
0x222: {  	[sflag:s8] =	ssyncset.done $0x0  }
0x223: {  	[sflag:s8] =	ssyncadd.s32 $0xFFFFC000  }
0x224: {  	_ =	swait.ge [sflag:s14], $0x4000  }
0x225: {  	[sflag:s14] =	ssyncset.done $0x0  }
0x226: {  	[sflag:s14] =	ssyncadd.s32 $0xFFFFC000  }
0x227: {  	[tilespmem:s11], [sflag:$0x1] =	stream.indirect.gather [hbm4b:s4+s10], $0x80, s1, s10, $0xb8;
	[tilespmem:$0x1D800] =	vst v63  }
0x228: {  	_ = 	snop  }
0x229: {  	[spmem:s2] =	stream.indirect.scatter.add.f32 [tilespmem:s13], [sflag:$0x3], $0x80, s6, s10, $0xb8;
	[tilespmem:$0x1D800] =	vst v63  }
0x22a: {  	_ =	swait.ge [sflag:s8], $0x4000  }
0x22b: {  	[sflag:s8] =	ssyncset.done $0x0  }
0x22c: {  	[sflag:s8] =	ssyncadd.s32 $0xFFFFC000  }
0x22d: {  	_ =	swait.ge [sflag:s12], $0x4000  }
0x22e: {  	[sflag:s12] =	ssyncset.done $0x0  }
0x22f: {  	[sflag:s12] =	ssyncadd.s32 $0xFFFFC000  }
0x230: {  	[tilespmem:s13], [sflag:$0x2] =	stream.indirect.gather [hbm4b:s4+s10], $0x80, s24, s10, $0xb8;
	[tilespmem:$0x1D800] =	vst v63  }
0x231: {  	_ = 	snop  }
0x232: {  	[spmem:s2] =	stream.indirect.scatter.add.f32 [tilespmem:s11], [sflag:$0x3], $0x80, s7, s10, $0xb8;
	[tilespmem:$0x1D800] =	vst v63  }
0x233: {  	_ =	swait.ge [sflag:s8], $0x4000  }
0x234: {  	[sflag:s8] =	ssyncset.done $0x0  }
0x235: {  	[sflag:s8] =	ssyncadd.s32 $0xFFFFC000  }
0x236: {  	_ =	swait.ge [sflag:s14], $0x4000  }
0x237: {  	[sflag:s14] =	ssyncset.done $0x0  }
0x238: {  	[sflag:s14] =	ssyncadd.s32 $0xFFFFC000  }
0x239: {  	[tilespmem:s11], [sflag:$0x1] =	stream.indirect.gather [hbm4b:s4+s10], $0x80, s15, s10, $0xb8;
	[tilespmem:$0x1D800] =	vst v63  }
0x23a: {  	_ = 	snop  }
0x23b: {  	[spmem:s2] =	stream.indirect.scatter.add.f32 [tilespmem:s13], [sflag:$0x3], $0x80, s16, s10, $0xb8;
	[tilespmem:$0x1D800] =	vst v63  }
0x23c: {  	_ =	swait.ge [sflag:s8], $0x4000  }
0x23d: {  	[sflag:s8] =	ssyncset.done $0x0  }
0x23e: {  	[sflag:s8] =	ssyncadd.s32 $0xFFFFC000  }
0x23f: {  	_ =	swait.ge [sflag:s12], $0x4000  }
0x240: {  	[sflag:s12] =	ssyncset.done $0x0  }
0x241: {  	[sflag:s12] =	ssyncadd.s32 $0xFFFFC000  }
0x242: {  	[tilespmem:s13], [sflag:$0x2] =	stream.indirect.gather [hbm4b:s4+s10], $0x80, s17, s10, $0xb8;
	[tilespmem:$0x1D800] =	vst v63  }
0x243: {  	_ = 	snop  }
0x244: {  	[spmem:s2] =	stream.indirect.scatter.add.f32 [tilespmem:s11], [sflag:$0x3], $0x80, s18, s10, $0xb8;
	[tilespmem:$0x1D800] =	vst v63  }
0x245: {  	_ =	swait.ge [sflag:s8], $0x4000  }
0x246: {  	[sflag:s8] =	ssyncset.done $0x0  }
0x247: {  	[sflag:s8] =	ssyncadd.s32 $0xFFFFC000  }
0x248: {  	_ =	swait.ge [sflag:s14], $0x4000  }
0x249: {  	[sflag:s14] =	ssyncset.done $0x0  }
0x24a: {  	[sflag:s14] =	ssyncadd.s32 $0xFFFFC000  }
0x24b: {  	[tilespmem:s11], [sflag:$0x1] =	stream.indirect.gather [hbm4b:s4+s10], $0x80, s19, s10, $0xb8;
	[tilespmem:$0x1D800] =	vst v63  }
0x24c: {  	_ = 	snop  }
0x24d: {  	[spmem:s2] =	stream.indirect.scatter.add.f32 [tilespmem:s13], [sflag:$0x3], $0x80, s20, s10, $0xb8;
	[tilespmem:$0x1D800] =	vst v63  }
0x24e: {  	_ =	swait.ge [sflag:s8], $0x4000  }
0x24f: {  	[sflag:s8] =	ssyncset.done $0x0  }
0x250: {  	[sflag:s8] =	ssyncadd.s32 $0xFFFFC000  }
0x251: {  	_ =	swait.ge [sflag:s12], $0x4000  }
0x252: {  	[sflag:s12] =	ssyncset.done $0x0  }
0x253: {  	[sflag:s12] =	ssyncadd.s32 $0xFFFFC000  }
0x254: {  	[tilespmem:s13], [sflag:$0x2] =	stream.indirect.gather [hbm4b:s4+s10], $0x80, s21, s10, $0xb8;
	[tilespmem:$0x1D800] =	vst v63  }
0x255: {  	_ = 	snop  }
0x256: {  	[spmem:s2] =	stream.indirect.scatter.add.f32 [tilespmem:s11], [sflag:$0x3], $0x80, s22, s10, $0xb8;
	[tilespmem:$0x1D800] =	vst v63  }
0x257: {  	_ =	swait.ge [sflag:s8], $0x4000  }
0x258: {  	[sflag:s8] =	ssyncset.done $0x0  }
0x259: {  	[sflag:s8] =	ssyncadd.s32 $0xFFFFC000  }
0x25a: {  	_ =	swait.ge [sflag:s14], $0x4000  }
0x25b: {  	[sflag:s14] =	ssyncset.done $0x0  }
0x25c: {  	[sflag:s14] =	ssyncadd.s32 $0xFFFFC000  }
0x25d: {  	[tilespmem:s11], [sflag:$0x1] =	stream.indirect.gather [hbm4b:s4+s10], $0x80, s23, s10, $0xb8;
	[tilespmem:$0x1D800] =	vst v63  }
0x25e: {  	s18 =	simm.s32 $0xC80  }
0x25f: {  	[spmem:s2] =	stream.indirect.scatter.add.f32 [tilespmem:s13], [sflag:$0x3], $0x80, s18, s10, $0xb8;
	[tilespmem:$0x1D800] =	vst v63  }
0x260: {  	_ =	swait.ge [sflag:s8], $0x4000  }
0x261: {  	[sflag:s8] =	ssyncset.done $0x0  }
0x262: {  	[sflag:s8] =	ssyncadd.s32 $0xFFFFC000  }
0x263: {  	_ =	swait.ge [sflag:s12], $0x4000  }
0x264: {  	[sflag:s12] =	ssyncset.done $0x0  }
0x265: {  	s19 =	simm.s32 $0x580;
	[sflag:s12] =	ssyncadd.s32 $0xFFFFC000  }
0x266: {  	[tilespmem:s13], [sflag:$0x2] =	stream.indirect.gather [hbm4b:s4+s10], $0x80, s19, s10, $0xb8;
	[tilespmem:$0x1D800] =	vst v63  }
0x267: {  	s20 =	simm.s32 $0xD00  }
0x268: {  	[spmem:s2] =	stream.indirect.scatter.add.f32 [tilespmem:s11], [sflag:$0x3], $0x80, s20, s10, $0xb8;
	[tilespmem:$0x1D800] =	vst v63  }
0x269: {  	_ =	swait.ge [sflag:s8], $0x4000  }
0x26a: {  	[sflag:s8] =	ssyncset.done $0x0  }
0x26b: {  	[sflag:s8] =	ssyncadd.s32 $0xFFFFC000  }
0x26c: {  	_ =	swait.ge [sflag:s14], $0x4000  }
0x26d: {  	[sflag:s14] =	ssyncset.done $0x0  }
0x26e: {  	s21 =	simm.s32 $0x600;
	[sflag:s14] =	ssyncadd.s32 $0xFFFFC000  }
0x26f: {  	[tilespmem:s11], [sflag:$0x1] =	stream.indirect.gather [hbm4b:s4+s10], $0x80, s21, s10, $0xb8;
	[tilespmem:$0x1D800] =	vst v63  }
0x270: {  	s22 =	simm.s32 $0xD80  }
0x271: {  	[spmem:s2] =	stream.indirect.scatter.add.f32 [tilespmem:s13], [sflag:$0x3], $0x80, s22, s10, $0xb8;
	[tilespmem:$0x1D800] =	vst v63  }
0x272: {  	_ =	swait.ge [sflag:s8], $0x4000  }
0x273: {  	[sflag:s8] =	ssyncset.done $0x0  }
0x274: {  	[sflag:s8] =	ssyncadd.s32 $0xFFFFC000  }
0x275: {  	_ =	swait.ge [sflag:s12], $0x4000  }
0x276: {  	[sflag:s12] =	ssyncset.done $0x0  }
0x277: {  	s23 =	simm.s32 $0x680;
	[sflag:s12] =	ssyncadd.s32 $0xFFFFC000  }
0x278: {  	[tilespmem:s13], [sflag:$0x2] =	stream.indirect.gather [hbm4b:s4+s10], $0x80, s23, s10, $0xb8;
	[tilespmem:$0x1D800] =	vst v63  }
0x279: {  	s24 =	simm.s32 $0xE00  }
0x27a: {  	[spmem:s2] =	stream.indirect.scatter.add.f32 [tilespmem:s11], [sflag:$0x3], $0x80, s24, s10, $0xb8;
	[tilespmem:$0x1D800] =	vst v63  }
0x27b: {  	_ =	swait.ge [sflag:s8], $0x4000  }
0x27c: {  	[sflag:s8] =	ssyncset.done $0x0  }
0x27d: {  	[sflag:s8] =	ssyncadd.s32 $0xFFFFC000  }
0x27e: {  	_ =	swait.ge [sflag:s14], $0x4000  }
0x27f: {  	[sflag:s14] =	ssyncset.done $0x0  }
0x280: {  	s25 =	simm.s32 $0x700;
	[sflag:s14] =	ssyncadd.s32 $0xFFFFC000  }
0x281: {  	[tilespmem:s11], [sflag:$0x1] =	stream.indirect.gather [hbm4b:s4+s10], $0x80, s25, s10, $0xb8;
	[tilespmem:$0x1D800] =	vst v63  }
0x282: {  	s26 =	simm.s32 $0xE80  }
0x283: {  	[spmem:s2] =	stream.indirect.scatter.add.f32 [tilespmem:s13], [sflag:$0x3], $0x80, s26, s10, $0xb8;
	[tilespmem:$0x1D800] =	vst v63  }
0x284: {  	_ =	swait.ge [sflag:s8], $0x4000  }
0x285: {  	[sflag:s8] =	ssyncset.done $0x0  }
0x286: {  	[sflag:s8] =	ssyncadd.s32 $0xFFFFC000  }
0x287: {  	_ =	swait.ge [sflag:s12], $0x4000  }
0x288: {  	[sflag:s12] =	ssyncset.done $0x0  }
0x289: {  	s28 =	simm.s32 $0x780;
	[sflag:s12] =	ssyncadd.s32 $0xFFFFC000  }
0x28a: {  	[tilespmem:s13], [sflag:$0x2] =	stream.indirect.gather [hbm4b:s4+s10], $0x80, s28, s10, $0xb8;
	[tilespmem:$0x1D800] =	vst v63  }
0x28b: {  	s30 =	simm.s32 $0xF00  }
0x28c: {  	[spmem:s2] =	stream.indirect.scatter.add.f32 [tilespmem:s11], [sflag:$0x3], $0x80, s30, s10, $0xb8;
	[tilespmem:$0x1D800] =	vst v63  }
0x28d: {  	_ =	swait.ge [sflag:s8], $0x4000  }
0x28e: {  	[sflag:s8] =	ssyncset.done $0x0  }
0x28f: {  	[sflag:s8] =	ssyncadd.s32 $0xFFFFC000  }
0x290: {  	_ =	swait.ge [sflag:s14], $0x4000  }
0x291: {  	[sflag:s14] =	ssyncset.done $0x0  }
.Ltmp6:
0x292: {  	s31 =	simm.s32 $0xF80;
	[sflag:s14] =	ssyncadd.s32 $0xFFFFC000;
	(pc) =	sbr.rel .LBB2_12-.Ltmp6, $4  }
0x293: {  	[spmem:s2] =	stream.indirect.scatter.add.f32 [tilespmem:s13], [sflag:$0x3], $0x80, s31, s10, $0xb8;
	[tilespmem:$0x1D800] =	vst v63  }
0x294: {  	_ =	swait.ge [sflag:s8], $0x4000  }
0x295: {  	[sflag:s8] =	ssyncset.done $0x0  }
0x296: {  	s1 =	rddreg [dreg:$0x9];
	[sflag:s8] =	ssyncadd.s32 $0xFFFFC000  }
.LBB2_6:
0x297: {  	s25 =	rddreg [dreg:$0x4]  }
0x298: {  	s25 =	sadd.s32 $0x0, s25  }
0x299: {  	[tilespmem:s3], [sflag:$0x3] =	stream.linear.gather [hbm4b:s25+s3], $0x800, $0x38;
	[tilespmem:$0x1D800] =	vst v63  }
0x29a: {  	_ =	swait.ge [sflag:s8], $0x800  }
0x29b: {  	s24 =	rddreg [dreg:$0x3];
	[sflag:s8] =	ssyncset.done $0x0  }
0x29c: {  	[sflag:s8] =	ssyncadd.s32 $0xFFFFF800;
	s25 =	sadd.s32 $0x0, s24  }
0x29d: {  	[tilespmem:s9], [sflag:$0x3] =	stream.linear.gather [hbm4b:s25+s3], $0x800, $0x38;
	[tilespmem:$0x1D800] =	vst v63  }
0x29e: {  	_ =	swait.ge [sflag:s8], $0x800  }
0x29f: {  	[sflag:s8] =	ssyncset.done $0x0  }
0x2a0: {  	[sflag:s8] =	ssyncadd.s32 $0xFFFFF800  }
0x2a1: {  	[tilespmem:s11], [sflag:$0x1] =	stream.indirect.gather [hbm4b:s4+s10], $0x80, s3, s10, $0xb8;
	[tilespmem:$0x1D800] =	vst v63  }
0x2a2: {  	_ =	swait.ge [sflag:s12], $0x4000  }
0x2a3: {  	[sflag:s12] =	ssyncset.done $0x0  }
0x2a4: {  	[sflag:s12] =	ssyncadd.s32 $0xFFFFC000  }
0x2a5: {  	[tilespmem:s13], [sflag:$0x2] =	stream.indirect.gather [hbm4b:s4+s10], $0x80, s10, s10, $0xb8;
	[tilespmem:$0x1D800] =	vst v63  }
0x2a6: {  	_ = 	snop  }
0x2a7: {  	[spmem:s2] =	stream.indirect.scatter.add.f32 [tilespmem:s11], [sflag:$0x3], $0x80, s9, s10, $0xb8;
	[tilespmem:$0x1D800] =	vst v63  }
0x2a8: {  	_ =	swait.ge [sflag:s8], $0x4000  }
0x2a9: {  	[sflag:s8] =	ssyncset.done $0x0  }
0x2aa: {  	[sflag:s8] =	ssyncadd.s32 $0xFFFFC000  }
0x2ab: {  	_ =	swait.ge [sflag:s14], $0x4000  }
0x2ac: {  	[sflag:s14] =	ssyncset.done $0x0  }
0x2ad: {  	[sflag:s14] =	ssyncadd.s32 $0xFFFFC000  }
0x2ae: {  	[tilespmem:s11], [sflag:$0x1] =	stream.indirect.gather [hbm4b:s4+s10], $0x80, s29, s10, $0xb8;
	[tilespmem:$0x1D800] =	vst v63  }
0x2af: {  	s30 =	simm.s32 $0x880  }
0x2b0: {  	[spmem:s2] =	stream.indirect.scatter.add.f32 [tilespmem:s13], [sflag:$0x3], $0x80, s30, s10, $0xb8;
	[tilespmem:$0x1D800] =	vst v63  }
0x2b1: {  	_ =	swait.ge [sflag:s8], $0x4000  }
0x2b2: {  	[sflag:s8] =	ssyncset.done $0x0  }
0x2b3: {  	[sflag:s8] =	ssyncadd.s32 $0xFFFFC000  }
0x2b4: {  	_ =	swait.ge [sflag:s12], $0x4000  }
0x2b5: {  	[sflag:s12] =	ssyncset.done $0x0  }
0x2b6: {  	s31 =	simm.s32 $0x180;
	[sflag:s12] =	ssyncadd.s32 $0xFFFFC000  }
0x2b7: {  	[tilespmem:s13], [sflag:$0x2] =	stream.indirect.gather [hbm4b:s4+s10], $0x80, s31, s10, $0xb8;
	[tilespmem:$0x1D800] =	vst v63  }
0x2b8: {  	s0 =	simm.s32 $0x900  }
0x2b9: {  	[spmem:s2] =	stream.indirect.scatter.add.f32 [tilespmem:s11], [sflag:$0x3], $0x80, s0, s10, $0xb8;
	[tilespmem:$0x1D800] =	vst v63  }
0x2ba: {  	_ =	swait.ge [sflag:s8], $0x4000  }
0x2bb: {  	[sflag:s8] =	ssyncset.done $0x0  }
0x2bc: {  	[sflag:s8] =	ssyncadd.s32 $0xFFFFC000  }
0x2bd: {  	_ =	swait.ge [sflag:s14], $0x4000  }
0x2be: {  	[sflag:s14] =	ssyncset.done $0x0  }
0x2bf: {  	s1 =	simm.s32 $0x200;
	[sflag:s14] =	ssyncadd.s32 $0xFFFFC000  }
0x2c0: {  	[tilespmem:s11], [sflag:$0x1] =	stream.indirect.gather [hbm4b:s4+s10], $0x80, s1, s10, $0xb8;
	[tilespmem:$0x1D800] =	vst v63  }
0x2c1: {  	s6 =	simm.s32 $0x980  }
0x2c2: {  	[spmem:s2] =	stream.indirect.scatter.add.f32 [tilespmem:s13], [sflag:$0x3], $0x80, s6, s10, $0xb8;
	[tilespmem:$0x1D800] =	vst v63  }
0x2c3: {  	_ =	swait.ge [sflag:s8], $0x4000  }
0x2c4: {  	[sflag:s8] =	ssyncset.done $0x0  }
0x2c5: {  	[sflag:s8] =	ssyncadd.s32 $0xFFFFC000  }
0x2c6: {  	_ =	swait.ge [sflag:s12], $0x4000  }
0x2c7: {  	[sflag:s12] =	ssyncset.done $0x0  }
0x2c8: {  	s24 =	simm.s32 $0x280;
	[sflag:s12] =	ssyncadd.s32 $0xFFFFC000  }
0x2c9: {  	[tilespmem:s13], [sflag:$0x2] =	stream.indirect.gather [hbm4b:s4+s10], $0x80, s24, s10, $0xb8;
	[tilespmem:$0x1D800] =	vst v63  }
0x2ca: {  	s7 =	simm.s32 $0xA00  }
0x2cb: {  	[spmem:s2] =	stream.indirect.scatter.add.f32 [tilespmem:s11], [sflag:$0x3], $0x80, s7, s10, $0xb8;
	[tilespmem:$0x1D800] =	vst v63  }
0x2cc: {  	_ =	swait.ge [sflag:s8], $0x4000  }
0x2cd: {  	[sflag:s8] =	ssyncset.done $0x0  }
0x2ce: {  	[sflag:s8] =	ssyncadd.s32 $0xFFFFC000  }
0x2cf: {  	_ =	swait.ge [sflag:s14], $0x4000  }
0x2d0: {  	[sflag:s14] =	ssyncset.done $0x0  }
0x2d1: {  	s15 =	simm.s32 $0x300;
	[sflag:s14] =	ssyncadd.s32 $0xFFFFC000  }
0x2d2: {  	[tilespmem:s11], [sflag:$0x1] =	stream.indirect.gather [hbm4b:s4+s10], $0x80, s15, s10, $0xb8;
	[tilespmem:$0x1D800] =	vst v63  }
0x2d3: {  	s16 =	simm.s32 $0xA80  }
0x2d4: {  	[spmem:s2] =	stream.indirect.scatter.add.f32 [tilespmem:s13], [sflag:$0x3], $0x80, s16, s10, $0xb8;
	[tilespmem:$0x1D800] =	vst v63  }
0x2d5: {  	_ =	swait.ge [sflag:s8], $0x4000  }
0x2d6: {  	[sflag:s8] =	ssyncset.done $0x0  }
0x2d7: {  	[sflag:s8] =	ssyncadd.s32 $0xFFFFC000  }
0x2d8: {  	_ =	swait.ge [sflag:s12], $0x4000  }
0x2d9: {  	[sflag:s12] =	ssyncset.done $0x0  }
0x2da: {  	s17 =	simm.s32 $0x380;
	[sflag:s12] =	ssyncadd.s32 $0xFFFFC000  }
0x2db: {  	[tilespmem:s13], [sflag:$0x2] =	stream.indirect.gather [hbm4b:s4+s10], $0x80, s17, s10, $0xb8;
	[tilespmem:$0x1D800] =	vst v63  }
0x2dc: {  	s18 =	simm.s32 $0xB00  }
0x2dd: {  	[spmem:s2] =	stream.indirect.scatter.add.f32 [tilespmem:s11], [sflag:$0x3], $0x80, s18, s10, $0xb8;
	[tilespmem:$0x1D800] =	vst v63  }
0x2de: {  	_ =	swait.ge [sflag:s8], $0x4000  }
0x2df: {  	[sflag:s8] =	ssyncset.done $0x0  }
0x2e0: {  	[sflag:s8] =	ssyncadd.s32 $0xFFFFC000  }
0x2e1: {  	_ =	swait.ge [sflag:s14], $0x4000  }
0x2e2: {  	[sflag:s14] =	ssyncset.done $0x0  }
0x2e3: {  	s19 =	simm.s32 $0x400;
	[sflag:s14] =	ssyncadd.s32 $0xFFFFC000  }
0x2e4: {  	[tilespmem:s11], [sflag:$0x1] =	stream.indirect.gather [hbm4b:s4+s10], $0x80, s19, s10, $0xb8;
	[tilespmem:$0x1D800] =	vst v63  }
0x2e5: {  	s20 =	simm.s32 $0xB80  }
0x2e6: {  	[spmem:s2] =	stream.indirect.scatter.add.f32 [tilespmem:s13], [sflag:$0x3], $0x80, s20, s10, $0xb8;
	[tilespmem:$0x1D800] =	vst v63  }
0x2e7: {  	_ =	swait.ge [sflag:s8], $0x4000  }
0x2e8: {  	[sflag:s8] =	ssyncset.done $0x0  }
0x2e9: {  	[sflag:s8] =	ssyncadd.s32 $0xFFFFC000  }
0x2ea: {  	_ =	swait.ge [sflag:s12], $0x4000  }
0x2eb: {  	[sflag:s12] =	ssyncset.done $0x0  }
0x2ec: {  	s21 =	simm.s32 $0x480;
	[sflag:s12] =	ssyncadd.s32 $0xFFFFC000  }
0x2ed: {  	[tilespmem:s13], [sflag:$0x2] =	stream.indirect.gather [hbm4b:s4+s10], $0x80, s21, s10, $0xb8;
	[tilespmem:$0x1D800] =	vst v63  }
0x2ee: {  	s22 =	simm.s32 $0xC00  }
0x2ef: {  	[spmem:s2] =	stream.indirect.scatter.add.f32 [tilespmem:s11], [sflag:$0x3], $0x80, s22, s10, $0xb8;
	[tilespmem:$0x1D800] =	vst v63  }
0x2f0: {  	_ =	swait.ge [sflag:s8], $0x4000  }
0x2f1: {  	[sflag:s8] =	ssyncset.done $0x0  }
0x2f2: {  	[sflag:s8] =	ssyncadd.s32 $0xFFFFC000  }
0x2f3: {  	_ =	swait.ge [sflag:s14], $0x4000  }
0x2f4: {  	[sflag:s14] =	ssyncset.done $0x0  }
0x2f5: {  	s23 =	simm.s32 $0x500;
	[sflag:s14] =	ssyncadd.s32 $0xFFFFC000  }
0x2f6: {  	[tilespmem:s11], [sflag:$0x1] =	stream.indirect.gather [hbm4b:s4+s10], $0x80, s23, s10, $0xb8;
	[tilespmem:$0x1D800] =	vst v63  }
0x2f7: {  	s26 =	simm.s32 $0xC80  }
0x2f8: {  	[spmem:s2] =	stream.indirect.scatter.add.f32 [tilespmem:s13], [sflag:$0x3], $0x80, s26, s10, $0xb8;
	[tilespmem:$0x1D800] =	vst v63  }
0x2f9: {  	_ =	swait.ge [sflag:s8], $0x4000  }
0x2fa: {  	[sflag:s8] =	ssyncset.done $0x0  }
0x2fb: {  	[sflag:s8] =	ssyncadd.s32 $0xFFFFC000  }
0x2fc: {  	_ =	swait.ge [sflag:s12], $0x4000  }
0x2fd: {  	[sflag:s12] =	ssyncset.done $0x0  }
0x2fe: {  	s29 =	simm.s32 $0x580;
	[sflag:s12] =	ssyncadd.s32 $0xFFFFC000  }
0x2ff: {  	[tilespmem:s13], [sflag:$0x2] =	stream.indirect.gather [hbm4b:s4+s10], $0x80, s29, s10, $0xb8;
	[tilespmem:$0x1D800] =	vst v63  }
0x300: {  	s26 =	simm.s32 $0xD00  }
0x301: {  	[spmem:s2] =	stream.indirect.scatter.add.f32 [tilespmem:s11], [sflag:$0x3], $0x80, s26, s10, $0xb8;
	[tilespmem:$0x1D800] =	vst v63  }
0x302: {  	_ =	swait.ge [sflag:s8], $0x4000  }
0x303: {  	[sflag:s8] =	ssyncset.done $0x0  }
0x304: {  	[sflag:s8] =	ssyncadd.s32 $0xFFFFC000  }
0x305: {  	_ =	swait.ge [sflag:s14], $0x4000  }
0x306: {  	[sflag:s14] =	ssyncset.done $0x0  }
0x307: {  	s29 =	simm.s32 $0x600;
	[sflag:s14] =	ssyncadd.s32 $0xFFFFC000  }
0x308: {  	[tilespmem:s11], [sflag:$0x1] =	stream.indirect.gather [hbm4b:s4+s10], $0x80, s29, s10, $0xb8;
	[tilespmem:$0x1D800] =	vst v63  }
0x309: {  	s26 =	simm.s32 $0xD80  }
0x30a: {  	[spmem:s2] =	stream.indirect.scatter.add.f32 [tilespmem:s13], [sflag:$0x3], $0x80, s26, s10, $0xb8;
	[tilespmem:$0x1D800] =	vst v63  }
0x30b: {  	_ =	swait.ge [sflag:s8], $0x4000  }
0x30c: {  	[sflag:s8] =	ssyncset.done $0x0  }
0x30d: {  	[sflag:s8] =	ssyncadd.s32 $0xFFFFC000  }
0x30e: {  	_ =	swait.ge [sflag:s12], $0x4000  }
0x30f: {  	[sflag:s12] =	ssyncset.done $0x0  }
0x310: {  	s29 =	simm.s32 $0x680;
	[sflag:s12] =	ssyncadd.s32 $0xFFFFC000  }
0x311: {  	[tilespmem:s13], [sflag:$0x2] =	stream.indirect.gather [hbm4b:s4+s10], $0x80, s29, s10, $0xb8;
	[tilespmem:$0x1D800] =	vst v63  }
0x312: {  	s26 =	simm.s32 $0xE00  }
0x313: {  	[spmem:s2] =	stream.indirect.scatter.add.f32 [tilespmem:s11], [sflag:$0x3], $0x80, s26, s10, $0xb8;
	[tilespmem:$0x1D800] =	vst v63  }
0x314: {  	_ =	swait.ge [sflag:s8], $0x4000  }
0x315: {  	[sflag:s8] =	ssyncset.done $0x0  }
0x316: {  	[sflag:s8] =	ssyncadd.s32 $0xFFFFC000  }
0x317: {  	_ =	swait.ge [sflag:s14], $0x4000  }
0x318: {  	[sflag:s14] =	ssyncset.done $0x0  }
0x319: {  	s29 =	simm.s32 $0x700;
	[sflag:s14] =	ssyncadd.s32 $0xFFFFC000  }
0x31a: {  	[tilespmem:s11], [sflag:$0x1] =	stream.indirect.gather [hbm4b:s4+s10], $0x80, s29, s10, $0xb8;
	[tilespmem:$0x1D800] =	vst v63  }
0x31b: {  	s26 =	simm.s32 $0xE80  }
0x31c: {  	[spmem:s2] =	stream.indirect.scatter.add.f32 [tilespmem:s13], [sflag:$0x3], $0x80, s26, s10, $0xb8;
	[tilespmem:$0x1D800] =	vst v63  }
0x31d: {  	_ =	swait.ge [sflag:s8], $0x4000  }
0x31e: {  	[sflag:s8] =	ssyncset.done $0x0  }
0x31f: {  	[sflag:s8] =	ssyncadd.s32 $0xFFFFC000  }
0x320: {  	_ =	swait.ge [sflag:s12], $0x4000  }
0x321: {  	[sflag:s12] =	ssyncset.done $0x0  }
0x322: {  	s29 =	simm.s32 $0x780;
	[sflag:s12] =	ssyncadd.s32 $0xFFFFC000  }
0x323: {  	[tilespmem:s13], [sflag:$0x2] =	stream.indirect.gather [hbm4b:s4+s10], $0x80, s29, s10, $0xb8;
	[tilespmem:$0x1D800] =	vst v63  }
0x324: {  	s26 =	simm.s32 $0xF00  }
0x325: {  	[spmem:s2] =	stream.indirect.scatter.add.f32 [tilespmem:s11], [sflag:$0x3], $0x80, s26, s10, $0xb8;
	[tilespmem:$0x1D800] =	vst v63  }
0x326: {  	_ =	swait.ge [sflag:s8], $0x4000  }
0x327: {  	[sflag:s8] =	ssyncset.done $0x0  }
0x328: {  	[sflag:s8] =	ssyncadd.s32 $0xFFFFC000  }
0x329: {  	_ =	swait.ge [sflag:s14], $0x4000  }
0x32a: {  	[sflag:s14] =	ssyncset.done $0x0  }
0x32b: {  	s29 =	simm.s32 $0xF80;
	[sflag:s14] =	ssyncadd.s32 $0xFFFFC000  }
0x32c: {  	[spmem:s2] =	stream.indirect.scatter.add.f32 [tilespmem:s13], [sflag:$0x3], $0x80, s29, s10, $0xb8;
	[tilespmem:$0x1D800] =	vst v63  }
0x32d: {  	s25 =	simm.s32 $0x100;
	_ =	swait.ge [sflag:s8], $0x4000  }
0x32e: {  	s26 =	simm.s32 $0x200;
	s28 =	rddreg [dreg:$0x4];
	[sflag:s8] =	ssyncset.done $0x0  }
.LBB2_7:
0x32f: {  	[sflag:s8] =	ssyncadd.s32 $0xFFFFC000;
	s28 =	sadd.s32 s25, s28  }
0x330: {  	[tilespmem:s3], [sflag:$0x3] =	stream.linear.gather [hbm4b:s28+s3], $0x800, $0x38;
	[tilespmem:$0x1D800] =	vst v63  }
0x331: {  	_ =	swait.ge [sflag:s8], $0x800  }
0x332: {  	s28 =	rddreg [dreg:$0x3];
	[sflag:s8] =	ssyncset.done $0x0  }
0x333: {  	[sflag:s8] =	ssyncadd.s32 $0xFFFFF800;
	s28 =	sadd.s32 s25, s28  }
0x334: {  	[tilespmem:s9], [sflag:$0x3] =	stream.linear.gather [hbm4b:s28+s3], $0x800, $0x38;
	[tilespmem:$0x1D800] =	vst v63  }
0x335: {  	_ =	swait.ge [sflag:s8], $0x800  }
0x336: {  	[sflag:s8] =	ssyncset.done $0x0  }
0x337: {  	[sflag:s8] =	ssyncadd.s32 $0xFFFFF800  }
0x338: {  	[tilespmem:s11], [sflag:$0x1] =	stream.indirect.gather [hbm4b:s4+s10], $0x80, s3, s10, $0xb8;
	[tilespmem:$0x1D800] =	vst v63  }
0x339: {  	_ =	swait.ge [sflag:s12], $0x4000  }
0x33a: {  	[sflag:s12] =	ssyncset.done $0x0  }
0x33b: {  	[sflag:s12] =	ssyncadd.s32 $0xFFFFC000  }
0x33c: {  	[tilespmem:s13], [sflag:$0x2] =	stream.indirect.gather [hbm4b:s4+s10], $0x80, s10, s10, $0xb8;
	[tilespmem:$0x1D800] =	vst v63  }
0x33d: {  	_ = 	snop  }
0x33e: {  	[spmem:s2] =	stream.indirect.scatter.add.f32 [tilespmem:s11], [sflag:$0x3], $0x80, s9, s10, $0xb8;
	[tilespmem:$0x1D800] =	vst v63  }
0x33f: {  	_ =	swait.ge [sflag:s8], $0x4000  }
0x340: {  	[sflag:s8] =	ssyncset.done $0x0  }
0x341: {  	[sflag:s8] =	ssyncadd.s32 $0xFFFFC000  }
0x342: {  	_ =	swait.ge [sflag:s14], $0x4000  }
0x343: {  	s29 =	smov.u32 s26;
	[sflag:s14] =	ssyncset.done $0x0  }
0x344: {  	s25 =	smov.u32 s29;
	s29 =	simm.s32 $0x100;
	[sflag:s14] =	ssyncadd.s32 $0xFFFFC000  }
0x345: {  	[tilespmem:s11], [sflag:$0x1] =	stream.indirect.gather [hbm4b:s4+s10], $0x80, s29, s10, $0xb8;
	[tilespmem:$0x1D800] =	vst v63  }
0x346: {  	_ = 	snop  }
0x347: {  	[spmem:s2] =	stream.indirect.scatter.add.f32 [tilespmem:s13], [sflag:$0x3], $0x80, s30, s10, $0xb8;
	[tilespmem:$0x1D800] =	vst v63  }
0x348: {  	_ =	swait.ge [sflag:s8], $0x4000  }
0x349: {  	[sflag:s8] =	ssyncset.done $0x0  }
0x34a: {  	[sflag:s8] =	ssyncadd.s32 $0xFFFFC000  }
0x34b: {  	_ =	swait.ge [sflag:s12], $0x4000  }
0x34c: {  	[sflag:s12] =	ssyncset.done $0x0  }
0x34d: {  	[sflag:s12] =	ssyncadd.s32 $0xFFFFC000  }
0x34e: {  	[tilespmem:s13], [sflag:$0x2] =	stream.indirect.gather [hbm4b:s4+s10], $0x80, s31, s10, $0xb8;
	[tilespmem:$0x1D800] =	vst v63  }
0x34f: {  	_ = 	snop  }
0x350: {  	[spmem:s2] =	stream.indirect.scatter.add.f32 [tilespmem:s11], [sflag:$0x3], $0x80, s0, s10, $0xb8;
	[tilespmem:$0x1D800] =	vst v63  }
0x351: {  	_ =	swait.ge [sflag:s8], $0x4000  }
0x352: {  	[sflag:s8] =	ssyncset.done $0x0  }
0x353: {  	[sflag:s8] =	ssyncadd.s32 $0xFFFFC000  }
0x354: {  	_ =	swait.ge [sflag:s14], $0x4000  }
0x355: {  	[sflag:s14] =	ssyncset.done $0x0  }
0x356: {  	[sflag:s14] =	ssyncadd.s32 $0xFFFFC000  }
0x357: {  	[tilespmem:s11], [sflag:$0x1] =	stream.indirect.gather [hbm4b:s4+s10], $0x80, s1, s10, $0xb8;
	[tilespmem:$0x1D800] =	vst v63  }
0x358: {  	_ = 	snop  }
0x359: {  	[spmem:s2] =	stream.indirect.scatter.add.f32 [tilespmem:s13], [sflag:$0x3], $0x80, s6, s10, $0xb8;
	[tilespmem:$0x1D800] =	vst v63  }
0x35a: {  	_ =	swait.ge [sflag:s8], $0x4000  }
0x35b: {  	[sflag:s8] =	ssyncset.done $0x0  }
0x35c: {  	[sflag:s8] =	ssyncadd.s32 $0xFFFFC000  }
0x35d: {  	_ =	swait.ge [sflag:s12], $0x4000  }
0x35e: {  	[sflag:s12] =	ssyncset.done $0x0  }
0x35f: {  	[sflag:s12] =	ssyncadd.s32 $0xFFFFC000  }
0x360: {  	[tilespmem:s13], [sflag:$0x2] =	stream.indirect.gather [hbm4b:s4+s10], $0x80, s24, s10, $0xb8;
	[tilespmem:$0x1D800] =	vst v63  }
0x361: {  	_ = 	snop  }
0x362: {  	[spmem:s2] =	stream.indirect.scatter.add.f32 [tilespmem:s11], [sflag:$0x3], $0x80, s7, s10, $0xb8;
	[tilespmem:$0x1D800] =	vst v63  }
0x363: {  	_ =	swait.ge [sflag:s8], $0x4000  }
0x364: {  	[sflag:s8] =	ssyncset.done $0x0  }
0x365: {  	[sflag:s8] =	ssyncadd.s32 $0xFFFFC000  }
0x366: {  	_ =	swait.ge [sflag:s14], $0x4000  }
0x367: {  	[sflag:s14] =	ssyncset.done $0x0  }
0x368: {  	[sflag:s14] =	ssyncadd.s32 $0xFFFFC000  }
0x369: {  	[tilespmem:s11], [sflag:$0x1] =	stream.indirect.gather [hbm4b:s4+s10], $0x80, s15, s10, $0xb8;
	[tilespmem:$0x1D800] =	vst v63  }
0x36a: {  	_ = 	snop  }
0x36b: {  	[spmem:s2] =	stream.indirect.scatter.add.f32 [tilespmem:s13], [sflag:$0x3], $0x80, s16, s10, $0xb8;
	[tilespmem:$0x1D800] =	vst v63  }
0x36c: {  	_ =	swait.ge [sflag:s8], $0x4000  }
0x36d: {  	[sflag:s8] =	ssyncset.done $0x0  }
0x36e: {  	[sflag:s8] =	ssyncadd.s32 $0xFFFFC000  }
0x36f: {  	_ =	swait.ge [sflag:s12], $0x4000  }
0x370: {  	[sflag:s12] =	ssyncset.done $0x0  }
0x371: {  	[sflag:s12] =	ssyncadd.s32 $0xFFFFC000  }
0x372: {  	[tilespmem:s13], [sflag:$0x2] =	stream.indirect.gather [hbm4b:s4+s10], $0x80, s17, s10, $0xb8;
	[tilespmem:$0x1D800] =	vst v63  }
0x373: {  	_ = 	snop  }
0x374: {  	[spmem:s2] =	stream.indirect.scatter.add.f32 [tilespmem:s11], [sflag:$0x3], $0x80, s18, s10, $0xb8;
	[tilespmem:$0x1D800] =	vst v63  }
0x375: {  	_ =	swait.ge [sflag:s8], $0x4000  }
0x376: {  	[sflag:s8] =	ssyncset.done $0x0  }
0x377: {  	[sflag:s8] =	ssyncadd.s32 $0xFFFFC000  }
0x378: {  	_ =	swait.ge [sflag:s14], $0x4000  }
0x379: {  	[sflag:s14] =	ssyncset.done $0x0  }
0x37a: {  	[sflag:s14] =	ssyncadd.s32 $0xFFFFC000  }
0x37b: {  	[tilespmem:s11], [sflag:$0x1] =	stream.indirect.gather [hbm4b:s4+s10], $0x80, s19, s10, $0xb8;
	[tilespmem:$0x1D800] =	vst v63  }
0x37c: {  	_ = 	snop  }
0x37d: {  	[spmem:s2] =	stream.indirect.scatter.add.f32 [tilespmem:s13], [sflag:$0x3], $0x80, s20, s10, $0xb8;
	[tilespmem:$0x1D800] =	vst v63  }
0x37e: {  	_ =	swait.ge [sflag:s8], $0x4000  }
0x37f: {  	[sflag:s8] =	ssyncset.done $0x0  }
0x380: {  	[sflag:s8] =	ssyncadd.s32 $0xFFFFC000  }
0x381: {  	_ =	swait.ge [sflag:s12], $0x4000  }
0x382: {  	[sflag:s12] =	ssyncset.done $0x0  }
0x383: {  	[sflag:s12] =	ssyncadd.s32 $0xFFFFC000  }
0x384: {  	[tilespmem:s13], [sflag:$0x2] =	stream.indirect.gather [hbm4b:s4+s10], $0x80, s21, s10, $0xb8;
	[tilespmem:$0x1D800] =	vst v63  }
0x385: {  	_ = 	snop  }
0x386: {  	[spmem:s2] =	stream.indirect.scatter.add.f32 [tilespmem:s11], [sflag:$0x3], $0x80, s22, s10, $0xb8;
	[tilespmem:$0x1D800] =	vst v63  }
0x387: {  	_ =	swait.ge [sflag:s8], $0x4000  }
0x388: {  	[sflag:s8] =	ssyncset.done $0x0  }
0x389: {  	[sflag:s8] =	ssyncadd.s32 $0xFFFFC000  }
0x38a: {  	_ =	swait.ge [sflag:s14], $0x4000  }
0x38b: {  	[sflag:s14] =	ssyncset.done $0x0  }
0x38c: {  	[sflag:s14] =	ssyncadd.s32 $0xFFFFC000  }
0x38d: {  	[tilespmem:s11], [sflag:$0x1] =	stream.indirect.gather [hbm4b:s4+s10], $0x80, s23, s10, $0xb8;
	[tilespmem:$0x1D800] =	vst v63  }
0x38e: {  	s28 =	simm.s32 $0xC80  }
0x38f: {  	[spmem:s2] =	stream.indirect.scatter.add.f32 [tilespmem:s13], [sflag:$0x3], $0x80, s28, s10, $0xb8;
	[tilespmem:$0x1D800] =	vst v63  }
0x390: {  	_ =	swait.ge [sflag:s8], $0x4000  }
0x391: {  	[sflag:s8] =	ssyncset.done $0x0  }
0x392: {  	[sflag:s8] =	ssyncadd.s32 $0xFFFFC000  }
0x393: {  	_ =	swait.ge [sflag:s12], $0x4000  }
0x394: {  	[sflag:s12] =	ssyncset.done $0x0  }
0x395: {  	s28 =	simm.s32 $0x580;
	[sflag:s12] =	ssyncadd.s32 $0xFFFFC000  }
0x396: {  	[tilespmem:s13], [sflag:$0x2] =	stream.indirect.gather [hbm4b:s4+s10], $0x80, s28, s10, $0xb8;
	[tilespmem:$0x1D800] =	vst v63  }
0x397: {  	s28 =	simm.s32 $0xD00  }
0x398: {  	[spmem:s2] =	stream.indirect.scatter.add.f32 [tilespmem:s11], [sflag:$0x3], $0x80, s28, s10, $0xb8;
	[tilespmem:$0x1D800] =	vst v63  }
0x399: {  	_ =	swait.ge [sflag:s8], $0x4000  }
0x39a: {  	[sflag:s8] =	ssyncset.done $0x0  }
0x39b: {  	[sflag:s8] =	ssyncadd.s32 $0xFFFFC000  }
0x39c: {  	_ =	swait.ge [sflag:s14], $0x4000  }
0x39d: {  	[sflag:s14] =	ssyncset.done $0x0  }
0x39e: {  	s28 =	simm.s32 $0x600;
	[sflag:s14] =	ssyncadd.s32 $0xFFFFC000  }
0x39f: {  	[tilespmem:s11], [sflag:$0x1] =	stream.indirect.gather [hbm4b:s4+s10], $0x80, s28, s10, $0xb8;
	[tilespmem:$0x1D800] =	vst v63  }
0x3a0: {  	s28 =	simm.s32 $0xD80  }
0x3a1: {  	[spmem:s2] =	stream.indirect.scatter.add.f32 [tilespmem:s13], [sflag:$0x3], $0x80, s28, s10, $0xb8;
	[tilespmem:$0x1D800] =	vst v63  }
0x3a2: {  	_ =	swait.ge [sflag:s8], $0x4000  }
0x3a3: {  	[sflag:s8] =	ssyncset.done $0x0  }
0x3a4: {  	[sflag:s8] =	ssyncadd.s32 $0xFFFFC000  }
0x3a5: {  	_ =	swait.ge [sflag:s12], $0x4000  }
0x3a6: {  	[sflag:s12] =	ssyncset.done $0x0  }
0x3a7: {  	s28 =	simm.s32 $0x680;
	[sflag:s12] =	ssyncadd.s32 $0xFFFFC000  }
0x3a8: {  	[tilespmem:s13], [sflag:$0x2] =	stream.indirect.gather [hbm4b:s4+s10], $0x80, s28, s10, $0xb8;
	[tilespmem:$0x1D800] =	vst v63  }
0x3a9: {  	s28 =	simm.s32 $0xE00  }
0x3aa: {  	[spmem:s2] =	stream.indirect.scatter.add.f32 [tilespmem:s11], [sflag:$0x3], $0x80, s28, s10, $0xb8;
	[tilespmem:$0x1D800] =	vst v63  }
0x3ab: {  	_ =	swait.ge [sflag:s8], $0x4000  }
0x3ac: {  	[sflag:s8] =	ssyncset.done $0x0  }
0x3ad: {  	[sflag:s8] =	ssyncadd.s32 $0xFFFFC000  }
0x3ae: {  	_ =	swait.ge [sflag:s14], $0x4000  }
0x3af: {  	[sflag:s14] =	ssyncset.done $0x0  }
0x3b0: {  	s28 =	simm.s32 $0x700;
	[sflag:s14] =	ssyncadd.s32 $0xFFFFC000  }
0x3b1: {  	[tilespmem:s11], [sflag:$0x1] =	stream.indirect.gather [hbm4b:s4+s10], $0x80, s28, s10, $0xb8;
	[tilespmem:$0x1D800] =	vst v63  }
0x3b2: {  	s28 =	simm.s32 $0xE80  }
0x3b3: {  	[spmem:s2] =	stream.indirect.scatter.add.f32 [tilespmem:s13], [sflag:$0x3], $0x80, s28, s10, $0xb8;
	[tilespmem:$0x1D800] =	vst v63  }
0x3b4: {  	_ =	swait.ge [sflag:s8], $0x4000  }
0x3b5: {  	[sflag:s8] =	ssyncset.done $0x0  }
0x3b6: {  	[sflag:s8] =	ssyncadd.s32 $0xFFFFC000  }
0x3b7: {  	_ =	swait.ge [sflag:s12], $0x4000  }
0x3b8: {  	[sflag:s12] =	ssyncset.done $0x0  }
0x3b9: {  	s28 =	simm.s32 $0x780;
	[sflag:s12] =	ssyncadd.s32 $0xFFFFC000  }
0x3ba: {  	[tilespmem:s13], [sflag:$0x2] =	stream.indirect.gather [hbm4b:s4+s10], $0x80, s28, s10, $0xb8;
	[tilespmem:$0x1D800] =	vst v63  }
0x3bb: {  	s28 =	simm.s32 $0xF00  }
0x3bc: {  	[spmem:s2] =	stream.indirect.scatter.add.f32 [tilespmem:s11], [sflag:$0x3], $0x80, s28, s10, $0xb8;
	[tilespmem:$0x1D800] =	vst v63  }
0x3bd: {  	_ =	swait.ge [sflag:s8], $0x4000  }
0x3be: {  	[sflag:s8] =	ssyncset.done $0x0  }
0x3bf: {  	[sflag:s8] =	ssyncadd.s32 $0xFFFFC000  }
0x3c0: {  	p1 =	seq.s32 s26, $0x400;
	_ =	swait.ge [sflag:s14], $0x4000  }
.Ltmp7:
0x3c1: {  	[sflag:s14] =	ssyncset.done $0x0;
	(pc) =	sbr.rel @!p1 .LBB2_7-.Ltmp7, $4  }
0x3c2: {  	s28 =	simm.s32 $0xF80;
	[sflag:s14] =	ssyncadd.s32 $0xFFFFC000  }
0x3c3: {  	[spmem:s2] =	stream.indirect.scatter.add.f32 [tilespmem:s13], [sflag:$0x3], $0x80, s28, s10, $0xb8;
	[tilespmem:$0x1D800] =	vst v63  }
0x3c4: {  	_ =	swait.ge [sflag:s8], $0x4000  }
0x3c5: {  	s26 =	sadd.s32 $0x100, s26;
	s28 =	rddreg [dreg:$0x4];
	[sflag:s8] =	ssyncset.done $0x0  }
.Ltmp8:
0x3c6: {  	_ = 	snop;
	(pc) =	sbr.rel .LBB2_8-.Ltmp8, $1  }
0x3c7: {  	_ =	sdelay $0x3  }
.LBB2_13:
0x3c8: {  	_ =	sfence.sel $0x180000  }
0x3c9: {  	[bflag:$0x0] =	sbarrier.arrive $0xFFFF  }
0x3ca: {  	_ =	strace $0x9000004D  }
0x3cb: {  	s0 =	stileid.u32;
	[bflag:$0x2] =	sbarrier.arrive $0xFFFF  }
0x3cc: {  	p0 =	sne.s32 s0, $0x0;
	s0 =	rddreg [dreg:$0x2]  }
0x3cd: {  	s0 =	sadd.s32 @!p0 $0x100000, s0  }
0x3ce: {  	[sflag:s0] =	ssyncadd.tile.s32 @!p0 $0x1;
	_ =	shalt  }
.Lfunc_end2:
_tile_overlayer_lowered:
.L_overlay_start_2:
0x3cf: {  	(tag) =	ssettag $0x2  }
0x3d0: {  	s0 =	rddreg [dreg:$0x0];
	s2 =	stileid.u32  }
0x3d1: {  	s1 =	rddreg [dreg:$0x1];
	p0 =	sne.s32 s2, $0x0  }
0x3d2: {  	s3 =	rddreg [dreg:$0x2];
	[bflag:$0x3] =	sbarrier.arrive $0xFFFF;
	s2 =	simm.s32 @!p0 $0x1C03  }
0x3d3: {  	[timem:s3], [sflag:s2] =	dma.local @!p0 [hbm:s0], s1  }
0x3d4: {  	s0 =	simm.s32 @!p0 $0x3  }
0x3d5: {  	_ =	swait.ge @!p0 [sflag:s0], s1  }
0x3d6: {  	s1 =	ssub.s32 @!p0 $0x0, s1;
	[sflag:s0] =	ssyncset.done @!p0 $0x0  }
0x3d7: {  	[sflag:s0] =	ssyncadd.s32 @!p0 s1  }
0x3d8: {  	[bflag:$0x3] =	sbarrier.arrive $0xFFFF  }
0x3d9: {  	_ =	shalt  }

// kernel: kernel.8.cloned.1.call-start
scs
__scs_entry_jumppad:
0x0: {  	(pc) =	sbr.rel $0x88, $3  }
0x1: {  	(tag) =	ssettag $0x0;
	lr =	simm.s32 $0x1  }
0x2: {  	[smem:$0x3F99] =	sst lr;
	_ =	strace $0xD0000000  }
0x3: {  	_ = 	snop  }
0x4: {  	_ = 	snop  }
0x5: {  	_ = 	snop  }
0x6: {  	_ = 	snop  }
0x7: {  	_ = 	snop  }
__scs_overlays_trampoline_lowered:
0x8: {  	[smem:$0x3FA8] =	sst s0  }
0x9: {  	[smem:$0x3FA9] =	sst s1  }
0xa: {  	[smem:$0x3FAA] =	sst s2  }
0xb: {  	[smem:$0x3FAB] =	sst s3  }
0xc: {  	[smem:$0x3FAC] =	sst s4  }
0xd: {  	[smem:$0x3FAD] =	sst s5  }
0xe: {  	[smem:$0x3FAE] =	sst s6  }
0xf: {  	[smem:$0x3FAF] =	sst s7  }
0x10: {  	[smem:$0x3FB0] =	sst s8  }
0x11: {  	[smem:$0x3FB1] =	sst s9;
	s0 =	simm.s32 @!p0 $0x0  }
0x12: {  	s1 =	sld [smem:$0x3F97];
	s0 =	simm.s32 @p0 $0x1  }
0x13: {  	[smem:$0x3FB2] =	sst s0;
	s0 =	simm.s32 @!p1 $0x0  }
0x14: {  	s2 =	sld [smem:$0x3F96];
	s0 =	simm.s32 @p1 $0x1  }
0x15: {  	[smem:$0x3FB3] =	sst s0;
	s0 =	simm.s32 @!p2 $0x0  }
0x16: {  	s3 =	sld [smem:$0x3FDB];
	s0 =	simm.s32 @p2 $0x1  }
0x17: {  	s4 =	simm.s32 $0x1BF5;
	[smem:$0x3FB5] =	sst s0  }
0x18: {  	s0 =	sld [smem:$0x3F98];
	_ =	swait.ge [sflag:s4], $0x0  }
0x19: {  	s7 =	sld [smem:$0x3F99]  }
0x1a: {  	s8 =	sadd.s32 $0xFFFFE003, lr  }
0x1b: {  	s9 =	sadd.s32 $0xFFFFFEF7, lr;
	s5 =	simm.s32 $0xFFFFFFFF;
	p2 =	slt.u32 s8, $0xFFFFF086  }
0x1c: {  	p1 =	slt.u32 s9, $0xF7A;
	s5 =	simm.s32 @!p2 $0x0  }
0x1d: {  	s5 =	simm.s32 @p1 $0x1;
	p0 =	seq.s32 s7, s2  }
0x1e: {  	s7 =	smul.u32 @!p0 $0xF7A, s2;
	p2 =	seq.s32 @!p0 s5, $0x0  }
0x1f: {  	s9 =	smul.u32 $0xF7A, s1;
	s8 =	simm.s32 @!p0 $0x1BF5;
	p2 =	por !p2, p0  }
0x20: {  	[sflag:s8] =	ssyncset.s32 @!p0 $0xFFFFF086;
	s6 =	sadd.s32 @!p0 s3, s7;
	s7 =	simm.s32 @!p0 $0x108  }
0x21: {  	s3 =	sadd.s32 s3, s9;
	s6 =	sadd.s32 @!p0 $0x88, s6;
	s7 =	simm.s32 @p2 $0x1082  }
0x22: {  	[simem:s7], [sflag:s8] =	dma.local @!p0 [hbm:s6], $0xF7A  }
0x23: {  	s9 =	sor.u32 $0xD0000000, s2;
	s6 =	simm.s32 $0x108;
	_ =	swait.ge @!p0 [sflag:s8], $0x0  }
0x24: {  	s3 =	sadd.s32 $0x88, s3;
	s6 =	simm.s32 @!p1 $0x1082;
	[sflag:s4] =	ssyncset.s32 $0xFFFFF086  }
0x25: {  	[simem:s6], [sflag:s4] =	dma.local [hbm:s3], $0xF7A  }
0x26: {  	[smem:$0x3F99] =	sst s1;
	(tag) =	ssettag s2;
	_ =	strace s9  }
0x27: {  	s1 =	sld [smem:$0x3FA9]  }
0x28: {  	s2 =	sld [smem:$0x3FAA]  }
0x29: {  	s4 =	sld [smem:$0x3FAC]  }
0x2a: {  	p0 =	seq.s32 s5, $0x0;
	s5 =	sld [smem:$0x3FAD]  }
0x2b: {  	s6 =	sld [smem:$0x3FAE]  }
0x2c: {  	s7 =	sld [smem:$0x3FAF]  }
0x2d: {  	s3 =	simm.s32 $0x108;
	s8 =	sld [smem:$0x3FB0]  }
0x2e: {  	s3 =	simm.s32 @!p0 $0x1082;
	s9 =	sld [smem:$0x3FB1]  }
0x2f: {  	lr =	sadd.s32 s0, s3;
	s0 =	sld [smem:$0x3FA8]  }
0x30: {  	s3 =	sld [smem:$0x3FAB]  }
0x31: {  	[smem:$0x3FB4] =	sst s10  }
0x32: {  	s10 =	sld [smem:$0x3FB2];
	_ =	sdelay $0x3  }
0x33: {  	p0 =	seq.s32 s10, $0x1;
	s10 =	sld [smem:$0x3FB4];
	_ =	sdelay $0x3  }
0x34: {  	[smem:$0x3FB4] =	sst s10  }
0x35: {  	s10 =	sld [smem:$0x3FB3];
	_ =	sdelay $0x3  }
0x36: {  	p1 =	seq.s32 s10, $0x1;
	s10 =	sld [smem:$0x3FB4];
	_ =	sdelay $0x3  }
0x37: {  	[smem:$0x3FB4] =	sst s10  }
0x38: {  	s10 =	sld [smem:$0x3FB5]  }
0x39: {  	_ = 	snop;
	(pc) =	sbr.ind lr, $3  }
0x3a: {  	_ = 	snop  }
0x3b: {  	_ = 	snop  }
0x3c: {  	p2 =	seq.s32 s10, $0x1;
	s10 =	sld [smem:$0x3FB4]  }
0x3d: {  	_ =	shalt  }
0x3e: {  	_ =	shalt  }
0x3f: {  	_ =	shalt  }
0x40: {  	_ =	shalt  }
0x41: {  	_ =	shalt  }
0x42: {  	_ =	shalt  }
0x43: {  	_ =	shalt  }
0x44: {  	_ =	shalt  }
0x45: {  	_ =	shalt  }
0x46: {  	_ =	shalt  }
0x47: {  	_ =	shalt  }
0x48: {  	_ =	shalt  }
0x49: {  	_ =	shalt  }
0x4a: {  	_ =	shalt  }
0x4b: {  	_ =	shalt  }
0x4c: {  	_ =	shalt  }
0x4d: {  	_ =	shalt  }
0x4e: {  	_ =	shalt  }
0x4f: {  	_ =	shalt  }
0x50: {  	_ =	shalt  }
0x51: {  	_ =	shalt  }
0x52: {  	_ =	shalt  }
0x53: {  	_ =	shalt  }
0x54: {  	_ =	shalt  }
0x55: {  	_ =	shalt  }
0x56: {  	_ =	shalt  }
0x57: {  	_ =	shalt  }
0x58: {  	_ =	shalt  }
0x59: {  	_ =	shalt  }
0x5a: {  	_ =	shalt  }
0x5b: {  	_ =	shalt  }
0x5c: {  	_ =	shalt  }
0x5d: {  	_ =	shalt  }
0x5e: {  	_ =	shalt  }
0x5f: {  	_ =	shalt  }
0x60: {  	_ =	shalt  }
0x61: {  	_ =	shalt  }
0x62: {  	_ =	shalt  }
0x63: {  	_ =	shalt  }
0x64: {  	_ =	shalt  }
0x65: {  	_ =	shalt  }
0x66: {  	_ =	shalt  }
0x67: {  	_ =	shalt  }
0x68: {  	_ =	shalt  }
0x69: {  	_ =	shalt  }
0x6a: {  	_ =	shalt  }
0x6b: {  	_ =	shalt  }
0x6c: {  	_ =	shalt  }
0x6d: {  	_ =	shalt  }
0x6e: {  	_ =	shalt  }
0x6f: {  	_ =	shalt  }
0x70: {  	_ =	shalt  }
0x71: {  	_ =	shalt  }
0x72: {  	_ =	shalt  }
0x73: {  	_ =	shalt  }
0x74: {  	_ =	shalt  }
0x75: {  	_ =	shalt  }
0x76: {  	_ =	shalt  }
0x77: {  	_ =	shalt  }
0x78: {  	_ =	shalt  }
0x79: {  	_ =	shalt  }
0x7a: {  	_ =	shalt  }
0x7b: {  	_ =	shalt  }
0x7c: {  	_ =	shalt  }
0x7d: {  	_ =	shalt  }
0x7e: {  	_ =	shalt  }
0x7f: {  	_ =	shalt  }
0x80: {  	_ =	shalt  }
0x81: {  	_ =	shalt  }
0x82: {  	_ =	shalt  }
0x83: {  	_ =	shalt  }
0x84: {  	_ =	shalt  }
0x85: {  	_ =	shalt  }
0x86: {  	_ =	shalt  }
0x87: {  	_ =	shalt  }
.Lfunc_end0:
.L_simem_size_0:
called_computation_lowered:
.L_overlay_start_0:
0x88: {  	s2 =	sld [smem:$0x3FD9]  }
0x89: {  	s3 =	sld [smem:$0x3FFE];
	_ =	sdelay $0x1  }
0x8a: {  	s1 =	srdreg.scid  }
0x8b: {  	s0 =	sand.u32 $0x1, s1  }
0x8c: {  	s16 =	sshll.u32 s0, $0xA;
	s2 =	sadd.s32 s3, s2  }
0x8d: {  	s2 =	sadd.s32 s2, s16  }
0x8e: {  	[smem:$0x3FC0] =	sst s2  }
0x8f: {  	_ = 	snop  }
0x90: {  	(tm) =	ssettm $0x1  }
0x91: {  	s17 =	sld [smem:$0x3FFB];
	_ =	sdelay $0x3  }
0x92: {  	_ =	strace s17  }
0x93: {  	s2 =	sld [smem:$0x3FFC];
	_ =	sdelay $0x3  }
0x94: {  	_ =	strace s2  }
0x95: {  	s2 =	sld [smem:$0x3FFD];
	_ =	sdelay $0x3  }
0x96: {  	_ =	strace s2  }
0x97: {  	_ =	strace $0x8FFFFFFF  }
0x98: {  	s18 =	sld [smem:$0x3FDB];
	_ =	sdelay $0x1  }
0x99: {  	s19 =	simm.s32 $_scs_section_size  }
0x9a: {  	s4 =	simm.s32 $_size__tile_overlayer_lowered;
	s5 =	simm.s32 $_tile_overlayer_lowered  }
0x9b: {  	s22 =	simm.s32 $0x1BFF;
	s21 =	sshll.u32 s5, $0x1;
	s2 =	sadd.s32 s19, s18  }
0x9c: {  	s6 =	simm.s32 $0x0;
	s20 =	sshll.u32 s4, $0x1;
	s4 =	sadd.s32 s21, s2  }
0x9d: {  	[timem:s6], [sflag:s22] =	dma.local [hbm:s4], s20  }
0x9e: {  	_ =	swait.ge [sflag:s22], s20  }
0x9f: {  	s3 =	ssub.s32 $0x0, s20;
	[sflag:s22] =	ssyncset.done $0x0  }
0xa0: {  	[sflag:s22] =	ssyncadd.s32 s3;
	_ =	sdelay $0x1  }
0xa1: {  	s23 =	simm.s32 $0x1B8B  }
0xa2: {  	_ =	swait.ge [sflag:s23], $0x1  }
0xa3: {  	[sflag:s23] =	ssyncset.done $0x0  }
0xa4: {  	s25 =	simm.s32 $0x1B8E;
	s24 =	sld [smem:$0x3FFE];
	[sflag:s23] =	ssyncadd.s32 $0xFFFFFFFF  }
0xa5: {  	s26 =	simm.s32 $execute0_lowered;
	[smem:$0x3FD2] =	sst s25  }
0xa6: {  	s4 =	sshll.u32 s26, $0x1;
	_ =	strace $0x80000046;
	[dreg:$0x1] =	wrdreg $0xFFFFFFFF  }
0xa7: {  	s28 =	simm.s32 $_size_execute0_lowered;
	s2 =	sadd.s32 s2, s4;
	[dreg:$0x0] =	wrdreg $0x0  }
0xa8: {  	s4 =	sshll.u32 s28, $0x1;
	[dreg:$0x2] =	wrdreg s2  }
0xa9: {  	[dreg:$0x3] =	wrdreg s4  }
0xaa: {  	[dreg:$0x4] =	wrdreg $0xC0  }
0xab: {  	_ =	task [dreg:s6], $0x5FFFF  }
0xac: {  	[dreg:$0x1] =	wrdreg $0xFFFFFFFF  }
0xad: {  	[dreg:$0x0] =	wrdreg $0x60  }
0xae: {  	[dreg:$0x2] =	wrdreg s24  }
0xaf: {  	[dreg:$0x3] =	wrdreg $0x9  }
0xb0: {  	_ =	task.clear_ibuf [dreg:s6], $0x4FFFF;
	_ =	strace $0x90000046  }
0xb1: {  	s29 =	simm.s32 $0x9;
	_ =	strace $0x80000048  }
0xb2: {  	_ =	swait.ge [sflag:s29], $0x1  }
0xb3: {  	[sflag:s29] =	ssyncadd.s32 $0xFFFFFFFF  }
0xb4: {  	_ =	strace $0x90000048  }
0xb5: {  	_ =	sfence  }
0xb6: {  	s30 =	sld [smem:$0x0];
	_ =	sdelay $0x2  }
0xb7: {  	s31 =	sshll.u32 s1, $0xD;
	s1 =	sshrl.u32 s1, $0x2  }
0xb8: {  	s3 =	sand.u32 $0x4000, s31;
	s1 =	sadd.s32 s1, s30  }
0xb9: {  	s0 =	sor.u32 s3, s0;
	s1 =	sshll.u32 s1, $0x11  }
0xba: {  	s0 =	sor.u32 s1, s0  }
0xbb: {  	s0 =	sadd.s32 $0x8F2B, s0  }
0xbc: {  	[sflag:s0] =	ssyncadd.remote.s32 $0x1  }
0xbd: {  	_ =	sfence.sel $0xFFFF  }
0xbe: {  	[dreg:$0x0] =	wrdreg $0xFFFFFFFF;
	(pc) =	sbr.abs _section_cstart, $3  }
0xbf: {  	[dreg:$0x1] =	wrdreg $0xFFFFFFFF  }
0xc0: {  	_ =	task.clear_ibuf [dreg:s6], $0x2FFFF;
	_ =	strace $0x9FFFFFFF  }
0xc1: {  	(tm) =	ssettm $0x7FFFFFFF  }
tec
execute0_lowered:
.L_overlay_start_1:
0x0: {  	(tag) =	ssettag $0x1  }
0x1: {  	s0 =	srdreg.scid;
	s4 =	rddreg [dreg:$0x0];
	s2 =	simm.s32 $0x0  }
0x2: {  	s10 =	simm.s32 $0x400;
	s11 =	simm.s32 $0x0;
	s3 =	sand.u32 $0x1, s0  }
0x3: {  	s0 =	stileid.u32;
	[smem:$0x7FF] =	sst s2;
	s7 =	sadd.s32 $0x2C00, s4  }
0x4: {  	s1 =	sshll.u32 s3, $0x4;
	s6 =	sshll.u32 s0, $0x7;
	s29 =	smul.u32 $0x2800, s0  }
0x5: {  	s30 =	ssub.s32 $0x2, s3;
	s9 =	smul.u32 $0x500, s0;
	s1 =	sor.u32 s0, s1  }
0x6: {  	p0 =	seq.s32 s3, $0x1;
	s8 =	sshrl.u32 s30, $0x1;
	s1 =	sshrl.u32 s1, $0x3  }
0x7: {  	s6 =	sand.u32 $0x380, s6;
	s8 =	ssub.s32 s30, s8;
	s5 =	smul.u32 $0x14000, s1  }
.Ltmp0:
0x8: {  	s3 =	sadd.s32 s7, s9;
	s9 =	simm.s32 $0x80;
	(pc) =	sbr.rel .LBB2_1-.Ltmp0, $4  }
0x9: {  	s1 =	rddreg [dreg:$0x1];
	s5 =	sor.u32 s6, s5;
	s6 =	sshrl.u32 s29, $0x3  }
0xa: {  	_ =	strace $0x80000047;
	s5 =	sshrl.u32 s5, $0x3;
	s31 =	sadd.s32 s7, s6  }
0xb: {  	s6 =	smax.u32 s8, $0x1;
	s7 =	simm.s32 $0x2800;
	s5 =	sadd.s32 s5, s4  }
0xc: {  	v0 =	vimm.f32 $0.0e+00;
	v1 =	vimm.f32 $1.000000000e+00;
	s8 =	simm.s32 $0x1;
	s4 =	sadd.s32 $0x5000, s31;
	s5 =	sadd.s32 $0x16C00, s5  }
.LBB2_8:
0xd: {  	s11 =	sadd.s32 $0x1, s11  }
0xe: {  	p1 =	sne.s32 s11, s6  }
.Ltmp1:
0xf: {  	_ = 	snop;
	(pc) =	sbr.rel @!p1 .LBB2_9-.Ltmp1, $4  }
0x10: {  	[hbm4b:s5+s9] =	stream.strided.scatter [tilespmem:s2], [sflag:$0x1], $0x2800, s10, s9, $0x38;
	[tilespmem:$0x5000] =	vst v63  }
0x11: {  	_ =	swait.ge [sflag:s8], $0x2800  }
0x12: {  	[sflag:s8] =	ssyncset.done $0x0  }
0x13: {  	[sflag:s8] =	ssyncadd.s32 $0xFFFFD800  }
.LBB2_1:
0x14: {  	s12 =	simm.s32 $0x40;
	s13 =	simm.s32 $0x0  }
.LBB2_2:
0x15: {  	p1 =	sne.s32 s12, $0x9FC0;
	[tilespmem:s13+$0x0] =	vst v0;
	s13 =	smov.u32 s12;
	s12 =	sadd.s32 $0x40, s12  }
.Ltmp2:
0x16: {  	(pc) =	sbr.rel @p1 .LBB2_2-.Ltmp2, $2  }
0x17: {  	_ =	sdelay $0x2  }
0x18: {  	s13 =	sshra.s32 s13, $0x2  }
.Ltmp3:
0x19: {  	(pc) =	sbr.rel @!p0 .LBB2_4-.Ltmp3, $2  }
0x1a: {  	_ =	sdelay $0x2  }
0x1b: {  	[tilespmem:s13+$0x0] =	vst v0;
	s12 =	simm.s32 $0x0  }
0x1c: {  	[tilespmem:s7], [sflag:$0x1] =	stream.linear.gather [hbm4b:s4+s12], $0x2800, $0x38;
	[tilespmem:$0x5000] =	vst v63  }
0x1d: {  	_ =	swait.ge [sflag:s8], $0x2800  }
0x1e: {  	[sflag:s8] =	ssyncset.done $0x0  }
0x1f: {  	[sflag:s8] =	ssyncadd.s32 $0xFFFFD800  }
.LBB2_7:
0x20: {  	s13 =	sshra.s32 s12, $0x2  }
0x21: {  	v2 =	vld [tilespmem:s13+$0x2800];
	_ =	sdelay $0x7  }
0x22: {  	[tilespmem:v2+s2+$0x0] =	vst.idx.add.f32.msk $0xffff, v1  }
0x23: {  	v2 =	vld [tilespmem:s13+$0x2810];
	_ =	sdelay $0x7  }
0x24: {  	[tilespmem:v2+s2+$0x0] =	vst.idx.add.f32.msk $0xffff, v1  }
0x25: {  	v2 =	vld [tilespmem:s13+$0x2820];
	_ =	sdelay $0x7  }
0x26: {  	[tilespmem:v2+s2+$0x0] =	vst.idx.add.f32.msk $0xffff, v1  }
0x27: {  	v2 =	vld [tilespmem:s13+$0x2830];
	_ =	sdelay $0x7  }
0x28: {  	[tilespmem:v2+s2+$0x0] =	vst.idx.add.f32.msk $0xffff, v1  }
0x29: {  	v2 =	vld [tilespmem:s13+$0x2840];
	_ =	sdelay $0x7  }
0x2a: {  	[tilespmem:v2+s2+$0x0] =	vst.idx.add.f32.msk $0xffff, v1  }
0x2b: {  	v2 =	vld [tilespmem:s13+$0x2850];
	_ =	sdelay $0x7  }
0x2c: {  	[tilespmem:v2+s2+$0x0] =	vst.idx.add.f32.msk $0xffff, v1  }
0x2d: {  	v2 =	vld [tilespmem:s13+$0x2860];
	_ =	sdelay $0x7  }
0x2e: {  	[tilespmem:v2+s2+$0x0] =	vst.idx.add.f32.msk $0xffff, v1  }
0x2f: {  	v2 =	vld [tilespmem:s13+$0x2870];
	_ =	sdelay $0x2  }
0x30: {  	p1 =	sne.s32 s12, $0x9E00  }
.Ltmp4:
0x31: {  	_ = 	snop;
	(pc) =	sbr.rel @p1 .LBB2_7-.Ltmp4, $2  }
0x32: {  	_ =	sdelay $0x2  }
0x33: {  	s12 =	sadd.s32 $0x200, s12;
	[tilespmem:v2+s2+$0x0] =	vst.idx.add.f32.msk $0xffff, v1  }
.Ltmp5:
0x34: {  	_ = 	snop;
	(pc) =	sbr.rel .LBB2_8-.Ltmp5, $1  }
0x35: {  	_ =	sdelay $0x3  }
.LBB2_4:
0x36: {  	[tilespmem:s7], [sflag:$0x1] =	stream.linear.gather [hbm4b:s3+s12], $0x2800, $0x38;
	[tilespmem:$0x5000] =	vst v63  }
0x37: {  	_ =	swait.ge [sflag:s8], $0x2800  }
0x38: {  	[sflag:s8] =	ssyncset.done $0x0  }
0x39: {  	[sflag:s8] =	ssyncadd.s32 $0xFFFFD800  }
.LBB2_5:
0x3a: {  	s13 =	sshra.s32 s12, $0x2  }
0x3b: {  	v2 =	vld [tilespmem:s13+$0x2800];
	_ =	sdelay $0x7  }
0x3c: {  	[tilespmem:v2+s2+$0x0] =	vst.idx.add.f32.msk $0xffff, v1  }
0x3d: {  	v2 =	vld [tilespmem:s13+$0x2810];
	_ =	sdelay $0x7  }
0x3e: {  	[tilespmem:v2+s2+$0x0] =	vst.idx.add.f32.msk $0xffff, v1  }
0x3f: {  	v2 =	vld [tilespmem:s13+$0x2820];
	_ =	sdelay $0x7  }
0x40: {  	[tilespmem:v2+s2+$0x0] =	vst.idx.add.f32.msk $0xffff, v1  }
0x41: {  	v2 =	vld [tilespmem:s13+$0x2830];
	_ =	sdelay $0x7  }
0x42: {  	[tilespmem:v2+s2+$0x0] =	vst.idx.add.f32.msk $0xffff, v1  }
0x43: {  	v2 =	vld [tilespmem:s13+$0x2840];
	_ =	sdelay $0x7  }
0x44: {  	[tilespmem:v2+s2+$0x0] =	vst.idx.add.f32.msk $0xffff, v1  }
0x45: {  	v2 =	vld [tilespmem:s13+$0x2850];
	_ =	sdelay $0x7  }
0x46: {  	[tilespmem:v2+s2+$0x0] =	vst.idx.add.f32.msk $0xffff, v1  }
0x47: {  	v2 =	vld [tilespmem:s13+$0x2860];
	_ =	sdelay $0x7  }
0x48: {  	[tilespmem:v2+s2+$0x0] =	vst.idx.add.f32.msk $0xffff, v1  }
0x49: {  	v2 =	vld [tilespmem:s13+$0x2870];
	_ =	sdelay $0x2  }
0x4a: {  	p1 =	seq.s32 s12, $0x9E00  }
.Ltmp6:
0x4b: {  	_ = 	snop;
	(pc) =	sbr.rel @!p1 .LBB2_5-.Ltmp6, $2  }
0x4c: {  	_ =	sdelay $0x2  }
0x4d: {  	s12 =	sadd.s32 $0x200, s12;
	[tilespmem:v2+s2+$0x0] =	vst.idx.add.f32.msk $0xffff, v1  }
.Ltmp7:
0x4e: {  	_ = 	snop;
	(pc) =	sbr.rel .LBB2_8-.Ltmp7, $1  }
0x4f: {  	_ =	sdelay $0x3  }
.LBB2_9:
0x50: {  	_ =	sfence.sel $0x180000  }
0x51: {  	[bflag:$0x0] =	sbarrier.arrive $0xFFFF  }
0x52: {  	p0 =	sne.s32 s0, $0x0;
	_ =	strace $0x90000047  }
0x53: {  	s0 =	sadd.s32 @!p0 $0x100000, s1;
	[bflag:$0x2] =	sbarrier.arrive $0xFFFF  }
0x54: {  	[sflag:s0] =	ssyncadd.tile.s32 @!p0 $0x1;
	_ =	shalt  }
.Lfunc_end2:
_tile_overlayer_lowered:
.L_overlay_start_2:
0x55: {  	(tag) =	ssettag $0x2  }
0x56: {  	s0 =	rddreg [dreg:$0x0];
	s2 =	stileid.u32  }
0x57: {  	s1 =	rddreg [dreg:$0x1];
	p0 =	sne.s32 s2, $0x0  }
0x58: {  	s3 =	rddreg [dreg:$0x2];
	[bflag:$0x3] =	sbarrier.arrive $0xFFFF;
	s2 =	simm.s32 @!p0 $0x1C01  }
0x59: {  	[timem:s3], [sflag:s2] =	dma.local @!p0 [hbm:s0], s1  }
0x5a: {  	s0 =	simm.s32 @!p0 $0x1  }
0x5b: {  	_ =	swait.ge @!p0 [sflag:s0], s1  }
0x5c: {  	s1 =	ssub.s32 @!p0 $0x0, s1;
	[sflag:s0] =	ssyncset.done @!p0 $0x0  }
0x5d: {  	[sflag:s0] =	ssyncadd.s32 @!p0 s1  }
0x5e: {  	[bflag:$0x3] =	sbarrier.arrive $0xFFFF  }
0x5f: {  	_ =	shalt  }

</sc_bundles>
